<compile_context>
chip_gen: v7x
topology: tpu7x:2x2x1
jax: 0.10.2.dev20260603
libtpu: 0.0.44.dev20260713+nightly
codegen_flags: <defaults>
</compile_context>

<pallas_src>
import functools

import jax
import jax.numpy as jnp
from jax import lax
from jax.experimental import pallas as pl
from jax.experimental.pallas import tpu as pltpu
from jax.experimental.pallas import tpu_sc as plsc

B = 16384
V = 100000
SPLIT = 57344
R = 64
NC = 2
NS = 16
NW = NC * NS
BPW = B // NW
CH = 128
PASS_ROWS = 256
W = 8192
GRID_T = SPLIT // W


def _table_prep_body(xa_ref, xb_ref, o_ref):
    eye = (lax.broadcasted_iota(jnp.int32, (R, R), 0)
           == lax.broadcasted_iota(jnp.int32, (R, R), 1)).astype(jnp.float32)
    dn = (((0,), (0,)), ((), ()))
    ta = lax.dot_general(xa_ref[:], eye, dn,
                         preferred_element_type=jnp.float32)
    tb = lax.dot_general(xb_ref[:], eye, dn,
                         preferred_element_type=jnp.float32)
    o_ref[:] = jnp.concatenate([ta, tb], axis=1)


def _idx_prep_body(x_ref, o_ref):
    o_ref[:] = x_ref[:].reshape(3 * B)


def _cpd_sc_body(idx_hbm, t0_hbm, t1_hbm, t2_hbm, out_hbm,
                 idx_v, hidx_v, r0, r1, r2, out_v, sem):
    wid = lax.axis_index("s") * NC + lax.axis_index("c")
    base = wid * BPW

    for m in range(3):
        pltpu.sync_copy(idx_hbm.at[pl.ds(m * B + base, BPW)], idx_v.at[m])
    for m in range(3):
        for k in range(BPW // 16):
            iv = idx_v[m, pl.ds(k * 16, 16)]
            hidx_v[m, pl.ds(k * 16, 16)] = jnp.where(
                iv >= SPLIT, 2 * (iv - SPLIT) + 1, 2 * iv)

    copies = []
    for m, (tab, dst) in enumerate(((t0_hbm, r0), (t1_hbm, r1),
                                    (t2_hbm, r2))):
        for j in range(BPW // CH):
            copies.append(pltpu.async_copy(
                tab.at[hidx_v.at[m, pl.ds(j * CH, CH)]],
                dst.at[pl.ds(j * CH, CH)], sem))
    for cp in copies:
        cp.wait()

    def group(g, c2):
        b0 = g * 16
        for rr in range(16):
            row = b0 + rr
            acc = None
            for c in range(4):
                a = r0[row, pl.ds(c * 16, 16)]
                bb = r1[row, pl.ds(c * 16, 16)]
                d = r2[row, pl.ds(c * 16, 16)]
                pv = a * bb * d
                acc = pv if acc is None else acc + pv
            out_v[pl.ds(row * 16, 16)] = acc
        return c2

    lax.fori_loop(0, BPW // 16, group, 0)

    pltpu.sync_copy(out_v, out_hbm.at[pl.ds(wid * BPW * 16, BPW * 16)])


def _reduce_tc_body(x_ref, o_ref):
    x = x_ref[:].reshape(512, 128)
    l_i = lax.broadcasted_iota(jnp.int32, (128, 128), 0)
    j_i = lax.broadcasted_iota(jnp.int32, (128, 128), 1)
    wa = ((j_i < 64) & (l_i // 2 == j_i)).astype(jnp.float32)
    wb = ((j_i >= 64) & (l_i // 2 == j_i - 64)).astype(jnp.float32)
    n = 512
    for _ in range(4):
        h = n // 2
        r_i = lax.broadcasted_iota(jnp.int32, (h, n), 0)
        c_i = lax.broadcasted_iota(jnp.int32, (h, n), 1)
        ae = (c_i == 2 * r_i).astype(jnp.float32)
        ao = (c_i == 2 * r_i + 1).astype(jnp.float32)
        xe = jnp.dot(ae, x, preferred_element_type=jnp.float32)
        xo = jnp.dot(ao, x, preferred_element_type=jnp.float32)
        x = (jnp.dot(xe, wa, preferred_element_type=jnp.float32)
             + jnp.dot(xo, wb, preferred_element_type=jnp.float32))
        n = h
    o_ref[:] = x.reshape(4096)


def _prep_table(ev):
    return pl.pallas_call(
        _table_prep_body,
        grid=(GRID_T,),
        in_specs=[pl.BlockSpec((R, W), lambda g: (0, g)),
                  pl.BlockSpec((R, W),
                               lambda g: (0, jnp.minimum(g + GRID_T,
                                                         (V - 1) // W)))],
        out_specs=pl.BlockSpec((W, 2 * R), lambda g: (g, 0)),
        out_shape=jax.ShapeDtypeStruct((SPLIT, 2 * R), jnp.float32),
    )(ev, ev)


@jax.jit
def kernel(idxs, E0, E1, E2):
    idxs = idxs.astype(jnp.int32)

    idx_flat = pl.pallas_call(
        _idx_prep_body,
        in_specs=[pl.BlockSpec((3, B), lambda: (0, 0))],
        out_specs=pl.BlockSpec((3 * B,), lambda: (0,)),
        out_shape=jax.ShapeDtypeStruct((3 * B,), jnp.int32),
    )(jnp.transpose(idxs))

    t0 = _prep_table(jnp.transpose(E0)).reshape(2 * SPLIT, R)
    t1 = _prep_table(jnp.transpose(E1)).reshape(2 * SPLIT, R)
    t2 = _prep_table(jnp.transpose(E2)).reshape(2 * SPLIT, R)

    mesh = plsc.VectorSubcoreMesh(core_axis_name="c", subcore_axis_name="s")
    sc_fn = pl.kernel(
        _cpd_sc_body,
        mesh=mesh,
        out_type=jax.ShapeDtypeStruct((B * 16,), jnp.float32),
        scratch_types=[
            pltpu.VMEM((3, BPW), jnp.int32),
            pltpu.VMEM((3, BPW), jnp.int32),
            pltpu.VMEM((BPW, R), jnp.float32),
            pltpu.VMEM((BPW, R), jnp.float32),
            pltpu.VMEM((BPW, R), jnp.float32),
            pltpu.VMEM((BPW * 16,), jnp.float32),
            pltpu.SemaphoreType.DMA,
        ],
        compiler_params=pltpu.CompilerParams(use_tc_tiling_on_sc=False),
    )
    partials = sc_fn(idx_flat, t0, t1, t2)

    red_rows = 4096
    out = pl.pallas_call(
        _reduce_tc_body,
        grid=(B // red_rows,),
        in_specs=[pl.BlockSpec((red_rows * 16,), lambda i: (i,))],
        out_specs=pl.BlockSpec((red_rows,), lambda i: (i,)),
        out_shape=jax.ShapeDtypeStruct((B,), jnp.float32),
    )(partials)
    return out

# --- scband reference (transcript-rebuilt; emitter-appended) ---
"""Pipeline reference for scband-cpd-75514114998731 (READ-ONLY COPY).

The authoritative reference and input builder live on the scoring server;
editing this copy changes nothing except your own understanding.
"""

import jax, jax.numpy as jnp
import numpy as np

VOCAB = 100000
RANK = 64
BATCH = 16384
N_MODES = 3

def setup_inputs(seed: int = 0) -> dict:
    key = jax.random.key(seed)
    k_idx, k0, k1, k2 = jax.random.split(key, 4)
    idxs = jax.random.randint(k_idx, (BATCH, N_MODES), 0, VOCAB, dtype=jnp.int64 if jax.config.jax_enable_x64 else jnp.int32)
    # embedding tables initialized uniform [0,1) like nn.init.uniform_
    E0 = jax.random.uniform(k0, (VOCAB, RANK), dtype=jnp.float32)
    E1 = jax.random.uniform(k1, (VOCAB, RANK), dtype=jnp.float32)
    E2 = jax.random.uniform(k2, (VOCAB, RANK), dtype=jnp.float32)
    return {"idxs": idxs, "E0": E0, "E1": E1, "E2": E2}

def reference(idxs, E0, E1, E2):
    # CP decomposition score: elementwise product of per-mode embeddings, summed over rank
    e0 = jnp.take(E0, idxs[:, 0], axis=0)  # [B, R]
    e1 = jnp.take(E1, idxs[:, 1], axis=0)  # [B, R]
    e2 = jnp.take(E2, idxs[:, 2], axis=0)  # [B, R]
    # matches unsqueeze(-1) -> cat -> prod(dim=-1) -> sum(-1)
    x = jnp.stack([e0, e1, e2], axis=-1)   # [B, R, 3]
    x = jnp.prod(x, axis=-1)               # [B, R]
    x = jnp.sum(x, axis=-1)                # [B]
    return x

if __name__ == "__main__":
    import jax
    _d = setup_inputs()
    print(jax.jit(kernel)(*tuple(_d.values())))

</pallas_src>

<mosaic_0001>
#map = affine_map<(d0, d1) -> (0)>
#map1 = affine_map<(d0, d1) -> (0, 0)>
module attributes {stable_mosaic.version = 14 : i64} {
  func.func @_cpd_sc_body(%arg0: i32, %arg1: i32, %arg2: memref<49152xi32, #tpu.memory_space<hbm>>, %arg3: memref<114688x64xf32, #tpu.memory_space<hbm>>, %arg4: memref<114688x64xf32, #tpu.memory_space<hbm>>, %arg5: memref<114688x64xf32, #tpu.memory_space<hbm>>, %arg6: memref<262144xf32, #tpu.memory_space<hbm>>, %arg7: memref<3x512xi32, #tpu.memory_space<vmem>>, %arg8: memref<3x512xi32, #tpu.memory_space<vmem>>, %arg9: memref<512x64xf32, #tpu.memory_space<vmem>>, %arg10: memref<512x64xf32, #tpu.memory_space<vmem>>, %arg11: memref<512x64xf32, #tpu.memory_space<vmem>>, %arg12: memref<8192xf32, #tpu.memory_space<vmem>>, %arg13: memref<!tpu.dma_semaphore, #tpu.memory_space<semaphore_mem>>) attributes {dimension_semantics = [#tpu.dimension_semantics<core_parallel>, #tpu.dimension_semantics<subcore_parallel>], iteration_bounds = array<i64: 2, 16>, scalar_prefetch = 0 : i64, scratch_operands = 7 : i64, tpu.core_type = #tpu.core_type<sc_vector_subcore>, window_params = [{transform_indices = #map}, {transform_indices = #map1}, {transform_indices = #map1}, {transform_indices = #map1}, {transform_indices = #map}]} {
    %mul3A = arith.constant 2 : i32
    %mul3A_0 = arith.muli %arg1, %mul3A : i32
    %add3A = arith.addi %mul3A_0, %arg0 : i32
    %mul3A_1 = arith.constant 512 : i32
    %mul3A_2 = arith.muli %add3A, %mul3A_1 : i32
    %add3A_3 = arith.constant 0 : i32
    %add3A_4 = arith.addi %add3A_3, %mul3A_2 : i32
    %run_scoped3A = arith.constant 0 : i32
    "tpu.region"() ({
      %run_scoped3A_2845 = tpu.sem_alloc : memref<!tpu.dma_semaphore, #tpu.memory_space<semaphore_mem>>
      %dma_start3A_2846 = arith.constant 0 : i32
      %dma_start3A_2847 = tpu.memref_slice %arg7[%run_scoped3A, %dma_start3A_2846] : memref<3x512xi32, #tpu.memory_space<vmem>> -> memref<1x512xi32, #tpu.memory_space<vmem>>
      %dma_start3A_2848 = tpu.memref_squeeze %dma_start3A_2847 : memref<1x512xi32, #tpu.memory_space<vmem>> -> memref<512xi32, #tpu.memory_space<vmem>>
      %dma_start3A_2849 = tpu.memref_slice %arg2[%add3A_4] : memref<49152xi32, #tpu.memory_space<hbm>> -> memref<512xi32, #tpu.memory_space<hbm>>
      %dma_start3A_2850 = arith.constant 0 : i32
      %dma_start3A_2851 = tpu.memref_slice %arg7[%run_scoped3A, %dma_start3A_2850] : memref<3x512xi32, #tpu.memory_space<vmem>> -> memref<1x512xi32, #tpu.memory_space<vmem>>
      %dma_start3A_2852 = tpu.memref_squeeze %dma_start3A_2851 : memref<1x512xi32, #tpu.memory_space<vmem>> -> memref<512xi32, #tpu.memory_space<vmem>>
      %dma_start3A_2853 = tpu.memref_slice %arg2[%add3A_4] : memref<49152xi32, #tpu.memory_space<hbm>> -> memref<512xi32, #tpu.memory_space<hbm>>
      tpu.enqueue_dma source(%dma_start3A_2853 : memref<512xi32, #tpu.memory_space<hbm>>) target(%dma_start3A_2852 : memref<512xi32, #tpu.memory_space<vmem>>) target_semaphore(%run_scoped3A_2845 : memref<!tpu.dma_semaphore, #tpu.memory_space<semaphore_mem>>)
      %dma_wait3A_2854 = arith.constant 0 : i32
      %dma_wait3A_2855 = tpu.memref_slice %arg7[%run_scoped3A, %dma_wait3A_2854] : memref<3x512xi32, #tpu.memory_space<vmem>> -> memref<1x512xi32, #tpu.memory_space<vmem>>
      %dma_wait3A_2856 = tpu.memref_squeeze %dma_wait3A_2855 : memref<1x512xi32, #tpu.memory_space<vmem>> -> memref<512xi32, #tpu.memory_space<vmem>>
      %dma_wait3A_2857 = tpu.memref_slice %arg2[%add3A_4] : memref<49152xi32, #tpu.memory_space<hbm>> -> memref<512xi32, #tpu.memory_space<hbm>>
      %dma_wait3A_2858 = arith.constant 0 : i32
      %dma_wait3A_2859 = tpu.memref_slice %arg7[%run_scoped3A, %dma_wait3A_2858] : memref<3x512xi32, #tpu.memory_space<vmem>> -> memref<1x512xi32, #tpu.memory_space<vmem>>
      %dma_wait3A_2860 = tpu.memref_squeeze %dma_wait3A_2859 : memref<1x512xi32, #tpu.memory_space<vmem>> -> memref<512xi32, #tpu.memory_space<vmem>>
      %dma_wait3A_2861 = tpu.memref_slice %arg2[%add3A_4] : memref<49152xi32, #tpu.memory_space<hbm>> -> memref<512xi32, #tpu.memory_space<hbm>>
      tpu.wait_dma2 semaphore(%run_scoped3A_2845 : memref<!tpu.dma_semaphore, #tpu.memory_space<semaphore_mem>>) src(%dma_wait3A_2861 : memref<512xi32, #tpu.memory_space<hbm>>) dst(%dma_wait3A_2860 : memref<512xi32, #tpu.memory_space<vmem>>)
      tpu.yield
    }) : () -> ()
    %add3A_5 = arith.constant 16384 : i32
    %add3A_6 = arith.addi %add3A_5, %mul3A_2 : i32
    %run_scoped3A_7 = arith.constant 1 : i32
    "tpu.region"() ({
      %run_scoped3A_2845 = tpu.sem_alloc : memref<!tpu.dma_semaphore, #tpu.memory_space<semaphore_mem>>
      %dma_start3A_2846 = arith.constant 0 : i32
      %dma_start3A_2847 = tpu.memref_slice %arg7[%run_scoped3A_7, %dma_start3A_2846] : memref<3x512xi32, #tpu.memory_space<vmem>> -> memref<1x512xi32, #tpu.memory_space<vmem>>
      %dma_start3A_2848 = tpu.memref_squeeze %dma_start3A_2847 : memref<1x512xi32, #tpu.memory_space<vmem>> -> memref<512xi32, #tpu.memory_space<vmem>>
      %dma_start3A_2849 = tpu.memref_slice %arg2[%add3A_6] : memref<49152xi32, #tpu.memory_space<hbm>> -> memref<512xi32, #tpu.memory_space<hbm>>
      %dma_start3A_2850 = arith.constant 0 : i32
      %dma_start3A_2851 = tpu.memref_slice %arg7[%run_scoped3A_7, %dma_start3A_2850] : memref<3x512xi32, #tpu.memory_space<vmem>> -> memref<1x512xi32, #tpu.memory_space<vmem>>
      %dma_start3A_2852 = tpu.memref_squeeze %dma_start3A_2851 : memref<1x512xi32, #tpu.memory_space<vmem>> -> memref<512xi32, #tpu.memory_space<vmem>>
      %dma_start3A_2853 = tpu.memref_slice %arg2[%add3A_6] : memref<49152xi32, #tpu.memory_space<hbm>> -> memref<512xi32, #tpu.memory_space<hbm>>
      tpu.enqueue_dma source(%dma_start3A_2853 : memref<512xi32, #tpu.memory_space<hbm>>) target(%dma_start3A_2852 : memref<512xi32, #tpu.memory_space<vmem>>) target_semaphore(%run_scoped3A_2845 : memref<!tpu.dma_semaphore, #tpu.memory_space<semaphore_mem>>)
      %dma_wait3A_2854 = arith.constant 0 : i32
      %dma_wait3A_2855 = tpu.memref_slice %arg7[%run_scoped3A_7, %dma_wait3A_2854] : memref<3x512xi32, #tpu.memory_space<vmem>> -> memref<1x512xi32, #tpu.memory_space<vmem>>
      %dma_wait3A_2856 = tpu.memref_squeeze %dma_wait3A_2855 : memref<1x512xi32, #tpu.memory_space<vmem>> -> memref<512xi32, #tpu.memory_space<vmem>>
      %dma_wait3A_2857 = tpu.memref_slice %arg2[%add3A_6] : memref<49152xi32, #tpu.memory_space<hbm>> -> memref<512xi32, #tpu.memory_space<hbm>>
      %dma_wait3A_2858 = arith.constant 0 : i32
      %dma_wait3A_2859 = tpu.memref_slice %arg7[%run_scoped3A_7, %dma_wait3A_2858] : memref<3x512xi32, #tpu.memory_space<vmem>> -> memref<1x512xi32, #tpu.memory_space<vmem>>
      %dma_wait3A_2860 = tpu.memref_squeeze %dma_wait3A_2859 : memref<1x512xi32, #tpu.memory_space<vmem>> -> memref<512xi32, #tpu.memory_space<vmem>>
      %dma_wait3A_2861 = tpu.memref_slice %arg2[%add3A_6] : memref<49152xi32, #tpu.memory_space<hbm>> -> memref<512xi32, #tpu.memory_space<hbm>>
      tpu.wait_dma2 semaphore(%run_scoped3A_2845 : memref<!tpu.dma_semaphore, #tpu.memory_space<semaphore_mem>>) src(%dma_wait3A_2861 : memref<512xi32, #tpu.memory_space<hbm>>) dst(%dma_wait3A_2860 : memref<512xi32, #tpu.memory_space<vmem>>)
      tpu.yield
    }) : () -> ()
    %add3A_8 = arith.constant 32768 : i32
    %add3A_9 = arith.addi %add3A_8, %mul3A_2 : i32
    %run_scoped3A_10 = arith.constant 2 : i32
    "tpu.region"() ({
      %run_scoped3A_2845 = tpu.sem_alloc : memref<!tpu.dma_semaphore, #tpu.memory_space<semaphore_mem>>
      %dma_start3A_2846 = arith.constant 0 : i32
      %dma_start3A_2847 = tpu.memref_slice %arg7[%run_scoped3A_10, %dma_start3A_2846] : memref<3x512xi32, #tpu.memory_space<vmem>> -> memref<1x512xi32, #tpu.memory_space<vmem>>
      %dma_start3A_2848 = tpu.memref_squeeze %dma_start3A_2847 : memref<1x512xi32, #tpu.memory_space<vmem>> -> memref<512xi32, #tpu.memory_space<vmem>>
      %dma_start3A_2849 = tpu.memref_slice %arg2[%add3A_9] : memref<49152xi32, #tpu.memory_space<hbm>> -> memref<512xi32, #tpu.memory_space<hbm>>
      %dma_start3A_2850 = arith.constant 0 : i32
      %dma_start3A_2851 = tpu.memref_slice %arg7[%run_scoped3A_10, %dma_start3A_2850] : memref<3x512xi32, #tpu.memory_space<vmem>> -> memref<1x512xi32, #tpu.memory_space<vmem>>
      %dma_start3A_2852 = tpu.memref_squeeze %dma_start3A_2851 : memref<1x512xi32, #tpu.memory_space<vmem>> -> memref<512xi32, #tpu.memory_space<vmem>>
      %dma_start3A_2853 = tpu.memref_slice %arg2[%add3A_9] : memref<49152xi32, #tpu.memory_space<hbm>> -> memref<512xi32, #tpu.memory_space<hbm>>
      tpu.enqueue_dma source(%dma_start3A_2853 : memref<512xi32, #tpu.memory_space<hbm>>) target(%dma_start3A_2852 : memref<512xi32, #tpu.memory_space<vmem>>) target_semaphore(%run_scoped3A_2845 : memref<!tpu.dma_semaphore, #tpu.memory_space<semaphore_mem>>)
      %dma_wait3A_2854 = arith.constant 0 : i32
      %dma_wait3A_2855 = tpu.memref_slice %arg7[%run_scoped3A_10, %dma_wait3A_2854] : memref<3x512xi32, #tpu.memory_space<vmem>> -> memref<1x512xi32, #tpu.memory_space<vmem>>
      %dma_wait3A_2856 = tpu.memref_squeeze %dma_wait3A_2855 : memref<1x512xi32, #tpu.memory_space<vmem>> -> memref<512xi32, #tpu.memory_space<vmem>>
      %dma_wait3A_2857 = tpu.memref_slice %arg2[%add3A_9] : memref<49152xi32, #tpu.memory_space<hbm>> -> memref<512xi32, #tpu.memory_space<hbm>>
      %dma_wait3A_2858 = arith.constant 0 : i32
      %dma_wait3A_2859 = tpu.memref_slice %arg7[%run_scoped3A_10, %dma_wait3A_2858] : memref<3x512xi32, #tpu.memory_space<vmem>> -> memref<1x512xi32, #tpu.memory_space<vmem>>
      %dma_wait3A_2860 = tpu.memref_squeeze %dma_wait3A_2859 : memref<1x512xi32, #tpu.memory_space<vmem>> -> memref<512xi32, #tpu.memory_space<vmem>>
      %dma_wait3A_2861 = tpu.memref_slice %arg2[%add3A_9] : memref<49152xi32, #tpu.memory_space<hbm>> -> memref<512xi32, #tpu.memory_space<hbm>>
      tpu.wait_dma2 semaphore(%run_scoped3A_2845 : memref<!tpu.dma_semaphore, #tpu.memory_space<semaphore_mem>>) src(%dma_wait3A_2861 : memref<512xi32, #tpu.memory_space<hbm>>) dst(%dma_wait3A_2860 : memref<512xi32, #tpu.memory_space<vmem>>)
      tpu.yield
    }) : () -> ()
    %get3A = arith.constant 0 : i32
    %get3A_11 = arith.index_cast %get3A : i32 to index
    %get3A_12 = arith.constant 0 : index
    %get3A_13 = tpu.vector_load %arg7[%get3A_11, %get3A_12] {strides = array<i32>} : memref<3x512xi32, #tpu.memory_space<vmem>>, vector<1x16xi32>,
    %get3A_14 = vector.shape_cast %get3A_13 : vector<1x16xi32> to vector<16xi32>
    %ge3A = arith.constant 57344 : i32
    %ge3A_15 = vector.broadcast %ge3A : i32 to vector<16xi32>
    %ge3A_16 = arith.cmpi sge, %get3A_14, %ge3A_15 : vector<16xi32>
    %sub3A = arith.constant 57344 : i32
    %sub3A_17 = vector.broadcast %sub3A : i32 to vector<16xi32>
    %sub3A_18 = arith.subi %get3A_14, %sub3A_17 : vector<16xi32>
    %mul3A_19 = arith.constant 2 : i32
    %mul3A_20 = vector.broadcast %mul3A_19 : i32 to vector<16xi32>
    %mul3A_21 = arith.muli %mul3A_20, %sub3A_18 : vector<16xi32>
    %add3A_22 = arith.constant 1 : i32
    %add3A_23 = vector.broadcast %add3A_22 : i32 to vector<16xi32>
    %add3A_24 = arith.addi %mul3A_21, %add3A_23 : vector<16xi32>
    %mul3A_25 = arith.constant 2 : i32
    %mul3A_26 = vector.broadcast %mul3A_25 : i32 to vector<16xi32>
    %mul3A_27 = arith.muli %mul3A_26, %get3A_14 : vector<16xi32>
    %select_n3A = arith.select %ge3A_16, %add3A_24, %mul3A_27 : vector<16xi1>, vector<16xi32>
    %swap3A = arith.constant 0 : i32
    %swap3A_28 = arith.index_cast %swap3A : i32 to index
    %swap3A_29 = arith.constant 0 : index
    %swap3A_30 = tpu.vector_load %arg8[%swap3A_28, %swap3A_29] {strides = array<i32>} : memref<3x512xi32, #tpu.memory_space<vmem>>, vector<1x16xi32>,
    %swap3A_31 = vector.shape_cast %swap3A_30 : vector<1x16xi32> to vector<16xi32>
    %swap3A_32 = vector.shape_cast %select_n3A : vector<16xi32> to vector<1x16xi32>
    tpu.vector_store %arg8[%swap3A_28, %swap3A_29], %swap3A_32 {strides = array<i32>} : memref<3x512xi32, #tpu.memory_space<vmem>>, vector<1x16xi32>,
    %get3A_33 = arith.constant 0 : i32
    %get3A_34 = arith.index_cast %get3A_33 : i32 to index
    %get3A_35 = arith.constant 16 : index
    %get3A_36 = tpu.vector_load %arg7[%get3A_34, %get3A_35] {strides = array<i32>} : memref<3x512xi32, #tpu.memory_space<vmem>>, vector<1x16xi32>,
    %get3A_37 = vector.shape_cast %get3A_36 : vector<1x16xi32> to vector<16xi32>
    %ge3A_38 = arith.constant 57344 : i32
    %ge3A_39 = vector.broadcast %ge3A_38 : i32 to vector<16xi32>
    %ge3A_40 = arith.cmpi sge, %get3A_37, %ge3A_39 : vector<16xi32>
    %sub3A_41 = arith.constant 57344 : i32
    %sub3A_42 = vector.broadcast %sub3A_41 : i32 to vector<16xi32>
    %sub3A_43 = arith.subi %get3A_37, %sub3A_42 : vector<16xi32>
    %mul3A_44 = arith.constant 2 : i32
    %mul3A_45 = vector.broadcast %mul3A_44 : i32 to vector<16xi32>
    %mul3A_46 = arith.muli %mul3A_45, %sub3A_43 : vector<16xi32>
    %add3A_47 = arith.constant 1 : i32
    %add3A_48 = vector.broadcast %add3A_47 : i32 to vector<16xi32>
    %add3A_49 = arith.addi %mul3A_46, %add3A_48 : vector<16xi32>
    %mul3A_50 = arith.constant 2 : i32
    %mul3A_51 = vector.broadcast %mul3A_50 : i32 to vector<16xi32>
    %mul3A_52 = arith.muli %mul3A_51, %get3A_37 : vector<16xi32>
    %select_n3A_53 = arith.select %ge3A_40, %add3A_49, %mul3A_52 : vector<16xi1>, vector<16xi32>
    %swap3A_54 = arith.constant 0 : i32
    %swap3A_55 = arith.index_cast %swap3A_54 : i32 to index
    %swap3A_56 = arith.constant 16 : index
    %swap3A_57 = tpu.vector_load %arg8[%swap3A_55, %swap3A_56] {strides = array<i32>} : memref<3x512xi32, #tpu.memory_space<vmem>>, vector<1x16xi32>,
    %swap3A_58 = vector.shape_cast %swap3A_57 : vector<1x16xi32> to vector<16xi32>
    %swap3A_59 = vector.shape_cast %select_n3A_53 : vector<16xi32> to vector<1x16xi32>
    tpu.vector_store %arg8[%swap3A_55, %swap3A_56], %swap3A_59 {strides = array<i32>} : memref<3x512xi32, #tpu.memory_space<vmem>>, vector<1x16xi32>,
    %get3A_60 = arith.constant 0 : i32
    %get3A_61 = arith.index_cast %get3A_60 : i32 to index
    %get3A_62 = arith.constant 32 : index
    %get3A_63 = tpu.vector_load %arg7[%get3A_61, %get3A_62] {strides = array<i32>} : memref<3x512xi32, #tpu.memory_space<vmem>>, vector<1x16xi32>,
    %get3A_64 = vector.shape_cast %get3A_63 : vector<1x16xi32> to vector<16xi32>
    %ge3A_65 = arith.constant 57344 : i32
    %ge3A_66 = vector.broadcast %ge3A_65 : i32 to vector<16xi32>
    %ge3A_67 = arith.cmpi sge, %get3A_64, %ge3A_66 : vector<16xi32>
    %sub3A_68 = arith.constant 57344 : i32
    %sub3A_69 = vector.broadcast %sub3A_68 : i32 to vector<16xi32>
    %sub3A_70 = arith.subi %get3A_64, %sub3A_69 : vector<16xi32>
    %mul3A_71 = arith.constant 2 : i32
    %mul3A_72 = vector.broadcast %mul3A_71 : i32 to vector<16xi32>
    %mul3A_73 = arith.muli %mul3A_72, %sub3A_70 : vector<16xi32>
    %add3A_74 = arith.constant 1 : i32
    %add3A_75 = vector.broadcast %add3A_74 : i32 to vector<16xi32>
    %add3A_76 = arith.addi %mul3A_73, %add3A_75 : vector<16xi32>
    %mul3A_77 = arith.constant 2 : i32
    %mul3A_78 = vector.broadcast %mul3A_77 : i32 to vector<16xi32>
    %mul3A_79 = arith.muli %mul3A_78, %get3A_64 : vector<16xi32>
    %select_n3A_80 = arith.select %ge3A_67, %add3A_76, %mul3A_79 : vector<16xi1>, vector<16xi32>
    %swap3A_81 = arith.constant 0 : i32
    %swap3A_82 = arith.index_cast %swap3A_81 : i32 to index
    %swap3A_83 = arith.constant 32 : index
    %swap3A_84 = tpu.vector_load %arg8[%swap3A_82, %swap3A_83] {strides = array<i32>} : memref<3x512xi32, #tpu.memory_space<vmem>>, vector<1x16xi32>,
    %swap3A_85 = vector.shape_cast %swap3A_84 : vector<1x16xi32> to vector<16xi32>
    %swap3A_86 = vector.shape_cast %select_n3A_80 : vector<16xi32> to vector<1x16xi32>
    tpu.vector_store %arg8[%swap3A_82, %swap3A_83], %swap3A_86 {strides = array<i32>} : memref<3x512xi32, #tpu.memory_space<vmem>>, vector<1x16xi32>,
    %get3A_87 = arith.constant 0 : i32
    %get3A_88 = arith.index_cast %get3A_87 : i32 to index
    %get3A_89 = arith.constant 48 : index
    %get3A_90 = tpu.vector_load %arg7[%get3A_88, %get3A_89] {strides = array<i32>} : memref<3x512xi32, #tpu.memory_space<vmem>>, vector<1x16xi32>,
    %get3A_91 = vector.shape_cast %get3A_90 : vector<1x16xi32> to vector<16xi32>
    %ge3A_92 = arith.constant 57344 : i32
    %ge3A_93 = vector.broadcast %ge3A_92 : i32 to vector<16xi32>
    %ge3A_94 = arith.cmpi sge, %get3A_91, %ge3A_93 : vector<16xi32>
    %sub3A_95 = arith.constant 57344 : i32
    %sub3A_96 = vector.broadcast %sub3A_95 : i32 to vector<16xi32>
    %sub3A_97 = arith.subi %get3A_91, %sub3A_96 : vector<16xi32>
    %mul3A_98 = arith.constant 2 : i32
    %mul3A_99 = vector.broadcast %mul3A_98 : i32 to vector<16xi32>
    %mul3A_100 = arith.muli %mul3A_99, %sub3A_97 : vector<16xi32>
    %add3A_101 = arith.constant 1 : i32
    %add3A_102 = vector.broadcast %add3A_101 : i32 to vector<16xi32>
    %add3A_103 = arith.addi %mul3A_100, %add3A_102 : vector<16xi32>
    %mul3A_104 = arith.constant 2 : i32
    %mul3A_105 = vector.broadcast %mul3A_104 : i32 to vector<16xi32>
    %mul3A_106 = arith.muli %mul3A_105, %get3A_91 : vector<16xi32>
    %select_n3A_107 = arith.select %ge3A_94, %add3A_103, %mul3A_106 : vector<16xi1>, vector<16xi32>
    %swap3A_108 = arith.constant 0 : i32
    %swap3A_109 = arith.index_cast %swap3A_108 : i32 to index
    %swap3A_110 = arith.constant 48 : index
    %swap3A_111 = tpu.vector_load %arg8[%swap3A_109, %swap3A_110] {strides = array<i32>} : memref<3x512xi32, #tpu.memory_space<vmem>>, vector<1x16xi32>,
    %swap3A_112 = vector.shape_cast %swap3A_111 : vector<1x16xi32> to vector<16xi32>
    %swap3A_113 = vector.shape_cast %select_n3A_107 : vector<16xi32> to vector<1x16xi32>
    tpu.vector_store %arg8[%swap3A_109, %swap3A_110], %swap3A_113 {strides = array<i32>} : memref<3x512xi32, #tpu.memory_space<vmem>>, vector<1x16xi32>,
    %get3A_114 = arith.constant 0 : i32
    %get3A_115 = arith.index_cast %get3A_114 : i32 to index
    %get3A_116 = arith.constant 64 : index
    %get3A_117 = tpu.vector_load %arg7[%get3A_115, %get3A_116] {strides = array<i32>} : memref<3x512xi32, #tpu.memory_space<vmem>>, vector<1x16xi32>,
    %get3A_118 = vector.shape_cast %get3A_117 : vector<1x16xi32> to vector<16xi32>
    %ge3A_119 = arith.constant 57344 : i32
    %ge3A_120 = vector.broadcast %ge3A_119 : i32 to vector<16xi32>
    %ge3A_121 = arith.cmpi sge, %get3A_118, %ge3A_120 : vector<16xi32>
    %sub3A_122 = arith.constant 57344 : i32
    %sub3A_123 = vector.broadcast %sub3A_122 : i32 to vector<16xi32>
    %sub3A_124 = arith.subi %get3A_118, %sub3A_123 : vector<16xi32>
    %mul3A_125 = arith.constant 2 : i32
    %mul3A_126 = vector.broadcast %mul3A_125 : i32 to vector<16xi32>
    %mul3A_127 = arith.muli %mul3A_126, %sub3A_124 : vector<16xi32>
    %add3A_128 = arith.constant 1 : i32
    %add3A_129 = vector.broadcast %add3A_128 : i32 to vector<16xi32>
    %add3A_130 = arith.addi %mul3A_127, %add3A_129 : vector<16xi32>
    %mul3A_131 = arith.constant 2 : i32
    %mul3A_132 = vector.broadcast %mul3A_131 : i32 to vector<16xi32>
    %mul3A_133 = arith.muli %mul3A_132, %get3A_118 : vector<16xi32>
    %select_n3A_134 = arith.select %ge3A_121, %add3A_130, %mul3A_133 : vector<16xi1>, vector<16xi32>
    %swap3A_135 = arith.constant 0 : i32
    %swap3A_136 = arith.index_cast %swap3A_135 : i32 to index
    %swap3A_137 = arith.constant 64 : index
    %swap3A_138 = tpu.vector_load %arg8[%swap3A_136, %swap3A_137] {strides = array<i32>} : memref<3x512xi32, #tpu.memory_space<vmem>>, vector<1x16xi32>,
    %swap3A_139 = vector.shape_cast %swap3A_138 : vector<1x16xi32> to vector<16xi32>
    %swap3A_140 = vector.shape_cast %select_n3A_134 : vector<16xi32> to vector<1x16xi32>
    tpu.vector_store %arg8[%swap3A_136, %swap3A_137], %swap3A_140 {strides = array<i32>} : memref<3x512xi32, #tpu.memory_space<vmem>>, vector<1x16xi32>,
    %get3A_141 = arith.constant 0 : i32
    %get3A_142 = arith.index_cast %get3A_141 : i32 to index
    %get3A_143 = arith.constant 80 : index
    %get3A_144 = tpu.vector_load %arg7[%get3A_142, %get3A_143] {strides = array<i32>} : memref<3x512xi32, #tpu.memory_space<vmem>>, vector<1x16xi32>,
    %get3A_145 = vector.shape_cast %get3A_144 : vector<1x16xi32> to vector<16xi32>
    %ge3A_146 = arith.constant 57344 : i32
    %ge3A_147 = vector.broadcast %ge3A_146 : i32 to vector<16xi32>
    %ge3A_148 = arith.cmpi sge, %get3A_145, %ge3A_147 : vector<16xi32>
    %sub3A_149 = arith.constant 57344 : i32
    %sub3A_150 = vector.broadcast %sub3A_149 : i32 to vector<16xi32>
    %sub3A_151 = arith.subi %get3A_145, %sub3A_150 : vector<16xi32>
    %mul3A_152 = arith.constant 2 : i32
    %mul3A_153 = vector.broadcast %mul3A_152 : i32 to vector<16xi32>
    %mul3A_154 = arith.muli %mul3A_153, %sub3A_151 : vector<16xi32>
    %add3A_155 = arith.constant 1 : i32
    %add3A_156 = vector.broadcast %add3A_155 : i32 to vector<16xi32>
    %add3A_157 = arith.addi %mul3A_154, %add3A_156 : vector<16xi32>
    %mul3A_158 = arith.constant 2 : i32
    %mul3A_159 = vector.broadcast %mul3A_158 : i32 to vector<16xi32>
    %mul3A_160 = arith.muli %mul3A_159, %get3A_145 : vector<16xi32>
    %select_n3A_161 = arith.select %ge3A_148, %add3A_157, %mul3A_160 : vector<16xi1>, vector<16xi32>
    %swap3A_162 = arith.constant 0 : i32
    %swap3A_163 = arith.index_cast %swap3A_162 : i32 to index
    %swap3A_164 = arith.constant 80 : index
    %swap3A_165 = tpu.vector_load %arg8[%swap3A_163, %swap3A_164] {strides = array<i32>} : memref<3x512xi32, #tpu.memory_space<vmem>>, vector<1x16xi32>,
    %swap3A_166 = vector.shape_cast %swap3A_165 : vector<1x16xi32> to vector<16xi32>
    %swap3A_167 = vector.shape_cast %select_n3A_161 : vector<16xi32> to vector<1x16xi32>
    tpu.vector_store %arg8[%swap3A_163, %swap3A_164], %swap3A_167 {strides = array<i32>} : memref<3x512xi32, #tpu.memory_space<vmem>>, vector<1x16xi32>,
    %get3A_168 = arith.constant 0 : i32
    %get3A_169 = arith.index_cast %get3A_168 : i32 to index
    %get3A_170 = arith.constant 96 : index
    %get3A_171 = tpu.vector_load %arg7[%get3A_169, %get3A_170] {strides = array<i32>} : memref<3x512xi32, #tpu.memory_space<vmem>>, vector<1x16xi32>,
    %get3A_172 = vector.shape_cast %get3A_171 : vector<1x16xi32> to vector<16xi32>
    %ge3A_173 = arith.constant 57344 : i32
    %ge3A_174 = vector.broadcast %ge3A_173 : i32 to vector<16xi32>
    %ge3A_175 = arith.cmpi sge, %get3A_172, %ge3A_174 : vector<16xi32>
    %sub3A_176 = arith.constant 57344 : i32
    %sub3A_177 = vector.broadcast %sub3A_176 : i32 to vector<16xi32>
    %sub3A_178 = arith.subi %get3A_172, %sub3A_177 : vector<16xi32>
    %mul3A_179 = arith.constant 2 : i32
    %mul3A_180 = vector.broadcast %mul3A_179 : i32 to vector<16xi32>
    %mul3A_181 = arith.muli %mul3A_180, %sub3A_178 : vector<16xi32>
    %add3A_182 = arith.constant 1 : i32
    %add3A_183 = vector.broadcast %add3A_182 : i32 to vector<16xi32>
    %add3A_184 = arith.addi %mul3A_181, %add3A_183 : vector<16xi32>
    %mul3A_185 = arith.constant 2 : i32
    %mul3A_186 = vector.broadcast %mul3A_185 : i32 to vector<16xi32>
    %mul3A_187 = arith.muli %mul3A_186, %get3A_172 : vector<16xi32>
    %select_n3A_188 = arith.select %ge3A_175, %add3A_184, %mul3A_187 : vector<16xi1>, vector<16xi32>
    %swap3A_189 = arith.constant 0 : i32
    %swap3A_190 = arith.index_cast %swap3A_189 : i32 to index
    %swap3A_191 = arith.constant 96 : index
    %swap3A_192 = tpu.vector_load %arg8[%swap3A_190, %swap3A_191] {strides = array<i32>} : memref<3x512xi32, #tpu.memory_space<vmem>>, vector<1x16xi32>,
    %swap3A_193 = vector.shape_cast %swap3A_192 : vector<1x16xi32> to vector<16xi32>
    %swap3A_194 = vector.shape_cast %select_n3A_188 : vector<16xi32> to vector<1x16xi32>
    tpu.vector_store %arg8[%swap3A_190, %swap3A_191], %swap3A_194 {strides = array<i32>} : memref<3x512xi32, #tpu.memory_space<vmem>>, vector<1x16xi32>,
    %get3A_195 = arith.constant 0 : i32
    %get3A_196 = arith.index_cast %get3A_195 : i32 to index
    %get3A_197 = arith.constant 112 : index
    %get3A_198 = tpu.vector_load %arg7[%get3A_196, %get3A_197] {strides = array<i32>} : memref<3x512xi32, #tpu.memory_space<vmem>>, vector<1x16xi32>,
    %get3A_199 = vector.shape_cast %get3A_198 : vector<1x16xi32> to vector<16xi32>
    %ge3A_200 = arith.constant 57344 : i32
    %ge3A_201 = vector.broadcast %ge3A_200 : i32 to vector<16xi32>
    %ge3A_202 = arith.cmpi sge, %get3A_199, %ge3A_201 : vector<16xi32>
    %sub3A_203 = arith.constant 57344 : i32
    %sub3A_204 = vector.broadcast %sub3A_203 : i32 to vector<16xi32>
    %sub3A_205 = arith.subi %get3A_199, %sub3A_204 : vector<16xi32>
    %mul3A_206 = arith.constant 2 : i32
    %mul3A_207 = vector.broadcast %mul3A_206 : i32 to vector<16xi32>
    %mul3A_208 = arith.muli %mul3A_207, %sub3A_205 : vector<16xi32>
    %add3A_209 = arith.constant 1 : i32
    %add3A_210 = vector.broadcast %add3A_209 : i32 to vector<16xi32>
    %add3A_211 = arith.addi %mul3A_208, %add3A_210 : vector<16xi32>
    %mul3A_212 = arith.constant 2 : i32
    %mul3A_213 = vector.broadcast %mul3A_212 : i32 to vector<16xi32>
    %mul3A_214 = arith.muli %mul3A_213, %get3A_199 : vector<16xi32>
    %select_n3A_215 = arith.select %ge3A_202, %add3A_211, %mul3A_214 : vector<16xi1>, vector<16xi32>
    %swap3A_216 = arith.constant 0 : i32
    %swap3A_217 = arith.index_cast %swap3A_216 : i32 to index
    %swap3A_218 = arith.constant 112 : index
    %swap3A_219 = tpu.vector_load %arg8[%swap3A_217, %swap3A_218] {strides = array<i32>} : memref<3x512xi32, #tpu.memory_space<vmem>>, vector<1x16xi32>,
    %swap3A_220 = vector.shape_cast %swap3A_219 : vector<1x16xi32> to vector<16xi32>
    %swap3A_221 = vector.shape_cast %select_n3A_215 : vector<16xi32> to vector<1x16xi32>
    tpu.vector_store %arg8[%swap3A_217, %swap3A_218], %swap3A_221 {strides = array<i32>} : memref<3x512xi32, #tpu.memory_space<vmem>>, vector<1x16xi32>,
    %get3A_222 = arith.constant 0 : i32
    %get3A_223 = arith.index_cast %get3A_222 : i32 to index
    %get3A_224 = arith.constant 128 : index
    %get3A_225 = tpu.vector_load %arg7[%get3A_223, %get3A_224] {strides = array<i32>} : memref<3x512xi32, #tpu.memory_space<vmem>>, vector<1x16xi32>,
    %get3A_226 = vector.shape_cast %get3A_225 : vector<1x16xi32> to vector<16xi32>
    %ge3A_227 = arith.constant 57344 : i32
    %ge3A_228 = vector.broadcast %ge3A_227 : i32 to vector<16xi32>
    %ge3A_229 = arith.cmpi sge, %get3A_226, %ge3A_228 : vector<16xi32>
    %sub3A_230 = arith.constant 57344 : i32
    %sub3A_231 = vector.broadcast %sub3A_230 : i32 to vector<16xi32>
    %sub3A_232 = arith.subi %get3A_226, %sub3A_231 : vector<16xi32>
    %mul3A_233 = arith.constant 2 : i32
    %mul3A_234 = vector.broadcast %mul3A_233 : i32 to vector<16xi32>
    %mul3A_235 = arith.muli %mul3A_234, %sub3A_232 : vector<16xi32>
    %add3A_236 = arith.constant 1 : i32
    %add3A_237 = vector.broadcast %add3A_236 : i32 to vector<16xi32>
    %add3A_238 = arith.addi %mul3A_235, %add3A_237 : vector<16xi32>
    %mul3A_239 = arith.constant 2 : i32
    %mul3A_240 = vector.broadcast %mul3A_239 : i32 to vector<16xi32>
    %mul3A_241 = arith.muli %mul3A_240, %get3A_226 : vector<16xi32>
    %select_n3A_242 = arith.select %ge3A_229, %add3A_238, %mul3A_241 : vector<16xi1>, vector<16xi32>
    %swap3A_243 = arith.constant 0 : i32
    %swap3A_244 = arith.index_cast %swap3A_243 : i32 to index
    %swap3A_245 = arith.constant 128 : index
    %swap3A_246 = tpu.vector_load %arg8[%swap3A_244, %swap3A_245] {strides = array<i32>} : memref<3x512xi32, #tpu.memory_space<vmem>>, vector<1x16xi32>,
    %swap3A_247 = vector.shape_cast %swap3A_246 : vector<1x16xi32> to vector<16xi32>
    %swap3A_248 = vector.shape_cast %select_n3A_242 : vector<16xi32> to vector<1x16xi32>
    tpu.vector_store %arg8[%swap3A_244, %swap3A_245], %swap3A_248 {strides = array<i32>} : memref<3x512xi32, #tpu.memory_space<vmem>>, vector<1x16xi32>,
    %get3A_249 = arith.constant 0 : i32
    %get3A_250 = arith.index_cast %get3A_249 : i32 to index
    %get3A_251 = arith.constant 144 : index
    %get3A_252 = tpu.vector_load %arg7[%get3A_250, %get3A_251] {strides = array<i32>} : memref<3x512xi32, #tpu.memory_space<vmem>>, vector<1x16xi32>,
    %get3A_253 = vector.shape_cast %get3A_252 : vector<1x16xi32> to vector<16xi32>
    %ge3A_254 = arith.constant 57344 : i32
    %ge3A_255 = vector.broadcast %ge3A_254 : i32 to vector<16xi32>
    %ge3A_256 = arith.cmpi sge, %get3A_253, %ge3A_255 : vector<16xi32>
    %sub3A_257 = arith.constant 57344 : i32
    %sub3A_258 = vector.broadcast %sub3A_257 : i32 to vector<16xi32>
    %sub3A_259 = arith.subi %get3A_253, %sub3A_258 : vector<16xi32>
    %mul3A_260 = arith.constant 2 : i32
    %mul3A_261 = vector.broadcast %mul3A_260 : i32 to vector<16xi32>
    %mul3A_262 = arith.muli %mul3A_261, %sub3A_259 : vector<16xi32>
    %add3A_263 = arith.constant 1 : i32
    %add3A_264 = vector.broadcast %add3A_263 : i32 to vector<16xi32>
    %add3A_265 = arith.addi %mul3A_262, %add3A_264 : vector<16xi32>
    %mul3A_266 = arith.constant 2 : i32
    %mul3A_267 = vector.broadcast %mul3A_266 : i32 to vector<16xi32>
    %mul3A_268 = arith.muli %mul3A_267, %get3A_253 : vector<16xi32>
    %select_n3A_269 = arith.select %ge3A_256, %add3A_265, %mul3A_268 : vector<16xi1>, vector<16xi32>
    %swap3A_270 = arith.constant 0 : i32
    %swap3A_271 = arith.index_cast %swap3A_270 : i32 to index
    %swap3A_272 = arith.constant 144 : index
    %swap3A_273 = tpu.vector_load %arg8[%swap3A_271, %swap3A_272] {strides = array<i32>} : memref<3x512xi32, #tpu.memory_space<vmem>>, vector<1x16xi32>,
    %swap3A_274 = vector.shape_cast %swap3A_273 : vector<1x16xi32> to vector<16xi32>
    %swap3A_275 = vector.shape_cast %select_n3A_269 : vector<16xi32> to vector<1x16xi32>
    tpu.vector_store %arg8[%swap3A_271, %swap3A_272], %swap3A_275 {strides = array<i32>} : memref<3x512xi32, #tpu.memory_space<vmem>>, vector<1x16xi32>,
    %get3A_276 = arith.constant 0 : i32
    %get3A_277 = arith.index_cast %get3A_276 : i32 to index
    %get3A_278 = arith.constant 160 : index
    %get3A_279 = tpu.vector_load %arg7[%get3A_277, %get3A_278] {strides = array<i32>} : memref<3x512xi32, #tpu.memory_space<vmem>>, vector<1x16xi32>,
    %get3A_280 = vector.shape_cast %get3A_279 : vector<1x16xi32> to vector<16xi32>
    %ge3A_281 = arith.constant 57344 : i32
    %ge3A_282 = vector.broadcast %ge3A_281 : i32 to vector<16xi32>
    %ge3A_283 = arith.cmpi sge, %get3A_280, %ge3A_282 : vector<16xi32>
    %sub3A_284 = arith.constant 57344 : i32
    %sub3A_285 = vector.broadcast %sub3A_284 : i32 to vector<16xi32>
    %sub3A_286 = arith.subi %get3A_280, %sub3A_285 : vector<16xi32>
    %mul3A_287 = arith.constant 2 : i32
    %mul3A_288 = vector.broadcast %mul3A_287 : i32 to vector<16xi32>
    %mul3A_289 = arith.muli %mul3A_288, %sub3A_286 : vector<16xi32>
    %add3A_290 = arith.constant 1 : i32
    %add3A_291 = vector.broadcast %add3A_290 : i32 to vector<16xi32>
    %add3A_292 = arith.addi %mul3A_289, %add3A_291 : vector<16xi32>
    %mul3A_293 = arith.constant 2 : i32
    %mul3A_294 = vector.broadcast %mul3A_293 : i32 to vector<16xi32>
    %mul3A_295 = arith.muli %mul3A_294, %get3A_280 : vector<16xi32>
    %select_n3A_296 = arith.select %ge3A_283, %add3A_292, %mul3A_295 : vector<16xi1>, vector<16xi32>
    %swap3A_297 = arith.constant 0 : i32
    %swap3A_298 = arith.index_cast %swap3A_297 : i32 to index
    %swap3A_299 = arith.constant 160 : index
    %swap3A_300 = tpu.vector_load %arg8[%swap3A_298, %swap3A_299] {strides = array<i32>} : memref<3x512xi32, #tpu.memory_space<vmem>>, vector<1x16xi32>,
    %swap3A_301 = vector.shape_cast %swap3A_300 : vector<1x16xi32> to vector<16xi32>
    %swap3A_302 = vector.shape_cast %select_n3A_296 : vector<16xi32> to vector<1x16xi32>
    tpu.vector_store %arg8[%swap3A_298, %swap3A_299], %swap3A_302 {strides = array<i32>} : memref<3x512xi32, #tpu.memory_space<vmem>>, vector<1x16xi32>,
    %get3A_303 = arith.constant 0 : i32
    %get3A_304 = arith.index_cast %get3A_303 : i32 to index
    %get3A_305 = arith.constant 176 : index
    %get3A_306 = tpu.vector_load %arg7[%get3A_304, %get3A_305] {strides = array<i32>} : memref<3x512xi32, #tpu.memory_space<vmem>>, vector<1x16xi32>,
    %get3A_307 = vector.shape_cast %get3A_306 : vector<1x16xi32> to vector<16xi32>
    %ge3A_308 = arith.constant 57344 : i32
    %ge3A_309 = vector.broadcast %ge3A_308 : i32 to vector<16xi32>
    %ge3A_310 = arith.cmpi sge, %get3A_307, %ge3A_309 : vector<16xi32>
    %sub3A_311 = arith.constant 57344 : i32
    %sub3A_312 = vector.broadcast %sub3A_311 : i32 to vector<16xi32>
    %sub3A_313 = arith.subi %get3A_307, %sub3A_312 : vector<16xi32>
    %mul3A_314 = arith.constant 2 : i32
    %mul3A_315 = vector.broadcast %mul3A_314 : i32 to vector<16xi32>
    %mul3A_316 = arith.muli %mul3A_315, %sub3A_313 : vector<16xi32>
    %add3A_317 = arith.constant 1 : i32
    %add3A_318 = vector.broadcast %add3A_317 : i32 to vector<16xi32>
    %add3A_319 = arith.addi %mul3A_316, %add3A_318 : vector<16xi32>
    %mul3A_320 = arith.constant 2 : i32
    %mul3A_321 = vector.broadcast %mul3A_320 : i32 to vector<16xi32>
    %mul3A_322 = arith.muli %mul3A_321, %get3A_307 : vector<16xi32>
    %select_n3A_323 = arith.select %ge3A_310, %add3A_319, %mul3A_322 : vector<16xi1>, vector<16xi32>
    %swap3A_324 = arith.constant 0 : i32
    %swap3A_325 = arith.index_cast %swap3A_324 : i32 to index
    %swap3A_326 = arith.constant 176 : index
    %swap3A_327 = tpu.vector_load %arg8[%swap3A_325, %swap3A_326] {strides = array<i32>} : memref<3x512xi32, #tpu.memory_space<vmem>>, vector<1x16xi32>,
    %swap3A_328 = vector.shape_cast %swap3A_327 : vector<1x16xi32> to vector<16xi32>
    %swap3A_329 = vector.shape_cast %select_n3A_323 : vector<16xi32> to vector<1x16xi32>
    tpu.vector_store %arg8[%swap3A_325, %swap3A_326], %swap3A_329 {strides = array<i32>} : memref<3x512xi32, #tpu.memory_space<vmem>>, vector<1x16xi32>,
    %get3A_330 = arith.constant 0 : i32
    %get3A_331 = arith.index_cast %get3A_330 : i32 to index
    %get3A_332 = arith.constant 192 : index
    %get3A_333 = tpu.vector_load %arg7[%get3A_331, %get3A_332] {strides = array<i32>} : memref<3x512xi32, #tpu.memory_space<vmem>>, vector<1x16xi32>,
    %get3A_334 = vector.shape_cast %get3A_333 : vector<1x16xi32> to vector<16xi32>
    %ge3A_335 = arith.constant 57344 : i32
    %ge3A_336 = vector.broadcast %ge3A_335 : i32 to vector<16xi32>
    %ge3A_337 = arith.cmpi sge, %get3A_334, %ge3A_336 : vector<16xi32>
    %sub3A_338 = arith.constant 57344 : i32
    %sub3A_339 = vector.broadcast %sub3A_338 : i32 to vector<16xi32>
    %sub3A_340 = arith.subi %get3A_334, %sub3A_339 : vector<16xi32>
    %mul3A_341 = arith.constant 2 : i32
    %mul3A_342 = vector.broadcast %mul3A_341 : i32 to vector<16xi32>
    %mul3A_343 = arith.muli %mul3A_342, %sub3A_340 : vector<16xi32>
    %add3A_344 = arith.constant 1 : i32
    %add3A_345 = vector.broadcast %add3A_344 : i32 to vector<16xi32>
    %add3A_346 = arith.addi %mul3A_343, %add3A_345 : vector<16xi32>
    %mul3A_347 = arith.constant 2 : i32
    %mul3A_348 = vector.broadcast %mul3A_347 : i32 to vector<16xi32>
    %mul3A_349 = arith.muli %mul3A_348, %get3A_334 : vector<16xi32>
    %select_n3A_350 = arith.select %ge3A_337, %add3A_346, %mul3A_349 : vector<16xi1>, vector<16xi32>
    %swap3A_351 = arith.constant 0 : i32
    %swap3A_352 = arith.index_cast %swap3A_351 : i32 to index
    %swap3A_353 = arith.constant 192 : index
    %swap3A_354 = tpu.vector_load %arg8[%swap3A_352, %swap3A_353] {strides = array<i32>} : memref<3x512xi32, #tpu.memory_space<vmem>>, vector<1x16xi32>,
    %swap3A_355 = vector.shape_cast %swap3A_354 : vector<1x16xi32> to vector<16xi32>
    %swap3A_356 = vector.shape_cast %select_n3A_350 : vector<16xi32> to vector<1x16xi32>
    tpu.vector_store %arg8[%swap3A_352, %swap3A_353], %swap3A_356 {strides = array<i32>} : memref<3x512xi32, #tpu.memory_space<vmem>>, vector<1x16xi32>,
    %get3A_357 = arith.constant 0 : i32
    %get3A_358 = arith.index_cast %get3A_357 : i32 to index
    %get3A_359 = arith.constant 208 : index
    %get3A_360 = tpu.vector_load %arg7[%get3A_358, %get3A_359] {strides = array<i32>} : memref<3x512xi32, #tpu.memory_space<vmem>>, vector<1x16xi32>,
    %get3A_361 = vector.shape_cast %get3A_360 : vector<1x16xi32> to vector<16xi32>
    %ge3A_362 = arith.constant 57344 : i32
    %ge3A_363 = vector.broadcast %ge3A_362 : i32 to vector<16xi32>
    %ge3A_364 = arith.cmpi sge, %get3A_361, %ge3A_363 : vector<16xi32>
    %sub3A_365 = arith.constant 57344 : i32
    %sub3A_366 = vector.broadcast %sub3A_365 : i32 to vector<16xi32>
    %sub3A_367 = arith.subi %get3A_361, %sub3A_366 : vector<16xi32>
    %mul3A_368 = arith.constant 2 : i32
    %mul3A_369 = vector.broadcast %mul3A_368 : i32 to vector<16xi32>
    %mul3A_370 = arith.muli %mul3A_369, %sub3A_367 : vector<16xi32>
    %add3A_371 = arith.constant 1 : i32
    %add3A_372 = vector.broadcast %add3A_371 : i32 to vector<16xi32>
    %add3A_373 = arith.addi %mul3A_370, %add3A_372 : vector<16xi32>
    %mul3A_374 = arith.constant 2 : i32
    %mul3A_375 = vector.broadcast %mul3A_374 : i32 to vector<16xi32>
    %mul3A_376 = arith.muli %mul3A_375, %get3A_361 : vector<16xi32>
    %select_n3A_377 = arith.select %ge3A_364, %add3A_373, %mul3A_376 : vector<16xi1>, vector<16xi32>
    %swap3A_378 = arith.constant 0 : i32
    %swap3A_379 = arith.index_cast %swap3A_378 : i32 to index
    %swap3A_380 = arith.constant 208 : index
    %swap3A_381 = tpu.vector_load %arg8[%swap3A_379, %swap3A_380] {strides = array<i32>} : memref<3x512xi32, #tpu.memory_space<vmem>>, vector<1x16xi32>,
    %swap3A_382 = vector.shape_cast %swap3A_381 : vector<1x16xi32> to vector<16xi32>
    %swap3A_383 = vector.shape_cast %select_n3A_377 : vector<16xi32> to vector<1x16xi32>
    tpu.vector_store %arg8[%swap3A_379, %swap3A_380], %swap3A_383 {strides = array<i32>} : memref<3x512xi32, #tpu.memory_space<vmem>>, vector<1x16xi32>,
    %get3A_384 = arith.constant 0 : i32
    %get3A_385 = arith.index_cast %get3A_384 : i32 to index
    %get3A_386 = arith.constant 224 : index
    %get3A_387 = tpu.vector_load %arg7[%get3A_385, %get3A_386] {strides = array<i32>} : memref<3x512xi32, #tpu.memory_space<vmem>>, vector<1x16xi32>,
    %get3A_388 = vector.shape_cast %get3A_387 : vector<1x16xi32> to vector<16xi32>
    %ge3A_389 = arith.constant 57344 : i32
    %ge3A_390 = vector.broadcast %ge3A_389 : i32 to vector<16xi32>
    %ge3A_391 = arith.cmpi sge, %get3A_388, %ge3A_390 : vector<16xi32>
    %sub3A_392 = arith.constant 57344 : i32
    %sub3A_393 = vector.broadcast %sub3A_392 : i32 to vector<16xi32>
    %sub3A_394 = arith.subi %get3A_388, %sub3A_393 : vector<16xi32>
    %mul3A_395 = arith.constant 2 : i32
    %mul3A_396 = vector.broadcast %mul3A_395 : i32 to vector<16xi32>
    %mul3A_397 = arith.muli %mul3A_396, %sub3A_394 : vector<16xi32>
    %add3A_398 = arith.constant 1 : i32
    %add3A_399 = vector.broadcast %add3A_398 : i32 to vector<16xi32>
    %add3A_400 = arith.addi %mul3A_397, %add3A_399 : vector<16xi32>
    %mul3A_401 = arith.constant 2 : i32
    %mul3A_402 = vector.broadcast %mul3A_401 : i32 to vector<16xi32>
    %mul3A_403 = arith.muli %mul3A_402, %get3A_388 : vector<16xi32>
    %select_n3A_404 = arith.select %ge3A_391, %add3A_400, %mul3A_403 : vector<16xi1>, vector<16xi32>
    %swap3A_405 = arith.constant 0 : i32
    %swap3A_406 = arith.index_cast %swap3A_405 : i32 to index
    %swap3A_407 = arith.constant 224 : index
    %swap3A_408 = tpu.vector_load %arg8[%swap3A_406, %swap3A_407] {strides = array<i32>} : memref<3x512xi32, #tpu.memory_space<vmem>>, vector<1x16xi32>,
    %swap3A_409 = vector.shape_cast %swap3A_408 : vector<1x16xi32> to vector<16xi32>
    %swap3A_410 = vector.shape_cast %select_n3A_404 : vector<16xi32> to vector<1x16xi32>
    tpu.vector_store %arg8[%swap3A_406, %swap3A_407], %swap3A_410 {strides = array<i32>} : memref<3x512xi32, #tpu.memory_space<vmem>>, vector<1x16xi32>,
    %get3A_411 = arith.constant 0 : i32
    %get3A_412 = arith.index_cast %get3A_411 : i32 to index
    %get3A_413 = arith.constant 240 : index
    %get3A_414 = tpu.vector_load %arg7[%get3A_412, %get3A_413] {strides = array<i32>} : memref<3x512xi32, #tpu.memory_space<vmem>>, vector<1x16xi32>,
    %get3A_415 = vector.shape_cast %get3A_414 : vector<1x16xi32> to vector<16xi32>
    %ge3A_416 = arith.constant 57344 : i32
    %ge3A_417 = vector.broadcast %ge3A_416 : i32 to vector<16xi32>
    %ge3A_418 = arith.cmpi sge, %get3A_415, %ge3A_417 : vector<16xi32>
    %sub3A_419 = arith.constant 57344 : i32
    %sub3A_420 = vector.broadcast %sub3A_419 : i32 to vector<16xi32>
    %sub3A_421 = arith.subi %get3A_415, %sub3A_420 : vector<16xi32>
    %mul3A_422 = arith.constant 2 : i32
    %mul3A_423 = vector.broadcast %mul3A_422 : i32 to vector<16xi32>
    %mul3A_424 = arith.muli %mul3A_423, %sub3A_421 : vector<16xi32>
    %add3A_425 = arith.constant 1 : i32
    %add3A_426 = vector.broadcast %add3A_425 : i32 to vector<16xi32>
    %add3A_427 = arith.addi %mul3A_424, %add3A_426 : vector<16xi32>
    %mul3A_428 = arith.constant 2 : i32
    %mul3A_429 = vector.broadcast %mul3A_428 : i32 to vector<16xi32>
    %mul3A_430 = arith.muli %mul3A_429, %get3A_415 : vector<16xi32>
    %select_n3A_431 = arith.select %ge3A_418, %add3A_427, %mul3A_430 : vector<16xi1>, vector<16xi32>
    %swap3A_432 = arith.constant 0 : i32
    %swap3A_433 = arith.index_cast %swap3A_432 : i32 to index
    %swap3A_434 = arith.constant 240 : index
    %swap3A_435 = tpu.vector_load %arg8[%swap3A_433, %swap3A_434] {strides = array<i32>} : memref<3x512xi32, #tpu.memory_space<vmem>>, vector<1x16xi32>,
    %swap3A_436 = vector.shape_cast %swap3A_435 : vector<1x16xi32> to vector<16xi32>
    %swap3A_437 = vector.shape_cast %select_n3A_431 : vector<16xi32> to vector<1x16xi32>
    tpu.vector_store %arg8[%swap3A_433, %swap3A_434], %swap3A_437 {strides = array<i32>} : memref<3x512xi32, #tpu.memory_space<vmem>>, vector<1x16xi32>,
    %get3A_438 = arith.constant 0 : i32
    %get3A_439 = arith.index_cast %get3A_438 : i32 to index
    %get3A_440 = arith.constant 256 : index
    %get3A_441 = tpu.vector_load %arg7[%get3A_439, %get3A_440] {strides = array<i32>} : memref<3x512xi32, #tpu.memory_space<vmem>>, vector<1x16xi32>,
    %get3A_442 = vector.shape_cast %get3A_441 : vector<1x16xi32> to vector<16xi32>
    %ge3A_443 = arith.constant 57344 : i32
    %ge3A_444 = vector.broadcast %ge3A_443 : i32 to vector<16xi32>
    %ge3A_445 = arith.cmpi sge, %get3A_442, %ge3A_444 : vector<16xi32>
    %sub3A_446 = arith.constant 57344 : i32
    %sub3A_447 = vector.broadcast %sub3A_446 : i32 to vector<16xi32>
    %sub3A_448 = arith.subi %get3A_442, %sub3A_447 : vector<16xi32>
    %mul3A_449 = arith.constant 2 : i32
    %mul3A_450 = vector.broadcast %mul3A_449 : i32 to vector<16xi32>
    %mul3A_451 = arith.muli %mul3A_450, %sub3A_448 : vector<16xi32>
    %add3A_452 = arith.constant 1 : i32
    %add3A_453 = vector.broadcast %add3A_452 : i32 to vector<16xi32>
    %add3A_454 = arith.addi %mul3A_451, %add3A_453 : vector<16xi32>
    %mul3A_455 = arith.constant 2 : i32
    %mul3A_456 = vector.broadcast %mul3A_455 : i32 to vector<16xi32>
    %mul3A_457 = arith.muli %mul3A_456, %get3A_442 : vector<16xi32>
    %select_n3A_458 = arith.select %ge3A_445, %add3A_454, %mul3A_457 : vector<16xi1>, vector<16xi32>
    %swap3A_459 = arith.constant 0 : i32
    %swap3A_460 = arith.index_cast %swap3A_459 : i32 to index
    %swap3A_461 = arith.constant 256 : index
    %swap3A_462 = tpu.vector_load %arg8[%swap3A_460, %swap3A_461] {strides = array<i32>} : memref<3x512xi32, #tpu.memory_space<vmem>>, vector<1x16xi32>,
    %swap3A_463 = vector.shape_cast %swap3A_462 : vector<1x16xi32> to vector<16xi32>
    %swap3A_464 = vector.shape_cast %select_n3A_458 : vector<16xi32> to vector<1x16xi32>
    tpu.vector_store %arg8[%swap3A_460, %swap3A_461], %swap3A_464 {strides = array<i32>} : memref<3x512xi32, #tpu.memory_space<vmem>>, vector<1x16xi32>,
    %get3A_465 = arith.constant 0 : i32
    %get3A_466 = arith.index_cast %get3A_465 : i32 to index
    %get3A_467 = arith.constant 272 : index
    %get3A_468 = tpu.vector_load %arg7[%get3A_466, %get3A_467] {strides = array<i32>} : memref<3x512xi32, #tpu.memory_space<vmem>>, vector<1x16xi32>,
    %get3A_469 = vector.shape_cast %get3A_468 : vector<1x16xi32> to vector<16xi32>
    %ge3A_470 = arith.constant 57344 : i32
    %ge3A_471 = vector.broadcast %ge3A_470 : i32 to vector<16xi32>
    %ge3A_472 = arith.cmpi sge, %get3A_469, %ge3A_471 : vector<16xi32>
    %sub3A_473 = arith.constant 57344 : i32
    %sub3A_474 = vector.broadcast %sub3A_473 : i32 to vector<16xi32>
    %sub3A_475 = arith.subi %get3A_469, %sub3A_474 : vector<16xi32>
    %mul3A_476 = arith.constant 2 : i32
    %mul3A_477 = vector.broadcast %mul3A_476 : i32 to vector<16xi32>
    %mul3A_478 = arith.muli %mul3A_477, %sub3A_475 : vector<16xi32>
    %add3A_479 = arith.constant 1 : i32
    %add3A_480 = vector.broadcast %add3A_479 : i32 to vector<16xi32>
    %add3A_481 = arith.addi %mul3A_478, %add3A_480 : vector<16xi32>
    %mul3A_482 = arith.constant 2 : i32
    %mul3A_483 = vector.broadcast %mul3A_482 : i32 to vector<16xi32>
    %mul3A_484 = arith.muli %mul3A_483, %get3A_469 : vector<16xi32>
    %select_n3A_485 = arith.select %ge3A_472, %add3A_481, %mul3A_484 : vector<16xi1>, vector<16xi32>
    %swap3A_486 = arith.constant 0 : i32
    %swap3A_487 = arith.index_cast %swap3A_486 : i32 to index
    %swap3A_488 = arith.constant 272 : index
    %swap3A_489 = tpu.vector_load %arg8[%swap3A_487, %swap3A_488] {strides = array<i32>} : memref<3x512xi32, #tpu.memory_space<vmem>>, vector<1x16xi32>,
    %swap3A_490 = vector.shape_cast %swap3A_489 : vector<1x16xi32> to vector<16xi32>
    %swap3A_491 = vector.shape_cast %select_n3A_485 : vector<16xi32> to vector<1x16xi32>
    tpu.vector_store %arg8[%swap3A_487, %swap3A_488], %swap3A_491 {strides = array<i32>} : memref<3x512xi32, #tpu.memory_space<vmem>>, vector<1x16xi32>,
    %get3A_492 = arith.constant 0 : i32
    %get3A_493 = arith.index_cast %get3A_492 : i32 to index
    %get3A_494 = arith.constant 288 : index
    %get3A_495 = tpu.vector_load %arg7[%get3A_493, %get3A_494] {strides = array<i32>} : memref<3x512xi32, #tpu.memory_space<vmem>>, vector<1x16xi32>,
    %get3A_496 = vector.shape_cast %get3A_495 : vector<1x16xi32> to vector<16xi32>
    %ge3A_497 = arith.constant 57344 : i32
    %ge3A_498 = vector.broadcast %ge3A_497 : i32 to vector<16xi32>
    %ge3A_499 = arith.cmpi sge, %get3A_496, %ge3A_498 : vector<16xi32>
    %sub3A_500 = arith.constant 57344 : i32
    %sub3A_501 = vector.broadcast %sub3A_500 : i32 to vector<16xi32>
    %sub3A_502 = arith.subi %get3A_496, %sub3A_501 : vector<16xi32>
    %mul3A_503 = arith.constant 2 : i32
    %mul3A_504 = vector.broadcast %mul3A_503 : i32 to vector<16xi32>
    %mul3A_505 = arith.muli %mul3A_504, %sub3A_502 : vector<16xi32>
    %add3A_506 = arith.constant 1 : i32
    %add3A_507 = vector.broadcast %add3A_506 : i32 to vector<16xi32>
    %add3A_508 = arith.addi %mul3A_505, %add3A_507 : vector<16xi32>
    %mul3A_509 = arith.constant 2 : i32
    %mul3A_510 = vector.broadcast %mul3A_509 : i32 to vector<16xi32>
    %mul3A_511 = arith.muli %mul3A_510, %get3A_496 : vector<16xi32>
    %select_n3A_512 = arith.select %ge3A_499, %add3A_508, %mul3A_511 : vector<16xi1>, vector<16xi32>
    %swap3A_513 = arith.constant 0 : i32
    %swap3A_514 = arith.index_cast %swap3A_513 : i32 to index
    %swap3A_515 = arith.constant 288 : index
    %swap3A_516 = tpu.vector_load %arg8[%swap3A_514, %swap3A_515] {strides = array<i32>} : memref<3x512xi32, #tpu.memory_space<vmem>>, vector<1x16xi32>,
    %swap3A_517 = vector.shape_cast %swap3A_516 : vector<1x16xi32> to vector<16xi32>
    %swap3A_518 = vector.shape_cast %select_n3A_512 : vector<16xi32> to vector<1x16xi32>
    tpu.vector_store %arg8[%swap3A_514, %swap3A_515], %swap3A_518 {strides = array<i32>} : memref<3x512xi32, #tpu.memory_space<vmem>>, vector<1x16xi32>,
    %get3A_519 = arith.constant 0 : i32
    %get3A_520 = arith.index_cast %get3A_519 : i32 to index
    %get3A_521 = arith.constant 304 : index
    %get3A_522 = tpu.vector_load %arg7[%get3A_520, %get3A_521] {strides = array<i32>} : memref<3x512xi32, #tpu.memory_space<vmem>>, vector<1x16xi32>,
    %get3A_523 = vector.shape_cast %get3A_522 : vector<1x16xi32> to vector<16xi32>
    %ge3A_524 = arith.constant 57344 : i32
    %ge3A_525 = vector.broadcast %ge3A_524 : i32 to vector<16xi32>
    %ge3A_526 = arith.cmpi sge, %get3A_523, %ge3A_525 : vector<16xi32>
    %sub3A_527 = arith.constant 57344 : i32
    %sub3A_528 = vector.broadcast %sub3A_527 : i32 to vector<16xi32>
    %sub3A_529 = arith.subi %get3A_523, %sub3A_528 : vector<16xi32>
    %mul3A_530 = arith.constant 2 : i32
    %mul3A_531 = vector.broadcast %mul3A_530 : i32 to vector<16xi32>
    %mul3A_532 = arith.muli %mul3A_531, %sub3A_529 : vector<16xi32>
    %add3A_533 = arith.constant 1 : i32
    %add3A_534 = vector.broadcast %add3A_533 : i32 to vector<16xi32>
    %add3A_535 = arith.addi %mul3A_532, %add3A_534 : vector<16xi32>
    %mul3A_536 = arith.constant 2 : i32
    %mul3A_537 = vector.broadcast %mul3A_536 : i32 to vector<16xi32>
    %mul3A_538 = arith.muli %mul3A_537, %get3A_523 : vector<16xi32>
    %select_n3A_539 = arith.select %ge3A_526, %add3A_535, %mul3A_538 : vector<16xi1>, vector<16xi32>
    %swap3A_540 = arith.constant 0 : i32
    %swap3A_541 = arith.index_cast %swap3A_540 : i32 to index
    %swap3A_542 = arith.constant 304 : index
    %swap3A_543 = tpu.vector_load %arg8[%swap3A_541, %swap3A_542] {strides = array<i32>} : memref<3x512xi32, #tpu.memory_space<vmem>>, vector<1x16xi32>,
    %swap3A_544 = vector.shape_cast %swap3A_543 : vector<1x16xi32> to vector<16xi32>
    %swap3A_545 = vector.shape_cast %select_n3A_539 : vector<16xi32> to vector<1x16xi32>
    tpu.vector_store %arg8[%swap3A_541, %swap3A_542], %swap3A_545 {strides = array<i32>} : memref<3x512xi32, #tpu.memory_space<vmem>>, vector<1x16xi32>,
    %get3A_546 = arith.constant 0 : i32
    %get3A_547 = arith.index_cast %get3A_546 : i32 to index
    %get3A_548 = arith.constant 320 : index
    %get3A_549 = tpu.vector_load %arg7[%get3A_547, %get3A_548] {strides = array<i32>} : memref<3x512xi32, #tpu.memory_space<vmem>>, vector<1x16xi32>,
    %get3A_550 = vector.shape_cast %get3A_549 : vector<1x16xi32> to vector<16xi32>
    %ge3A_551 = arith.constant 57344 : i32
    %ge3A_552 = vector.broadcast %ge3A_551 : i32 to vector<16xi32>
    %ge3A_553 = arith.cmpi sge, %get3A_550, %ge3A_552 : vector<16xi32>
    %sub3A_554 = arith.constant 57344 : i32
    %sub3A_555 = vector.broadcast %sub3A_554 : i32 to vector<16xi32>
    %sub3A_556 = arith.subi %get3A_550, %sub3A_555 : vector<16xi32>
    %mul3A_557 = arith.constant 2 : i32
    %mul3A_558 = vector.broadcast %mul3A_557 : i32 to vector<16xi32>
    %mul3A_559 = arith.muli %mul3A_558, %sub3A_556 : vector<16xi32>
    %add3A_560 = arith.constant 1 : i32
    %add3A_561 = vector.broadcast %add3A_560 : i32 to vector<16xi32>
    %add3A_562 = arith.addi %mul3A_559, %add3A_561 : vector<16xi32>
    %mul3A_563 = arith.constant 2 : i32
    %mul3A_564 = vector.broadcast %mul3A_563 : i32 to vector<16xi32>
    %mul3A_565 = arith.muli %mul3A_564, %get3A_550 : vector<16xi32>
    %select_n3A_566 = arith.select %ge3A_553, %add3A_562, %mul3A_565 : vector<16xi1>, vector<16xi32>
    %swap3A_567 = arith.constant 0 : i32
    %swap3A_568 = arith.index_cast %swap3A_567 : i32 to index
    %swap3A_569 = arith.constant 320 : index
    %swap3A_570 = tpu.vector_load %arg8[%swap3A_568, %swap3A_569] {strides = array<i32>} : memref<3x512xi32, #tpu.memory_space<vmem>>, vector<1x16xi32>,
    %swap3A_571 = vector.shape_cast %swap3A_570 : vector<1x16xi32> to vector<16xi32>
    %swap3A_572 = vector.shape_cast %select_n3A_566 : vector<16xi32> to vector<1x16xi32>
    tpu.vector_store %arg8[%swap3A_568, %swap3A_569], %swap3A_572 {strides = array<i32>} : memref<3x512xi32, #tpu.memory_space<vmem>>, vector<1x16xi32>,
    %get3A_573 = arith.constant 0 : i32
    %get3A_574 = arith.index_cast %get3A_573 : i32 to index
    %get3A_575 = arith.constant 336 : index
    %get3A_576 = tpu.vector_load %arg7[%get3A_574, %get3A_575] {strides = array<i32>} : memref<3x512xi32, #tpu.memory_space<vmem>>, vector<1x16xi32>,
    %get3A_577 = vector.shape_cast %get3A_576 : vector<1x16xi32> to vector<16xi32>
    %ge3A_578 = arith.constant 57344 : i32
    %ge3A_579 = vector.broadcast %ge3A_578 : i32 to vector<16xi32>
    %ge3A_580 = arith.cmpi sge, %get3A_577, %ge3A_579 : vector<16xi32>
    %sub3A_581 = arith.constant 57344 : i32
    %sub3A_582 = vector.broadcast %sub3A_581 : i32 to vector<16xi32>
    %sub3A_583 = arith.subi %get3A_577, %sub3A_582 : vector<16xi32>
    %mul3A_584 = arith.constant 2 : i32
    %mul3A_585 = vector.broadcast %mul3A_584 : i32 to vector<16xi32>
    %mul3A_586 = arith.muli %mul3A_585, %sub3A_583 : vector<16xi32>
    %add3A_587 = arith.constant 1 : i32
    %add3A_588 = vector.broadcast %add3A_587 : i32 to vector<16xi32>
    %add3A_589 = arith.addi %mul3A_586, %add3A_588 : vector<16xi32>
    %mul3A_590 = arith.constant 2 : i32
    %mul3A_591 = vector.broadcast %mul3A_590 : i32 to vector<16xi32>
    %mul3A_592 = arith.muli %mul3A_591, %get3A_577 : vector<16xi32>
    %select_n3A_593 = arith.select %ge3A_580, %add3A_589, %mul3A_592 : vector<16xi1>, vector<16xi32>
    %swap3A_594 = arith.constant 0 : i32
    %swap3A_595 = arith.index_cast %swap3A_594 : i32 to index
    %swap3A_596 = arith.constant 336 : index
    %swap3A_597 = tpu.vector_load %arg8[%swap3A_595, %swap3A_596] {strides = array<i32>} : memref<3x512xi32, #tpu.memory_space<vmem>>, vector<1x16xi32>,
    %swap3A_598 = vector.shape_cast %swap3A_597 : vector<1x16xi32> to vector<16xi32>
    %swap3A_599 = vector.shape_cast %select_n3A_593 : vector<16xi32> to vector<1x16xi32>
    tpu.vector_store %arg8[%swap3A_595, %swap3A_596], %swap3A_599 {strides = array<i32>} : memref<3x512xi32, #tpu.memory_space<vmem>>, vector<1x16xi32>,
    %get3A_600 = arith.constant 0 : i32
    %get3A_601 = arith.index_cast %get3A_600 : i32 to index
    %get3A_602 = arith.constant 352 : index
    %get3A_603 = tpu.vector_load %arg7[%get3A_601, %get3A_602] {strides = array<i32>} : memref<3x512xi32, #tpu.memory_space<vmem>>, vector<1x16xi32>,
    %get3A_604 = vector.shape_cast %get3A_603 : vector<1x16xi32> to vector<16xi32>
    %ge3A_605 = arith.constant 57344 : i32
    %ge3A_606 = vector.broadcast %ge3A_605 : i32 to vector<16xi32>
    %ge3A_607 = arith.cmpi sge, %get3A_604, %ge3A_606 : vector<16xi32>
    %sub3A_608 = arith.constant 57344 : i32
    %sub3A_609 = vector.broadcast %sub3A_608 : i32 to vector<16xi32>
    %sub3A_610 = arith.subi %get3A_604, %sub3A_609 : vector<16xi32>
    %mul3A_611 = arith.constant 2 : i32
    %mul3A_612 = vector.broadcast %mul3A_611 : i32 to vector<16xi32>
    %mul3A_613 = arith.muli %mul3A_612, %sub3A_610 : vector<16xi32>
    %add3A_614 = arith.constant 1 : i32
    %add3A_615 = vector.broadcast %add3A_614 : i32 to vector<16xi32>
    %add3A_616 = arith.addi %mul3A_613, %add3A_615 : vector<16xi32>
    %mul3A_617 = arith.constant 2 : i32
    %mul3A_618 = vector.broadcast %mul3A_617 : i32 to vector<16xi32>
    %mul3A_619 = arith.muli %mul3A_618, %get3A_604 : vector<16xi32>
    %select_n3A_620 = arith.select %ge3A_607, %add3A_616, %mul3A_619 : vector<16xi1>, vector<16xi32>
    %swap3A_621 = arith.constant 0 : i32
    %swap3A_622 = arith.index_cast %swap3A_621 : i32 to index
    %swap3A_623 = arith.constant 352 : index
    %swap3A_624 = tpu.vector_load %arg8[%swap3A_622, %swap3A_623] {strides = array<i32>} : memref<3x512xi32, #tpu.memory_space<vmem>>, vector<1x16xi32>,
    %swap3A_625 = vector.shape_cast %swap3A_624 : vector<1x16xi32> to vector<16xi32>
    %swap3A_626 = vector.shape_cast %select_n3A_620 : vector<16xi32> to vector<1x16xi32>
    tpu.vector_store %arg8[%swap3A_622, %swap3A_623], %swap3A_626 {strides = array<i32>} : memref<3x512xi32, #tpu.memory_space<vmem>>, vector<1x16xi32>,
    %get3A_627 = arith.constant 0 : i32
    %get3A_628 = arith.index_cast %get3A_627 : i32 to index
    %get3A_629 = arith.constant 368 : index
    %get3A_630 = tpu.vector_load %arg7[%get3A_628, %get3A_629] {strides = array<i32>} : memref<3x512xi32, #tpu.memory_space<vmem>>, vector<1x16xi32>,
    %get3A_631 = vector.shape_cast %get3A_630 : vector<1x16xi32> to vector<16xi32>
    %ge3A_632 = arith.constant 57344 : i32
    %ge3A_633 = vector.broadcast %ge3A_632 : i32 to vector<16xi32>
    %ge3A_634 = arith.cmpi sge, %get3A_631, %ge3A_633 : vector<16xi32>
    %sub3A_635 = arith.constant 57344 : i32
    %sub3A_636 = vector.broadcast %sub3A_635 : i32 to vector<16xi32>
    %sub3A_637 = arith.subi %get3A_631, %sub3A_636 : vector<16xi32>
    %mul3A_638 = arith.constant 2 : i32
    %mul3A_639 = vector.broadcast %mul3A_638 : i32 to vector<16xi32>
    %mul3A_640 = arith.muli %mul3A_639, %sub3A_637 : vector<16xi32>
    %add3A_641 = arith.constant 1 : i32
    %add3A_642 = vector.broadcast %add3A_641 : i32 to vector<16xi32>
    %add3A_643 = arith.addi %mul3A_640, %add3A_642 : vector<16xi32>
    %mul3A_644 = arith.constant 2 : i32
    %mul3A_645 = vector.broadcast %mul3A_644 : i32 to vector<16xi32>
    %mul3A_646 = arith.muli %mul3A_645, %get3A_631 : vector<16xi32>
    %select_n3A_647 = arith.select %ge3A_634, %add3A_643, %mul3A_646 : vector<16xi1>, vector<16xi32>
    %swap3A_648 = arith.constant 0 : i32
    %swap3A_649 = arith.index_cast %swap3A_648 : i32 to index
    %swap3A_650 = arith.constant 368 : index
    %swap3A_651 = tpu.vector_load %arg8[%swap3A_649, %swap3A_650] {strides = array<i32>} : memref<3x512xi32, #tpu.memory_space<vmem>>, vector<1x16xi32>,
    %swap3A_652 = vector.shape_cast %swap3A_651 : vector<1x16xi32> to vector<16xi32>
    %swap3A_653 = vector.shape_cast %select_n3A_647 : vector<16xi32> to vector<1x16xi32>
    tpu.vector_store %arg8[%swap3A_649, %swap3A_650], %swap3A_653 {strides = array<i32>} : memref<3x512xi32, #tpu.memory_space<vmem>>, vector<1x16xi32>,
    %get3A_654 = arith.constant 0 : i32
    %get3A_655 = arith.index_cast %get3A_654 : i32 to index
    %get3A_656 = arith.constant 384 : index
    %get3A_657 = tpu.vector_load %arg7[%get3A_655, %get3A_656] {strides = array<i32>} : memref<3x512xi32, #tpu.memory_space<vmem>>, vector<1x16xi32>,
    %get3A_658 = vector.shape_cast %get3A_657 : vector<1x16xi32> to vector<16xi32>
    %ge3A_659 = arith.constant 57344 : i32
    %ge3A_660 = vector.broadcast %ge3A_659 : i32 to vector<16xi32>
    %ge3A_661 = arith.cmpi sge, %get3A_658, %ge3A_660 : vector<16xi32>
    %sub3A_662 = arith.constant 57344 : i32
    %sub3A_663 = vector.broadcast %sub3A_662 : i32 to vector<16xi32>
    %sub3A_664 = arith.subi %get3A_658, %sub3A_663 : vector<16xi32>
    %mul3A_665 = arith.constant 2 : i32
    %mul3A_666 = vector.broadcast %mul3A_665 : i32 to vector<16xi32>
    %mul3A_667 = arith.muli %mul3A_666, %sub3A_664 : vector<16xi32>
    %add3A_668 = arith.constant 1 : i32
    %add3A_669 = vector.broadcast %add3A_668 : i32 to vector<16xi32>
    %add3A_670 = arith.addi %mul3A_667, %add3A_669 : vector<16xi32>
    %mul3A_671 = arith.constant 2 : i32
    %mul3A_672 = vector.broadcast %mul3A_671 : i32 to vector<16xi32>
    %mul3A_673 = arith.muli %mul3A_672, %get3A_658 : vector<16xi32>
    %select_n3A_674 = arith.select %ge3A_661, %add3A_670, %mul3A_673 : vector<16xi1>, vector<16xi32>
    %swap3A_675 = arith.constant 0 : i32
    %swap3A_676 = arith.index_cast %swap3A_675 : i32 to index
    %swap3A_677 = arith.constant 384 : index
    %swap3A_678 = tpu.vector_load %arg8[%swap3A_676, %swap3A_677] {strides = array<i32>} : memref<3x512xi32, #tpu.memory_space<vmem>>, vector<1x16xi32>,
    %swap3A_679 = vector.shape_cast %swap3A_678 : vector<1x16xi32> to vector<16xi32>
    %swap3A_680 = vector.shape_cast %select_n3A_674 : vector<16xi32> to vector<1x16xi32>
    tpu.vector_store %arg8[%swap3A_676, %swap3A_677], %swap3A_680 {strides = array<i32>} : memref<3x512xi32, #tpu.memory_space<vmem>>, vector<1x16xi32>,
    %get3A_681 = arith.constant 0 : i32
    %get3A_682 = arith.index_cast %get3A_681 : i32 to index
    %get3A_683 = arith.constant 400 : index
    %get3A_684 = tpu.vector_load %arg7[%get3A_682, %get3A_683] {strides = array<i32>} : memref<3x512xi32, #tpu.memory_space<vmem>>, vector<1x16xi32>,
    %get3A_685 = vector.shape_cast %get3A_684 : vector<1x16xi32> to vector<16xi32>
    %ge3A_686 = arith.constant 57344 : i32
    %ge3A_687 = vector.broadcast %ge3A_686 : i32 to vector<16xi32>
    %ge3A_688 = arith.cmpi sge, %get3A_685, %ge3A_687 : vector<16xi32>
    %sub3A_689 = arith.constant 57344 : i32
    %sub3A_690 = vector.broadcast %sub3A_689 : i32 to vector<16xi32>
    %sub3A_691 = arith.subi %get3A_685, %sub3A_690 : vector<16xi32>
    %mul3A_692 = arith.constant 2 : i32
    %mul3A_693 = vector.broadcast %mul3A_692 : i32 to vector<16xi32>
    %mul3A_694 = arith.muli %mul3A_693, %sub3A_691 : vector<16xi32>
    %add3A_695 = arith.constant 1 : i32
    %add3A_696 = vector.broadcast %add3A_695 : i32 to vector<16xi32>
    %add3A_697 = arith.addi %mul3A_694, %add3A_696 : vector<16xi32>
    %mul3A_698 = arith.constant 2 : i32
    %mul3A_699 = vector.broadcast %mul3A_698 : i32 to vector<16xi32>
    %mul3A_700 = arith.muli %mul3A_699, %get3A_685 : vector<16xi32>
    %select_n3A_701 = arith.select %ge3A_688, %add3A_697, %mul3A_700 : vector<16xi1>, vector<16xi32>
    %swap3A_702 = arith.constant 0 : i32
    %swap3A_703 = arith.index_cast %swap3A_702 : i32 to index
    %swap3A_704 = arith.constant 400 : index
    %swap3A_705 = tpu.vector_load %arg8[%swap3A_703, %swap3A_704] {strides = array<i32>} : memref<3x512xi32, #tpu.memory_space<vmem>>, vector<1x16xi32>,
    %swap3A_706 = vector.shape_cast %swap3A_705 : vector<1x16xi32> to vector<16xi32>
    %swap3A_707 = vector.shape_cast %select_n3A_701 : vector<16xi32> to vector<1x16xi32>
    tpu.vector_store %arg8[%swap3A_703, %swap3A_704], %swap3A_707 {strides = array<i32>} : memref<3x512xi32, #tpu.memory_space<vmem>>, vector<1x16xi32>,
    %get3A_708 = arith.constant 0 : i32
    %get3A_709 = arith.index_cast %get3A_708 : i32 to index
    %get3A_710 = arith.constant 416 : index
    %get3A_711 = tpu.vector_load %arg7[%get3A_709, %get3A_710] {strides = array<i32>} : memref<3x512xi32, #tpu.memory_space<vmem>>, vector<1x16xi32>,
    %get3A_712 = vector.shape_cast %get3A_711 : vector<1x16xi32> to vector<16xi32>
    %ge3A_713 = arith.constant 57344 : i32
    %ge3A_714 = vector.broadcast %ge3A_713 : i32 to vector<16xi32>
    %ge3A_715 = arith.cmpi sge, %get3A_712, %ge3A_714 : vector<16xi32>
    %sub3A_716 = arith.constant 57344 : i32
    %sub3A_717 = vector.broadcast %sub3A_716 : i32 to vector<16xi32>
    %sub3A_718 = arith.subi %get3A_712, %sub3A_717 : vector<16xi32>
    %mul3A_719 = arith.constant 2 : i32
    %mul3A_720 = vector.broadcast %mul3A_719 : i32 to vector<16xi32>
    %mul3A_721 = arith.muli %mul3A_720, %sub3A_718 : vector<16xi32>
    %add3A_722 = arith.constant 1 : i32
    %add3A_723 = vector.broadcast %add3A_722 : i32 to vector<16xi32>
    %add3A_724 = arith.addi %mul3A_721, %add3A_723 : vector<16xi32>
    %mul3A_725 = arith.constant 2 : i32
    %mul3A_726 = vector.broadcast %mul3A_725 : i32 to vector<16xi32>
    %mul3A_727 = arith.muli %mul3A_726, %get3A_712 : vector<16xi32>
    %select_n3A_728 = arith.select %ge3A_715, %add3A_724, %mul3A_727 : vector<16xi1>, vector<16xi32>
    %swap3A_729 = arith.constant 0 : i32
    %swap3A_730 = arith.index_cast %swap3A_729 : i32 to index
    %swap3A_731 = arith.constant 416 : index
    %swap3A_732 = tpu.vector_load %arg8[%swap3A_730, %swap3A_731] {strides = array<i32>} : memref<3x512xi32, #tpu.memory_space<vmem>>, vector<1x16xi32>,
    %swap3A_733 = vector.shape_cast %swap3A_732 : vector<1x16xi32> to vector<16xi32>
    %swap3A_734 = vector.shape_cast %select_n3A_728 : vector<16xi32> to vector<1x16xi32>
    tpu.vector_store %arg8[%swap3A_730, %swap3A_731], %swap3A_734 {strides = array<i32>} : memref<3x512xi32, #tpu.memory_space<vmem>>, vector<1x16xi32>,
    %get3A_735 = arith.constant 0 : i32
    %get3A_736 = arith.index_cast %get3A_735 : i32 to index
    %get3A_737 = arith.constant 432 : index
    %get3A_738 = tpu.vector_load %arg7[%get3A_736, %get3A_737] {strides = array<i32>} : memref<3x512xi32, #tpu.memory_space<vmem>>, vector<1x16xi32>,
    %get3A_739 = vector.shape_cast %get3A_738 : vector<1x16xi32> to vector<16xi32>
    %ge3A_740 = arith.constant 57344 : i32
    %ge3A_741 = vector.broadcast %ge3A_740 : i32 to vector<16xi32>
    %ge3A_742 = arith.cmpi sge, %get3A_739, %ge3A_741 : vector<16xi32>
    %sub3A_743 = arith.constant 57344 : i32
    %sub3A_744 = vector.broadcast %sub3A_743 : i32 to vector<16xi32>
    %sub3A_745 = arith.subi %get3A_739, %sub3A_744 : vector<16xi32>
    %mul3A_746 = arith.constant 2 : i32
    %mul3A_747 = vector.broadcast %mul3A_746 : i32 to vector<16xi32>
    %mul3A_748 = arith.muli %mul3A_747, %sub3A_745 : vector<16xi32>
    %add3A_749 = arith.constant 1 : i32
    %add3A_750 = vector.broadcast %add3A_749 : i32 to vector<16xi32>
    %add3A_751 = arith.addi %mul3A_748, %add3A_750 : vector<16xi32>
    %mul3A_752 = arith.constant 2 : i32
    %mul3A_753 = vector.broadcast %mul3A_752 : i32 to vector<16xi32>
    %mul3A_754 = arith.muli %mul3A_753, %get3A_739 : vector<16xi32>
    %select_n3A_755 = arith.select %ge3A_742, %add3A_751, %mul3A_754 : vector<16xi1>, vector<16xi32>
    %swap3A_756 = arith.constant 0 : i32
    %swap3A_757 = arith.index_cast %swap3A_756 : i32 to index
    %swap3A_758 = arith.constant 432 : index
    %swap3A_759 = tpu.vector_load %arg8[%swap3A_757, %swap3A_758] {strides = array<i32>} : memref<3x512xi32, #tpu.memory_space<vmem>>, vector<1x16xi32>,
    %swap3A_760 = vector.shape_cast %swap3A_759 : vector<1x16xi32> to vector<16xi32>
    %swap3A_761 = vector.shape_cast %select_n3A_755 : vector<16xi32> to vector<1x16xi32>
    tpu.vector_store %arg8[%swap3A_757, %swap3A_758], %swap3A_761 {strides = array<i32>} : memref<3x512xi32, #tpu.memory_space<vmem>>, vector<1x16xi32>,
    %get3A_762 = arith.constant 0 : i32
    %get3A_763 = arith.index_cast %get3A_762 : i32 to index
    %get3A_764 = arith.constant 448 : index
    %get3A_765 = tpu.vector_load %arg7[%get3A_763, %get3A_764] {strides = array<i32>} : memref<3x512xi32, #tpu.memory_space<vmem>>, vector<1x16xi32>,
    %get3A_766 = vector.shape_cast %get3A_765 : vector<1x16xi32> to vector<16xi32>
    %ge3A_767 = arith.constant 57344 : i32
    %ge3A_768 = vector.broadcast %ge3A_767 : i32 to vector<16xi32>
    %ge3A_769 = arith.cmpi sge, %get3A_766, %ge3A_768 : vector<16xi32>
    %sub3A_770 = arith.constant 57344 : i32
    %sub3A_771 = vector.broadcast %sub3A_770 : i32 to vector<16xi32>
    %sub3A_772 = arith.subi %get3A_766, %sub3A_771 : vector<16xi32>
    %mul3A_773 = arith.constant 2 : i32
    %mul3A_774 = vector.broadcast %mul3A_773 : i32 to vector<16xi32>
    %mul3A_775 = arith.muli %mul3A_774, %sub3A_772 : vector<16xi32>
    %add3A_776 = arith.constant 1 : i32
    %add3A_777 = vector.broadcast %add3A_776 : i32 to vector<16xi32>
    %add3A_778 = arith.addi %mul3A_775, %add3A_777 : vector<16xi32>
    %mul3A_779 = arith.constant 2 : i32
    %mul3A_780 = vector.broadcast %mul3A_779 : i32 to vector<16xi32>
    %mul3A_781 = arith.muli %mul3A_780, %get3A_766 : vector<16xi32>
    %select_n3A_782 = arith.select %ge3A_769, %add3A_778, %mul3A_781 : vector<16xi1>, vector<16xi32>
    %swap3A_783 = arith.constant 0 : i32
    %swap3A_784 = arith.index_cast %swap3A_783 : i32 to index
    %swap3A_785 = arith.constant 448 : index
    %swap3A_786 = tpu.vector_load %arg8[%swap3A_784, %swap3A_785] {strides = array<i32>} : memref<3x512xi32, #tpu.memory_space<vmem>>, vector<1x16xi32>,
    %swap3A_787 = vector.shape_cast %swap3A_786 : vector<1x16xi32> to vector<16xi32>
    %swap3A_788 = vector.shape_cast %select_n3A_782 : vector<16xi32> to vector<1x16xi32>
    tpu.vector_store %arg8[%swap3A_784, %swap3A_785], %swap3A_788 {strides = array<i32>} : memref<3x512xi32, #tpu.memory_space<vmem>>, vector<1x16xi32>,
    %get3A_789 = arith.constant 0 : i32
    %get3A_790 = arith.index_cast %get3A_789 : i32 to index
    %get3A_791 = arith.constant 464 : index
    %get3A_792 = tpu.vector_load %arg7[%get3A_790, %get3A_791] {strides = array<i32>} : memref<3x512xi32, #tpu.memory_space<vmem>>, vector<1x16xi32>,
    %get3A_793 = vector.shape_cast %get3A_792 : vector<1x16xi32> to vector<16xi32>
    %ge3A_794 = arith.constant 57344 : i32
    %ge3A_795 = vector.broadcast %ge3A_794 : i32 to vector<16xi32>
    %ge3A_796 = arith.cmpi sge, %get3A_793, %ge3A_795 : vector<16xi32>
    %sub3A_797 = arith.constant 57344 : i32
    %sub3A_798 = vector.broadcast %sub3A_797 : i32 to vector<16xi32>
    %sub3A_799 = arith.subi %get3A_793, %sub3A_798 : vector<16xi32>
    %mul3A_800 = arith.constant 2 : i32
    %mul3A_801 = vector.broadcast %mul3A_800 : i32 to vector<16xi32>
    %mul3A_802 = arith.muli %mul3A_801, %sub3A_799 : vector<16xi32>
    %add3A_803 = arith.constant 1 : i32
    %add3A_804 = vector.broadcast %add3A_803 : i32 to vector<16xi32>
    %add3A_805 = arith.addi %mul3A_802, %add3A_804 : vector<16xi32>
    %mul3A_806 = arith.constant 2 : i32
    %mul3A_807 = vector.broadcast %mul3A_806 : i32 to vector<16xi32>
    %mul3A_808 = arith.muli %mul3A_807, %get3A_793 : vector<16xi32>
    %select_n3A_809 = arith.select %ge3A_796, %add3A_805, %mul3A_808 : vector<16xi1>, vector<16xi32>
    %swap3A_810 = arith.constant 0 : i32
    %swap3A_811 = arith.index_cast %swap3A_810 : i32 to index
    %swap3A_812 = arith.constant 464 : index
    %swap3A_813 = tpu.vector_load %arg8[%swap3A_811, %swap3A_812] {strides = array<i32>} : memref<3x512xi32, #tpu.memory_space<vmem>>, vector<1x16xi32>,
    %swap3A_814 = vector.shape_cast %swap3A_813 : vector<1x16xi32> to vector<16xi32>
    %swap3A_815 = vector.shape_cast %select_n3A_809 : vector<16xi32> to vector<1x16xi32>
    tpu.vector_store %arg8[%swap3A_811, %swap3A_812], %swap3A_815 {strides = array<i32>} : memref<3x512xi32, #tpu.memory_space<vmem>>, vector<1x16xi32>,
    %get3A_816 = arith.constant 0 : i32
    %get3A_817 = arith.index_cast %get3A_816 : i32 to index
    %get3A_818 = arith.constant 480 : index
    %get3A_819 = tpu.vector_load %arg7[%get3A_817, %get3A_818] {strides = array<i32>} : memref<3x512xi32, #tpu.memory_space<vmem>>, vector<1x16xi32>,
    %get3A_820 = vector.shape_cast %get3A_819 : vector<1x16xi32> to vector<16xi32>
    %ge3A_821 = arith.constant 57344 : i32
    %ge3A_822 = vector.broadcast %ge3A_821 : i32 to vector<16xi32>
    %ge3A_823 = arith.cmpi sge, %get3A_820, %ge3A_822 : vector<16xi32>
    %sub3A_824 = arith.constant 57344 : i32
    %sub3A_825 = vector.broadcast %sub3A_824 : i32 to vector<16xi32>
    %sub3A_826 = arith.subi %get3A_820, %sub3A_825 : vector<16xi32>
    %mul3A_827 = arith.constant 2 : i32
    %mul3A_828 = vector.broadcast %mul3A_827 : i32 to vector<16xi32>
    %mul3A_829 = arith.muli %mul3A_828, %sub3A_826 : vector<16xi32>
    %add3A_830 = arith.constant 1 : i32
    %add3A_831 = vector.broadcast %add3A_830 : i32 to vector<16xi32>
    %add3A_832 = arith.addi %mul3A_829, %add3A_831 : vector<16xi32>
    %mul3A_833 = arith.constant 2 : i32
    %mul3A_834 = vector.broadcast %mul3A_833 : i32 to vector<16xi32>
    %mul3A_835 = arith.muli %mul3A_834, %get3A_820 : vector<16xi32>
    %select_n3A_836 = arith.select %ge3A_823, %add3A_832, %mul3A_835 : vector<16xi1>, vector<16xi32>
    %swap3A_837 = arith.constant 0 : i32
    %swap3A_838 = arith.index_cast %swap3A_837 : i32 to index
    %swap3A_839 = arith.constant 480 : index
    %swap3A_840 = tpu.vector_load %arg8[%swap3A_838, %swap3A_839] {strides = array<i32>} : memref<3x512xi32, #tpu.memory_space<vmem>>, vector<1x16xi32>,
    %swap3A_841 = vector.shape_cast %swap3A_840 : vector<1x16xi32> to vector<16xi32>
    %swap3A_842 = vector.shape_cast %select_n3A_836 : vector<16xi32> to vector<1x16xi32>
    tpu.vector_store %arg8[%swap3A_838, %swap3A_839], %swap3A_842 {strides = array<i32>} : memref<3x512xi32, #tpu.memory_space<vmem>>, vector<1x16xi32>,
    %get3A_843 = arith.constant 0 : i32
    %get3A_844 = arith.index_cast %get3A_843 : i32 to index
    %get3A_845 = arith.constant 496 : index
    %get3A_846 = tpu.vector_load %arg7[%get3A_844, %get3A_845] {strides = array<i32>} : memref<3x512xi32, #tpu.memory_space<vmem>>, vector<1x16xi32>,
    %get3A_847 = vector.shape_cast %get3A_846 : vector<1x16xi32> to vector<16xi32>
    %ge3A_848 = arith.constant 57344 : i32
    %ge3A_849 = vector.broadcast %ge3A_848 : i32 to vector<16xi32>
    %ge3A_850 = arith.cmpi sge, %get3A_847, %ge3A_849 : vector<16xi32>
    %sub3A_851 = arith.constant 57344 : i32
    %sub3A_852 = vector.broadcast %sub3A_851 : i32 to vector<16xi32>
    %sub3A_853 = arith.subi %get3A_847, %sub3A_852 : vector<16xi32>
    %mul3A_854 = arith.constant 2 : i32
    %mul3A_855 = vector.broadcast %mul3A_854 : i32 to vector<16xi32>
    %mul3A_856 = arith.muli %mul3A_855, %sub3A_853 : vector<16xi32>
    %add3A_857 = arith.constant 1 : i32
    %add3A_858 = vector.broadcast %add3A_857 : i32 to vector<16xi32>
    %add3A_859 = arith.addi %mul3A_856, %add3A_858 : vector<16xi32>
    %mul3A_860 = arith.constant 2 : i32
    %mul3A_861 = vector.broadcast %mul3A_860 : i32 to vector<16xi32>
    %mul3A_862 = arith.muli %mul3A_861, %get3A_847 : vector<16xi32>
    %select_n3A_863 = arith.select %ge3A_850, %add3A_859, %mul3A_862 : vector<16xi1>, vector<16xi32>
    %swap3A_864 = arith.constant 0 : i32
    %swap3A_865 = arith.index_cast %swap3A_864 : i32 to index
    %swap3A_866 = arith.constant 496 : index
    %swap3A_867 = tpu.vector_load %arg8[%swap3A_865, %swap3A_866] {strides = array<i32>} : memref<3x512xi32, #tpu.memory_space<vmem>>, vector<1x16xi32>,
    %swap3A_868 = vector.shape_cast %swap3A_867 : vector<1x16xi32> to vector<16xi32>
    %swap3A_869 = vector.shape_cast %select_n3A_863 : vector<16xi32> to vector<1x16xi32>
    tpu.vector_store %arg8[%swap3A_865, %swap3A_866], %swap3A_869 {strides = array<i32>} : memref<3x512xi32, #tpu.memory_space<vmem>>, vector<1x16xi32>,
    %get3A_870 = arith.constant 1 : i32
    %get3A_871 = arith.index_cast %get3A_870 : i32 to index
    %get3A_872 = arith.constant 0 : index
    %get3A_873 = tpu.vector_load %arg7[%get3A_871, %get3A_872] {strides = array<i32>} : memref<3x512xi32, #tpu.memory_space<vmem>>, vector<1x16xi32>,
    %get3A_874 = vector.shape_cast %get3A_873 : vector<1x16xi32> to vector<16xi32>
    %ge3A_875 = arith.constant 57344 : i32
    %ge3A_876 = vector.broadcast %ge3A_875 : i32 to vector<16xi32>
    %ge3A_877 = arith.cmpi sge, %get3A_874, %ge3A_876 : vector<16xi32>
    %sub3A_878 = arith.constant 57344 : i32
    %sub3A_879 = vector.broadcast %sub3A_878 : i32 to vector<16xi32>
    %sub3A_880 = arith.subi %get3A_874, %sub3A_879 : vector<16xi32>
    %mul3A_881 = arith.constant 2 : i32
    %mul3A_882 = vector.broadcast %mul3A_881 : i32 to vector<16xi32>
    %mul3A_883 = arith.muli %mul3A_882, %sub3A_880 : vector<16xi32>
    %add3A_884 = arith.constant 1 : i32
    %add3A_885 = vector.broadcast %add3A_884 : i32 to vector<16xi32>
    %add3A_886 = arith.addi %mul3A_883, %add3A_885 : vector<16xi32>
    %mul3A_887 = arith.constant 2 : i32
    %mul3A_888 = vector.broadcast %mul3A_887 : i32 to vector<16xi32>
    %mul3A_889 = arith.muli %mul3A_888, %get3A_874 : vector<16xi32>
    %select_n3A_890 = arith.select %ge3A_877, %add3A_886, %mul3A_889 : vector<16xi1>, vector<16xi32>
    %swap3A_891 = arith.constant 1 : i32
    %swap3A_892 = arith.index_cast %swap3A_891 : i32 to index
    %swap3A_893 = arith.constant 0 : index
    %swap3A_894 = tpu.vector_load %arg8[%swap3A_892, %swap3A_893] {strides = array<i32>} : memref<3x512xi32, #tpu.memory_space<vmem>>, vector<1x16xi32>,
    %swap3A_895 = vector.shape_cast %swap3A_894 : vector<1x16xi32> to vector<16xi32>
    %swap3A_896 = vector.shape_cast %select_n3A_890 : vector<16xi32> to vector<1x16xi32>
    tpu.vector_store %arg8[%swap3A_892, %swap3A_893], %swap3A_896 {strides = array<i32>} : memref<3x512xi32, #tpu.memory_space<vmem>>, vector<1x16xi32>,
    %get3A_897 = arith.constant 1 : i32
    %get3A_898 = arith.index_cast %get3A_897 : i32 to index
    %get3A_899 = arith.constant 16 : index
    %get3A_900 = tpu.vector_load %arg7[%get3A_898, %get3A_899] {strides = array<i32>} : memref<3x512xi32, #tpu.memory_space<vmem>>, vector<1x16xi32>,
    %get3A_901 = vector.shape_cast %get3A_900 : vector<1x16xi32> to vector<16xi32>
    %ge3A_902 = arith.constant 57344 : i32
    %ge3A_903 = vector.broadcast %ge3A_902 : i32 to vector<16xi32>
    %ge3A_904 = arith.cmpi sge, %get3A_901, %ge3A_903 : vector<16xi32>
    %sub3A_905 = arith.constant 57344 : i32
    %sub3A_906 = vector.broadcast %sub3A_905 : i32 to vector<16xi32>
    %sub3A_907 = arith.subi %get3A_901, %sub3A_906 : vector<16xi32>
    %mul3A_908 = arith.constant 2 : i32
    %mul3A_909 = vector.broadcast %mul3A_908 : i32 to vector<16xi32>
    %mul3A_910 = arith.muli %mul3A_909, %sub3A_907 : vector<16xi32>
    %add3A_911 = arith.constant 1 : i32
    %add3A_912 = vector.broadcast %add3A_911 : i32 to vector<16xi32>
    %add3A_913 = arith.addi %mul3A_910, %add3A_912 : vector<16xi32>
    %mul3A_914 = arith.constant 2 : i32
    %mul3A_915 = vector.broadcast %mul3A_914 : i32 to vector<16xi32>
    %mul3A_916 = arith.muli %mul3A_915, %get3A_901 : vector<16xi32>
    %select_n3A_917 = arith.select %ge3A_904, %add3A_913, %mul3A_916 : vector<16xi1>, vector<16xi32>
    %swap3A_918 = arith.constant 1 : i32
    %swap3A_919 = arith.index_cast %swap3A_918 : i32 to index
    %swap3A_920 = arith.constant 16 : index
    %swap3A_921 = tpu.vector_load %arg8[%swap3A_919, %swap3A_920] {strides = array<i32>} : memref<3x512xi32, #tpu.memory_space<vmem>>, vector<1x16xi32>,
    %swap3A_922 = vector.shape_cast %swap3A_921 : vector<1x16xi32> to vector<16xi32>
    %swap3A_923 = vector.shape_cast %select_n3A_917 : vector<16xi32> to vector<1x16xi32>
    tpu.vector_store %arg8[%swap3A_919, %swap3A_920], %swap3A_923 {strides = array<i32>} : memref<3x512xi32, #tpu.memory_space<vmem>>, vector<1x16xi32>,
    %get3A_924 = arith.constant 1 : i32
    %get3A_925 = arith.index_cast %get3A_924 : i32 to index
    %get3A_926 = arith.constant 32 : index
    %get3A_927 = tpu.vector_load %arg7[%get3A_925, %get3A_926] {strides = array<i32>} : memref<3x512xi32, #tpu.memory_space<vmem>>, vector<1x16xi32>,
    %get3A_928 = vector.shape_cast %get3A_927 : vector<1x16xi32> to vector<16xi32>
    %ge3A_929 = arith.constant 57344 : i32
    %ge3A_930 = vector.broadcast %ge3A_929 : i32 to vector<16xi32>
    %ge3A_931 = arith.cmpi sge, %get3A_928, %ge3A_930 : vector<16xi32>
    %sub3A_932 = arith.constant 57344 : i32
    %sub3A_933 = vector.broadcast %sub3A_932 : i32 to vector<16xi32>
    %sub3A_934 = arith.subi %get3A_928, %sub3A_933 : vector<16xi32>
    %mul3A_935 = arith.constant 2 : i32
    %mul3A_936 = vector.broadcast %mul3A_935 : i32 to vector<16xi32>
    %mul3A_937 = arith.muli %mul3A_936, %sub3A_934 : vector<16xi32>
    %add3A_938 = arith.constant 1 : i32
    %add3A_939 = vector.broadcast %add3A_938 : i32 to vector<16xi32>
    %add3A_940 = arith.addi %mul3A_937, %add3A_939 : vector<16xi32>
    %mul3A_941 = arith.constant 2 : i32
    %mul3A_942 = vector.broadcast %mul3A_941 : i32 to vector<16xi32>
    %mul3A_943 = arith.muli %mul3A_942, %get3A_928 : vector<16xi32>
    %select_n3A_944 = arith.select %ge3A_931, %add3A_940, %mul3A_943 : vector<16xi1>, vector<16xi32>
    %swap3A_945 = arith.constant 1 : i32
    %swap3A_946 = arith.index_cast %swap3A_945 : i32 to index
    %swap3A_947 = arith.constant 32 : index
    %swap3A_948 = tpu.vector_load %arg8[%swap3A_946, %swap3A_947] {strides = array<i32>} : memref<3x512xi32, #tpu.memory_space<vmem>>, vector<1x16xi32>,
    %swap3A_949 = vector.shape_cast %swap3A_948 : vector<1x16xi32> to vector<16xi32>
    %swap3A_950 = vector.shape_cast %select_n3A_944 : vector<16xi32> to vector<1x16xi32>
    tpu.vector_store %arg8[%swap3A_946, %swap3A_947], %swap3A_950 {strides = array<i32>} : memref<3x512xi32, #tpu.memory_space<vmem>>, vector<1x16xi32>,
    %get3A_951 = arith.constant 1 : i32
    %get3A_952 = arith.index_cast %get3A_951 : i32 to index
    %get3A_953 = arith.constant 48 : index
    %get3A_954 = tpu.vector_load %arg7[%get3A_952, %get3A_953] {strides = array<i32>} : memref<3x512xi32, #tpu.memory_space<vmem>>, vector<1x16xi32>,
    %get3A_955 = vector.shape_cast %get3A_954 : vector<1x16xi32> to vector<16xi32>
    %ge3A_956 = arith.constant 57344 : i32
    %ge3A_957 = vector.broadcast %ge3A_956 : i32 to vector<16xi32>
    %ge3A_958 = arith.cmpi sge, %get3A_955, %ge3A_957 : vector<16xi32>
    %sub3A_959 = arith.constant 57344 : i32
    %sub3A_960 = vector.broadcast %sub3A_959 : i32 to vector<16xi32>
    %sub3A_961 = arith.subi %get3A_955, %sub3A_960 : vector<16xi32>
    %mul3A_962 = arith.constant 2 : i32
    %mul3A_963 = vector.broadcast %mul3A_962 : i32 to vector<16xi32>
    %mul3A_964 = arith.muli %mul3A_963, %sub3A_961 : vector<16xi32>
    %add3A_965 = arith.constant 1 : i32
    %add3A_966 = vector.broadcast %add3A_965 : i32 to vector<16xi32>
    %add3A_967 = arith.addi %mul3A_964, %add3A_966 : vector<16xi32>
    %mul3A_968 = arith.constant 2 : i32
    %mul3A_969 = vector.broadcast %mul3A_968 : i32 to vector<16xi32>
    %mul3A_970 = arith.muli %mul3A_969, %get3A_955 : vector<16xi32>
    %select_n3A_971 = arith.select %ge3A_958, %add3A_967, %mul3A_970 : vector<16xi1>, vector<16xi32>
    %swap3A_972 = arith.constant 1 : i32
    %swap3A_973 = arith.index_cast %swap3A_972 : i32 to index
    %swap3A_974 = arith.constant 48 : index
    %swap3A_975 = tpu.vector_load %arg8[%swap3A_973, %swap3A_974] {strides = array<i32>} : memref<3x512xi32, #tpu.memory_space<vmem>>, vector<1x16xi32>,
    %swap3A_976 = vector.shape_cast %swap3A_975 : vector<1x16xi32> to vector<16xi32>
    %swap3A_977 = vector.shape_cast %select_n3A_971 : vector<16xi32> to vector<1x16xi32>
    tpu.vector_store %arg8[%swap3A_973, %swap3A_974], %swap3A_977 {strides = array<i32>} : memref<3x512xi32, #tpu.memory_space<vmem>>, vector<1x16xi32>,
    %get3A_978 = arith.constant 1 : i32
    %get3A_979 = arith.index_cast %get3A_978 : i32 to index
    %get3A_980 = arith.constant 64 : index
    %get3A_981 = tpu.vector_load %arg7[%get3A_979, %get3A_980] {strides = array<i32>} : memref<3x512xi32, #tpu.memory_space<vmem>>, vector<1x16xi32>,
    %get3A_982 = vector.shape_cast %get3A_981 : vector<1x16xi32> to vector<16xi32>
    %ge3A_983 = arith.constant 57344 : i32
    %ge3A_984 = vector.broadcast %ge3A_983 : i32 to vector<16xi32>
    %ge3A_985 = arith.cmpi sge, %get3A_982, %ge3A_984 : vector<16xi32>
    %sub3A_986 = arith.constant 57344 : i32
    %sub3A_987 = vector.broadcast %sub3A_986 : i32 to vector<16xi32>
    %sub3A_988 = arith.subi %get3A_982, %sub3A_987 : vector<16xi32>
    %mul3A_989 = arith.constant 2 : i32
    %mul3A_990 = vector.broadcast %mul3A_989 : i32 to vector<16xi32>
    %mul3A_991 = arith.muli %mul3A_990, %sub3A_988 : vector<16xi32>
    %add3A_992 = arith.constant 1 : i32
    %add3A_993 = vector.broadcast %add3A_992 : i32 to vector<16xi32>
    %add3A_994 = arith.addi %mul3A_991, %add3A_993 : vector<16xi32>
    %mul3A_995 = arith.constant 2 : i32
    %mul3A_996 = vector.broadcast %mul3A_995 : i32 to vector<16xi32>
    %mul3A_997 = arith.muli %mul3A_996, %get3A_982 : vector<16xi32>
    %select_n3A_998 = arith.select %ge3A_985, %add3A_994, %mul3A_997 : vector<16xi1>, vector<16xi32>
    %swap3A_999 = arith.constant 1 : i32
    %swap3A_1000 = arith.index_cast %swap3A_999 : i32 to index
    %swap3A_1001 = arith.constant 64 : index
    %swap3A_1002 = tpu.vector_load %arg8[%swap3A_1000, %swap3A_1001] {strides = array<i32>} : memref<3x512xi32, #tpu.memory_space<vmem>>, vector<1x16xi32>,
    %swap3A_1003 = vector.shape_cast %swap3A_1002 : vector<1x16xi32> to vector<16xi32>
    %swap3A_1004 = vector.shape_cast %select_n3A_998 : vector<16xi32> to vector<1x16xi32>
    tpu.vector_store %arg8[%swap3A_1000, %swap3A_1001], %swap3A_1004 {strides = array<i32>} : memref<3x512xi32, #tpu.memory_space<vmem>>, vector<1x16xi32>,
    %get3A_1005 = arith.constant 1 : i32
    %get3A_1006 = arith.index_cast %get3A_1005 : i32 to index
    %get3A_1007 = arith.constant 80 : index
    %get3A_1008 = tpu.vector_load %arg7[%get3A_1006, %get3A_1007] {strides = array<i32>} : memref<3x512xi32, #tpu.memory_space<vmem>>, vector<1x16xi32>,
    %get3A_1009 = vector.shape_cast %get3A_1008 : vector<1x16xi32> to vector<16xi32>
    %ge3A_1010 = arith.constant 57344 : i32
    %ge3A_1011 = vector.broadcast %ge3A_1010 : i32 to vector<16xi32>
    %ge3A_1012 = arith.cmpi sge, %get3A_1009, %ge3A_1011 : vector<16xi32>
    %sub3A_1013 = arith.constant 57344 : i32
    %sub3A_1014 = vector.broadcast %sub3A_1013 : i32 to vector<16xi32>
    %sub3A_1015 = arith.subi %get3A_1009, %sub3A_1014 : vector<16xi32>
    %mul3A_1016 = arith.constant 2 : i32
    %mul3A_1017 = vector.broadcast %mul3A_1016 : i32 to vector<16xi32>
    %mul3A_1018 = arith.muli %mul3A_1017, %sub3A_1015 : vector<16xi32>
    %add3A_1019 = arith.constant 1 : i32
    %add3A_1020 = vector.broadcast %add3A_1019 : i32 to vector<16xi32>
    %add3A_1021 = arith.addi %mul3A_1018, %add3A_1020 : vector<16xi32>
    %mul3A_1022 = arith.constant 2 : i32
    %mul3A_1023 = vector.broadcast %mul3A_1022 : i32 to vector<16xi32>
    %mul3A_1024 = arith.muli %mul3A_1023, %get3A_1009 : vector<16xi32>
    %select_n3A_1025 = arith.select %ge3A_1012, %add3A_1021, %mul3A_1024 : vector<16xi1>, vector<16xi32>
    %swap3A_1026 = arith.constant 1 : i32
    %swap3A_1027 = arith.index_cast %swap3A_1026 : i32 to index
    %swap3A_1028 = arith.constant 80 : index
    %swap3A_1029 = tpu.vector_load %arg8[%swap3A_1027, %swap3A_1028] {strides = array<i32>} : memref<3x512xi32, #tpu.memory_space<vmem>>, vector<1x16xi32>,
    %swap3A_1030 = vector.shape_cast %swap3A_1029 : vector<1x16xi32> to vector<16xi32>
    %swap3A_1031 = vector.shape_cast %select_n3A_1025 : vector<16xi32> to vector<1x16xi32>
    tpu.vector_store %arg8[%swap3A_1027, %swap3A_1028], %swap3A_1031 {strides = array<i32>} : memref<3x512xi32, #tpu.memory_space<vmem>>, vector<1x16xi32>,
    %get3A_1032 = arith.constant 1 : i32
    %get3A_1033 = arith.index_cast %get3A_1032 : i32 to index
    %get3A_1034 = arith.constant 96 : index
    %get3A_1035 = tpu.vector_load %arg7[%get3A_1033, %get3A_1034] {strides = array<i32>} : memref<3x512xi32, #tpu.memory_space<vmem>>, vector<1x16xi32>,
    %get3A_1036 = vector.shape_cast %get3A_1035 : vector<1x16xi32> to vector<16xi32>
    %ge3A_1037 = arith.constant 57344 : i32
    %ge3A_1038 = vector.broadcast %ge3A_1037 : i32 to vector<16xi32>
    %ge3A_1039 = arith.cmpi sge, %get3A_1036, %ge3A_1038 : vector<16xi32>
    %sub3A_1040 = arith.constant 57344 : i32
    %sub3A_1041 = vector.broadcast %sub3A_1040 : i32 to vector<16xi32>
    %sub3A_1042 = arith.subi %get3A_1036, %sub3A_1041 : vector<16xi32>
    %mul3A_1043 = arith.constant 2 : i32
    %mul3A_1044 = vector.broadcast %mul3A_1043 : i32 to vector<16xi32>
    %mul3A_1045 = arith.muli %mul3A_1044, %sub3A_1042 : vector<16xi32>
    %add3A_1046 = arith.constant 1 : i32
    %add3A_1047 = vector.broadcast %add3A_1046 : i32 to vector<16xi32>
    %add3A_1048 = arith.addi %mul3A_1045, %add3A_1047 : vector<16xi32>
    %mul3A_1049 = arith.constant 2 : i32
    %mul3A_1050 = vector.broadcast %mul3A_1049 : i32 to vector<16xi32>
    %mul3A_1051 = arith.muli %mul3A_1050, %get3A_1036 : vector<16xi32>
    %select_n3A_1052 = arith.select %ge3A_1039, %add3A_1048, %mul3A_1051 : vector<16xi1>, vector<16xi32>
    %swap3A_1053 = arith.constant 1 : i32
    %swap3A_1054 = arith.index_cast %swap3A_1053 : i32 to index
    %swap3A_1055 = arith.constant 96 : index
    %swap3A_1056 = tpu.vector_load %arg8[%swap3A_1054, %swap3A_1055] {strides = array<i32>} : memref<3x512xi32, #tpu.memory_space<vmem>>, vector<1x16xi32>,
    %swap3A_1057 = vector.shape_cast %swap3A_1056 : vector<1x16xi32> to vector<16xi32>
    %swap3A_1058 = vector.shape_cast %select_n3A_1052 : vector<16xi32> to vector<1x16xi32>
    tpu.vector_store %arg8[%swap3A_1054, %swap3A_1055], %swap3A_1058 {strides = array<i32>} : memref<3x512xi32, #tpu.memory_space<vmem>>, vector<1x16xi32>,
    %get3A_1059 = arith.constant 1 : i32
    %get3A_1060 = arith.index_cast %get3A_1059 : i32 to index
    %get3A_1061 = arith.constant 112 : index
    %get3A_1062 = tpu.vector_load %arg7[%get3A_1060, %get3A_1061] {strides = array<i32>} : memref<3x512xi32, #tpu.memory_space<vmem>>, vector<1x16xi32>,
    %get3A_1063 = vector.shape_cast %get3A_1062 : vector<1x16xi32> to vector<16xi32>
    %ge3A_1064 = arith.constant 57344 : i32
    %ge3A_1065 = vector.broadcast %ge3A_1064 : i32 to vector<16xi32>
    %ge3A_1066 = arith.cmpi sge, %get3A_1063, %ge3A_1065 : vector<16xi32>
    %sub3A_1067 = arith.constant 57344 : i32
    %sub3A_1068 = vector.broadcast %sub3A_1067 : i32 to vector<16xi32>
    %sub3A_1069 = arith.subi %get3A_1063, %sub3A_1068 : vector<16xi32>
    %mul3A_1070 = arith.constant 2 : i32
    %mul3A_1071 = vector.broadcast %mul3A_1070 : i32 to vector<16xi32>
    %mul3A_1072 = arith.muli %mul3A_1071, %sub3A_1069 : vector<16xi32>
    %add3A_1073 = arith.constant 1 : i32
    %add3A_1074 = vector.broadcast %add3A_1073 : i32 to vector<16xi32>
    %add3A_1075 = arith.addi %mul3A_1072, %add3A_1074 : vector<16xi32>
    %mul3A_1076 = arith.constant 2 : i32
    %mul3A_1077 = vector.broadcast %mul3A_1076 : i32 to vector<16xi32>
    %mul3A_1078 = arith.muli %mul3A_1077, %get3A_1063 : vector<16xi32>
    %select_n3A_1079 = arith.select %ge3A_1066, %add3A_1075, %mul3A_1078 : vector<16xi1>, vector<16xi32>
    %swap3A_1080 = arith.constant 1 : i32
    %swap3A_1081 = arith.index_cast %swap3A_1080 : i32 to index
    %swap3A_1082 = arith.constant 112 : index
    %swap3A_1083 = tpu.vector_load %arg8[%swap3A_1081, %swap3A_1082] {strides = array<i32>} : memref<3x512xi32, #tpu.memory_space<vmem>>, vector<1x16xi32>,
    %swap3A_1084 = vector.shape_cast %swap3A_1083 : vector<1x16xi32> to vector<16xi32>
    %swap3A_1085 = vector.shape_cast %select_n3A_1079 : vector<16xi32> to vector<1x16xi32>
    tpu.vector_store %arg8[%swap3A_1081, %swap3A_1082], %swap3A_1085 {strides = array<i32>} : memref<3x512xi32, #tpu.memory_space<vmem>>, vector<1x16xi32>,
    %get3A_1086 = arith.constant 1 : i32
    %get3A_1087 = arith.index_cast %get3A_1086 : i32 to index
    %get3A_1088 = arith.constant 128 : index
    %get3A_1089 = tpu.vector_load %arg7[%get3A_1087, %get3A_1088] {strides = array<i32>} : memref<3x512xi32, #tpu.memory_space<vmem>>, vector<1x16xi32>,
    %get3A_1090 = vector.shape_cast %get3A_1089 : vector<1x16xi32> to vector<16xi32>
    %ge3A_1091 = arith.constant 57344 : i32
    %ge3A_1092 = vector.broadcast %ge3A_1091 : i32 to vector<16xi32>
    %ge3A_1093 = arith.cmpi sge, %get3A_1090, %ge3A_1092 : vector<16xi32>
    %sub3A_1094 = arith.constant 57344 : i32
    %sub3A_1095 = vector.broadcast %sub3A_1094 : i32 to vector<16xi32>
    %sub3A_1096 = arith.subi %get3A_1090, %sub3A_1095 : vector<16xi32>
    %mul3A_1097 = arith.constant 2 : i32
    %mul3A_1098 = vector.broadcast %mul3A_1097 : i32 to vector<16xi32>
    %mul3A_1099 = arith.muli %mul3A_1098, %sub3A_1096 : vector<16xi32>
    %add3A_1100 = arith.constant 1 : i32
    %add3A_1101 = vector.broadcast %add3A_1100 : i32 to vector<16xi32>
    %add3A_1102 = arith.addi %mul3A_1099, %add3A_1101 : vector<16xi32>
    %mul3A_1103 = arith.constant 2 : i32
    %mul3A_1104 = vector.broadcast %mul3A_1103 : i32 to vector<16xi32>
    %mul3A_1105 = arith.muli %mul3A_1104, %get3A_1090 : vector<16xi32>
    %select_n3A_1106 = arith.select %ge3A_1093, %add3A_1102, %mul3A_1105 : vector<16xi1>, vector<16xi32>
    %swap3A_1107 = arith.constant 1 : i32
    %swap3A_1108 = arith.index_cast %swap3A_1107 : i32 to index
    %swap3A_1109 = arith.constant 128 : index
    %swap3A_1110 = tpu.vector_load %arg8[%swap3A_1108, %swap3A_1109] {strides = array<i32>} : memref<3x512xi32, #tpu.memory_space<vmem>>, vector<1x16xi32>,
    %swap3A_1111 = vector.shape_cast %swap3A_1110 : vector<1x16xi32> to vector<16xi32>
    %swap3A_1112 = vector.shape_cast %select_n3A_1106 : vector<16xi32> to vector<1x16xi32>
    tpu.vector_store %arg8[%swap3A_1108, %swap3A_1109], %swap3A_1112 {strides = array<i32>} : memref<3x512xi32, #tpu.memory_space<vmem>>, vector<1x16xi32>,
    %get3A_1113 = arith.constant 1 : i32
    %get3A_1114 = arith.index_cast %get3A_1113 : i32 to index
    %get3A_1115 = arith.constant 144 : index
    %get3A_1116 = tpu.vector_load %arg7[%get3A_1114, %get3A_1115] {strides = array<i32>} : memref<3x512xi32, #tpu.memory_space<vmem>>, vector<1x16xi32>,
    %get3A_1117 = vector.shape_cast %get3A_1116 : vector<1x16xi32> to vector<16xi32>
    %ge3A_1118 = arith.constant 57344 : i32
    %ge3A_1119 = vector.broadcast %ge3A_1118 : i32 to vector<16xi32>
    %ge3A_1120 = arith.cmpi sge, %get3A_1117, %ge3A_1119 : vector<16xi32>
    %sub3A_1121 = arith.constant 57344 : i32
    %sub3A_1122 = vector.broadcast %sub3A_1121 : i32 to vector<16xi32>
    %sub3A_1123 = arith.subi %get3A_1117, %sub3A_1122 : vector<16xi32>
    %mul3A_1124 = arith.constant 2 : i32
    %mul3A_1125 = vector.broadcast %mul3A_1124 : i32 to vector<16xi32>
    %mul3A_1126 = arith.muli %mul3A_1125, %sub3A_1123 : vector<16xi32>
    %add3A_1127 = arith.constant 1 : i32
    %add3A_1128 = vector.broadcast %add3A_1127 : i32 to vector<16xi32>
    %add3A_1129 = arith.addi %mul3A_1126, %add3A_1128 : vector<16xi32>
    %mul3A_1130 = arith.constant 2 : i32
    %mul3A_1131 = vector.broadcast %mul3A_1130 : i32 to vector<16xi32>
    %mul3A_1132 = arith.muli %mul3A_1131, %get3A_1117 : vector<16xi32>
    %select_n3A_1133 = arith.select %ge3A_1120, %add3A_1129, %mul3A_1132 : vector<16xi1>, vector<16xi32>
    %swap3A_1134 = arith.constant 1 : i32
    %swap3A_1135 = arith.index_cast %swap3A_1134 : i32 to index
    %swap3A_1136 = arith.constant 144 : index
    %swap3A_1137 = tpu.vector_load %arg8[%swap3A_1135, %swap3A_1136] {strides = array<i32>} : memref<3x512xi32, #tpu.memory_space<vmem>>, vector<1x16xi32>,
    %swap3A_1138 = vector.shape_cast %swap3A_1137 : vector<1x16xi32> to vector<16xi32>
    %swap3A_1139 = vector.shape_cast %select_n3A_1133 : vector<16xi32> to vector<1x16xi32>
    tpu.vector_store %arg8[%swap3A_1135, %swap3A_1136], %swap3A_1139 {strides = array<i32>} : memref<3x512xi32, #tpu.memory_space<vmem>>, vector<1x16xi32>,
    %get3A_1140 = arith.constant 1 : i32
    %get3A_1141 = arith.index_cast %get3A_1140 : i32 to index
    %get3A_1142 = arith.constant 160 : index
    %get3A_1143 = tpu.vector_load %arg7[%get3A_1141, %get3A_1142] {strides = array<i32>} : memref<3x512xi32, #tpu.memory_space<vmem>>, vector<1x16xi32>,
    %get3A_1144 = vector.shape_cast %get3A_1143 : vector<1x16xi32> to vector<16xi32>
    %ge3A_1145 = arith.constant 57344 : i32
    %ge3A_1146 = vector.broadcast %ge3A_1145 : i32 to vector<16xi32>
    %ge3A_1147 = arith.cmpi sge, %get3A_1144, %ge3A_1146 : vector<16xi32>
    %sub3A_1148 = arith.constant 57344 : i32
    %sub3A_1149 = vector.broadcast %sub3A_1148 : i32 to vector<16xi32>
    %sub3A_1150 = arith.subi %get3A_1144, %sub3A_1149 : vector<16xi32>
    %mul3A_1151 = arith.constant 2 : i32
    %mul3A_1152 = vector.broadcast %mul3A_1151 : i32 to vector<16xi32>
    %mul3A_1153 = arith.muli %mul3A_1152, %sub3A_1150 : vector<16xi32>
    %add3A_1154 = arith.constant 1 : i32
    %add3A_1155 = vector.broadcast %add3A_1154 : i32 to vector<16xi32>
    %add3A_1156 = arith.addi %mul3A_1153, %add3A_1155 : vector<16xi32>
    %mul3A_1157 = arith.constant 2 : i32
    %mul3A_1158 = vector.broadcast %mul3A_1157 : i32 to vector<16xi32>
    %mul3A_1159 = arith.muli %mul3A_1158, %get3A_1144 : vector<16xi32>
    %select_n3A_1160 = arith.select %ge3A_1147, %add3A_1156, %mul3A_1159 : vector<16xi1>, vector<16xi32>
    %swap3A_1161 = arith.constant 1 : i32
    %swap3A_1162 = arith.index_cast %swap3A_1161 : i32 to index
    %swap3A_1163 = arith.constant 160 : index
    %swap3A_1164 = tpu.vector_load %arg8[%swap3A_1162, %swap3A_1163] {strides = array<i32>} : memref<3x512xi32, #tpu.memory_space<vmem>>, vector<1x16xi32>,
    %swap3A_1165 = vector.shape_cast %swap3A_1164 : vector<1x16xi32> to vector<16xi32>
    %swap3A_1166 = vector.shape_cast %select_n3A_1160 : vector<16xi32> to vector<1x16xi32>
    tpu.vector_store %arg8[%swap3A_1162, %swap3A_1163], %swap3A_1166 {strides = array<i32>} : memref<3x512xi32, #tpu.memory_space<vmem>>, vector<1x16xi32>,
    %get3A_1167 = arith.constant 1 : i32
    %get3A_1168 = arith.index_cast %get3A_1167 : i32 to index
    %get3A_1169 = arith.constant 176 : index
    %get3A_1170 = tpu.vector_load %arg7[%get3A_1168, %get3A_1169] {strides = array<i32>} : memref<3x512xi32, #tpu.memory_space<vmem>>, vector<1x16xi32>,
    %get3A_1171 = vector.shape_cast %get3A_1170 : vector<1x16xi32> to vector<16xi32>
    %ge3A_1172 = arith.constant 57344 : i32
    %ge3A_1173 = vector.broadcast %ge3A_1172 : i32 to vector<16xi32>
    %ge3A_1174 = arith.cmpi sge, %get3A_1171, %ge3A_1173 : vector<16xi32>
    %sub3A_1175 = arith.constant 57344 : i32
    %sub3A_1176 = vector.broadcast %sub3A_1175 : i32 to vector<16xi32>
    %sub3A_1177 = arith.subi %get3A_1171, %sub3A_1176 : vector<16xi32>
    %mul3A_1178 = arith.constant 2 : i32
    %mul3A_1179 = vector.broadcast %mul3A_1178 : i32 to vector<16xi32>
    %mul3A_1180 = arith.muli %mul3A_1179, %sub3A_1177 : vector<16xi32>
    %add3A_1181 = arith.constant 1 : i32
    %add3A_1182 = vector.broadcast %add3A_1181 : i32 to vector<16xi32>
    %add3A_1183 = arith.addi %mul3A_1180, %add3A_1182 : vector<16xi32>
    %mul3A_1184 = arith.constant 2 : i32
    %mul3A_1185 = vector.broadcast %mul3A_1184 : i32 to vector<16xi32>
    %mul3A_1186 = arith.muli %mul3A_1185, %get3A_1171 : vector<16xi32>
    %select_n3A_1187 = arith.select %ge3A_1174, %add3A_1183, %mul3A_1186 : vector<16xi1>, vector<16xi32>
    %swap3A_1188 = arith.constant 1 : i32
    %swap3A_1189 = arith.index_cast %swap3A_1188 : i32 to index
    %swap3A_1190 = arith.constant 176 : index
    %swap3A_1191 = tpu.vector_load %arg8[%swap3A_1189, %swap3A_1190] {strides = array<i32>} : memref<3x512xi32, #tpu.memory_space<vmem>>, vector<1x16xi32>,
    %swap3A_1192 = vector.shape_cast %swap3A_1191 : vector<1x16xi32> to vector<16xi32>
    %swap3A_1193 = vector.shape_cast %select_n3A_1187 : vector<16xi32> to vector<1x16xi32>
    tpu.vector_store %arg8[%swap3A_1189, %swap3A_1190], %swap3A_1193 {strides = array<i32>} : memref<3x512xi32, #tpu.memory_space<vmem>>, vector<1x16xi32>,
    %get3A_1194 = arith.constant 1 : i32
    %get3A_1195 = arith.index_cast %get3A_1194 : i32 to index
    %get3A_1196 = arith.constant 192 : index
    %get3A_1197 = tpu.vector_load %arg7[%get3A_1195, %get3A_1196] {strides = array<i32>} : memref<3x512xi32, #tpu.memory_space<vmem>>, vector<1x16xi32>,
    %get3A_1198 = vector.shape_cast %get3A_1197 : vector<1x16xi32> to vector<16xi32>
    %ge3A_1199 = arith.constant 57344 : i32
    %ge3A_1200 = vector.broadcast %ge3A_1199 : i32 to vector<16xi32>
    %ge3A_1201 = arith.cmpi sge, %get3A_1198, %ge3A_1200 : vector<16xi32>
    %sub3A_1202 = arith.constant 57344 : i32
    %sub3A_1203 = vector.broadcast %sub3A_1202 : i32 to vector<16xi32>
    %sub3A_1204 = arith.subi %get3A_1198, %sub3A_1203 : vector<16xi32>
    %mul3A_1205 = arith.constant 2 : i32
    %mul3A_1206 = vector.broadcast %mul3A_1205 : i32 to vector<16xi32>
    %mul3A_1207 = arith.muli %mul3A_1206, %sub3A_1204 : vector<16xi32>
    %add3A_1208 = arith.constant 1 : i32
    %add3A_1209 = vector.broadcast %add3A_1208 : i32 to vector<16xi32>
    %add3A_1210 = arith.addi %mul3A_1207, %add3A_1209 : vector<16xi32>
    %mul3A_1211 = arith.constant 2 : i32
    %mul3A_1212 = vector.broadcast %mul3A_1211 : i32 to vector<16xi32>
    %mul3A_1213 = arith.muli %mul3A_1212, %get3A_1198 : vector<16xi32>
    %select_n3A_1214 = arith.select %ge3A_1201, %add3A_1210, %mul3A_1213 : vector<16xi1>, vector<16xi32>
    %swap3A_1215 = arith.constant 1 : i32
    %swap3A_1216 = arith.index_cast %swap3A_1215 : i32 to index
    %swap3A_1217 = arith.constant 192 : index
    %swap3A_1218 = tpu.vector_load %arg8[%swap3A_1216, %swap3A_1217] {strides = array<i32>} : memref<3x512xi32, #tpu.memory_space<vmem>>, vector<1x16xi32>,
    %swap3A_1219 = vector.shape_cast %swap3A_1218 : vector<1x16xi32> to vector<16xi32>
    %swap3A_1220 = vector.shape_cast %select_n3A_1214 : vector<16xi32> to vector<1x16xi32>
    tpu.vector_store %arg8[%swap3A_1216, %swap3A_1217], %swap3A_1220 {strides = array<i32>} : memref<3x512xi32, #tpu.memory_space<vmem>>, vector<1x16xi32>,
    %get3A_1221 = arith.constant 1 : i32
    %get3A_1222 = arith.index_cast %get3A_1221 : i32 to index
    %get3A_1223 = arith.constant 208 : index
    %get3A_1224 = tpu.vector_load %arg7[%get3A_1222, %get3A_1223] {strides = array<i32>} : memref<3x512xi32, #tpu.memory_space<vmem>>, vector<1x16xi32>,
    %get3A_1225 = vector.shape_cast %get3A_1224 : vector<1x16xi32> to vector<16xi32>
    %ge3A_1226 = arith.constant 57344 : i32
    %ge3A_1227 = vector.broadcast %ge3A_1226 : i32 to vector<16xi32>
    %ge3A_1228 = arith.cmpi sge, %get3A_1225, %ge3A_1227 : vector<16xi32>
    %sub3A_1229 = arith.constant 57344 : i32
    %sub3A_1230 = vector.broadcast %sub3A_1229 : i32 to vector<16xi32>
    %sub3A_1231 = arith.subi %get3A_1225, %sub3A_1230 : vector<16xi32>
    %mul3A_1232 = arith.constant 2 : i32
    %mul3A_1233 = vector.broadcast %mul3A_1232 : i32 to vector<16xi32>
    %mul3A_1234 = arith.muli %mul3A_1233, %sub3A_1231 : vector<16xi32>
    %add3A_1235 = arith.constant 1 : i32
    %add3A_1236 = vector.broadcast %add3A_1235 : i32 to vector<16xi32>
    %add3A_1237 = arith.addi %mul3A_1234, %add3A_1236 : vector<16xi32>
    %mul3A_1238 = arith.constant 2 : i32
    %mul3A_1239 = vector.broadcast %mul3A_1238 : i32 to vector<16xi32>
    %mul3A_1240 = arith.muli %mul3A_1239, %get3A_1225 : vector<16xi32>
    %select_n3A_1241 = arith.select %ge3A_1228, %add3A_1237, %mul3A_1240 : vector<16xi1>, vector<16xi32>
    %swap3A_1242 = arith.constant 1 : i32
    %swap3A_1243 = arith.index_cast %swap3A_1242 : i32 to index
    %swap3A_1244 = arith.constant 208 : index
    %swap3A_1245 = tpu.vector_load %arg8[%swap3A_1243, %swap3A_1244] {strides = array<i32>} : memref<3x512xi32, #tpu.memory_space<vmem>>, vector<1x16xi32>,
    %swap3A_1246 = vector.shape_cast %swap3A_1245 : vector<1x16xi32> to vector<16xi32>
    %swap3A_1247 = vector.shape_cast %select_n3A_1241 : vector<16xi32> to vector<1x16xi32>
    tpu.vector_store %arg8[%swap3A_1243, %swap3A_1244], %swap3A_1247 {strides = array<i32>} : memref<3x512xi32, #tpu.memory_space<vmem>>, vector<1x16xi32>,
    %get3A_1248 = arith.constant 1 : i32
    %get3A_1249 = arith.index_cast %get3A_1248 : i32 to index
    %get3A_1250 = arith.constant 224 : index
    %get3A_1251 = tpu.vector_load %arg7[%get3A_1249, %get3A_1250] {strides = array<i32>} : memref<3x512xi32, #tpu.memory_space<vmem>>, vector<1x16xi32>,
    %get3A_1252 = vector.shape_cast %get3A_1251 : vector<1x16xi32> to vector<16xi32>
    %ge3A_1253 = arith.constant 57344 : i32
    %ge3A_1254 = vector.broadcast %ge3A_1253 : i32 to vector<16xi32>
    %ge3A_1255 = arith.cmpi sge, %get3A_1252, %ge3A_1254 : vector<16xi32>
    %sub3A_1256 = arith.constant 57344 : i32
    %sub3A_1257 = vector.broadcast %sub3A_1256 : i32 to vector<16xi32>
    %sub3A_1258 = arith.subi %get3A_1252, %sub3A_1257 : vector<16xi32>
    %mul3A_1259 = arith.constant 2 : i32
    %mul3A_1260 = vector.broadcast %mul3A_1259 : i32 to vector<16xi32>
    %mul3A_1261 = arith.muli %mul3A_1260, %sub3A_1258 : vector<16xi32>
    %add3A_1262 = arith.constant 1 : i32
    %add3A_1263 = vector.broadcast %add3A_1262 : i32 to vector<16xi32>
    %add3A_1264 = arith.addi %mul3A_1261, %add3A_1263 : vector<16xi32>
    %mul3A_1265 = arith.constant 2 : i32
    %mul3A_1266 = vector.broadcast %mul3A_1265 : i32 to vector<16xi32>
    %mul3A_1267 = arith.muli %mul3A_1266, %get3A_1252 : vector<16xi32>
    %select_n3A_1268 = arith.select %ge3A_1255, %add3A_1264, %mul3A_1267 : vector<16xi1>, vector<16xi32>
    %swap3A_1269 = arith.constant 1 : i32
    %swap3A_1270 = arith.index_cast %swap3A_1269 : i32 to index
    %swap3A_1271 = arith.constant 224 : index
    %swap3A_1272 = tpu.vector_load %arg8[%swap3A_1270, %swap3A_1271] {strides = array<i32>} : memref<3x512xi32, #tpu.memory_space<vmem>>, vector<1x16xi32>,
    %swap3A_1273 = vector.shape_cast %swap3A_1272 : vector<1x16xi32> to vector<16xi32>
    %swap3A_1274 = vector.shape_cast %select_n3A_1268 : vector<16xi32> to vector<1x16xi32>
    tpu.vector_store %arg8[%swap3A_1270, %swap3A_1271], %swap3A_1274 {strides = array<i32>} : memref<3x512xi32, #tpu.memory_space<vmem>>, vector<1x16xi32>,
    %get3A_1275 = arith.constant 1 : i32
    %get3A_1276 = arith.index_cast %get3A_1275 : i32 to index
    %get3A_1277 = arith.constant 240 : index
    %get3A_1278 = tpu.vector_load %arg7[%get3A_1276, %get3A_1277] {strides = array<i32>} : memref<3x512xi32, #tpu.memory_space<vmem>>, vector<1x16xi32>,
    %get3A_1279 = vector.shape_cast %get3A_1278 : vector<1x16xi32> to vector<16xi32>
    %ge3A_1280 = arith.constant 57344 : i32
    %ge3A_1281 = vector.broadcast %ge3A_1280 : i32 to vector<16xi32>
    %ge3A_1282 = arith.cmpi sge, %get3A_1279, %ge3A_1281 : vector<16xi32>
    %sub3A_1283 = arith.constant 57344 : i32
    %sub3A_1284 = vector.broadcast %sub3A_1283 : i32 to vector<16xi32>
    %sub3A_1285 = arith.subi %get3A_1279, %sub3A_1284 : vector<16xi32>
    %mul3A_1286 = arith.constant 2 : i32
    %mul3A_1287 = vector.broadcast %mul3A_1286 : i32 to vector<16xi32>
    %mul3A_1288 = arith.muli %mul3A_1287, %sub3A_1285 : vector<16xi32>
    %add3A_1289 = arith.constant 1 : i32
    %add3A_1290 = vector.broadcast %add3A_1289 : i32 to vector<16xi32>
    %add3A_1291 = arith.addi %mul3A_1288, %add3A_1290 : vector<16xi32>
    %mul3A_1292 = arith.constant 2 : i32
    %mul3A_1293 = vector.broadcast %mul3A_1292 : i32 to vector<16xi32>
    %mul3A_1294 = arith.muli %mul3A_1293, %get3A_1279 : vector<16xi32>
    %select_n3A_1295 = arith.select %ge3A_1282, %add3A_1291, %mul3A_1294 : vector<16xi1>, vector<16xi32>
    %swap3A_1296 = arith.constant 1 : i32
    %swap3A_1297 = arith.index_cast %swap3A_1296 : i32 to index
    %swap3A_1298 = arith.constant 240 : index
    %swap3A_1299 = tpu.vector_load %arg8[%swap3A_1297, %swap3A_1298] {strides = array<i32>} : memref<3x512xi32, #tpu.memory_space<vmem>>, vector<1x16xi32>,
    %swap3A_1300 = vector.shape_cast %swap3A_1299 : vector<1x16xi32> to vector<16xi32>
    %swap3A_1301 = vector.shape_cast %select_n3A_1295 : vector<16xi32> to vector<1x16xi32>
    tpu.vector_store %arg8[%swap3A_1297, %swap3A_1298], %swap3A_1301 {strides = array<i32>} : memref<3x512xi32, #tpu.memory_space<vmem>>, vector<1x16xi32>,
    %get3A_1302 = arith.constant 1 : i32
    %get3A_1303 = arith.index_cast %get3A_1302 : i32 to index
    %get3A_1304 = arith.constant 256 : index
    %get3A_1305 = tpu.vector_load %arg7[%get3A_1303, %get3A_1304] {strides = array<i32>} : memref<3x512xi32, #tpu.memory_space<vmem>>, vector<1x16xi32>,
    %get3A_1306 = vector.shape_cast %get3A_1305 : vector<1x16xi32> to vector<16xi32>
    %ge3A_1307 = arith.constant 57344 : i32
    %ge3A_1308 = vector.broadcast %ge3A_1307 : i32 to vector<16xi32>
    %ge3A_1309 = arith.cmpi sge, %get3A_1306, %ge3A_1308 : vector<16xi32>
    %sub3A_1310 = arith.constant 57344 : i32
    %sub3A_1311 = vector.broadcast %sub3A_1310 : i32 to vector<16xi32>
    %sub3A_1312 = arith.subi %get3A_1306, %sub3A_1311 : vector<16xi32>
    %mul3A_1313 = arith.constant 2 : i32
    %mul3A_1314 = vector.broadcast %mul3A_1313 : i32 to vector<16xi32>
    %mul3A_1315 = arith.muli %mul3A_1314, %sub3A_1312 : vector<16xi32>
    %add3A_1316 = arith.constant 1 : i32
    %add3A_1317 = vector.broadcast %add3A_1316 : i32 to vector<16xi32>
    %add3A_1318 = arith.addi %mul3A_1315, %add3A_1317 : vector<16xi32>
    %mul3A_1319 = arith.constant 2 : i32
    %mul3A_1320 = vector.broadcast %mul3A_1319 : i32 to vector<16xi32>
    %mul3A_1321 = arith.muli %mul3A_1320, %get3A_1306 : vector<16xi32>
    %select_n3A_1322 = arith.select %ge3A_1309, %add3A_1318, %mul3A_1321 : vector<16xi1>, vector<16xi32>
    %swap3A_1323 = arith.constant 1 : i32
    %swap3A_1324 = arith.index_cast %swap3A_1323 : i32 to index
    %swap3A_1325 = arith.constant 256 : index
    %swap3A_1326 = tpu.vector_load %arg8[%swap3A_1324, %swap3A_1325] {strides = array<i32>} : memref<3x512xi32, #tpu.memory_space<vmem>>, vector<1x16xi32>,
    %swap3A_1327 = vector.shape_cast %swap3A_1326 : vector<1x16xi32> to vector<16xi32>
    %swap3A_1328 = vector.shape_cast %select_n3A_1322 : vector<16xi32> to vector<1x16xi32>
    tpu.vector_store %arg8[%swap3A_1324, %swap3A_1325], %swap3A_1328 {strides = array<i32>} : memref<3x512xi32, #tpu.memory_space<vmem>>, vector<1x16xi32>,
    %get3A_1329 = arith.constant 1 : i32
    %get3A_1330 = arith.index_cast %get3A_1329 : i32 to index
    %get3A_1331 = arith.constant 272 : index
    %get3A_1332 = tpu.vector_load %arg7[%get3A_1330, %get3A_1331] {strides = array<i32>} : memref<3x512xi32, #tpu.memory_space<vmem>>, vector<1x16xi32>,
    %get3A_1333 = vector.shape_cast %get3A_1332 : vector<1x16xi32> to vector<16xi32>
    %ge3A_1334 = arith.constant 57344 : i32
    %ge3A_1335 = vector.broadcast %ge3A_1334 : i32 to vector<16xi32>
    %ge3A_1336 = arith.cmpi sge, %get3A_1333, %ge3A_1335 : vector<16xi32>
    %sub3A_1337 = arith.constant 57344 : i32
    %sub3A_1338 = vector.broadcast %sub3A_1337 : i32 to vector<16xi32>
    %sub3A_1339 = arith.subi %get3A_1333, %sub3A_1338 : vector<16xi32>
    %mul3A_1340 = arith.constant 2 : i32
    %mul3A_1341 = vector.broadcast %mul3A_1340 : i32 to vector<16xi32>
    %mul3A_1342 = arith.muli %mul3A_1341, %sub3A_1339 : vector<16xi32>
    %add3A_1343 = arith.constant 1 : i32
    %add3A_1344 = vector.broadcast %add3A_1343 : i32 to vector<16xi32>
    %add3A_1345 = arith.addi %mul3A_1342, %add3A_1344 : vector<16xi32>
    %mul3A_1346 = arith.constant 2 : i32
    %mul3A_1347 = vector.broadcast %mul3A_1346 : i32 to vector<16xi32>
    %mul3A_1348 = arith.muli %mul3A_1347, %get3A_1333 : vector<16xi32>
    %select_n3A_1349 = arith.select %ge3A_1336, %add3A_1345, %mul3A_1348 : vector<16xi1>, vector<16xi32>
    %swap3A_1350 = arith.constant 1 : i32
    %swap3A_1351 = arith.index_cast %swap3A_1350 : i32 to index
    %swap3A_1352 = arith.constant 272 : index
    %swap3A_1353 = tpu.vector_load %arg8[%swap3A_1351, %swap3A_1352] {strides = array<i32>} : memref<3x512xi32, #tpu.memory_space<vmem>>, vector<1x16xi32>,
    %swap3A_1354 = vector.shape_cast %swap3A_1353 : vector<1x16xi32> to vector<16xi32>
    %swap3A_1355 = vector.shape_cast %select_n3A_1349 : vector<16xi32> to vector<1x16xi32>
    tpu.vector_store %arg8[%swap3A_1351, %swap3A_1352], %swap3A_1355 {strides = array<i32>} : memref<3x512xi32, #tpu.memory_space<vmem>>, vector<1x16xi32>,
    %get3A_1356 = arith.constant 1 : i32
    %get3A_1357 = arith.index_cast %get3A_1356 : i32 to index
    %get3A_1358 = arith.constant 288 : index
    %get3A_1359 = tpu.vector_load %arg7[%get3A_1357, %get3A_1358] {strides = array<i32>} : memref<3x512xi32, #tpu.memory_space<vmem>>, vector<1x16xi32>,
    %get3A_1360 = vector.shape_cast %get3A_1359 : vector<1x16xi32> to vector<16xi32>
    %ge3A_1361 = arith.constant 57344 : i32
    %ge3A_1362 = vector.broadcast %ge3A_1361 : i32 to vector<16xi32>
    %ge3A_1363 = arith.cmpi sge, %get3A_1360, %ge3A_1362 : vector<16xi32>
    %sub3A_1364 = arith.constant 57344 : i32
    %sub3A_1365 = vector.broadcast %sub3A_1364 : i32 to vector<16xi32>
    %sub3A_1366 = arith.subi %get3A_1360, %sub3A_1365 : vector<16xi32>
    %mul3A_1367 = arith.constant 2 : i32
    %mul3A_1368 = vector.broadcast %mul3A_1367 : i32 to vector<16xi32>
    %mul3A_1369 = arith.muli %mul3A_1368, %sub3A_1366 : vector<16xi32>
    %add3A_1370 = arith.constant 1 : i32
    %add3A_1371 = vector.broadcast %add3A_1370 : i32 to vector<16xi32>
    %add3A_1372 = arith.addi %mul3A_1369, %add3A_1371 : vector<16xi32>
    %mul3A_1373 = arith.constant 2 : i32
    %mul3A_1374 = vector.broadcast %mul3A_1373 : i32 to vector<16xi32>
    %mul3A_1375 = arith.muli %mul3A_1374, %get3A_1360 : vector<16xi32>
    %select_n3A_1376 = arith.select %ge3A_1363, %add3A_1372, %mul3A_1375 : vector<16xi1>, vector<16xi32>
    %swap3A_1377 = arith.constant 1 : i32
    %swap3A_1378 = arith.index_cast %swap3A_1377 : i32 to index
    %swap3A_1379 = arith.constant 288 : index
    %swap3A_1380 = tpu.vector_load %arg8[%swap3A_1378, %swap3A_1379] {strides = array<i32>} : memref<3x512xi32, #tpu.memory_space<vmem>>, vector<1x16xi32>,
    %swap3A_1381 = vector.shape_cast %swap3A_1380 : vector<1x16xi32> to vector<16xi32>
    %swap3A_1382 = vector.shape_cast %select_n3A_1376 : vector<16xi32> to vector<1x16xi32>
    tpu.vector_store %arg8[%swap3A_1378, %swap3A_1379], %swap3A_1382 {strides = array<i32>} : memref<3x512xi32, #tpu.memory_space<vmem>>, vector<1x16xi32>,
    %get3A_1383 = arith.constant 1 : i32
    %get3A_1384 = arith.index_cast %get3A_1383 : i32 to index
    %get3A_1385 = arith.constant 304 : index
    %get3A_1386 = tpu.vector_load %arg7[%get3A_1384, %get3A_1385] {strides = array<i32>} : memref<3x512xi32, #tpu.memory_space<vmem>>, vector<1x16xi32>,
    %get3A_1387 = vector.shape_cast %get3A_1386 : vector<1x16xi32> to vector<16xi32>
    %ge3A_1388 = arith.constant 57344 : i32
    %ge3A_1389 = vector.broadcast %ge3A_1388 : i32 to vector<16xi32>
    %ge3A_1390 = arith.cmpi sge, %get3A_1387, %ge3A_1389 : vector<16xi32>
    %sub3A_1391 = arith.constant 57344 : i32
    %sub3A_1392 = vector.broadcast %sub3A_1391 : i32 to vector<16xi32>
    %sub3A_1393 = arith.subi %get3A_1387, %sub3A_1392 : vector<16xi32>
    %mul3A_1394 = arith.constant 2 : i32
    %mul3A_1395 = vector.broadcast %mul3A_1394 : i32 to vector<16xi32>
    %mul3A_1396 = arith.muli %mul3A_1395, %sub3A_1393 : vector<16xi32>
    %add3A_1397 = arith.constant 1 : i32
    %add3A_1398 = vector.broadcast %add3A_1397 : i32 to vector<16xi32>
    %add3A_1399 = arith.addi %mul3A_1396, %add3A_1398 : vector<16xi32>
    %mul3A_1400 = arith.constant 2 : i32
    %mul3A_1401 = vector.broadcast %mul3A_1400 : i32 to vector<16xi32>
    %mul3A_1402 = arith.muli %mul3A_1401, %get3A_1387 : vector<16xi32>
    %select_n3A_1403 = arith.select %ge3A_1390, %add3A_1399, %mul3A_1402 : vector<16xi1>, vector<16xi32>
    %swap3A_1404 = arith.constant 1 : i32
    %swap3A_1405 = arith.index_cast %swap3A_1404 : i32 to index
    %swap3A_1406 = arith.constant 304 : index
    %swap3A_1407 = tpu.vector_load %arg8[%swap3A_1405, %swap3A_1406] {strides = array<i32>} : memref<3x512xi32, #tpu.memory_space<vmem>>, vector<1x16xi32>,
    %swap3A_1408 = vector.shape_cast %swap3A_1407 : vector<1x16xi32> to vector<16xi32>
    %swap3A_1409 = vector.shape_cast %select_n3A_1403 : vector<16xi32> to vector<1x16xi32>
    tpu.vector_store %arg8[%swap3A_1405, %swap3A_1406], %swap3A_1409 {strides = array<i32>} : memref<3x512xi32, #tpu.memory_space<vmem>>, vector<1x16xi32>,
    %get3A_1410 = arith.constant 1 : i32
    %get3A_1411 = arith.index_cast %get3A_1410 : i32 to index
    %get3A_1412 = arith.constant 320 : index
    %get3A_1413 = tpu.vector_load %arg7[%get3A_1411, %get3A_1412] {strides = array<i32>} : memref<3x512xi32, #tpu.memory_space<vmem>>, vector<1x16xi32>,
    %get3A_1414 = vector.shape_cast %get3A_1413 : vector<1x16xi32> to vector<16xi32>
    %ge3A_1415 = arith.constant 57344 : i32
    %ge3A_1416 = vector.broadcast %ge3A_1415 : i32 to vector<16xi32>
    %ge3A_1417 = arith.cmpi sge, %get3A_1414, %ge3A_1416 : vector<16xi32>
    %sub3A_1418 = arith.constant 57344 : i32
    %sub3A_1419 = vector.broadcast %sub3A_1418 : i32 to vector<16xi32>
    %sub3A_1420 = arith.subi %get3A_1414, %sub3A_1419 : vector<16xi32>
    %mul3A_1421 = arith.constant 2 : i32
    %mul3A_1422 = vector.broadcast %mul3A_1421 : i32 to vector<16xi32>
    %mul3A_1423 = arith.muli %mul3A_1422, %sub3A_1420 : vector<16xi32>
    %add3A_1424 = arith.constant 1 : i32
    %add3A_1425 = vector.broadcast %add3A_1424 : i32 to vector<16xi32>
    %add3A_1426 = arith.addi %mul3A_1423, %add3A_1425 : vector<16xi32>
    %mul3A_1427 = arith.constant 2 : i32
    %mul3A_1428 = vector.broadcast %mul3A_1427 : i32 to vector<16xi32>
    %mul3A_1429 = arith.muli %mul3A_1428, %get3A_1414 : vector<16xi32>
    %select_n3A_1430 = arith.select %ge3A_1417, %add3A_1426, %mul3A_1429 : vector<16xi1>, vector<16xi32>
    %swap3A_1431 = arith.constant 1 : i32
    %swap3A_1432 = arith.index_cast %swap3A_1431 : i32 to index
    %swap3A_1433 = arith.constant 320 : index
    %swap3A_1434 = tpu.vector_load %arg8[%swap3A_1432, %swap3A_1433] {strides = array<i32>} : memref<3x512xi32, #tpu.memory_space<vmem>>, vector<1x16xi32>,
    %swap3A_1435 = vector.shape_cast %swap3A_1434 : vector<1x16xi32> to vector<16xi32>
    %swap3A_1436 = vector.shape_cast %select_n3A_1430 : vector<16xi32> to vector<1x16xi32>
    tpu.vector_store %arg8[%swap3A_1432, %swap3A_1433], %swap3A_1436 {strides = array<i32>} : memref<3x512xi32, #tpu.memory_space<vmem>>, vector<1x16xi32>,
    %get3A_1437 = arith.constant 1 : i32
    %get3A_1438 = arith.index_cast %get3A_1437 : i32 to index
    %get3A_1439 = arith.constant 336 : index
    %get3A_1440 = tpu.vector_load %arg7[%get3A_1438, %get3A_1439] {strides = array<i32>} : memref<3x512xi32, #tpu.memory_space<vmem>>, vector<1x16xi32>,
    %get3A_1441 = vector.shape_cast %get3A_1440 : vector<1x16xi32> to vector<16xi32>
    %ge3A_1442 = arith.constant 57344 : i32
    %ge3A_1443 = vector.broadcast %ge3A_1442 : i32 to vector<16xi32>
    %ge3A_1444 = arith.cmpi sge, %get3A_1441, %ge3A_1443 : vector<16xi32>
    %sub3A_1445 = arith.constant 57344 : i32
    %sub3A_1446 = vector.broadcast %sub3A_1445 : i32 to vector<16xi32>
    %sub3A_1447 = arith.subi %get3A_1441, %sub3A_1446 : vector<16xi32>
    %mul3A_1448 = arith.constant 2 : i32
    %mul3A_1449 = vector.broadcast %mul3A_1448 : i32 to vector<16xi32>
    %mul3A_1450 = arith.muli %mul3A_1449, %sub3A_1447 : vector<16xi32>
    %add3A_1451 = arith.constant 1 : i32
    %add3A_1452 = vector.broadcast %add3A_1451 : i32 to vector<16xi32>
    %add3A_1453 = arith.addi %mul3A_1450, %add3A_1452 : vector<16xi32>
    %mul3A_1454 = arith.constant 2 : i32
    %mul3A_1455 = vector.broadcast %mul3A_1454 : i32 to vector<16xi32>
    %mul3A_1456 = arith.muli %mul3A_1455, %get3A_1441 : vector<16xi32>
    %select_n3A_1457 = arith.select %ge3A_1444, %add3A_1453, %mul3A_1456 : vector<16xi1>, vector<16xi32>
    %swap3A_1458 = arith.constant 1 : i32
    %swap3A_1459 = arith.index_cast %swap3A_1458 : i32 to index
    %swap3A_1460 = arith.constant 336 : index
    %swap3A_1461 = tpu.vector_load %arg8[%swap3A_1459, %swap3A_1460] {strides = array<i32>} : memref<3x512xi32, #tpu.memory_space<vmem>>, vector<1x16xi32>,
    %swap3A_1462 = vector.shape_cast %swap3A_1461 : vector<1x16xi32> to vector<16xi32>
    %swap3A_1463 = vector.shape_cast %select_n3A_1457 : vector<16xi32> to vector<1x16xi32>
    tpu.vector_store %arg8[%swap3A_1459, %swap3A_1460], %swap3A_1463 {strides = array<i32>} : memref<3x512xi32, #tpu.memory_space<vmem>>, vector<1x16xi32>,
    %get3A_1464 = arith.constant 1 : i32
    %get3A_1465 = arith.index_cast %get3A_1464 : i32 to index
    %get3A_1466 = arith.constant 352 : index
    %get3A_1467 = tpu.vector_load %arg7[%get3A_1465, %get3A_1466] {strides = array<i32>} : memref<3x512xi32, #tpu.memory_space<vmem>>, vector<1x16xi32>,
    %get3A_1468 = vector.shape_cast %get3A_1467 : vector<1x16xi32> to vector<16xi32>
    %ge3A_1469 = arith.constant 57344 : i32
    %ge3A_1470 = vector.broadcast %ge3A_1469 : i32 to vector<16xi32>
    %ge3A_1471 = arith.cmpi sge, %get3A_1468, %ge3A_1470 : vector<16xi32>
    %sub3A_1472 = arith.constant 57344 : i32
    %sub3A_1473 = vector.broadcast %sub3A_1472 : i32 to vector<16xi32>
    %sub3A_1474 = arith.subi %get3A_1468, %sub3A_1473 : vector<16xi32>
    %mul3A_1475 = arith.constant 2 : i32
    %mul3A_1476 = vector.broadcast %mul3A_1475 : i32 to vector<16xi32>
    %mul3A_1477 = arith.muli %mul3A_1476, %sub3A_1474 : vector<16xi32>
    %add3A_1478 = arith.constant 1 : i32
    %add3A_1479 = vector.broadcast %add3A_1478 : i32 to vector<16xi32>
    %add3A_1480 = arith.addi %mul3A_1477, %add3A_1479 : vector<16xi32>
    %mul3A_1481 = arith.constant 2 : i32
    %mul3A_1482 = vector.broadcast %mul3A_1481 : i32 to vector<16xi32>
    %mul3A_1483 = arith.muli %mul3A_1482, %get3A_1468 : vector<16xi32>
    %select_n3A_1484 = arith.select %ge3A_1471, %add3A_1480, %mul3A_1483 : vector<16xi1>, vector<16xi32>
    %swap3A_1485 = arith.constant 1 : i32
    %swap3A_1486 = arith.index_cast %swap3A_1485 : i32 to index
    %swap3A_1487 = arith.constant 352 : index
    %swap3A_1488 = tpu.vector_load %arg8[%swap3A_1486, %swap3A_1487] {strides = array<i32>} : memref<3x512xi32, #tpu.memory_space<vmem>>, vector<1x16xi32>,
    %swap3A_1489 = vector.shape_cast %swap3A_1488 : vector<1x16xi32> to vector<16xi32>
    %swap3A_1490 = vector.shape_cast %select_n3A_1484 : vector<16xi32> to vector<1x16xi32>
    tpu.vector_store %arg8[%swap3A_1486, %swap3A_1487], %swap3A_1490 {strides = array<i32>} : memref<3x512xi32, #tpu.memory_space<vmem>>, vector<1x16xi32>,
    %get3A_1491 = arith.constant 1 : i32
    %get3A_1492 = arith.index_cast %get3A_1491 : i32 to index
    %get3A_1493 = arith.constant 368 : index
    %get3A_1494 = tpu.vector_load %arg7[%get3A_1492, %get3A_1493] {strides = array<i32>} : memref<3x512xi32, #tpu.memory_space<vmem>>, vector<1x16xi32>,
    %get3A_1495 = vector.shape_cast %get3A_1494 : vector<1x16xi32> to vector<16xi32>
    %ge3A_1496 = arith.constant 57344 : i32
    %ge3A_1497 = vector.broadcast %ge3A_1496 : i32 to vector<16xi32>
    %ge3A_1498 = arith.cmpi sge, %get3A_1495, %ge3A_1497 : vector<16xi32>
    %sub3A_1499 = arith.constant 57344 : i32
    %sub3A_1500 = vector.broadcast %sub3A_1499 : i32 to vector<16xi32>
    %sub3A_1501 = arith.subi %get3A_1495, %sub3A_1500 : vector<16xi32>
    %mul3A_1502 = arith.constant 2 : i32
    %mul3A_1503 = vector.broadcast %mul3A_1502 : i32 to vector<16xi32>
    %mul3A_1504 = arith.muli %mul3A_1503, %sub3A_1501 : vector<16xi32>
    %add3A_1505 = arith.constant 1 : i32
    %add3A_1506 = vector.broadcast %add3A_1505 : i32 to vector<16xi32>
    %add3A_1507 = arith.addi %mul3A_1504, %add3A_1506 : vector<16xi32>
    %mul3A_1508 = arith.constant 2 : i32
    %mul3A_1509 = vector.broadcast %mul3A_1508 : i32 to vector<16xi32>
    %mul3A_1510 = arith.muli %mul3A_1509, %get3A_1495 : vector<16xi32>
    %select_n3A_1511 = arith.select %ge3A_1498, %add3A_1507, %mul3A_1510 : vector<16xi1>, vector<16xi32>
    %swap3A_1512 = arith.constant 1 : i32
    %swap3A_1513 = arith.index_cast %swap3A_1512 : i32 to index
    %swap3A_1514 = arith.constant 368 : index
    %swap3A_1515 = tpu.vector_load %arg8[%swap3A_1513, %swap3A_1514] {strides = array<i32>} : memref<3x512xi32, #tpu.memory_space<vmem>>, vector<1x16xi32>,
    %swap3A_1516 = vector.shape_cast %swap3A_1515 : vector<1x16xi32> to vector<16xi32>
    %swap3A_1517 = vector.shape_cast %select_n3A_1511 : vector<16xi32> to vector<1x16xi32>
    tpu.vector_store %arg8[%swap3A_1513, %swap3A_1514], %swap3A_1517 {strides = array<i32>} : memref<3x512xi32, #tpu.memory_space<vmem>>, vector<1x16xi32>,
    %get3A_1518 = arith.constant 1 : i32
    %get3A_1519 = arith.index_cast %get3A_1518 : i32 to index
    %get3A_1520 = arith.constant 384 : index
    %get3A_1521 = tpu.vector_load %arg7[%get3A_1519, %get3A_1520] {strides = array<i32>} : memref<3x512xi32, #tpu.memory_space<vmem>>, vector<1x16xi32>,
    %get3A_1522 = vector.shape_cast %get3A_1521 : vector<1x16xi32> to vector<16xi32>
    %ge3A_1523 = arith.constant 57344 : i32
    %ge3A_1524 = vector.broadcast %ge3A_1523 : i32 to vector<16xi32>
    %ge3A_1525 = arith.cmpi sge, %get3A_1522, %ge3A_1524 : vector<16xi32>
    %sub3A_1526 = arith.constant 57344 : i32
    %sub3A_1527 = vector.broadcast %sub3A_1526 : i32 to vector<16xi32>
    %sub3A_1528 = arith.subi %get3A_1522, %sub3A_1527 : vector<16xi32>
    %mul3A_1529 = arith.constant 2 : i32
    %mul3A_1530 = vector.broadcast %mul3A_1529 : i32 to vector<16xi32>
    %mul3A_1531 = arith.muli %mul3A_1530, %sub3A_1528 : vector<16xi32>
    %add3A_1532 = arith.constant 1 : i32
    %add3A_1533 = vector.broadcast %add3A_1532 : i32 to vector<16xi32>
    %add3A_1534 = arith.addi %mul3A_1531, %add3A_1533 : vector<16xi32>
    %mul3A_1535 = arith.constant 2 : i32
    %mul3A_1536 = vector.broadcast %mul3A_1535 : i32 to vector<16xi32>
    %mul3A_1537 = arith.muli %mul3A_1536, %get3A_1522 : vector<16xi32>
    %select_n3A_1538 = arith.select %ge3A_1525, %add3A_1534, %mul3A_1537 : vector<16xi1>, vector<16xi32>
    %swap3A_1539 = arith.constant 1 : i32
    %swap3A_1540 = arith.index_cast %swap3A_1539 : i32 to index
    %swap3A_1541 = arith.constant 384 : index
    %swap3A_1542 = tpu.vector_load %arg8[%swap3A_1540, %swap3A_1541] {strides = array<i32>} : memref<3x512xi32, #tpu.memory_space<vmem>>, vector<1x16xi32>,
    %swap3A_1543 = vector.shape_cast %swap3A_1542 : vector<1x16xi32> to vector<16xi32>
    %swap3A_1544 = vector.shape_cast %select_n3A_1538 : vector<16xi32> to vector<1x16xi32>
    tpu.vector_store %arg8[%swap3A_1540, %swap3A_1541], %swap3A_1544 {strides = array<i32>} : memref<3x512xi32, #tpu.memory_space<vmem>>, vector<1x16xi32>,
    %get3A_1545 = arith.constant 1 : i32
    %get3A_1546 = arith.index_cast %get3A_1545 : i32 to index
    %get3A_1547 = arith.constant 400 : index
    %get3A_1548 = tpu.vector_load %arg7[%get3A_1546, %get3A_1547] {strides = array<i32>} : memref<3x512xi32, #tpu.memory_space<vmem>>, vector<1x16xi32>,
    %get3A_1549 = vector.shape_cast %get3A_1548 : vector<1x16xi32> to vector<16xi32>
    %ge3A_1550 = arith.constant 57344 : i32
    %ge3A_1551 = vector.broadcast %ge3A_1550 : i32 to vector<16xi32>
    %ge3A_1552 = arith.cmpi sge, %get3A_1549, %ge3A_1551 : vector<16xi32>
    %sub3A_1553 = arith.constant 57344 : i32
    %sub3A_1554 = vector.broadcast %sub3A_1553 : i32 to vector<16xi32>
    %sub3A_1555 = arith.subi %get3A_1549, %sub3A_1554 : vector<16xi32>
    %mul3A_1556 = arith.constant 2 : i32
    %mul3A_1557 = vector.broadcast %mul3A_1556 : i32 to vector<16xi32>
    %mul3A_1558 = arith.muli %mul3A_1557, %sub3A_1555 : vector<16xi32>
    %add3A_1559 = arith.constant 1 : i32
    %add3A_1560 = vector.broadcast %add3A_1559 : i32 to vector<16xi32>
    %add3A_1561 = arith.addi %mul3A_1558, %add3A_1560 : vector<16xi32>
    %mul3A_1562 = arith.constant 2 : i32
    %mul3A_1563 = vector.broadcast %mul3A_1562 : i32 to vector<16xi32>
    %mul3A_1564 = arith.muli %mul3A_1563, %get3A_1549 : vector<16xi32>
    %select_n3A_1565 = arith.select %ge3A_1552, %add3A_1561, %mul3A_1564 : vector<16xi1>, vector<16xi32>
    %swap3A_1566 = arith.constant 1 : i32
    %swap3A_1567 = arith.index_cast %swap3A_1566 : i32 to index
    %swap3A_1568 = arith.constant 400 : index
    %swap3A_1569 = tpu.vector_load %arg8[%swap3A_1567, %swap3A_1568] {strides = array<i32>} : memref<3x512xi32, #tpu.memory_space<vmem>>, vector<1x16xi32>,
    %swap3A_1570 = vector.shape_cast %swap3A_1569 : vector<1x16xi32> to vector<16xi32>
    %swap3A_1571 = vector.shape_cast %select_n3A_1565 : vector<16xi32> to vector<1x16xi32>
    tpu.vector_store %arg8[%swap3A_1567, %swap3A_1568], %swap3A_1571 {strides = array<i32>} : memref<3x512xi32, #tpu.memory_space<vmem>>, vector<1x16xi32>,
    %get3A_1572 = arith.constant 1 : i32
    %get3A_1573 = arith.index_cast %get3A_1572 : i32 to index
    %get3A_1574 = arith.constant 416 : index
    %get3A_1575 = tpu.vector_load %arg7[%get3A_1573, %get3A_1574] {strides = array<i32>} : memref<3x512xi32, #tpu.memory_space<vmem>>, vector<1x16xi32>,
    %get3A_1576 = vector.shape_cast %get3A_1575 : vector<1x16xi32> to vector<16xi32>
    %ge3A_1577 = arith.constant 57344 : i32
    %ge3A_1578 = vector.broadcast %ge3A_1577 : i32 to vector<16xi32>
    %ge3A_1579 = arith.cmpi sge, %get3A_1576, %ge3A_1578 : vector<16xi32>
    %sub3A_1580 = arith.constant 57344 : i32
    %sub3A_1581 = vector.broadcast %sub3A_1580 : i32 to vector<16xi32>
    %sub3A_1582 = arith.subi %get3A_1576, %sub3A_1581 : vector<16xi32>
    %mul3A_1583 = arith.constant 2 : i32
    %mul3A_1584 = vector.broadcast %mul3A_1583 : i32 to vector<16xi32>
    %mul3A_1585 = arith.muli %mul3A_1584, %sub3A_1582 : vector<16xi32>
    %add3A_1586 = arith.constant 1 : i32
    %add3A_1587 = vector.broadcast %add3A_1586 : i32 to vector<16xi32>
    %add3A_1588 = arith.addi %mul3A_1585, %add3A_1587 : vector<16xi32>
    %mul3A_1589 = arith.constant 2 : i32
    %mul3A_1590 = vector.broadcast %mul3A_1589 : i32 to vector<16xi32>
    %mul3A_1591 = arith.muli %mul3A_1590, %get3A_1576 : vector<16xi32>
    %select_n3A_1592 = arith.select %ge3A_1579, %add3A_1588, %mul3A_1591 : vector<16xi1>, vector<16xi32>
    %swap3A_1593 = arith.constant 1 : i32
    %swap3A_1594 = arith.index_cast %swap3A_1593 : i32 to index
    %swap3A_1595 = arith.constant 416 : index
    %swap3A_1596 = tpu.vector_load %arg8[%swap3A_1594, %swap3A_1595] {strides = array<i32>} : memref<3x512xi32, #tpu.memory_space<vmem>>, vector<1x16xi32>,
    %swap3A_1597 = vector.shape_cast %swap3A_1596 : vector<1x16xi32> to vector<16xi32>
    %swap3A_1598 = vector.shape_cast %select_n3A_1592 : vector<16xi32> to vector<1x16xi32>
    tpu.vector_store %arg8[%swap3A_1594, %swap3A_1595], %swap3A_1598 {strides = array<i32>} : memref<3x512xi32, #tpu.memory_space<vmem>>, vector<1x16xi32>,
    %get3A_1599 = arith.constant 1 : i32
    %get3A_1600 = arith.index_cast %get3A_1599 : i32 to index
    %get3A_1601 = arith.constant 432 : index
    %get3A_1602 = tpu.vector_load %arg7[%get3A_1600, %get3A_1601] {strides = array<i32>} : memref<3x512xi32, #tpu.memory_space<vmem>>, vector<1x16xi32>,
    %get3A_1603 = vector.shape_cast %get3A_1602 : vector<1x16xi32> to vector<16xi32>
    %ge3A_1604 = arith.constant 57344 : i32
    %ge3A_1605 = vector.broadcast %ge3A_1604 : i32 to vector<16xi32>
    %ge3A_1606 = arith.cmpi sge, %get3A_1603, %ge3A_1605 : vector<16xi32>
    %sub3A_1607 = arith.constant 57344 : i32
    %sub3A_1608 = vector.broadcast %sub3A_1607 : i32 to vector<16xi32>
    %sub3A_1609 = arith.subi %get3A_1603, %sub3A_1608 : vector<16xi32>
    %mul3A_1610 = arith.constant 2 : i32
    %mul3A_1611 = vector.broadcast %mul3A_1610 : i32 to vector<16xi32>
    %mul3A_1612 = arith.muli %mul3A_1611, %sub3A_1609 : vector<16xi32>
    %add3A_1613 = arith.constant 1 : i32
    %add3A_1614 = vector.broadcast %add3A_1613 : i32 to vector<16xi32>
    %add3A_1615 = arith.addi %mul3A_1612, %add3A_1614 : vector<16xi32>
    %mul3A_1616 = arith.constant 2 : i32
    %mul3A_1617 = vector.broadcast %mul3A_1616 : i32 to vector<16xi32>
    %mul3A_1618 = arith.muli %mul3A_1617, %get3A_1603 : vector<16xi32>
    %select_n3A_1619 = arith.select %ge3A_1606, %add3A_1615, %mul3A_1618 : vector<16xi1>, vector<16xi32>
    %swap3A_1620 = arith.constant 1 : i32
    %swap3A_1621 = arith.index_cast %swap3A_1620 : i32 to index
    %swap3A_1622 = arith.constant 432 : index
    %swap3A_1623 = tpu.vector_load %arg8[%swap3A_1621, %swap3A_1622] {strides = array<i32>} : memref<3x512xi32, #tpu.memory_space<vmem>>, vector<1x16xi32>,
    %swap3A_1624 = vector.shape_cast %swap3A_1623 : vector<1x16xi32> to vector<16xi32>
    %swap3A_1625 = vector.shape_cast %select_n3A_1619 : vector<16xi32> to vector<1x16xi32>
    tpu.vector_store %arg8[%swap3A_1621, %swap3A_1622], %swap3A_1625 {strides = array<i32>} : memref<3x512xi32, #tpu.memory_space<vmem>>, vector<1x16xi32>,
    %get3A_1626 = arith.constant 1 : i32
    %get3A_1627 = arith.index_cast %get3A_1626 : i32 to index
    %get3A_1628 = arith.constant 448 : index
    %get3A_1629 = tpu.vector_load %arg7[%get3A_1627, %get3A_1628] {strides = array<i32>} : memref<3x512xi32, #tpu.memory_space<vmem>>, vector<1x16xi32>,
    %get3A_1630 = vector.shape_cast %get3A_1629 : vector<1x16xi32> to vector<16xi32>
    %ge3A_1631 = arith.constant 57344 : i32
    %ge3A_1632 = vector.broadcast %ge3A_1631 : i32 to vector<16xi32>
    %ge3A_1633 = arith.cmpi sge, %get3A_1630, %ge3A_1632 : vector<16xi32>
    %sub3A_1634 = arith.constant 57344 : i32
    %sub3A_1635 = vector.broadcast %sub3A_1634 : i32 to vector<16xi32>
    %sub3A_1636 = arith.subi %get3A_1630, %sub3A_1635 : vector<16xi32>
    %mul3A_1637 = arith.constant 2 : i32
    %mul3A_1638 = vector.broadcast %mul3A_1637 : i32 to vector<16xi32>
    %mul3A_1639 = arith.muli %mul3A_1638, %sub3A_1636 : vector<16xi32>
    %add3A_1640 = arith.constant 1 : i32
    %add3A_1641 = vector.broadcast %add3A_1640 : i32 to vector<16xi32>
    %add3A_1642 = arith.addi %mul3A_1639, %add3A_1641 : vector<16xi32>
    %mul3A_1643 = arith.constant 2 : i32
    %mul3A_1644 = vector.broadcast %mul3A_1643 : i32 to vector<16xi32>
    %mul3A_1645 = arith.muli %mul3A_1644, %get3A_1630 : vector<16xi32>
    %select_n3A_1646 = arith.select %ge3A_1633, %add3A_1642, %mul3A_1645 : vector<16xi1>, vector<16xi32>
    %swap3A_1647 = arith.constant 1 : i32
    %swap3A_1648 = arith.index_cast %swap3A_1647 : i32 to index
    %swap3A_1649 = arith.constant 448 : index
    %swap3A_1650 = tpu.vector_load %arg8[%swap3A_1648, %swap3A_1649] {strides = array<i32>} : memref<3x512xi32, #tpu.memory_space<vmem>>, vector<1x16xi32>,
    %swap3A_1651 = vector.shape_cast %swap3A_1650 : vector<1x16xi32> to vector<16xi32>
    %swap3A_1652 = vector.shape_cast %select_n3A_1646 : vector<16xi32> to vector<1x16xi32>
    tpu.vector_store %arg8[%swap3A_1648, %swap3A_1649], %swap3A_1652 {strides = array<i32>} : memref<3x512xi32, #tpu.memory_space<vmem>>, vector<1x16xi32>,
    %get3A_1653 = arith.constant 1 : i32
    %get3A_1654 = arith.index_cast %get3A_1653 : i32 to index
    %get3A_1655 = arith.constant 464 : index
    %get3A_1656 = tpu.vector_load %arg7[%get3A_1654, %get3A_1655] {strides = array<i32>} : memref<3x512xi32, #tpu.memory_space<vmem>>, vector<1x16xi32>,
    %get3A_1657 = vector.shape_cast %get3A_1656 : vector<1x16xi32> to vector<16xi32>
    %ge3A_1658 = arith.constant 57344 : i32
    %ge3A_1659 = vector.broadcast %ge3A_1658 : i32 to vector<16xi32>
    %ge3A_1660 = arith.cmpi sge, %get3A_1657, %ge3A_1659 : vector<16xi32>
    %sub3A_1661 = arith.constant 57344 : i32
    %sub3A_1662 = vector.broadcast %sub3A_1661 : i32 to vector<16xi32>
    %sub3A_1663 = arith.subi %get3A_1657, %sub3A_1662 : vector<16xi32>
    %mul3A_1664 = arith.constant 2 : i32
    %mul3A_1665 = vector.broadcast %mul3A_1664 : i32 to vector<16xi32>
    %mul3A_1666 = arith.muli %mul3A_1665, %sub3A_1663 : vector<16xi32>
    %add3A_1667 = arith.constant 1 : i32
    %add3A_1668 = vector.broadcast %add3A_1667 : i32 to vector<16xi32>
    %add3A_1669 = arith.addi %mul3A_1666, %add3A_1668 : vector<16xi32>
    %mul3A_1670 = arith.constant 2 : i32
    %mul3A_1671 = vector.broadcast %mul3A_1670 : i32 to vector<16xi32>
    %mul3A_1672 = arith.muli %mul3A_1671, %get3A_1657 : vector<16xi32>
    %select_n3A_1673 = arith.select %ge3A_1660, %add3A_1669, %mul3A_1672 : vector<16xi1>, vector<16xi32>
    %swap3A_1674 = arith.constant 1 : i32
    %swap3A_1675 = arith.index_cast %swap3A_1674 : i32 to index
    %swap3A_1676 = arith.constant 464 : index
    %swap3A_1677 = tpu.vector_load %arg8[%swap3A_1675, %swap3A_1676] {strides = array<i32>} : memref<3x512xi32, #tpu.memory_space<vmem>>, vector<1x16xi32>,
    %swap3A_1678 = vector.shape_cast %swap3A_1677 : vector<1x16xi32> to vector<16xi32>
    %swap3A_1679 = vector.shape_cast %select_n3A_1673 : vector<16xi32> to vector<1x16xi32>
    tpu.vector_store %arg8[%swap3A_1675, %swap3A_1676], %swap3A_1679 {strides = array<i32>} : memref<3x512xi32, #tpu.memory_space<vmem>>, vector<1x16xi32>,
    %get3A_1680 = arith.constant 1 : i32
    %get3A_1681 = arith.index_cast %get3A_1680 : i32 to index
    %get3A_1682 = arith.constant 480 : index
    %get3A_1683 = tpu.vector_load %arg7[%get3A_1681, %get3A_1682] {strides = array<i32>} : memref<3x512xi32, #tpu.memory_space<vmem>>, vector<1x16xi32>,
    %get3A_1684 = vector.shape_cast %get3A_1683 : vector<1x16xi32> to vector<16xi32>
    %ge3A_1685 = arith.constant 57344 : i32
    %ge3A_1686 = vector.broadcast %ge3A_1685 : i32 to vector<16xi32>
    %ge3A_1687 = arith.cmpi sge, %get3A_1684, %ge3A_1686 : vector<16xi32>
    %sub3A_1688 = arith.constant 57344 : i32
    %sub3A_1689 = vector.broadcast %sub3A_1688 : i32 to vector<16xi32>
    %sub3A_1690 = arith.subi %get3A_1684, %sub3A_1689 : vector<16xi32>
    %mul3A_1691 = arith.constant 2 : i32
    %mul3A_1692 = vector.broadcast %mul3A_1691 : i32 to vector<16xi32>
    %mul3A_1693 = arith.muli %mul3A_1692, %sub3A_1690 : vector<16xi32>
    %add3A_1694 = arith.constant 1 : i32
    %add3A_1695 = vector.broadcast %add3A_1694 : i32 to vector<16xi32>
    %add3A_1696 = arith.addi %mul3A_1693, %add3A_1695 : vector<16xi32>
    %mul3A_1697 = arith.constant 2 : i32
    %mul3A_1698 = vector.broadcast %mul3A_1697 : i32 to vector<16xi32>
    %mul3A_1699 = arith.muli %mul3A_1698, %get3A_1684 : vector<16xi32>
    %select_n3A_1700 = arith.select %ge3A_1687, %add3A_1696, %mul3A_1699 : vector<16xi1>, vector<16xi32>
    %swap3A_1701 = arith.constant 1 : i32
    %swap3A_1702 = arith.index_cast %swap3A_1701 : i32 to index
    %swap3A_1703 = arith.constant 480 : index
    %swap3A_1704 = tpu.vector_load %arg8[%swap3A_1702, %swap3A_1703] {strides = array<i32>} : memref<3x512xi32, #tpu.memory_space<vmem>>, vector<1x16xi32>,
    %swap3A_1705 = vector.shape_cast %swap3A_1704 : vector<1x16xi32> to vector<16xi32>
    %swap3A_1706 = vector.shape_cast %select_n3A_1700 : vector<16xi32> to vector<1x16xi32>
    tpu.vector_store %arg8[%swap3A_1702, %swap3A_1703], %swap3A_1706 {strides = array<i32>} : memref<3x512xi32, #tpu.memory_space<vmem>>, vector<1x16xi32>,
    %get3A_1707 = arith.constant 1 : i32
    %get3A_1708 = arith.index_cast %get3A_1707 : i32 to index
    %get3A_1709 = arith.constant 496 : index
    %get3A_1710 = tpu.vector_load %arg7[%get3A_1708, %get3A_1709] {strides = array<i32>} : memref<3x512xi32, #tpu.memory_space<vmem>>, vector<1x16xi32>,
    %get3A_1711 = vector.shape_cast %get3A_1710 : vector<1x16xi32> to vector<16xi32>
    %ge3A_1712 = arith.constant 57344 : i32
    %ge3A_1713 = vector.broadcast %ge3A_1712 : i32 to vector<16xi32>
    %ge3A_1714 = arith.cmpi sge, %get3A_1711, %ge3A_1713 : vector<16xi32>
    %sub3A_1715 = arith.constant 57344 : i32
    %sub3A_1716 = vector.broadcast %sub3A_1715 : i32 to vector<16xi32>
    %sub3A_1717 = arith.subi %get3A_1711, %sub3A_1716 : vector<16xi32>
    %mul3A_1718 = arith.constant 2 : i32
    %mul3A_1719 = vector.broadcast %mul3A_1718 : i32 to vector<16xi32>
    %mul3A_1720 = arith.muli %mul3A_1719, %sub3A_1717 : vector<16xi32>
    %add3A_1721 = arith.constant 1 : i32
    %add3A_1722 = vector.broadcast %add3A_1721 : i32 to vector<16xi32>
    %add3A_1723 = arith.addi %mul3A_1720, %add3A_1722 : vector<16xi32>
    %mul3A_1724 = arith.constant 2 : i32
    %mul3A_1725 = vector.broadcast %mul3A_1724 : i32 to vector<16xi32>
    %mul3A_1726 = arith.muli %mul3A_1725, %get3A_1711 : vector<16xi32>
    %select_n3A_1727 = arith.select %ge3A_1714, %add3A_1723, %mul3A_1726 : vector<16xi1>, vector<16xi32>
    %swap3A_1728 = arith.constant 1 : i32
    %swap3A_1729 = arith.index_cast %swap3A_1728 : i32 to index
    %swap3A_1730 = arith.constant 496 : index
    %swap3A_1731 = tpu.vector_load %arg8[%swap3A_1729, %swap3A_1730] {strides = array<i32>} : memref<3x512xi32, #tpu.memory_space<vmem>>, vector<1x16xi32>,
    %swap3A_1732 = vector.shape_cast %swap3A_1731 : vector<1x16xi32> to vector<16xi32>
    %swap3A_1733 = vector.shape_cast %select_n3A_1727 : vector<16xi32> to vector<1x16xi32>
    tpu.vector_store %arg8[%swap3A_1729, %swap3A_1730], %swap3A_1733 {strides = array<i32>} : memref<3x512xi32, #tpu.memory_space<vmem>>, vector<1x16xi32>,
    %get3A_1734 = arith.constant 2 : i32
    %get3A_1735 = arith.index_cast %get3A_1734 : i32 to index
    %get3A_1736 = arith.constant 0 : index
    %get3A_1737 = tpu.vector_load %arg7[%get3A_1735, %get3A_1736] {strides = array<i32>} : memref<3x512xi32, #tpu.memory_space<vmem>>, vector<1x16xi32>,
    %get3A_1738 = vector.shape_cast %get3A_1737 : vector<1x16xi32> to vector<16xi32>
    %ge3A_1739 = arith.constant 57344 : i32
    %ge3A_1740 = vector.broadcast %ge3A_1739 : i32 to vector<16xi32>
    %ge3A_1741 = arith.cmpi sge, %get3A_1738, %ge3A_1740 : vector<16xi32>
    %sub3A_1742 = arith.constant 57344 : i32
    %sub3A_1743 = vector.broadcast %sub3A_1742 : i32 to vector<16xi32>
    %sub3A_1744 = arith.subi %get3A_1738, %sub3A_1743 : vector<16xi32>
    %mul3A_1745 = arith.constant 2 : i32
    %mul3A_1746 = vector.broadcast %mul3A_1745 : i32 to vector<16xi32>
    %mul3A_1747 = arith.muli %mul3A_1746, %sub3A_1744 : vector<16xi32>
    %add3A_1748 = arith.constant 1 : i32
    %add3A_1749 = vector.broadcast %add3A_1748 : i32 to vector<16xi32>
    %add3A_1750 = arith.addi %mul3A_1747, %add3A_1749 : vector<16xi32>
    %mul3A_1751 = arith.constant 2 : i32
    %mul3A_1752 = vector.broadcast %mul3A_1751 : i32 to vector<16xi32>
    %mul3A_1753 = arith.muli %mul3A_1752, %get3A_1738 : vector<16xi32>
    %select_n3A_1754 = arith.select %ge3A_1741, %add3A_1750, %mul3A_1753 : vector<16xi1>, vector<16xi32>
    %swap3A_1755 = arith.constant 2 : i32
    %swap3A_1756 = arith.index_cast %swap3A_1755 : i32 to index
    %swap3A_1757 = arith.constant 0 : index
    %swap3A_1758 = tpu.vector_load %arg8[%swap3A_1756, %swap3A_1757] {strides = array<i32>} : memref<3x512xi32, #tpu.memory_space<vmem>>, vector<1x16xi32>,
    %swap3A_1759 = vector.shape_cast %swap3A_1758 : vector<1x16xi32> to vector<16xi32>
    %swap3A_1760 = vector.shape_cast %select_n3A_1754 : vector<16xi32> to vector<1x16xi32>
    tpu.vector_store %arg8[%swap3A_1756, %swap3A_1757], %swap3A_1760 {strides = array<i32>} : memref<3x512xi32, #tpu.memory_space<vmem>>, vector<1x16xi32>,
    %get3A_1761 = arith.constant 2 : i32
    %get3A_1762 = arith.index_cast %get3A_1761 : i32 to index
    %get3A_1763 = arith.constant 16 : index
    %get3A_1764 = tpu.vector_load %arg7[%get3A_1762, %get3A_1763] {strides = array<i32>} : memref<3x512xi32, #tpu.memory_space<vmem>>, vector<1x16xi32>,
    %get3A_1765 = vector.shape_cast %get3A_1764 : vector<1x16xi32> to vector<16xi32>
    %ge3A_1766 = arith.constant 57344 : i32
    %ge3A_1767 = vector.broadcast %ge3A_1766 : i32 to vector<16xi32>
    %ge3A_1768 = arith.cmpi sge, %get3A_1765, %ge3A_1767 : vector<16xi32>
    %sub3A_1769 = arith.constant 57344 : i32
    %sub3A_1770 = vector.broadcast %sub3A_1769 : i32 to vector<16xi32>
    %sub3A_1771 = arith.subi %get3A_1765, %sub3A_1770 : vector<16xi32>
    %mul3A_1772 = arith.constant 2 : i32
    %mul3A_1773 = vector.broadcast %mul3A_1772 : i32 to vector<16xi32>
    %mul3A_1774 = arith.muli %mul3A_1773, %sub3A_1771 : vector<16xi32>
    %add3A_1775 = arith.constant 1 : i32
    %add3A_1776 = vector.broadcast %add3A_1775 : i32 to vector<16xi32>
    %add3A_1777 = arith.addi %mul3A_1774, %add3A_1776 : vector<16xi32>
    %mul3A_1778 = arith.constant 2 : i32
    %mul3A_1779 = vector.broadcast %mul3A_1778 : i32 to vector<16xi32>
    %mul3A_1780 = arith.muli %mul3A_1779, %get3A_1765 : vector<16xi32>
    %select_n3A_1781 = arith.select %ge3A_1768, %add3A_1777, %mul3A_1780 : vector<16xi1>, vector<16xi32>
    %swap3A_1782 = arith.constant 2 : i32
    %swap3A_1783 = arith.index_cast %swap3A_1782 : i32 to index
    %swap3A_1784 = arith.constant 16 : index
    %swap3A_1785 = tpu.vector_load %arg8[%swap3A_1783, %swap3A_1784] {strides = array<i32>} : memref<3x512xi32, #tpu.memory_space<vmem>>, vector<1x16xi32>,
    %swap3A_1786 = vector.shape_cast %swap3A_1785 : vector<1x16xi32> to vector<16xi32>
    %swap3A_1787 = vector.shape_cast %select_n3A_1781 : vector<16xi32> to vector<1x16xi32>
    tpu.vector_store %arg8[%swap3A_1783, %swap3A_1784], %swap3A_1787 {strides = array<i32>} : memref<3x512xi32, #tpu.memory_space<vmem>>, vector<1x16xi32>,
    %get3A_1788 = arith.constant 2 : i32
    %get3A_1789 = arith.index_cast %get3A_1788 : i32 to index
    %get3A_1790 = arith.constant 32 : index
    %get3A_1791 = tpu.vector_load %arg7[%get3A_1789, %get3A_1790] {strides = array<i32>} : memref<3x512xi32, #tpu.memory_space<vmem>>, vector<1x16xi32>,
    %get3A_1792 = vector.shape_cast %get3A_1791 : vector<1x16xi32> to vector<16xi32>
    %ge3A_1793 = arith.constant 57344 : i32
    %ge3A_1794 = vector.broadcast %ge3A_1793 : i32 to vector<16xi32>
    %ge3A_1795 = arith.cmpi sge, %get3A_1792, %ge3A_1794 : vector<16xi32>
    %sub3A_1796 = arith.constant 57344 : i32
    %sub3A_1797 = vector.broadcast %sub3A_1796 : i32 to vector<16xi32>
    %sub3A_1798 = arith.subi %get3A_1792, %sub3A_1797 : vector<16xi32>
    %mul3A_1799 = arith.constant 2 : i32
    %mul3A_1800 = vector.broadcast %mul3A_1799 : i32 to vector<16xi32>
    %mul3A_1801 = arith.muli %mul3A_1800, %sub3A_1798 : vector<16xi32>
    %add3A_1802 = arith.constant 1 : i32
    %add3A_1803 = vector.broadcast %add3A_1802 : i32 to vector<16xi32>
    %add3A_1804 = arith.addi %mul3A_1801, %add3A_1803 : vector<16xi32>
    %mul3A_1805 = arith.constant 2 : i32
    %mul3A_1806 = vector.broadcast %mul3A_1805 : i32 to vector<16xi32>
    %mul3A_1807 = arith.muli %mul3A_1806, %get3A_1792 : vector<16xi32>
    %select_n3A_1808 = arith.select %ge3A_1795, %add3A_1804, %mul3A_1807 : vector<16xi1>, vector<16xi32>
    %swap3A_1809 = arith.constant 2 : i32
    %swap3A_1810 = arith.index_cast %swap3A_1809 : i32 to index
    %swap3A_1811 = arith.constant 32 : index
    %swap3A_1812 = tpu.vector_load %arg8[%swap3A_1810, %swap3A_1811] {strides = array<i32>} : memref<3x512xi32, #tpu.memory_space<vmem>>, vector<1x16xi32>,
    %swap3A_1813 = vector.shape_cast %swap3A_1812 : vector<1x16xi32> to vector<16xi32>
    %swap3A_1814 = vector.shape_cast %select_n3A_1808 : vector<16xi32> to vector<1x16xi32>
    tpu.vector_store %arg8[%swap3A_1810, %swap3A_1811], %swap3A_1814 {strides = array<i32>} : memref<3x512xi32, #tpu.memory_space<vmem>>, vector<1x16xi32>,
    %get3A_1815 = arith.constant 2 : i32
    %get3A_1816 = arith.index_cast %get3A_1815 : i32 to index
    %get3A_1817 = arith.constant 48 : index
    %get3A_1818 = tpu.vector_load %arg7[%get3A_1816, %get3A_1817] {strides = array<i32>} : memref<3x512xi32, #tpu.memory_space<vmem>>, vector<1x16xi32>,
    %get3A_1819 = vector.shape_cast %get3A_1818 : vector<1x16xi32> to vector<16xi32>
    %ge3A_1820 = arith.constant 57344 : i32
    %ge3A_1821 = vector.broadcast %ge3A_1820 : i32 to vector<16xi32>
    %ge3A_1822 = arith.cmpi sge, %get3A_1819, %ge3A_1821 : vector<16xi32>
    %sub3A_1823 = arith.constant 57344 : i32
    %sub3A_1824 = vector.broadcast %sub3A_1823 : i32 to vector<16xi32>
    %sub3A_1825 = arith.subi %get3A_1819, %sub3A_1824 : vector<16xi32>
    %mul3A_1826 = arith.constant 2 : i32
    %mul3A_1827 = vector.broadcast %mul3A_1826 : i32 to vector<16xi32>
    %mul3A_1828 = arith.muli %mul3A_1827, %sub3A_1825 : vector<16xi32>
    %add3A_1829 = arith.constant 1 : i32
    %add3A_1830 = vector.broadcast %add3A_1829 : i32 to vector<16xi32>
    %add3A_1831 = arith.addi %mul3A_1828, %add3A_1830 : vector<16xi32>
    %mul3A_1832 = arith.constant 2 : i32
    %mul3A_1833 = vector.broadcast %mul3A_1832 : i32 to vector<16xi32>
    %mul3A_1834 = arith.muli %mul3A_1833, %get3A_1819 : vector<16xi32>
    %select_n3A_1835 = arith.select %ge3A_1822, %add3A_1831, %mul3A_1834 : vector<16xi1>, vector<16xi32>
    %swap3A_1836 = arith.constant 2 : i32
    %swap3A_1837 = arith.index_cast %swap3A_1836 : i32 to index
    %swap3A_1838 = arith.constant 48 : index
    %swap3A_1839 = tpu.vector_load %arg8[%swap3A_1837, %swap3A_1838] {strides = array<i32>} : memref<3x512xi32, #tpu.memory_space<vmem>>, vector<1x16xi32>,
    %swap3A_1840 = vector.shape_cast %swap3A_1839 : vector<1x16xi32> to vector<16xi32>
    %swap3A_1841 = vector.shape_cast %select_n3A_1835 : vector<16xi32> to vector<1x16xi32>
    tpu.vector_store %arg8[%swap3A_1837, %swap3A_1838], %swap3A_1841 {strides = array<i32>} : memref<3x512xi32, #tpu.memory_space<vmem>>, vector<1x16xi32>,
    %get3A_1842 = arith.constant 2 : i32
    %get3A_1843 = arith.index_cast %get3A_1842 : i32 to index
    %get3A_1844 = arith.constant 64 : index
    %get3A_1845 = tpu.vector_load %arg7[%get3A_1843, %get3A_1844] {strides = array<i32>} : memref<3x512xi32, #tpu.memory_space<vmem>>, vector<1x16xi32>,
    %get3A_1846 = vector.shape_cast %get3A_1845 : vector<1x16xi32> to vector<16xi32>
    %ge3A_1847 = arith.constant 57344 : i32
    %ge3A_1848 = vector.broadcast %ge3A_1847 : i32 to vector<16xi32>
    %ge3A_1849 = arith.cmpi sge, %get3A_1846, %ge3A_1848 : vector<16xi32>
    %sub3A_1850 = arith.constant 57344 : i32
    %sub3A_1851 = vector.broadcast %sub3A_1850 : i32 to vector<16xi32>
    %sub3A_1852 = arith.subi %get3A_1846, %sub3A_1851 : vector<16xi32>
    %mul3A_1853 = arith.constant 2 : i32
    %mul3A_1854 = vector.broadcast %mul3A_1853 : i32 to vector<16xi32>
    %mul3A_1855 = arith.muli %mul3A_1854, %sub3A_1852 : vector<16xi32>
    %add3A_1856 = arith.constant 1 : i32
    %add3A_1857 = vector.broadcast %add3A_1856 : i32 to vector<16xi32>
    %add3A_1858 = arith.addi %mul3A_1855, %add3A_1857 : vector<16xi32>
    %mul3A_1859 = arith.constant 2 : i32
    %mul3A_1860 = vector.broadcast %mul3A_1859 : i32 to vector<16xi32>
    %mul3A_1861 = arith.muli %mul3A_1860, %get3A_1846 : vector<16xi32>
    %select_n3A_1862 = arith.select %ge3A_1849, %add3A_1858, %mul3A_1861 : vector<16xi1>, vector<16xi32>
    %swap3A_1863 = arith.constant 2 : i32
    %swap3A_1864 = arith.index_cast %swap3A_1863 : i32 to index
    %swap3A_1865 = arith.constant 64 : index
    %swap3A_1866 = tpu.vector_load %arg8[%swap3A_1864, %swap3A_1865] {strides = array<i32>} : memref<3x512xi32, #tpu.memory_space<vmem>>, vector<1x16xi32>,
    %swap3A_1867 = vector.shape_cast %swap3A_1866 : vector<1x16xi32> to vector<16xi32>
    %swap3A_1868 = vector.shape_cast %select_n3A_1862 : vector<16xi32> to vector<1x16xi32>
    tpu.vector_store %arg8[%swap3A_1864, %swap3A_1865], %swap3A_1868 {strides = array<i32>} : memref<3x512xi32, #tpu.memory_space<vmem>>, vector<1x16xi32>,
    %get3A_1869 = arith.constant 2 : i32
    %get3A_1870 = arith.index_cast %get3A_1869 : i32 to index
    %get3A_1871 = arith.constant 80 : index
    %get3A_1872 = tpu.vector_load %arg7[%get3A_1870, %get3A_1871] {strides = array<i32>} : memref<3x512xi32, #tpu.memory_space<vmem>>, vector<1x16xi32>,
    %get3A_1873 = vector.shape_cast %get3A_1872 : vector<1x16xi32> to vector<16xi32>
    %ge3A_1874 = arith.constant 57344 : i32
    %ge3A_1875 = vector.broadcast %ge3A_1874 : i32 to vector<16xi32>
    %ge3A_1876 = arith.cmpi sge, %get3A_1873, %ge3A_1875 : vector<16xi32>
    %sub3A_1877 = arith.constant 57344 : i32
    %sub3A_1878 = vector.broadcast %sub3A_1877 : i32 to vector<16xi32>
    %sub3A_1879 = arith.subi %get3A_1873, %sub3A_1878 : vector<16xi32>
    %mul3A_1880 = arith.constant 2 : i32
    %mul3A_1881 = vector.broadcast %mul3A_1880 : i32 to vector<16xi32>
    %mul3A_1882 = arith.muli %mul3A_1881, %sub3A_1879 : vector<16xi32>
    %add3A_1883 = arith.constant 1 : i32
    %add3A_1884 = vector.broadcast %add3A_1883 : i32 to vector<16xi32>
    %add3A_1885 = arith.addi %mul3A_1882, %add3A_1884 : vector<16xi32>
    %mul3A_1886 = arith.constant 2 : i32
    %mul3A_1887 = vector.broadcast %mul3A_1886 : i32 to vector<16xi32>
    %mul3A_1888 = arith.muli %mul3A_1887, %get3A_1873 : vector<16xi32>
    %select_n3A_1889 = arith.select %ge3A_1876, %add3A_1885, %mul3A_1888 : vector<16xi1>, vector<16xi32>
    %swap3A_1890 = arith.constant 2 : i32
    %swap3A_1891 = arith.index_cast %swap3A_1890 : i32 to index
    %swap3A_1892 = arith.constant 80 : index
    %swap3A_1893 = tpu.vector_load %arg8[%swap3A_1891, %swap3A_1892] {strides = array<i32>} : memref<3x512xi32, #tpu.memory_space<vmem>>, vector<1x16xi32>,
    %swap3A_1894 = vector.shape_cast %swap3A_1893 : vector<1x16xi32> to vector<16xi32>
    %swap3A_1895 = vector.shape_cast %select_n3A_1889 : vector<16xi32> to vector<1x16xi32>
    tpu.vector_store %arg8[%swap3A_1891, %swap3A_1892], %swap3A_1895 {strides = array<i32>} : memref<3x512xi32, #tpu.memory_space<vmem>>, vector<1x16xi32>,
    %get3A_1896 = arith.constant 2 : i32
    %get3A_1897 = arith.index_cast %get3A_1896 : i32 to index
    %get3A_1898 = arith.constant 96 : index
    %get3A_1899 = tpu.vector_load %arg7[%get3A_1897, %get3A_1898] {strides = array<i32>} : memref<3x512xi32, #tpu.memory_space<vmem>>, vector<1x16xi32>,
    %get3A_1900 = vector.shape_cast %get3A_1899 : vector<1x16xi32> to vector<16xi32>
    %ge3A_1901 = arith.constant 57344 : i32
    %ge3A_1902 = vector.broadcast %ge3A_1901 : i32 to vector<16xi32>
    %ge3A_1903 = arith.cmpi sge, %get3A_1900, %ge3A_1902 : vector<16xi32>
    %sub3A_1904 = arith.constant 57344 : i32
    %sub3A_1905 = vector.broadcast %sub3A_1904 : i32 to vector<16xi32>
    %sub3A_1906 = arith.subi %get3A_1900, %sub3A_1905 : vector<16xi32>
    %mul3A_1907 = arith.constant 2 : i32
    %mul3A_1908 = vector.broadcast %mul3A_1907 : i32 to vector<16xi32>
    %mul3A_1909 = arith.muli %mul3A_1908, %sub3A_1906 : vector<16xi32>
    %add3A_1910 = arith.constant 1 : i32
    %add3A_1911 = vector.broadcast %add3A_1910 : i32 to vector<16xi32>
    %add3A_1912 = arith.addi %mul3A_1909, %add3A_1911 : vector<16xi32>
    %mul3A_1913 = arith.constant 2 : i32
    %mul3A_1914 = vector.broadcast %mul3A_1913 : i32 to vector<16xi32>
    %mul3A_1915 = arith.muli %mul3A_1914, %get3A_1900 : vector<16xi32>
    %select_n3A_1916 = arith.select %ge3A_1903, %add3A_1912, %mul3A_1915 : vector<16xi1>, vector<16xi32>
    %swap3A_1917 = arith.constant 2 : i32
    %swap3A_1918 = arith.index_cast %swap3A_1917 : i32 to index
    %swap3A_1919 = arith.constant 96 : index
    %swap3A_1920 = tpu.vector_load %arg8[%swap3A_1918, %swap3A_1919] {strides = array<i32>} : memref<3x512xi32, #tpu.memory_space<vmem>>, vector<1x16xi32>,
    %swap3A_1921 = vector.shape_cast %swap3A_1920 : vector<1x16xi32> to vector<16xi32>
    %swap3A_1922 = vector.shape_cast %select_n3A_1916 : vector<16xi32> to vector<1x16xi32>
    tpu.vector_store %arg8[%swap3A_1918, %swap3A_1919], %swap3A_1922 {strides = array<i32>} : memref<3x512xi32, #tpu.memory_space<vmem>>, vector<1x16xi32>,
    %get3A_1923 = arith.constant 2 : i32
    %get3A_1924 = arith.index_cast %get3A_1923 : i32 to index
    %get3A_1925 = arith.constant 112 : index
    %get3A_1926 = tpu.vector_load %arg7[%get3A_1924, %get3A_1925] {strides = array<i32>} : memref<3x512xi32, #tpu.memory_space<vmem>>, vector<1x16xi32>,
    %get3A_1927 = vector.shape_cast %get3A_1926 : vector<1x16xi32> to vector<16xi32>
    %ge3A_1928 = arith.constant 57344 : i32
    %ge3A_1929 = vector.broadcast %ge3A_1928 : i32 to vector<16xi32>
    %ge3A_1930 = arith.cmpi sge, %get3A_1927, %ge3A_1929 : vector<16xi32>
    %sub3A_1931 = arith.constant 57344 : i32
    %sub3A_1932 = vector.broadcast %sub3A_1931 : i32 to vector<16xi32>
    %sub3A_1933 = arith.subi %get3A_1927, %sub3A_1932 : vector<16xi32>
    %mul3A_1934 = arith.constant 2 : i32
    %mul3A_1935 = vector.broadcast %mul3A_1934 : i32 to vector<16xi32>
    %mul3A_1936 = arith.muli %mul3A_1935, %sub3A_1933 : vector<16xi32>
    %add3A_1937 = arith.constant 1 : i32
    %add3A_1938 = vector.broadcast %add3A_1937 : i32 to vector<16xi32>
    %add3A_1939 = arith.addi %mul3A_1936, %add3A_1938 : vector<16xi32>
    %mul3A_1940 = arith.constant 2 : i32
    %mul3A_1941 = vector.broadcast %mul3A_1940 : i32 to vector<16xi32>
    %mul3A_1942 = arith.muli %mul3A_1941, %get3A_1927 : vector<16xi32>
    %select_n3A_1943 = arith.select %ge3A_1930, %add3A_1939, %mul3A_1942 : vector<16xi1>, vector<16xi32>
    %swap3A_1944 = arith.constant 2 : i32
    %swap3A_1945 = arith.index_cast %swap3A_1944 : i32 to index
    %swap3A_1946 = arith.constant 112 : index
    %swap3A_1947 = tpu.vector_load %arg8[%swap3A_1945, %swap3A_1946] {strides = array<i32>} : memref<3x512xi32, #tpu.memory_space<vmem>>, vector<1x16xi32>,
    %swap3A_1948 = vector.shape_cast %swap3A_1947 : vector<1x16xi32> to vector<16xi32>
    %swap3A_1949 = vector.shape_cast %select_n3A_1943 : vector<16xi32> to vector<1x16xi32>
    tpu.vector_store %arg8[%swap3A_1945, %swap3A_1946], %swap3A_1949 {strides = array<i32>} : memref<3x512xi32, #tpu.memory_space<vmem>>, vector<1x16xi32>,
    %get3A_1950 = arith.constant 2 : i32
    %get3A_1951 = arith.index_cast %get3A_1950 : i32 to index
    %get3A_1952 = arith.constant 128 : index
    %get3A_1953 = tpu.vector_load %arg7[%get3A_1951, %get3A_1952] {strides = array<i32>} : memref<3x512xi32, #tpu.memory_space<vmem>>, vector<1x16xi32>,
    %get3A_1954 = vector.shape_cast %get3A_1953 : vector<1x16xi32> to vector<16xi32>
    %ge3A_1955 = arith.constant 57344 : i32
    %ge3A_1956 = vector.broadcast %ge3A_1955 : i32 to vector<16xi32>
    %ge3A_1957 = arith.cmpi sge, %get3A_1954, %ge3A_1956 : vector<16xi32>
    %sub3A_1958 = arith.constant 57344 : i32
    %sub3A_1959 = vector.broadcast %sub3A_1958 : i32 to vector<16xi32>
    %sub3A_1960 = arith.subi %get3A_1954, %sub3A_1959 : vector<16xi32>
    %mul3A_1961 = arith.constant 2 : i32
    %mul3A_1962 = vector.broadcast %mul3A_1961 : i32 to vector<16xi32>
    %mul3A_1963 = arith.muli %mul3A_1962, %sub3A_1960 : vector<16xi32>
    %add3A_1964 = arith.constant 1 : i32
    %add3A_1965 = vector.broadcast %add3A_1964 : i32 to vector<16xi32>
    %add3A_1966 = arith.addi %mul3A_1963, %add3A_1965 : vector<16xi32>
    %mul3A_1967 = arith.constant 2 : i32
    %mul3A_1968 = vector.broadcast %mul3A_1967 : i32 to vector<16xi32>
    %mul3A_1969 = arith.muli %mul3A_1968, %get3A_1954 : vector<16xi32>
    %select_n3A_1970 = arith.select %ge3A_1957, %add3A_1966, %mul3A_1969 : vector<16xi1>, vector<16xi32>
    %swap3A_1971 = arith.constant 2 : i32
    %swap3A_1972 = arith.index_cast %swap3A_1971 : i32 to index
    %swap3A_1973 = arith.constant 128 : index
    %swap3A_1974 = tpu.vector_load %arg8[%swap3A_1972, %swap3A_1973] {strides = array<i32>} : memref<3x512xi32, #tpu.memory_space<vmem>>, vector<1x16xi32>,
    %swap3A_1975 = vector.shape_cast %swap3A_1974 : vector<1x16xi32> to vector<16xi32>
    %swap3A_1976 = vector.shape_cast %select_n3A_1970 : vector<16xi32> to vector<1x16xi32>
    tpu.vector_store %arg8[%swap3A_1972, %swap3A_1973], %swap3A_1976 {strides = array<i32>} : memref<3x512xi32, #tpu.memory_space<vmem>>, vector<1x16xi32>,
    %get3A_1977 = arith.constant 2 : i32
    %get3A_1978 = arith.index_cast %get3A_1977 : i32 to index
    %get3A_1979 = arith.constant 144 : index
    %get3A_1980 = tpu.vector_load %arg7[%get3A_1978, %get3A_1979] {strides = array<i32>} : memref<3x512xi32, #tpu.memory_space<vmem>>, vector<1x16xi32>,
    %get3A_1981 = vector.shape_cast %get3A_1980 : vector<1x16xi32> to vector<16xi32>
    %ge3A_1982 = arith.constant 57344 : i32
    %ge3A_1983 = vector.broadcast %ge3A_1982 : i32 to vector<16xi32>
    %ge3A_1984 = arith.cmpi sge, %get3A_1981, %ge3A_1983 : vector<16xi32>
    %sub3A_1985 = arith.constant 57344 : i32
    %sub3A_1986 = vector.broadcast %sub3A_1985 : i32 to vector<16xi32>
    %sub3A_1987 = arith.subi %get3A_1981, %sub3A_1986 : vector<16xi32>
    %mul3A_1988 = arith.constant 2 : i32
    %mul3A_1989 = vector.broadcast %mul3A_1988 : i32 to vector<16xi32>
    %mul3A_1990 = arith.muli %mul3A_1989, %sub3A_1987 : vector<16xi32>
    %add3A_1991 = arith.constant 1 : i32
    %add3A_1992 = vector.broadcast %add3A_1991 : i32 to vector<16xi32>
    %add3A_1993 = arith.addi %mul3A_1990, %add3A_1992 : vector<16xi32>
    %mul3A_1994 = arith.constant 2 : i32
    %mul3A_1995 = vector.broadcast %mul3A_1994 : i32 to vector<16xi32>
    %mul3A_1996 = arith.muli %mul3A_1995, %get3A_1981 : vector<16xi32>
    %select_n3A_1997 = arith.select %ge3A_1984, %add3A_1993, %mul3A_1996 : vector<16xi1>, vector<16xi32>
    %swap3A_1998 = arith.constant 2 : i32
    %swap3A_1999 = arith.index_cast %swap3A_1998 : i32 to index
    %swap3A_2000 = arith.constant 144 : index
    %swap3A_2001 = tpu.vector_load %arg8[%swap3A_1999, %swap3A_2000] {strides = array<i32>} : memref<3x512xi32, #tpu.memory_space<vmem>>, vector<1x16xi32>,
    %swap3A_2002 = vector.shape_cast %swap3A_2001 : vector<1x16xi32> to vector<16xi32>
    %swap3A_2003 = vector.shape_cast %select_n3A_1997 : vector<16xi32> to vector<1x16xi32>
    tpu.vector_store %arg8[%swap3A_1999, %swap3A_2000], %swap3A_2003 {strides = array<i32>} : memref<3x512xi32, #tpu.memory_space<vmem>>, vector<1x16xi32>,
    %get3A_2004 = arith.constant 2 : i32
    %get3A_2005 = arith.index_cast %get3A_2004 : i32 to index
    %get3A_2006 = arith.constant 160 : index
    %get3A_2007 = tpu.vector_load %arg7[%get3A_2005, %get3A_2006] {strides = array<i32>} : memref<3x512xi32, #tpu.memory_space<vmem>>, vector<1x16xi32>,
    %get3A_2008 = vector.shape_cast %get3A_2007 : vector<1x16xi32> to vector<16xi32>
    %ge3A_2009 = arith.constant 57344 : i32
    %ge3A_2010 = vector.broadcast %ge3A_2009 : i32 to vector<16xi32>
    %ge3A_2011 = arith.cmpi sge, %get3A_2008, %ge3A_2010 : vector<16xi32>
    %sub3A_2012 = arith.constant 57344 : i32
    %sub3A_2013 = vector.broadcast %sub3A_2012 : i32 to vector<16xi32>
    %sub3A_2014 = arith.subi %get3A_2008, %sub3A_2013 : vector<16xi32>
    %mul3A_2015 = arith.constant 2 : i32
    %mul3A_2016 = vector.broadcast %mul3A_2015 : i32 to vector<16xi32>
    %mul3A_2017 = arith.muli %mul3A_2016, %sub3A_2014 : vector<16xi32>
    %add3A_2018 = arith.constant 1 : i32
    %add3A_2019 = vector.broadcast %add3A_2018 : i32 to vector<16xi32>
    %add3A_2020 = arith.addi %mul3A_2017, %add3A_2019 : vector<16xi32>
    %mul3A_2021 = arith.constant 2 : i32
    %mul3A_2022 = vector.broadcast %mul3A_2021 : i32 to vector<16xi32>
    %mul3A_2023 = arith.muli %mul3A_2022, %get3A_2008 : vector<16xi32>
    %select_n3A_2024 = arith.select %ge3A_2011, %add3A_2020, %mul3A_2023 : vector<16xi1>, vector<16xi32>
    %swap3A_2025 = arith.constant 2 : i32
    %swap3A_2026 = arith.index_cast %swap3A_2025 : i32 to index
    %swap3A_2027 = arith.constant 160 : index
    %swap3A_2028 = tpu.vector_load %arg8[%swap3A_2026, %swap3A_2027] {strides = array<i32>} : memref<3x512xi32, #tpu.memory_space<vmem>>, vector<1x16xi32>,
    %swap3A_2029 = vector.shape_cast %swap3A_2028 : vector<1x16xi32> to vector<16xi32>
    %swap3A_2030 = vector.shape_cast %select_n3A_2024 : vector<16xi32> to vector<1x16xi32>
    tpu.vector_store %arg8[%swap3A_2026, %swap3A_2027], %swap3A_2030 {strides = array<i32>} : memref<3x512xi32, #tpu.memory_space<vmem>>, vector<1x16xi32>,
    %get3A_2031 = arith.constant 2 : i32
    %get3A_2032 = arith.index_cast %get3A_2031 : i32 to index
    %get3A_2033 = arith.constant 176 : index
    %get3A_2034 = tpu.vector_load %arg7[%get3A_2032, %get3A_2033] {strides = array<i32>} : memref<3x512xi32, #tpu.memory_space<vmem>>, vector<1x16xi32>,
    %get3A_2035 = vector.shape_cast %get3A_2034 : vector<1x16xi32> to vector<16xi32>
    %ge3A_2036 = arith.constant 57344 : i32
    %ge3A_2037 = vector.broadcast %ge3A_2036 : i32 to vector<16xi32>
    %ge3A_2038 = arith.cmpi sge, %get3A_2035, %ge3A_2037 : vector<16xi32>
    %sub3A_2039 = arith.constant 57344 : i32
    %sub3A_2040 = vector.broadcast %sub3A_2039 : i32 to vector<16xi32>
    %sub3A_2041 = arith.subi %get3A_2035, %sub3A_2040 : vector<16xi32>
    %mul3A_2042 = arith.constant 2 : i32
    %mul3A_2043 = vector.broadcast %mul3A_2042 : i32 to vector<16xi32>
    %mul3A_2044 = arith.muli %mul3A_2043, %sub3A_2041 : vector<16xi32>
    %add3A_2045 = arith.constant 1 : i32
    %add3A_2046 = vector.broadcast %add3A_2045 : i32 to vector<16xi32>
    %add3A_2047 = arith.addi %mul3A_2044, %add3A_2046 : vector<16xi32>
    %mul3A_2048 = arith.constant 2 : i32
    %mul3A_2049 = vector.broadcast %mul3A_2048 : i32 to vector<16xi32>
    %mul3A_2050 = arith.muli %mul3A_2049, %get3A_2035 : vector<16xi32>
    %select_n3A_2051 = arith.select %ge3A_2038, %add3A_2047, %mul3A_2050 : vector<16xi1>, vector<16xi32>
    %swap3A_2052 = arith.constant 2 : i32
    %swap3A_2053 = arith.index_cast %swap3A_2052 : i32 to index
    %swap3A_2054 = arith.constant 176 : index
    %swap3A_2055 = tpu.vector_load %arg8[%swap3A_2053, %swap3A_2054] {strides = array<i32>} : memref<3x512xi32, #tpu.memory_space<vmem>>, vector<1x16xi32>,
    %swap3A_2056 = vector.shape_cast %swap3A_2055 : vector<1x16xi32> to vector<16xi32>
    %swap3A_2057 = vector.shape_cast %select_n3A_2051 : vector<16xi32> to vector<1x16xi32>
    tpu.vector_store %arg8[%swap3A_2053, %swap3A_2054], %swap3A_2057 {strides = array<i32>} : memref<3x512xi32, #tpu.memory_space<vmem>>, vector<1x16xi32>,
    %get3A_2058 = arith.constant 2 : i32
    %get3A_2059 = arith.index_cast %get3A_2058 : i32 to index
    %get3A_2060 = arith.constant 192 : index
    %get3A_2061 = tpu.vector_load %arg7[%get3A_2059, %get3A_2060] {strides = array<i32>} : memref<3x512xi32, #tpu.memory_space<vmem>>, vector<1x16xi32>,
    %get3A_2062 = vector.shape_cast %get3A_2061 : vector<1x16xi32> to vector<16xi32>
    %ge3A_2063 = arith.constant 57344 : i32
    %ge3A_2064 = vector.broadcast %ge3A_2063 : i32 to vector<16xi32>
    %ge3A_2065 = arith.cmpi sge, %get3A_2062, %ge3A_2064 : vector<16xi32>
    %sub3A_2066 = arith.constant 57344 : i32
    %sub3A_2067 = vector.broadcast %sub3A_2066 : i32 to vector<16xi32>
    %sub3A_2068 = arith.subi %get3A_2062, %sub3A_2067 : vector<16xi32>
    %mul3A_2069 = arith.constant 2 : i32
    %mul3A_2070 = vector.broadcast %mul3A_2069 : i32 to vector<16xi32>
    %mul3A_2071 = arith.muli %mul3A_2070, %sub3A_2068 : vector<16xi32>
    %add3A_2072 = arith.constant 1 : i32
    %add3A_2073 = vector.broadcast %add3A_2072 : i32 to vector<16xi32>
    %add3A_2074 = arith.addi %mul3A_2071, %add3A_2073 : vector<16xi32>
    %mul3A_2075 = arith.constant 2 : i32
    %mul3A_2076 = vector.broadcast %mul3A_2075 : i32 to vector<16xi32>
    %mul3A_2077 = arith.muli %mul3A_2076, %get3A_2062 : vector<16xi32>
    %select_n3A_2078 = arith.select %ge3A_2065, %add3A_2074, %mul3A_2077 : vector<16xi1>, vector<16xi32>
    %swap3A_2079 = arith.constant 2 : i32
    %swap3A_2080 = arith.index_cast %swap3A_2079 : i32 to index
    %swap3A_2081 = arith.constant 192 : index
    %swap3A_2082 = tpu.vector_load %arg8[%swap3A_2080, %swap3A_2081] {strides = array<i32>} : memref<3x512xi32, #tpu.memory_space<vmem>>, vector<1x16xi32>,
    %swap3A_2083 = vector.shape_cast %swap3A_2082 : vector<1x16xi32> to vector<16xi32>
    %swap3A_2084 = vector.shape_cast %select_n3A_2078 : vector<16xi32> to vector<1x16xi32>
    tpu.vector_store %arg8[%swap3A_2080, %swap3A_2081], %swap3A_2084 {strides = array<i32>} : memref<3x512xi32, #tpu.memory_space<vmem>>, vector<1x16xi32>,
    %get3A_2085 = arith.constant 2 : i32
    %get3A_2086 = arith.index_cast %get3A_2085 : i32 to index
    %get3A_2087 = arith.constant 208 : index
    %get3A_2088 = tpu.vector_load %arg7[%get3A_2086, %get3A_2087] {strides = array<i32>} : memref<3x512xi32, #tpu.memory_space<vmem>>, vector<1x16xi32>,
    %get3A_2089 = vector.shape_cast %get3A_2088 : vector<1x16xi32> to vector<16xi32>
    %ge3A_2090 = arith.constant 57344 : i32
    %ge3A_2091 = vector.broadcast %ge3A_2090 : i32 to vector<16xi32>
    %ge3A_2092 = arith.cmpi sge, %get3A_2089, %ge3A_2091 : vector<16xi32>
    %sub3A_2093 = arith.constant 57344 : i32
    %sub3A_2094 = vector.broadcast %sub3A_2093 : i32 to vector<16xi32>
    %sub3A_2095 = arith.subi %get3A_2089, %sub3A_2094 : vector<16xi32>
    %mul3A_2096 = arith.constant 2 : i32
    %mul3A_2097 = vector.broadcast %mul3A_2096 : i32 to vector<16xi32>
    %mul3A_2098 = arith.muli %mul3A_2097, %sub3A_2095 : vector<16xi32>
    %add3A_2099 = arith.constant 1 : i32
    %add3A_2100 = vector.broadcast %add3A_2099 : i32 to vector<16xi32>
    %add3A_2101 = arith.addi %mul3A_2098, %add3A_2100 : vector<16xi32>
    %mul3A_2102 = arith.constant 2 : i32
    %mul3A_2103 = vector.broadcast %mul3A_2102 : i32 to vector<16xi32>
    %mul3A_2104 = arith.muli %mul3A_2103, %get3A_2089 : vector<16xi32>
    %select_n3A_2105 = arith.select %ge3A_2092, %add3A_2101, %mul3A_2104 : vector<16xi1>, vector<16xi32>
    %swap3A_2106 = arith.constant 2 : i32
    %swap3A_2107 = arith.index_cast %swap3A_2106 : i32 to index
    %swap3A_2108 = arith.constant 208 : index
    %swap3A_2109 = tpu.vector_load %arg8[%swap3A_2107, %swap3A_2108] {strides = array<i32>} : memref<3x512xi32, #tpu.memory_space<vmem>>, vector<1x16xi32>,
    %swap3A_2110 = vector.shape_cast %swap3A_2109 : vector<1x16xi32> to vector<16xi32>
    %swap3A_2111 = vector.shape_cast %select_n3A_2105 : vector<16xi32> to vector<1x16xi32>
    tpu.vector_store %arg8[%swap3A_2107, %swap3A_2108], %swap3A_2111 {strides = array<i32>} : memref<3x512xi32, #tpu.memory_space<vmem>>, vector<1x16xi32>,
    %get3A_2112 = arith.constant 2 : i32
    %get3A_2113 = arith.index_cast %get3A_2112 : i32 to index
    %get3A_2114 = arith.constant 224 : index
    %get3A_2115 = tpu.vector_load %arg7[%get3A_2113, %get3A_2114] {strides = array<i32>} : memref<3x512xi32, #tpu.memory_space<vmem>>, vector<1x16xi32>,
    %get3A_2116 = vector.shape_cast %get3A_2115 : vector<1x16xi32> to vector<16xi32>
    %ge3A_2117 = arith.constant 57344 : i32
    %ge3A_2118 = vector.broadcast %ge3A_2117 : i32 to vector<16xi32>
    %ge3A_2119 = arith.cmpi sge, %get3A_2116, %ge3A_2118 : vector<16xi32>
    %sub3A_2120 = arith.constant 57344 : i32
    %sub3A_2121 = vector.broadcast %sub3A_2120 : i32 to vector<16xi32>
    %sub3A_2122 = arith.subi %get3A_2116, %sub3A_2121 : vector<16xi32>
    %mul3A_2123 = arith.constant 2 : i32
    %mul3A_2124 = vector.broadcast %mul3A_2123 : i32 to vector<16xi32>
    %mul3A_2125 = arith.muli %mul3A_2124, %sub3A_2122 : vector<16xi32>
    %add3A_2126 = arith.constant 1 : i32
    %add3A_2127 = vector.broadcast %add3A_2126 : i32 to vector<16xi32>
    %add3A_2128 = arith.addi %mul3A_2125, %add3A_2127 : vector<16xi32>
    %mul3A_2129 = arith.constant 2 : i32
    %mul3A_2130 = vector.broadcast %mul3A_2129 : i32 to vector<16xi32>
    %mul3A_2131 = arith.muli %mul3A_2130, %get3A_2116 : vector<16xi32>
    %select_n3A_2132 = arith.select %ge3A_2119, %add3A_2128, %mul3A_2131 : vector<16xi1>, vector<16xi32>
    %swap3A_2133 = arith.constant 2 : i32
    %swap3A_2134 = arith.index_cast %swap3A_2133 : i32 to index
    %swap3A_2135 = arith.constant 224 : index
    %swap3A_2136 = tpu.vector_load %arg8[%swap3A_2134, %swap3A_2135] {strides = array<i32>} : memref<3x512xi32, #tpu.memory_space<vmem>>, vector<1x16xi32>,
    %swap3A_2137 = vector.shape_cast %swap3A_2136 : vector<1x16xi32> to vector<16xi32>
    %swap3A_2138 = vector.shape_cast %select_n3A_2132 : vector<16xi32> to vector<1x16xi32>
    tpu.vector_store %arg8[%swap3A_2134, %swap3A_2135], %swap3A_2138 {strides = array<i32>} : memref<3x512xi32, #tpu.memory_space<vmem>>, vector<1x16xi32>,
    %get3A_2139 = arith.constant 2 : i32
    %get3A_2140 = arith.index_cast %get3A_2139 : i32 to index
    %get3A_2141 = arith.constant 240 : index
    %get3A_2142 = tpu.vector_load %arg7[%get3A_2140, %get3A_2141] {strides = array<i32>} : memref<3x512xi32, #tpu.memory_space<vmem>>, vector<1x16xi32>,
    %get3A_2143 = vector.shape_cast %get3A_2142 : vector<1x16xi32> to vector<16xi32>
    %ge3A_2144 = arith.constant 57344 : i32
    %ge3A_2145 = vector.broadcast %ge3A_2144 : i32 to vector<16xi32>
    %ge3A_2146 = arith.cmpi sge, %get3A_2143, %ge3A_2145 : vector<16xi32>
    %sub3A_2147 = arith.constant 57344 : i32
    %sub3A_2148 = vector.broadcast %sub3A_2147 : i32 to vector<16xi32>
    %sub3A_2149 = arith.subi %get3A_2143, %sub3A_2148 : vector<16xi32>
    %mul3A_2150 = arith.constant 2 : i32
    %mul3A_2151 = vector.broadcast %mul3A_2150 : i32 to vector<16xi32>
    %mul3A_2152 = arith.muli %mul3A_2151, %sub3A_2149 : vector<16xi32>
    %add3A_2153 = arith.constant 1 : i32
    %add3A_2154 = vector.broadcast %add3A_2153 : i32 to vector<16xi32>
    %add3A_2155 = arith.addi %mul3A_2152, %add3A_2154 : vector<16xi32>
    %mul3A_2156 = arith.constant 2 : i32
    %mul3A_2157 = vector.broadcast %mul3A_2156 : i32 to vector<16xi32>
    %mul3A_2158 = arith.muli %mul3A_2157, %get3A_2143 : vector<16xi32>
    %select_n3A_2159 = arith.select %ge3A_2146, %add3A_2155, %mul3A_2158 : vector<16xi1>, vector<16xi32>
    %swap3A_2160 = arith.constant 2 : i32
    %swap3A_2161 = arith.index_cast %swap3A_2160 : i32 to index
    %swap3A_2162 = arith.constant 240 : index
    %swap3A_2163 = tpu.vector_load %arg8[%swap3A_2161, %swap3A_2162] {strides = array<i32>} : memref<3x512xi32, #tpu.memory_space<vmem>>, vector<1x16xi32>,
    %swap3A_2164 = vector.shape_cast %swap3A_2163 : vector<1x16xi32> to vector<16xi32>
    %swap3A_2165 = vector.shape_cast %select_n3A_2159 : vector<16xi32> to vector<1x16xi32>
    tpu.vector_store %arg8[%swap3A_2161, %swap3A_2162], %swap3A_2165 {strides = array<i32>} : memref<3x512xi32, #tpu.memory_space<vmem>>, vector<1x16xi32>,
    %get3A_2166 = arith.constant 2 : i32
    %get3A_2167 = arith.index_cast %get3A_2166 : i32 to index
    %get3A_2168 = arith.constant 256 : index
    %get3A_2169 = tpu.vector_load %arg7[%get3A_2167, %get3A_2168] {strides = array<i32>} : memref<3x512xi32, #tpu.memory_space<vmem>>, vector<1x16xi32>,
    %get3A_2170 = vector.shape_cast %get3A_2169 : vector<1x16xi32> to vector<16xi32>
    %ge3A_2171 = arith.constant 57344 : i32
    %ge3A_2172 = vector.broadcast %ge3A_2171 : i32 to vector<16xi32>
    %ge3A_2173 = arith.cmpi sge, %get3A_2170, %ge3A_2172 : vector<16xi32>
    %sub3A_2174 = arith.constant 57344 : i32
    %sub3A_2175 = vector.broadcast %sub3A_2174 : i32 to vector<16xi32>
    %sub3A_2176 = arith.subi %get3A_2170, %sub3A_2175 : vector<16xi32>
    %mul3A_2177 = arith.constant 2 : i32
    %mul3A_2178 = vector.broadcast %mul3A_2177 : i32 to vector<16xi32>
    %mul3A_2179 = arith.muli %mul3A_2178, %sub3A_2176 : vector<16xi32>
    %add3A_2180 = arith.constant 1 : i32
    %add3A_2181 = vector.broadcast %add3A_2180 : i32 to vector<16xi32>
    %add3A_2182 = arith.addi %mul3A_2179, %add3A_2181 : vector<16xi32>
    %mul3A_2183 = arith.constant 2 : i32
    %mul3A_2184 = vector.broadcast %mul3A_2183 : i32 to vector<16xi32>
    %mul3A_2185 = arith.muli %mul3A_2184, %get3A_2170 : vector<16xi32>
    %select_n3A_2186 = arith.select %ge3A_2173, %add3A_2182, %mul3A_2185 : vector<16xi1>, vector<16xi32>
    %swap3A_2187 = arith.constant 2 : i32
    %swap3A_2188 = arith.index_cast %swap3A_2187 : i32 to index
    %swap3A_2189 = arith.constant 256 : index
    %swap3A_2190 = tpu.vector_load %arg8[%swap3A_2188, %swap3A_2189] {strides = array<i32>} : memref<3x512xi32, #tpu.memory_space<vmem>>, vector<1x16xi32>,
    %swap3A_2191 = vector.shape_cast %swap3A_2190 : vector<1x16xi32> to vector<16xi32>
    %swap3A_2192 = vector.shape_cast %select_n3A_2186 : vector<16xi32> to vector<1x16xi32>
    tpu.vector_store %arg8[%swap3A_2188, %swap3A_2189], %swap3A_2192 {strides = array<i32>} : memref<3x512xi32, #tpu.memory_space<vmem>>, vector<1x16xi32>,
    %get3A_2193 = arith.constant 2 : i32
    %get3A_2194 = arith.index_cast %get3A_2193 : i32 to index
    %get3A_2195 = arith.constant 272 : index
    %get3A_2196 = tpu.vector_load %arg7[%get3A_2194, %get3A_2195] {strides = array<i32>} : memref<3x512xi32, #tpu.memory_space<vmem>>, vector<1x16xi32>,
    %get3A_2197 = vector.shape_cast %get3A_2196 : vector<1x16xi32> to vector<16xi32>
    %ge3A_2198 = arith.constant 57344 : i32
    %ge3A_2199 = vector.broadcast %ge3A_2198 : i32 to vector<16xi32>
    %ge3A_2200 = arith.cmpi sge, %get3A_2197, %ge3A_2199 : vector<16xi32>
    %sub3A_2201 = arith.constant 57344 : i32
    %sub3A_2202 = vector.broadcast %sub3A_2201 : i32 to vector<16xi32>
    %sub3A_2203 = arith.subi %get3A_2197, %sub3A_2202 : vector<16xi32>
    %mul3A_2204 = arith.constant 2 : i32
    %mul3A_2205 = vector.broadcast %mul3A_2204 : i32 to vector<16xi32>
    %mul3A_2206 = arith.muli %mul3A_2205, %sub3A_2203 : vector<16xi32>
    %add3A_2207 = arith.constant 1 : i32
    %add3A_2208 = vector.broadcast %add3A_2207 : i32 to vector<16xi32>
    %add3A_2209 = arith.addi %mul3A_2206, %add3A_2208 : vector<16xi32>
    %mul3A_2210 = arith.constant 2 : i32
    %mul3A_2211 = vector.broadcast %mul3A_2210 : i32 to vector<16xi32>
    %mul3A_2212 = arith.muli %mul3A_2211, %get3A_2197 : vector<16xi32>
    %select_n3A_2213 = arith.select %ge3A_2200, %add3A_2209, %mul3A_2212 : vector<16xi1>, vector<16xi32>
    %swap3A_2214 = arith.constant 2 : i32
    %swap3A_2215 = arith.index_cast %swap3A_2214 : i32 to index
    %swap3A_2216 = arith.constant 272 : index
    %swap3A_2217 = tpu.vector_load %arg8[%swap3A_2215, %swap3A_2216] {strides = array<i32>} : memref<3x512xi32, #tpu.memory_space<vmem>>, vector<1x16xi32>,
    %swap3A_2218 = vector.shape_cast %swap3A_2217 : vector<1x16xi32> to vector<16xi32>
    %swap3A_2219 = vector.shape_cast %select_n3A_2213 : vector<16xi32> to vector<1x16xi32>
    tpu.vector_store %arg8[%swap3A_2215, %swap3A_2216], %swap3A_2219 {strides = array<i32>} : memref<3x512xi32, #tpu.memory_space<vmem>>, vector<1x16xi32>,
    %get3A_2220 = arith.constant 2 : i32
    %get3A_2221 = arith.index_cast %get3A_2220 : i32 to index
    %get3A_2222 = arith.constant 288 : index
    %get3A_2223 = tpu.vector_load %arg7[%get3A_2221, %get3A_2222] {strides = array<i32>} : memref<3x512xi32, #tpu.memory_space<vmem>>, vector<1x16xi32>,
    %get3A_2224 = vector.shape_cast %get3A_2223 : vector<1x16xi32> to vector<16xi32>
    %ge3A_2225 = arith.constant 57344 : i32
    %ge3A_2226 = vector.broadcast %ge3A_2225 : i32 to vector<16xi32>
    %ge3A_2227 = arith.cmpi sge, %get3A_2224, %ge3A_2226 : vector<16xi32>
    %sub3A_2228 = arith.constant 57344 : i32
    %sub3A_2229 = vector.broadcast %sub3A_2228 : i32 to vector<16xi32>
    %sub3A_2230 = arith.subi %get3A_2224, %sub3A_2229 : vector<16xi32>
    %mul3A_2231 = arith.constant 2 : i32
    %mul3A_2232 = vector.broadcast %mul3A_2231 : i32 to vector<16xi32>
    %mul3A_2233 = arith.muli %mul3A_2232, %sub3A_2230 : vector<16xi32>
    %add3A_2234 = arith.constant 1 : i32
    %add3A_2235 = vector.broadcast %add3A_2234 : i32 to vector<16xi32>
    %add3A_2236 = arith.addi %mul3A_2233, %add3A_2235 : vector<16xi32>
    %mul3A_2237 = arith.constant 2 : i32
    %mul3A_2238 = vector.broadcast %mul3A_2237 : i32 to vector<16xi32>
    %mul3A_2239 = arith.muli %mul3A_2238, %get3A_2224 : vector<16xi32>
    %select_n3A_2240 = arith.select %ge3A_2227, %add3A_2236, %mul3A_2239 : vector<16xi1>, vector<16xi32>
    %swap3A_2241 = arith.constant 2 : i32
    %swap3A_2242 = arith.index_cast %swap3A_2241 : i32 to index
    %swap3A_2243 = arith.constant 288 : index
    %swap3A_2244 = tpu.vector_load %arg8[%swap3A_2242, %swap3A_2243] {strides = array<i32>} : memref<3x512xi32, #tpu.memory_space<vmem>>, vector<1x16xi32>,
    %swap3A_2245 = vector.shape_cast %swap3A_2244 : vector<1x16xi32> to vector<16xi32>
    %swap3A_2246 = vector.shape_cast %select_n3A_2240 : vector<16xi32> to vector<1x16xi32>
    tpu.vector_store %arg8[%swap3A_2242, %swap3A_2243], %swap3A_2246 {strides = array<i32>} : memref<3x512xi32, #tpu.memory_space<vmem>>, vector<1x16xi32>,
    %get3A_2247 = arith.constant 2 : i32
    %get3A_2248 = arith.index_cast %get3A_2247 : i32 to index
    %get3A_2249 = arith.constant 304 : index
    %get3A_2250 = tpu.vector_load %arg7[%get3A_2248, %get3A_2249] {strides = array<i32>} : memref<3x512xi32, #tpu.memory_space<vmem>>, vector<1x16xi32>,
    %get3A_2251 = vector.shape_cast %get3A_2250 : vector<1x16xi32> to vector<16xi32>
    %ge3A_2252 = arith.constant 57344 : i32
    %ge3A_2253 = vector.broadcast %ge3A_2252 : i32 to vector<16xi32>
    %ge3A_2254 = arith.cmpi sge, %get3A_2251, %ge3A_2253 : vector<16xi32>
    %sub3A_2255 = arith.constant 57344 : i32
    %sub3A_2256 = vector.broadcast %sub3A_2255 : i32 to vector<16xi32>
    %sub3A_2257 = arith.subi %get3A_2251, %sub3A_2256 : vector<16xi32>
    %mul3A_2258 = arith.constant 2 : i32
    %mul3A_2259 = vector.broadcast %mul3A_2258 : i32 to vector<16xi32>
    %mul3A_2260 = arith.muli %mul3A_2259, %sub3A_2257 : vector<16xi32>
    %add3A_2261 = arith.constant 1 : i32
    %add3A_2262 = vector.broadcast %add3A_2261 : i32 to vector<16xi32>
    %add3A_2263 = arith.addi %mul3A_2260, %add3A_2262 : vector<16xi32>
    %mul3A_2264 = arith.constant 2 : i32
    %mul3A_2265 = vector.broadcast %mul3A_2264 : i32 to vector<16xi32>
    %mul3A_2266 = arith.muli %mul3A_2265, %get3A_2251 : vector<16xi32>
    %select_n3A_2267 = arith.select %ge3A_2254, %add3A_2263, %mul3A_2266 : vector<16xi1>, vector<16xi32>
    %swap3A_2268 = arith.constant 2 : i32
    %swap3A_2269 = arith.index_cast %swap3A_2268 : i32 to index
    %swap3A_2270 = arith.constant 304 : index
    %swap3A_2271 = tpu.vector_load %arg8[%swap3A_2269, %swap3A_2270] {strides = array<i32>} : memref<3x512xi32, #tpu.memory_space<vmem>>, vector<1x16xi32>,
    %swap3A_2272 = vector.shape_cast %swap3A_2271 : vector<1x16xi32> to vector<16xi32>
    %swap3A_2273 = vector.shape_cast %select_n3A_2267 : vector<16xi32> to vector<1x16xi32>
    tpu.vector_store %arg8[%swap3A_2269, %swap3A_2270], %swap3A_2273 {strides = array<i32>} : memref<3x512xi32, #tpu.memory_space<vmem>>, vector<1x16xi32>,
    %get3A_2274 = arith.constant 2 : i32
    %get3A_2275 = arith.index_cast %get3A_2274 : i32 to index
    %get3A_2276 = arith.constant 320 : index
    %get3A_2277 = tpu.vector_load %arg7[%get3A_2275, %get3A_2276] {strides = array<i32>} : memref<3x512xi32, #tpu.memory_space<vmem>>, vector<1x16xi32>,
    %get3A_2278 = vector.shape_cast %get3A_2277 : vector<1x16xi32> to vector<16xi32>
    %ge3A_2279 = arith.constant 57344 : i32
    %ge3A_2280 = vector.broadcast %ge3A_2279 : i32 to vector<16xi32>
    %ge3A_2281 = arith.cmpi sge, %get3A_2278, %ge3A_2280 : vector<16xi32>
    %sub3A_2282 = arith.constant 57344 : i32
    %sub3A_2283 = vector.broadcast %sub3A_2282 : i32 to vector<16xi32>
    %sub3A_2284 = arith.subi %get3A_2278, %sub3A_2283 : vector<16xi32>
    %mul3A_2285 = arith.constant 2 : i32
    %mul3A_2286 = vector.broadcast %mul3A_2285 : i32 to vector<16xi32>
    %mul3A_2287 = arith.muli %mul3A_2286, %sub3A_2284 : vector<16xi32>
    %add3A_2288 = arith.constant 1 : i32
    %add3A_2289 = vector.broadcast %add3A_2288 : i32 to vector<16xi32>
    %add3A_2290 = arith.addi %mul3A_2287, %add3A_2289 : vector<16xi32>
    %mul3A_2291 = arith.constant 2 : i32
    %mul3A_2292 = vector.broadcast %mul3A_2291 : i32 to vector<16xi32>
    %mul3A_2293 = arith.muli %mul3A_2292, %get3A_2278 : vector<16xi32>
    %select_n3A_2294 = arith.select %ge3A_2281, %add3A_2290, %mul3A_2293 : vector<16xi1>, vector<16xi32>
    %swap3A_2295 = arith.constant 2 : i32
    %swap3A_2296 = arith.index_cast %swap3A_2295 : i32 to index
    %swap3A_2297 = arith.constant 320 : index
    %swap3A_2298 = tpu.vector_load %arg8[%swap3A_2296, %swap3A_2297] {strides = array<i32>} : memref<3x512xi32, #tpu.memory_space<vmem>>, vector<1x16xi32>,
    %swap3A_2299 = vector.shape_cast %swap3A_2298 : vector<1x16xi32> to vector<16xi32>
    %swap3A_2300 = vector.shape_cast %select_n3A_2294 : vector<16xi32> to vector<1x16xi32>
    tpu.vector_store %arg8[%swap3A_2296, %swap3A_2297], %swap3A_2300 {strides = array<i32>} : memref<3x512xi32, #tpu.memory_space<vmem>>, vector<1x16xi32>,
    %get3A_2301 = arith.constant 2 : i32
    %get3A_2302 = arith.index_cast %get3A_2301 : i32 to index
    %get3A_2303 = arith.constant 336 : index
    %get3A_2304 = tpu.vector_load %arg7[%get3A_2302, %get3A_2303] {strides = array<i32>} : memref<3x512xi32, #tpu.memory_space<vmem>>, vector<1x16xi32>,
    %get3A_2305 = vector.shape_cast %get3A_2304 : vector<1x16xi32> to vector<16xi32>
    %ge3A_2306 = arith.constant 57344 : i32
    %ge3A_2307 = vector.broadcast %ge3A_2306 : i32 to vector<16xi32>
    %ge3A_2308 = arith.cmpi sge, %get3A_2305, %ge3A_2307 : vector<16xi32>
    %sub3A_2309 = arith.constant 57344 : i32
    %sub3A_2310 = vector.broadcast %sub3A_2309 : i32 to vector<16xi32>
    %sub3A_2311 = arith.subi %get3A_2305, %sub3A_2310 : vector<16xi32>
    %mul3A_2312 = arith.constant 2 : i32
    %mul3A_2313 = vector.broadcast %mul3A_2312 : i32 to vector<16xi32>
    %mul3A_2314 = arith.muli %mul3A_2313, %sub3A_2311 : vector<16xi32>
    %add3A_2315 = arith.constant 1 : i32
    %add3A_2316 = vector.broadcast %add3A_2315 : i32 to vector<16xi32>
    %add3A_2317 = arith.addi %mul3A_2314, %add3A_2316 : vector<16xi32>
    %mul3A_2318 = arith.constant 2 : i32
    %mul3A_2319 = vector.broadcast %mul3A_2318 : i32 to vector<16xi32>
    %mul3A_2320 = arith.muli %mul3A_2319, %get3A_2305 : vector<16xi32>
    %select_n3A_2321 = arith.select %ge3A_2308, %add3A_2317, %mul3A_2320 : vector<16xi1>, vector<16xi32>
    %swap3A_2322 = arith.constant 2 : i32
    %swap3A_2323 = arith.index_cast %swap3A_2322 : i32 to index
    %swap3A_2324 = arith.constant 336 : index
    %swap3A_2325 = tpu.vector_load %arg8[%swap3A_2323, %swap3A_2324] {strides = array<i32>} : memref<3x512xi32, #tpu.memory_space<vmem>>, vector<1x16xi32>,
    %swap3A_2326 = vector.shape_cast %swap3A_2325 : vector<1x16xi32> to vector<16xi32>
    %swap3A_2327 = vector.shape_cast %select_n3A_2321 : vector<16xi32> to vector<1x16xi32>
    tpu.vector_store %arg8[%swap3A_2323, %swap3A_2324], %swap3A_2327 {strides = array<i32>} : memref<3x512xi32, #tpu.memory_space<vmem>>, vector<1x16xi32>,
    %get3A_2328 = arith.constant 2 : i32
    %get3A_2329 = arith.index_cast %get3A_2328 : i32 to index
    %get3A_2330 = arith.constant 352 : index
    %get3A_2331 = tpu.vector_load %arg7[%get3A_2329, %get3A_2330] {strides = array<i32>} : memref<3x512xi32, #tpu.memory_space<vmem>>, vector<1x16xi32>,
    %get3A_2332 = vector.shape_cast %get3A_2331 : vector<1x16xi32> to vector<16xi32>
    %ge3A_2333 = arith.constant 57344 : i32
    %ge3A_2334 = vector.broadcast %ge3A_2333 : i32 to vector<16xi32>
    %ge3A_2335 = arith.cmpi sge, %get3A_2332, %ge3A_2334 : vector<16xi32>
    %sub3A_2336 = arith.constant 57344 : i32
    %sub3A_2337 = vector.broadcast %sub3A_2336 : i32 to vector<16xi32>
    %sub3A_2338 = arith.subi %get3A_2332, %sub3A_2337 : vector<16xi32>
    %mul3A_2339 = arith.constant 2 : i32
    %mul3A_2340 = vector.broadcast %mul3A_2339 : i32 to vector<16xi32>
    %mul3A_2341 = arith.muli %mul3A_2340, %sub3A_2338 : vector<16xi32>
    %add3A_2342 = arith.constant 1 : i32
    %add3A_2343 = vector.broadcast %add3A_2342 : i32 to vector<16xi32>
    %add3A_2344 = arith.addi %mul3A_2341, %add3A_2343 : vector<16xi32>
    %mul3A_2345 = arith.constant 2 : i32
    %mul3A_2346 = vector.broadcast %mul3A_2345 : i32 to vector<16xi32>
    %mul3A_2347 = arith.muli %mul3A_2346, %get3A_2332 : vector<16xi32>
    %select_n3A_2348 = arith.select %ge3A_2335, %add3A_2344, %mul3A_2347 : vector<16xi1>, vector<16xi32>
    %swap3A_2349 = arith.constant 2 : i32
    %swap3A_2350 = arith.index_cast %swap3A_2349 : i32 to index
    %swap3A_2351 = arith.constant 352 : index
    %swap3A_2352 = tpu.vector_load %arg8[%swap3A_2350, %swap3A_2351] {strides = array<i32>} : memref<3x512xi32, #tpu.memory_space<vmem>>, vector<1x16xi32>,
    %swap3A_2353 = vector.shape_cast %swap3A_2352 : vector<1x16xi32> to vector<16xi32>
    %swap3A_2354 = vector.shape_cast %select_n3A_2348 : vector<16xi32> to vector<1x16xi32>
    tpu.vector_store %arg8[%swap3A_2350, %swap3A_2351], %swap3A_2354 {strides = array<i32>} : memref<3x512xi32, #tpu.memory_space<vmem>>, vector<1x16xi32>,
    %get3A_2355 = arith.constant 2 : i32
    %get3A_2356 = arith.index_cast %get3A_2355 : i32 to index
    %get3A_2357 = arith.constant 368 : index
    %get3A_2358 = tpu.vector_load %arg7[%get3A_2356, %get3A_2357] {strides = array<i32>} : memref<3x512xi32, #tpu.memory_space<vmem>>, vector<1x16xi32>,
    %get3A_2359 = vector.shape_cast %get3A_2358 : vector<1x16xi32> to vector<16xi32>
    %ge3A_2360 = arith.constant 57344 : i32
    %ge3A_2361 = vector.broadcast %ge3A_2360 : i32 to vector<16xi32>
    %ge3A_2362 = arith.cmpi sge, %get3A_2359, %ge3A_2361 : vector<16xi32>
    %sub3A_2363 = arith.constant 57344 : i32
    %sub3A_2364 = vector.broadcast %sub3A_2363 : i32 to vector<16xi32>
    %sub3A_2365 = arith.subi %get3A_2359, %sub3A_2364 : vector<16xi32>
    %mul3A_2366 = arith.constant 2 : i32
    %mul3A_2367 = vector.broadcast %mul3A_2366 : i32 to vector<16xi32>
    %mul3A_2368 = arith.muli %mul3A_2367, %sub3A_2365 : vector<16xi32>
    %add3A_2369 = arith.constant 1 : i32
    %add3A_2370 = vector.broadcast %add3A_2369 : i32 to vector<16xi32>
    %add3A_2371 = arith.addi %mul3A_2368, %add3A_2370 : vector<16xi32>
    %mul3A_2372 = arith.constant 2 : i32
    %mul3A_2373 = vector.broadcast %mul3A_2372 : i32 to vector<16xi32>
    %mul3A_2374 = arith.muli %mul3A_2373, %get3A_2359 : vector<16xi32>
    %select_n3A_2375 = arith.select %ge3A_2362, %add3A_2371, %mul3A_2374 : vector<16xi1>, vector<16xi32>
    %swap3A_2376 = arith.constant 2 : i32
    %swap3A_2377 = arith.index_cast %swap3A_2376 : i32 to index
    %swap3A_2378 = arith.constant 368 : index
    %swap3A_2379 = tpu.vector_load %arg8[%swap3A_2377, %swap3A_2378] {strides = array<i32>} : memref<3x512xi32, #tpu.memory_space<vmem>>, vector<1x16xi32>,
    %swap3A_2380 = vector.shape_cast %swap3A_2379 : vector<1x16xi32> to vector<16xi32>
    %swap3A_2381 = vector.shape_cast %select_n3A_2375 : vector<16xi32> to vector<1x16xi32>
    tpu.vector_store %arg8[%swap3A_2377, %swap3A_2378], %swap3A_2381 {strides = array<i32>} : memref<3x512xi32, #tpu.memory_space<vmem>>, vector<1x16xi32>,
    %get3A_2382 = arith.constant 2 : i32
    %get3A_2383 = arith.index_cast %get3A_2382 : i32 to index
    %get3A_2384 = arith.constant 384 : index
    %get3A_2385 = tpu.vector_load %arg7[%get3A_2383, %get3A_2384] {strides = array<i32>} : memref<3x512xi32, #tpu.memory_space<vmem>>, vector<1x16xi32>,
    %get3A_2386 = vector.shape_cast %get3A_2385 : vector<1x16xi32> to vector<16xi32>
    %ge3A_2387 = arith.constant 57344 : i32
    %ge3A_2388 = vector.broadcast %ge3A_2387 : i32 to vector<16xi32>
    %ge3A_2389 = arith.cmpi sge, %get3A_2386, %ge3A_2388 : vector<16xi32>
    %sub3A_2390 = arith.constant 57344 : i32
    %sub3A_2391 = vector.broadcast %sub3A_2390 : i32 to vector<16xi32>
    %sub3A_2392 = arith.subi %get3A_2386, %sub3A_2391 : vector<16xi32>
    %mul3A_2393 = arith.constant 2 : i32
    %mul3A_2394 = vector.broadcast %mul3A_2393 : i32 to vector<16xi32>
    %mul3A_2395 = arith.muli %mul3A_2394, %sub3A_2392 : vector<16xi32>
    %add3A_2396 = arith.constant 1 : i32
    %add3A_2397 = vector.broadcast %add3A_2396 : i32 to vector<16xi32>
    %add3A_2398 = arith.addi %mul3A_2395, %add3A_2397 : vector<16xi32>
    %mul3A_2399 = arith.constant 2 : i32
    %mul3A_2400 = vector.broadcast %mul3A_2399 : i32 to vector<16xi32>
    %mul3A_2401 = arith.muli %mul3A_2400, %get3A_2386 : vector<16xi32>
    %select_n3A_2402 = arith.select %ge3A_2389, %add3A_2398, %mul3A_2401 : vector<16xi1>, vector<16xi32>
    %swap3A_2403 = arith.constant 2 : i32
    %swap3A_2404 = arith.index_cast %swap3A_2403 : i32 to index
    %swap3A_2405 = arith.constant 384 : index
    %swap3A_2406 = tpu.vector_load %arg8[%swap3A_2404, %swap3A_2405] {strides = array<i32>} : memref<3x512xi32, #tpu.memory_space<vmem>>, vector<1x16xi32>,
    %swap3A_2407 = vector.shape_cast %swap3A_2406 : vector<1x16xi32> to vector<16xi32>
    %swap3A_2408 = vector.shape_cast %select_n3A_2402 : vector<16xi32> to vector<1x16xi32>
    tpu.vector_store %arg8[%swap3A_2404, %swap3A_2405], %swap3A_2408 {strides = array<i32>} : memref<3x512xi32, #tpu.memory_space<vmem>>, vector<1x16xi32>,
    %get3A_2409 = arith.constant 2 : i32
    %get3A_2410 = arith.index_cast %get3A_2409 : i32 to index
    %get3A_2411 = arith.constant 400 : index
    %get3A_2412 = tpu.vector_load %arg7[%get3A_2410, %get3A_2411] {strides = array<i32>} : memref<3x512xi32, #tpu.memory_space<vmem>>, vector<1x16xi32>,
    %get3A_2413 = vector.shape_cast %get3A_2412 : vector<1x16xi32> to vector<16xi32>
    %ge3A_2414 = arith.constant 57344 : i32
    %ge3A_2415 = vector.broadcast %ge3A_2414 : i32 to vector<16xi32>
    %ge3A_2416 = arith.cmpi sge, %get3A_2413, %ge3A_2415 : vector<16xi32>
    %sub3A_2417 = arith.constant 57344 : i32
    %sub3A_2418 = vector.broadcast %sub3A_2417 : i32 to vector<16xi32>
    %sub3A_2419 = arith.subi %get3A_2413, %sub3A_2418 : vector<16xi32>
    %mul3A_2420 = arith.constant 2 : i32
    %mul3A_2421 = vector.broadcast %mul3A_2420 : i32 to vector<16xi32>
    %mul3A_2422 = arith.muli %mul3A_2421, %sub3A_2419 : vector<16xi32>
    %add3A_2423 = arith.constant 1 : i32
    %add3A_2424 = vector.broadcast %add3A_2423 : i32 to vector<16xi32>
    %add3A_2425 = arith.addi %mul3A_2422, %add3A_2424 : vector<16xi32>
    %mul3A_2426 = arith.constant 2 : i32
    %mul3A_2427 = vector.broadcast %mul3A_2426 : i32 to vector<16xi32>
    %mul3A_2428 = arith.muli %mul3A_2427, %get3A_2413 : vector<16xi32>
    %select_n3A_2429 = arith.select %ge3A_2416, %add3A_2425, %mul3A_2428 : vector<16xi1>, vector<16xi32>
    %swap3A_2430 = arith.constant 2 : i32
    %swap3A_2431 = arith.index_cast %swap3A_2430 : i32 to index
    %swap3A_2432 = arith.constant 400 : index
    %swap3A_2433 = tpu.vector_load %arg8[%swap3A_2431, %swap3A_2432] {strides = array<i32>} : memref<3x512xi32, #tpu.memory_space<vmem>>, vector<1x16xi32>,
    %swap3A_2434 = vector.shape_cast %swap3A_2433 : vector<1x16xi32> to vector<16xi32>
    %swap3A_2435 = vector.shape_cast %select_n3A_2429 : vector<16xi32> to vector<1x16xi32>
    tpu.vector_store %arg8[%swap3A_2431, %swap3A_2432], %swap3A_2435 {strides = array<i32>} : memref<3x512xi32, #tpu.memory_space<vmem>>, vector<1x16xi32>,
    %get3A_2436 = arith.constant 2 : i32
    %get3A_2437 = arith.index_cast %get3A_2436 : i32 to index
    %get3A_2438 = arith.constant 416 : index
    %get3A_2439 = tpu.vector_load %arg7[%get3A_2437, %get3A_2438] {strides = array<i32>} : memref<3x512xi32, #tpu.memory_space<vmem>>, vector<1x16xi32>,
    %get3A_2440 = vector.shape_cast %get3A_2439 : vector<1x16xi32> to vector<16xi32>
    %ge3A_2441 = arith.constant 57344 : i32
    %ge3A_2442 = vector.broadcast %ge3A_2441 : i32 to vector<16xi32>
    %ge3A_2443 = arith.cmpi sge, %get3A_2440, %ge3A_2442 : vector<16xi32>
    %sub3A_2444 = arith.constant 57344 : i32
    %sub3A_2445 = vector.broadcast %sub3A_2444 : i32 to vector<16xi32>
    %sub3A_2446 = arith.subi %get3A_2440, %sub3A_2445 : vector<16xi32>
    %mul3A_2447 = arith.constant 2 : i32
    %mul3A_2448 = vector.broadcast %mul3A_2447 : i32 to vector<16xi32>
    %mul3A_2449 = arith.muli %mul3A_2448, %sub3A_2446 : vector<16xi32>
    %add3A_2450 = arith.constant 1 : i32
    %add3A_2451 = vector.broadcast %add3A_2450 : i32 to vector<16xi32>
    %add3A_2452 = arith.addi %mul3A_2449, %add3A_2451 : vector<16xi32>
    %mul3A_2453 = arith.constant 2 : i32
    %mul3A_2454 = vector.broadcast %mul3A_2453 : i32 to vector<16xi32>
    %mul3A_2455 = arith.muli %mul3A_2454, %get3A_2440 : vector<16xi32>
    %select_n3A_2456 = arith.select %ge3A_2443, %add3A_2452, %mul3A_2455 : vector<16xi1>, vector<16xi32>
    %swap3A_2457 = arith.constant 2 : i32
    %swap3A_2458 = arith.index_cast %swap3A_2457 : i32 to index
    %swap3A_2459 = arith.constant 416 : index
    %swap3A_2460 = tpu.vector_load %arg8[%swap3A_2458, %swap3A_2459] {strides = array<i32>} : memref<3x512xi32, #tpu.memory_space<vmem>>, vector<1x16xi32>,
    %swap3A_2461 = vector.shape_cast %swap3A_2460 : vector<1x16xi32> to vector<16xi32>
    %swap3A_2462 = vector.shape_cast %select_n3A_2456 : vector<16xi32> to vector<1x16xi32>
    tpu.vector_store %arg8[%swap3A_2458, %swap3A_2459], %swap3A_2462 {strides = array<i32>} : memref<3x512xi32, #tpu.memory_space<vmem>>, vector<1x16xi32>,
    %get3A_2463 = arith.constant 2 : i32
    %get3A_2464 = arith.index_cast %get3A_2463 : i32 to index
    %get3A_2465 = arith.constant 432 : index
    %get3A_2466 = tpu.vector_load %arg7[%get3A_2464, %get3A_2465] {strides = array<i32>} : memref<3x512xi32, #tpu.memory_space<vmem>>, vector<1x16xi32>,
    %get3A_2467 = vector.shape_cast %get3A_2466 : vector<1x16xi32> to vector<16xi32>
    %ge3A_2468 = arith.constant 57344 : i32
    %ge3A_2469 = vector.broadcast %ge3A_2468 : i32 to vector<16xi32>
    %ge3A_2470 = arith.cmpi sge, %get3A_2467, %ge3A_2469 : vector<16xi32>
    %sub3A_2471 = arith.constant 57344 : i32
    %sub3A_2472 = vector.broadcast %sub3A_2471 : i32 to vector<16xi32>
    %sub3A_2473 = arith.subi %get3A_2467, %sub3A_2472 : vector<16xi32>
    %mul3A_2474 = arith.constant 2 : i32
    %mul3A_2475 = vector.broadcast %mul3A_2474 : i32 to vector<16xi32>
    %mul3A_2476 = arith.muli %mul3A_2475, %sub3A_2473 : vector<16xi32>
    %add3A_2477 = arith.constant 1 : i32
    %add3A_2478 = vector.broadcast %add3A_2477 : i32 to vector<16xi32>
    %add3A_2479 = arith.addi %mul3A_2476, %add3A_2478 : vector<16xi32>
    %mul3A_2480 = arith.constant 2 : i32
    %mul3A_2481 = vector.broadcast %mul3A_2480 : i32 to vector<16xi32>
    %mul3A_2482 = arith.muli %mul3A_2481, %get3A_2467 : vector<16xi32>
    %select_n3A_2483 = arith.select %ge3A_2470, %add3A_2479, %mul3A_2482 : vector<16xi1>, vector<16xi32>
    %swap3A_2484 = arith.constant 2 : i32
    %swap3A_2485 = arith.index_cast %swap3A_2484 : i32 to index
    %swap3A_2486 = arith.constant 432 : index
    %swap3A_2487 = tpu.vector_load %arg8[%swap3A_2485, %swap3A_2486] {strides = array<i32>} : memref<3x512xi32, #tpu.memory_space<vmem>>, vector<1x16xi32>,
    %swap3A_2488 = vector.shape_cast %swap3A_2487 : vector<1x16xi32> to vector<16xi32>
    %swap3A_2489 = vector.shape_cast %select_n3A_2483 : vector<16xi32> to vector<1x16xi32>
    tpu.vector_store %arg8[%swap3A_2485, %swap3A_2486], %swap3A_2489 {strides = array<i32>} : memref<3x512xi32, #tpu.memory_space<vmem>>, vector<1x16xi32>,
    %get3A_2490 = arith.constant 2 : i32
    %get3A_2491 = arith.index_cast %get3A_2490 : i32 to index
    %get3A_2492 = arith.constant 448 : index
    %get3A_2493 = tpu.vector_load %arg7[%get3A_2491, %get3A_2492] {strides = array<i32>} : memref<3x512xi32, #tpu.memory_space<vmem>>, vector<1x16xi32>,
    %get3A_2494 = vector.shape_cast %get3A_2493 : vector<1x16xi32> to vector<16xi32>
    %ge3A_2495 = arith.constant 57344 : i32
    %ge3A_2496 = vector.broadcast %ge3A_2495 : i32 to vector<16xi32>
    %ge3A_2497 = arith.cmpi sge, %get3A_2494, %ge3A_2496 : vector<16xi32>
    %sub3A_2498 = arith.constant 57344 : i32
    %sub3A_2499 = vector.broadcast %sub3A_2498 : i32 to vector<16xi32>
    %sub3A_2500 = arith.subi %get3A_2494, %sub3A_2499 : vector<16xi32>
    %mul3A_2501 = arith.constant 2 : i32
    %mul3A_2502 = vector.broadcast %mul3A_2501 : i32 to vector<16xi32>
    %mul3A_2503 = arith.muli %mul3A_2502, %sub3A_2500 : vector<16xi32>
    %add3A_2504 = arith.constant 1 : i32
    %add3A_2505 = vector.broadcast %add3A_2504 : i32 to vector<16xi32>
    %add3A_2506 = arith.addi %mul3A_2503, %add3A_2505 : vector<16xi32>
    %mul3A_2507 = arith.constant 2 : i32
    %mul3A_2508 = vector.broadcast %mul3A_2507 : i32 to vector<16xi32>
    %mul3A_2509 = arith.muli %mul3A_2508, %get3A_2494 : vector<16xi32>
    %select_n3A_2510 = arith.select %ge3A_2497, %add3A_2506, %mul3A_2509 : vector<16xi1>, vector<16xi32>
    %swap3A_2511 = arith.constant 2 : i32
    %swap3A_2512 = arith.index_cast %swap3A_2511 : i32 to index
    %swap3A_2513 = arith.constant 448 : index
    %swap3A_2514 = tpu.vector_load %arg8[%swap3A_2512, %swap3A_2513] {strides = array<i32>} : memref<3x512xi32, #tpu.memory_space<vmem>>, vector<1x16xi32>,
    %swap3A_2515 = vector.shape_cast %swap3A_2514 : vector<1x16xi32> to vector<16xi32>
    %swap3A_2516 = vector.shape_cast %select_n3A_2510 : vector<16xi32> to vector<1x16xi32>
    tpu.vector_store %arg8[%swap3A_2512, %swap3A_2513], %swap3A_2516 {strides = array<i32>} : memref<3x512xi32, #tpu.memory_space<vmem>>, vector<1x16xi32>,
    %get3A_2517 = arith.constant 2 : i32
    %get3A_2518 = arith.index_cast %get3A_2517 : i32 to index
    %get3A_2519 = arith.constant 464 : index
    %get3A_2520 = tpu.vector_load %arg7[%get3A_2518, %get3A_2519] {strides = array<i32>} : memref<3x512xi32, #tpu.memory_space<vmem>>, vector<1x16xi32>,
    %get3A_2521 = vector.shape_cast %get3A_2520 : vector<1x16xi32> to vector<16xi32>
    %ge3A_2522 = arith.constant 57344 : i32
    %ge3A_2523 = vector.broadcast %ge3A_2522 : i32 to vector<16xi32>
    %ge3A_2524 = arith.cmpi sge, %get3A_2521, %ge3A_2523 : vector<16xi32>
    %sub3A_2525 = arith.constant 57344 : i32
    %sub3A_2526 = vector.broadcast %sub3A_2525 : i32 to vector<16xi32>
    %sub3A_2527 = arith.subi %get3A_2521, %sub3A_2526 : vector<16xi32>
    %mul3A_2528 = arith.constant 2 : i32
    %mul3A_2529 = vector.broadcast %mul3A_2528 : i32 to vector<16xi32>
    %mul3A_2530 = arith.muli %mul3A_2529, %sub3A_2527 : vector<16xi32>
    %add3A_2531 = arith.constant 1 : i32
    %add3A_2532 = vector.broadcast %add3A_2531 : i32 to vector<16xi32>
    %add3A_2533 = arith.addi %mul3A_2530, %add3A_2532 : vector<16xi32>
    %mul3A_2534 = arith.constant 2 : i32
    %mul3A_2535 = vector.broadcast %mul3A_2534 : i32 to vector<16xi32>
    %mul3A_2536 = arith.muli %mul3A_2535, %get3A_2521 : vector<16xi32>
    %select_n3A_2537 = arith.select %ge3A_2524, %add3A_2533, %mul3A_2536 : vector<16xi1>, vector<16xi32>
    %swap3A_2538 = arith.constant 2 : i32
    %swap3A_2539 = arith.index_cast %swap3A_2538 : i32 to index
    %swap3A_2540 = arith.constant 464 : index
    %swap3A_2541 = tpu.vector_load %arg8[%swap3A_2539, %swap3A_2540] {strides = array<i32>} : memref<3x512xi32, #tpu.memory_space<vmem>>, vector<1x16xi32>,
    %swap3A_2542 = vector.shape_cast %swap3A_2541 : vector<1x16xi32> to vector<16xi32>
    %swap3A_2543 = vector.shape_cast %select_n3A_2537 : vector<16xi32> to vector<1x16xi32>
    tpu.vector_store %arg8[%swap3A_2539, %swap3A_2540], %swap3A_2543 {strides = array<i32>} : memref<3x512xi32, #tpu.memory_space<vmem>>, vector<1x16xi32>,
    %get3A_2544 = arith.constant 2 : i32
    %get3A_2545 = arith.index_cast %get3A_2544 : i32 to index
    %get3A_2546 = arith.constant 480 : index
    %get3A_2547 = tpu.vector_load %arg7[%get3A_2545, %get3A_2546] {strides = array<i32>} : memref<3x512xi32, #tpu.memory_space<vmem>>, vector<1x16xi32>,
    %get3A_2548 = vector.shape_cast %get3A_2547 : vector<1x16xi32> to vector<16xi32>
    %ge3A_2549 = arith.constant 57344 : i32
    %ge3A_2550 = vector.broadcast %ge3A_2549 : i32 to vector<16xi32>
    %ge3A_2551 = arith.cmpi sge, %get3A_2548, %ge3A_2550 : vector<16xi32>
    %sub3A_2552 = arith.constant 57344 : i32
    %sub3A_2553 = vector.broadcast %sub3A_2552 : i32 to vector<16xi32>
    %sub3A_2554 = arith.subi %get3A_2548, %sub3A_2553 : vector<16xi32>
    %mul3A_2555 = arith.constant 2 : i32
    %mul3A_2556 = vector.broadcast %mul3A_2555 : i32 to vector<16xi32>
    %mul3A_2557 = arith.muli %mul3A_2556, %sub3A_2554 : vector<16xi32>
    %add3A_2558 = arith.constant 1 : i32
    %add3A_2559 = vector.broadcast %add3A_2558 : i32 to vector<16xi32>
    %add3A_2560 = arith.addi %mul3A_2557, %add3A_2559 : vector<16xi32>
    %mul3A_2561 = arith.constant 2 : i32
    %mul3A_2562 = vector.broadcast %mul3A_2561 : i32 to vector<16xi32>
    %mul3A_2563 = arith.muli %mul3A_2562, %get3A_2548 : vector<16xi32>
    %select_n3A_2564 = arith.select %ge3A_2551, %add3A_2560, %mul3A_2563 : vector<16xi1>, vector<16xi32>
    %swap3A_2565 = arith.constant 2 : i32
    %swap3A_2566 = arith.index_cast %swap3A_2565 : i32 to index
    %swap3A_2567 = arith.constant 480 : index
    %swap3A_2568 = tpu.vector_load %arg8[%swap3A_2566, %swap3A_2567] {strides = array<i32>} : memref<3x512xi32, #tpu.memory_space<vmem>>, vector<1x16xi32>,
    %swap3A_2569 = vector.shape_cast %swap3A_2568 : vector<1x16xi32> to vector<16xi32>
    %swap3A_2570 = vector.shape_cast %select_n3A_2564 : vector<16xi32> to vector<1x16xi32>
    tpu.vector_store %arg8[%swap3A_2566, %swap3A_2567], %swap3A_2570 {strides = array<i32>} : memref<3x512xi32, #tpu.memory_space<vmem>>, vector<1x16xi32>,
    %get3A_2571 = arith.constant 2 : i32
    %get3A_2572 = arith.index_cast %get3A_2571 : i32 to index
    %get3A_2573 = arith.constant 496 : index
    %get3A_2574 = tpu.vector_load %arg7[%get3A_2572, %get3A_2573] {strides = array<i32>} : memref<3x512xi32, #tpu.memory_space<vmem>>, vector<1x16xi32>,
    %get3A_2575 = vector.shape_cast %get3A_2574 : vector<1x16xi32> to vector<16xi32>
    %ge3A_2576 = arith.constant 57344 : i32
    %ge3A_2577 = vector.broadcast %ge3A_2576 : i32 to vector<16xi32>
    %ge3A_2578 = arith.cmpi sge, %get3A_2575, %ge3A_2577 : vector<16xi32>
    %sub3A_2579 = arith.constant 57344 : i32
    %sub3A_2580 = vector.broadcast %sub3A_2579 : i32 to vector<16xi32>
    %sub3A_2581 = arith.subi %get3A_2575, %sub3A_2580 : vector<16xi32>
    %mul3A_2582 = arith.constant 2 : i32
    %mul3A_2583 = vector.broadcast %mul3A_2582 : i32 to vector<16xi32>
    %mul3A_2584 = arith.muli %mul3A_2583, %sub3A_2581 : vector<16xi32>
    %add3A_2585 = arith.constant 1 : i32
    %add3A_2586 = vector.broadcast %add3A_2585 : i32 to vector<16xi32>
    %add3A_2587 = arith.addi %mul3A_2584, %add3A_2586 : vector<16xi32>
    %mul3A_2588 = arith.constant 2 : i32
    %mul3A_2589 = vector.broadcast %mul3A_2588 : i32 to vector<16xi32>
    %mul3A_2590 = arith.muli %mul3A_2589, %get3A_2575 : vector<16xi32>
    %select_n3A_2591 = arith.select %ge3A_2578, %add3A_2587, %mul3A_2590 : vector<16xi1>, vector<16xi32>
    %swap3A_2592 = arith.constant 2 : i32
    %swap3A_2593 = arith.index_cast %swap3A_2592 : i32 to index
    %swap3A_2594 = arith.constant 496 : index
    %swap3A_2595 = tpu.vector_load %arg8[%swap3A_2593, %swap3A_2594] {strides = array<i32>} : memref<3x512xi32, #tpu.memory_space<vmem>>, vector<1x16xi32>,
    %swap3A_2596 = vector.shape_cast %swap3A_2595 : vector<1x16xi32> to vector<16xi32>
    %swap3A_2597 = vector.shape_cast %select_n3A_2591 : vector<16xi32> to vector<1x16xi32>
    tpu.vector_store %arg8[%swap3A_2593, %swap3A_2594], %swap3A_2597 {strides = array<i32>} : memref<3x512xi32, #tpu.memory_space<vmem>>, vector<1x16xi32>,
    %dma_start3A = arith.constant 0 : i32
    %dma_start3A_2598 = arith.constant 0 : i32
    %dma_start3A_2599 = arith.constant 0 : i32
    %dma_start3A_2600 = tpu.memref_slice %arg9[%dma_start3A_2598, %dma_start3A_2599] : memref<512x64xf32, #tpu.memory_space<vmem>> -> memref<128x64xf32, #tpu.memory_space<vmem>>
    %dma_start3A_2601 = arith.constant 0 : i32
    %dma_start3A_2602 = tpu.memref_slice %arg8[%dma_start3A, %dma_start3A_2601] : memref<3x512xi32, #tpu.memory_space<vmem>> -> memref<1x128xi32, #tpu.memory_space<vmem>>
    %dma_start3A_2603 = tpu.memref_squeeze %dma_start3A_2602 : memref<1x128xi32, #tpu.memory_space<vmem>> -> memref<128xi32, #tpu.memory_space<vmem>>
    %dma_start3A_2604 = arith.constant 0 : i32
    %dma_start3A_2605 = arith.constant 0 : i32
    %dma_start3A_2606 = tpu.memref_slice %arg3[%dma_start3A_2604, %dma_start3A_2605] : memref<114688x64xf32, #tpu.memory_space<hbm>> -> memref<114688x64xf32, #tpu.memory_space<hbm>>
    tpu.enqueue_indirect_dma source(%dma_start3A_2606 : memref<114688x64xf32, #tpu.memory_space<hbm>>) target(%dma_start3A_2600 : memref<128x64xf32, #tpu.memory_space<vmem>>) offsets(%dma_start3A_2603 : memref<128xi32, #tpu.memory_space<vmem>>) semaphore(%arg13 : memref<!tpu.dma_semaphore, #tpu.memory_space<semaphore_mem>>)
    %dma_start3A_2607 = arith.constant 0 : i32
    %dma_start3A_2608 = arith.constant 128 : i32
    %dma_start3A_2609 = arith.constant 0 : i32
    %dma_start3A_2610 = tpu.memref_slice %arg9[%dma_start3A_2608, %dma_start3A_2609] : memref<512x64xf32, #tpu.memory_space<vmem>> -> memref<128x64xf32, #tpu.memory_space<vmem>>
    %dma_start3A_2611 = arith.constant 128 : i32
    %dma_start3A_2612 = tpu.memref_slice %arg8[%dma_start3A_2607, %dma_start3A_2611] : memref<3x512xi32, #tpu.memory_space<vmem>> -> memref<1x128xi32, #tpu.memory_space<vmem>>
    %dma_start3A_2613 = tpu.memref_squeeze %dma_start3A_2612 : memref<1x128xi32, #tpu.memory_space<vmem>> -> memref<128xi32, #tpu.memory_space<vmem>>
    %dma_start3A_2614 = arith.constant 0 : i32
    %dma_start3A_2615 = arith.constant 0 : i32
    %dma_start3A_2616 = tpu.memref_slice %arg3[%dma_start3A_2614, %dma_start3A_2615] : memref<114688x64xf32, #tpu.memory_space<hbm>> -> memref<114688x64xf32, #tpu.memory_space<hbm>>
    tpu.enqueue_indirect_dma source(%dma_start3A_2616 : memref<114688x64xf32, #tpu.memory_space<hbm>>) target(%dma_start3A_2610 : memref<128x64xf32, #tpu.memory_space<vmem>>) offsets(%dma_start3A_2613 : memref<128xi32, #tpu.memory_space<vmem>>) semaphore(%arg13 : memref<!tpu.dma_semaphore, #tpu.memory_space<semaphore_mem>>)
    %dma_start3A_2617 = arith.constant 0 : i32
    %dma_start3A_2618 = arith.constant 256 : i32
    %dma_start3A_2619 = arith.constant 0 : i32
    %dma_start3A_2620 = tpu.memref_slice %arg9[%dma_start3A_2618, %dma_start3A_2619] : memref<512x64xf32, #tpu.memory_space<vmem>> -> memref<128x64xf32, #tpu.memory_space<vmem>>
    %dma_start3A_2621 = arith.constant 256 : i32
    %dma_start3A_2622 = tpu.memref_slice %arg8[%dma_start3A_2617, %dma_start3A_2621] : memref<3x512xi32, #tpu.memory_space<vmem>> -> memref<1x128xi32, #tpu.memory_space<vmem>>
    %dma_start3A_2623 = tpu.memref_squeeze %dma_start3A_2622 : memref<1x128xi32, #tpu.memory_space<vmem>> -> memref<128xi32, #tpu.memory_space<vmem>>
    %dma_start3A_2624 = arith.constant 0 : i32
    %dma_start3A_2625 = arith.constant 0 : i32
    %dma_start3A_2626 = tpu.memref_slice %arg3[%dma_start3A_2624, %dma_start3A_2625] : memref<114688x64xf32, #tpu.memory_space<hbm>> -> memref<114688x64xf32, #tpu.memory_space<hbm>>
    tpu.enqueue_indirect_dma source(%dma_start3A_2626 : memref<114688x64xf32, #tpu.memory_space<hbm>>) target(%dma_start3A_2620 : memref<128x64xf32, #tpu.memory_space<vmem>>) offsets(%dma_start3A_2623 : memref<128xi32, #tpu.memory_space<vmem>>) semaphore(%arg13 : memref<!tpu.dma_semaphore, #tpu.memory_space<semaphore_mem>>)
    %dma_start3A_2627 = arith.constant 0 : i32
    %dma_start3A_2628 = arith.constant 384 : i32
    %dma_start3A_2629 = arith.constant 0 : i32
    %dma_start3A_2630 = tpu.memref_slice %arg9[%dma_start3A_2628, %dma_start3A_2629] : memref<512x64xf32, #tpu.memory_space<vmem>> -> memref<128x64xf32, #tpu.memory_space<vmem>>
    %dma_start3A_2631 = arith.constant 384 : i32
    %dma_start3A_2632 = tpu.memref_slice %arg8[%dma_start3A_2627, %dma_start3A_2631] : memref<3x512xi32, #tpu.memory_space<vmem>> -> memref<1x128xi32, #tpu.memory_space<vmem>>
    %dma_start3A_2633 = tpu.memref_squeeze %dma_start3A_2632 : memref<1x128xi32, #tpu.memory_space<vmem>> -> memref<128xi32, #tpu.memory_space<vmem>>
    %dma_start3A_2634 = arith.constant 0 : i32
    %dma_start3A_2635 = arith.constant 0 : i32
    %dma_start3A_2636 = tpu.memref_slice %arg3[%dma_start3A_2634, %dma_start3A_2635] : memref<114688x64xf32, #tpu.memory_space<hbm>> -> memref<114688x64xf32, #tpu.memory_space<hbm>>
    tpu.enqueue_indirect_dma source(%dma_start3A_2636 : memref<114688x64xf32, #tpu.memory_space<hbm>>) target(%dma_start3A_2630 : memref<128x64xf32, #tpu.memory_space<vmem>>) offsets(%dma_start3A_2633 : memref<128xi32, #tpu.memory_space<vmem>>) semaphore(%arg13 : memref<!tpu.dma_semaphore, #tpu.memory_space<semaphore_mem>>)
    %dma_start3A_2637 = arith.constant 1 : i32
    %dma_start3A_2638 = arith.constant 0 : i32
    %dma_start3A_2639 = arith.constant 0 : i32
    %dma_start3A_2640 = tpu.memref_slice %arg10[%dma_start3A_2638, %dma_start3A_2639] : memref<512x64xf32, #tpu.memory_space<vmem>> -> memref<128x64xf32, #tpu.memory_space<vmem>>
    %dma_start3A_2641 = arith.constant 0 : i32
    %dma_start3A_2642 = tpu.memref_slice %arg8[%dma_start3A_2637, %dma_start3A_2641] : memref<3x512xi32, #tpu.memory_space<vmem>> -> memref<1x128xi32, #tpu.memory_space<vmem>>
    %dma_start3A_2643 = tpu.memref_squeeze %dma_start3A_2642 : memref<1x128xi32, #tpu.memory_space<vmem>> -> memref<128xi32, #tpu.memory_space<vmem>>
    %dma_start3A_2644 = arith.constant 0 : i32
    %dma_start3A_2645 = arith.constant 0 : i32
    %dma_start3A_2646 = tpu.memref_slice %arg4[%dma_start3A_2644, %dma_start3A_2645] : memref<114688x64xf32, #tpu.memory_space<hbm>> -> memref<114688x64xf32, #tpu.memory_space<hbm>>
    tpu.enqueue_indirect_dma source(%dma_start3A_2646 : memref<114688x64xf32, #tpu.memory_space<hbm>>) target(%dma_start3A_2640 : memref<128x64xf32, #tpu.memory_space<vmem>>) offsets(%dma_start3A_2643 : memref<128xi32, #tpu.memory_space<vmem>>) semaphore(%arg13 : memref<!tpu.dma_semaphore, #tpu.memory_space<semaphore_mem>>)
    %dma_start3A_2647 = arith.constant 1 : i32
    %dma_start3A_2648 = arith.constant 128 : i32
    %dma_start3A_2649 = arith.constant 0 : i32
    %dma_start3A_2650 = tpu.memref_slice %arg10[%dma_start3A_2648, %dma_start3A_2649] : memref<512x64xf32, #tpu.memory_space<vmem>> -> memref<128x64xf32, #tpu.memory_space<vmem>>
    %dma_start3A_2651 = arith.constant 128 : i32
    %dma_start3A_2652 = tpu.memref_slice %arg8[%dma_start3A_2647, %dma_start3A_2651] : memref<3x512xi32, #tpu.memory_space<vmem>> -> memref<1x128xi32, #tpu.memory_space<vmem>>
    %dma_start3A_2653 = tpu.memref_squeeze %dma_start3A_2652 : memref<1x128xi32, #tpu.memory_space<vmem>> -> memref<128xi32, #tpu.memory_space<vmem>>
    %dma_start3A_2654 = arith.constant 0 : i32
    %dma_start3A_2655 = arith.constant 0 : i32
    %dma_start3A_2656 = tpu.memref_slice %arg4[%dma_start3A_2654, %dma_start3A_2655] : memref<114688x64xf32, #tpu.memory_space<hbm>> -> memref<114688x64xf32, #tpu.memory_space<hbm>>
    tpu.enqueue_indirect_dma source(%dma_start3A_2656 : memref<114688x64xf32, #tpu.memory_space<hbm>>) target(%dma_start3A_2650 : memref<128x64xf32, #tpu.memory_space<vmem>>) offsets(%dma_start3A_2653 : memref<128xi32, #tpu.memory_space<vmem>>) semaphore(%arg13 : memref<!tpu.dma_semaphore, #tpu.memory_space<semaphore_mem>>)
    %dma_start3A_2657 = arith.constant 1 : i32
    %dma_start3A_2658 = arith.constant 256 : i32
    %dma_start3A_2659 = arith.constant 0 : i32
    %dma_start3A_2660 = tpu.memref_slice %arg10[%dma_start3A_2658, %dma_start3A_2659] : memref<512x64xf32, #tpu.memory_space<vmem>> -> memref<128x64xf32, #tpu.memory_space<vmem>>
    %dma_start3A_2661 = arith.constant 256 : i32
    %dma_start3A_2662 = tpu.memref_slice %arg8[%dma_start3A_2657, %dma_start3A_2661] : memref<3x512xi32, #tpu.memory_space<vmem>> -> memref<1x128xi32, #tpu.memory_space<vmem>>
    %dma_start3A_2663 = tpu.memref_squeeze %dma_start3A_2662 : memref<1x128xi32, #tpu.memory_space<vmem>> -> memref<128xi32, #tpu.memory_space<vmem>>
    %dma_start3A_2664 = arith.constant 0 : i32
    %dma_start3A_2665 = arith.constant 0 : i32
    %dma_start3A_2666 = tpu.memref_slice %arg4[%dma_start3A_2664, %dma_start3A_2665] : memref<114688x64xf32, #tpu.memory_space<hbm>> -> memref<114688x64xf32, #tpu.memory_space<hbm>>
    tpu.enqueue_indirect_dma source(%dma_start3A_2666 : memref<114688x64xf32, #tpu.memory_space<hbm>>) target(%dma_start3A_2660 : memref<128x64xf32, #tpu.memory_space<vmem>>) offsets(%dma_start3A_2663 : memref<128xi32, #tpu.memory_space<vmem>>) semaphore(%arg13 : memref<!tpu.dma_semaphore, #tpu.memory_space<semaphore_mem>>)
    %dma_start3A_2667 = arith.constant 1 : i32
    %dma_start3A_2668 = arith.constant 384 : i32
    %dma_start3A_2669 = arith.constant 0 : i32
    %dma_start3A_2670 = tpu.memref_slice %arg10[%dma_start3A_2668, %dma_start3A_2669] : memref<512x64xf32, #tpu.memory_space<vmem>> -> memref<128x64xf32, #tpu.memory_space<vmem>>
    %dma_start3A_2671 = arith.constant 384 : i32
    %dma_start3A_2672 = tpu.memref_slice %arg8[%dma_start3A_2667, %dma_start3A_2671] : memref<3x512xi32, #tpu.memory_space<vmem>> -> memref<1x128xi32, #tpu.memory_space<vmem>>
    %dma_start3A_2673 = tpu.memref_squeeze %dma_start3A_2672 : memref<1x128xi32, #tpu.memory_space<vmem>> -> memref<128xi32, #tpu.memory_space<vmem>>
    %dma_start3A_2674 = arith.constant 0 : i32
    %dma_start3A_2675 = arith.constant 0 : i32
    %dma_start3A_2676 = tpu.memref_slice %arg4[%dma_start3A_2674, %dma_start3A_2675] : memref<114688x64xf32, #tpu.memory_space<hbm>> -> memref<114688x64xf32, #tpu.memory_space<hbm>>
    tpu.enqueue_indirect_dma source(%dma_start3A_2676 : memref<114688x64xf32, #tpu.memory_space<hbm>>) target(%dma_start3A_2670 : memref<128x64xf32, #tpu.memory_space<vmem>>) offsets(%dma_start3A_2673 : memref<128xi32, #tpu.memory_space<vmem>>) semaphore(%arg13 : memref<!tpu.dma_semaphore, #tpu.memory_space<semaphore_mem>>)
    %dma_start3A_2677 = arith.constant 2 : i32
    %dma_start3A_2678 = arith.constant 0 : i32
    %dma_start3A_2679 = arith.constant 0 : i32
    %dma_start3A_2680 = tpu.memref_slice %arg11[%dma_start3A_2678, %dma_start3A_2679] : memref<512x64xf32, #tpu.memory_space<vmem>> -> memref<128x64xf32, #tpu.memory_space<vmem>>
    %dma_start3A_2681 = arith.constant 0 : i32
    %dma_start3A_2682 = tpu.memref_slice %arg8[%dma_start3A_2677, %dma_start3A_2681] : memref<3x512xi32, #tpu.memory_space<vmem>> -> memref<1x128xi32, #tpu.memory_space<vmem>>
    %dma_start3A_2683 = tpu.memref_squeeze %dma_start3A_2682 : memref<1x128xi32, #tpu.memory_space<vmem>> -> memref<128xi32, #tpu.memory_space<vmem>>
    %dma_start3A_2684 = arith.constant 0 : i32
    %dma_start3A_2685 = arith.constant 0 : i32
    %dma_start3A_2686 = tpu.memref_slice %arg5[%dma_start3A_2684, %dma_start3A_2685] : memref<114688x64xf32, #tpu.memory_space<hbm>> -> memref<114688x64xf32, #tpu.memory_space<hbm>>
    tpu.enqueue_indirect_dma source(%dma_start3A_2686 : memref<114688x64xf32, #tpu.memory_space<hbm>>) target(%dma_start3A_2680 : memref<128x64xf32, #tpu.memory_space<vmem>>) offsets(%dma_start3A_2683 : memref<128xi32, #tpu.memory_space<vmem>>) semaphore(%arg13 : memref<!tpu.dma_semaphore, #tpu.memory_space<semaphore_mem>>)
    %dma_start3A_2687 = arith.constant 2 : i32
    %dma_start3A_2688 = arith.constant 128 : i32
    %dma_start3A_2689 = arith.constant 0 : i32
    %dma_start3A_2690 = tpu.memref_slice %arg11[%dma_start3A_2688, %dma_start3A_2689] : memref<512x64xf32, #tpu.memory_space<vmem>> -> memref<128x64xf32, #tpu.memory_space<vmem>>
    %dma_start3A_2691 = arith.constant 128 : i32
    %dma_start3A_2692 = tpu.memref_slice %arg8[%dma_start3A_2687, %dma_start3A_2691] : memref<3x512xi32, #tpu.memory_space<vmem>> -> memref<1x128xi32, #tpu.memory_space<vmem>>
    %dma_start3A_2693 = tpu.memref_squeeze %dma_start3A_2692 : memref<1x128xi32, #tpu.memory_space<vmem>> -> memref<128xi32, #tpu.memory_space<vmem>>
    %dma_start3A_2694 = arith.constant 0 : i32
    %dma_start3A_2695 = arith.constant 0 : i32
    %dma_start3A_2696 = tpu.memref_slice %arg5[%dma_start3A_2694, %dma_start3A_2695] : memref<114688x64xf32, #tpu.memory_space<hbm>> -> memref<114688x64xf32, #tpu.memory_space<hbm>>
    tpu.enqueue_indirect_dma source(%dma_start3A_2696 : memref<114688x64xf32, #tpu.memory_space<hbm>>) target(%dma_start3A_2690 : memref<128x64xf32, #tpu.memory_space<vmem>>) offsets(%dma_start3A_2693 : memref<128xi32, #tpu.memory_space<vmem>>) semaphore(%arg13 : memref<!tpu.dma_semaphore, #tpu.memory_space<semaphore_mem>>)
    %dma_start3A_2697 = arith.constant 2 : i32
    %dma_start3A_2698 = arith.constant 256 : i32
    %dma_start3A_2699 = arith.constant 0 : i32
    %dma_start3A_2700 = tpu.memref_slice %arg11[%dma_start3A_2698, %dma_start3A_2699] : memref<512x64xf32, #tpu.memory_space<vmem>> -> memref<128x64xf32, #tpu.memory_space<vmem>>
    %dma_start3A_2701 = arith.constant 256 : i32
    %dma_start3A_2702 = tpu.memref_slice %arg8[%dma_start3A_2697, %dma_start3A_2701] : memref<3x512xi32, #tpu.memory_space<vmem>> -> memref<1x128xi32, #tpu.memory_space<vmem>>
    %dma_start3A_2703 = tpu.memref_squeeze %dma_start3A_2702 : memref<1x128xi32, #tpu.memory_space<vmem>> -> memref<128xi32, #tpu.memory_space<vmem>>
    %dma_start3A_2704 = arith.constant 0 : i32
    %dma_start3A_2705 = arith.constant 0 : i32
    %dma_start3A_2706 = tpu.memref_slice %arg5[%dma_start3A_2704, %dma_start3A_2705] : memref<114688x64xf32, #tpu.memory_space<hbm>> -> memref<114688x64xf32, #tpu.memory_space<hbm>>
    tpu.enqueue_indirect_dma source(%dma_start3A_2706 : memref<114688x64xf32, #tpu.memory_space<hbm>>) target(%dma_start3A_2700 : memref<128x64xf32, #tpu.memory_space<vmem>>) offsets(%dma_start3A_2703 : memref<128xi32, #tpu.memory_space<vmem>>) semaphore(%arg13 : memref<!tpu.dma_semaphore, #tpu.memory_space<semaphore_mem>>)
    %dma_start3A_2707 = arith.constant 2 : i32
    %dma_start3A_2708 = arith.constant 384 : i32
    %dma_start3A_2709 = arith.constant 0 : i32
    %dma_start3A_2710 = tpu.memref_slice %arg11[%dma_start3A_2708, %dma_start3A_2709] : memref<512x64xf32, #tpu.memory_space<vmem>> -> memref<128x64xf32, #tpu.memory_space<vmem>>
    %dma_start3A_2711 = arith.constant 384 : i32
    %dma_start3A_2712 = tpu.memref_slice %arg8[%dma_start3A_2707, %dma_start3A_2711] : memref<3x512xi32, #tpu.memory_space<vmem>> -> memref<1x128xi32, #tpu.memory_space<vmem>>
    %dma_start3A_2713 = tpu.memref_squeeze %dma_start3A_2712 : memref<1x128xi32, #tpu.memory_space<vmem>> -> memref<128xi32, #tpu.memory_space<vmem>>
    %dma_start3A_2714 = arith.constant 0 : i32
    %dma_start3A_2715 = arith.constant 0 : i32
    %dma_start3A_2716 = tpu.memref_slice %arg5[%dma_start3A_2714, %dma_start3A_2715] : memref<114688x64xf32, #tpu.memory_space<hbm>> -> memref<114688x64xf32, #tpu.memory_space<hbm>>
    tpu.enqueue_indirect_dma source(%dma_start3A_2716 : memref<114688x64xf32, #tpu.memory_space<hbm>>) target(%dma_start3A_2710 : memref<128x64xf32, #tpu.memory_space<vmem>>) offsets(%dma_start3A_2713 : memref<128xi32, #tpu.memory_space<vmem>>) semaphore(%arg13 : memref<!tpu.dma_semaphore, #tpu.memory_space<semaphore_mem>>)
    %dma_wait3A = arith.constant 0 : i32
    %dma_wait3A_2717 = arith.constant 0 : i32
    %dma_wait3A_2718 = arith.constant 0 : i32
    %dma_wait3A_2719 = tpu.memref_slice %arg9[%dma_wait3A_2717, %dma_wait3A_2718] : memref<512x64xf32, #tpu.memory_space<vmem>> -> memref<128x64xf32, #tpu.memory_space<vmem>>
    %dma_wait3A_2720 = arith.constant 0 : i32
    %dma_wait3A_2721 = tpu.memref_slice %arg8[%dma_wait3A, %dma_wait3A_2720] : memref<3x512xi32, #tpu.memory_space<vmem>> -> memref<1x128xi32, #tpu.memory_space<vmem>>
    %dma_wait3A_2722 = tpu.memref_squeeze %dma_wait3A_2721 : memref<1x128xi32, #tpu.memory_space<vmem>> -> memref<128xi32, #tpu.memory_space<vmem>>
    %dma_wait3A_2723 = arith.constant 0 : i32
    %dma_wait3A_2724 = arith.constant 0 : i32
    %dma_wait3A_2725 = tpu.memref_slice %arg3[%dma_wait3A_2723, %dma_wait3A_2724] : memref<114688x64xf32, #tpu.memory_space<hbm>> -> memref<114688x64xf32, #tpu.memory_space<hbm>>
    tpu.wait_indirect_dma semaphore(%arg13 : memref<!tpu.dma_semaphore, #tpu.memory_space<semaphore_mem>>) src(%dma_wait3A_2725 : memref<114688x64xf32, #tpu.memory_space<hbm>>) dst(%dma_wait3A_2719 : memref<128x64xf32, #tpu.memory_space<vmem>>)
    %dma_wait3A_2726 = arith.constant 0 : i32
    %dma_wait3A_2727 = arith.constant 128 : i32
    %dma_wait3A_2728 = arith.constant 0 : i32
    %dma_wait3A_2729 = tpu.memref_slice %arg9[%dma_wait3A_2727, %dma_wait3A_2728] : memref<512x64xf32, #tpu.memory_space<vmem>> -> memref<128x64xf32, #tpu.memory_space<vmem>>
    %dma_wait3A_2730 = arith.constant 128 : i32
    %dma_wait3A_2731 = tpu.memref_slice %arg8[%dma_wait3A_2726, %dma_wait3A_2730] : memref<3x512xi32, #tpu.memory_space<vmem>> -> memref<1x128xi32, #tpu.memory_space<vmem>>
    %dma_wait3A_2732 = tpu.memref_squeeze %dma_wait3A_2731 : memref<1x128xi32, #tpu.memory_space<vmem>> -> memref<128xi32, #tpu.memory_space<vmem>>
    %dma_wait3A_2733 = arith.constant 0 : i32
    %dma_wait3A_2734 = arith.constant 0 : i32
    %dma_wait3A_2735 = tpu.memref_slice %arg3[%dma_wait3A_2733, %dma_wait3A_2734] : memref<114688x64xf32, #tpu.memory_space<hbm>> -> memref<114688x64xf32, #tpu.memory_space<hbm>>
    tpu.wait_indirect_dma semaphore(%arg13 : memref<!tpu.dma_semaphore, #tpu.memory_space<semaphore_mem>>) src(%dma_wait3A_2735 : memref<114688x64xf32, #tpu.memory_space<hbm>>) dst(%dma_wait3A_2729 : memref<128x64xf32, #tpu.memory_space<vmem>>)
    %dma_wait3A_2736 = arith.constant 0 : i32
    %dma_wait3A_2737 = arith.constant 256 : i32
    %dma_wait3A_2738 = arith.constant 0 : i32
    %dma_wait3A_2739 = tpu.memref_slice %arg9[%dma_wait3A_2737, %dma_wait3A_2738] : memref<512x64xf32, #tpu.memory_space<vmem>> -> memref<128x64xf32, #tpu.memory_space<vmem>>
    %dma_wait3A_2740 = arith.constant 256 : i32
    %dma_wait3A_2741 = tpu.memref_slice %arg8[%dma_wait3A_2736, %dma_wait3A_2740] : memref<3x512xi32, #tpu.memory_space<vmem>> -> memref<1x128xi32, #tpu.memory_space<vmem>>
    %dma_wait3A_2742 = tpu.memref_squeeze %dma_wait3A_2741 : memref<1x128xi32, #tpu.memory_space<vmem>> -> memref<128xi32, #tpu.memory_space<vmem>>
    %dma_wait3A_2743 = arith.constant 0 : i32
    %dma_wait3A_2744 = arith.constant 0 : i32
    %dma_wait3A_2745 = tpu.memref_slice %arg3[%dma_wait3A_2743, %dma_wait3A_2744] : memref<114688x64xf32, #tpu.memory_space<hbm>> -> memref<114688x64xf32, #tpu.memory_space<hbm>>
    tpu.wait_indirect_dma semaphore(%arg13 : memref<!tpu.dma_semaphore, #tpu.memory_space<semaphore_mem>>) src(%dma_wait3A_2745 : memref<114688x64xf32, #tpu.memory_space<hbm>>) dst(%dma_wait3A_2739 : memref<128x64xf32, #tpu.memory_space<vmem>>)
    %dma_wait3A_2746 = arith.constant 0 : i32
    %dma_wait3A_2747 = arith.constant 384 : i32
    %dma_wait3A_2748 = arith.constant 0 : i32
    %dma_wait3A_2749 = tpu.memref_slice %arg9[%dma_wait3A_2747, %dma_wait3A_2748] : memref<512x64xf32, #tpu.memory_space<vmem>> -> memref<128x64xf32, #tpu.memory_space<vmem>>
    %dma_wait3A_2750 = arith.constant 384 : i32
    %dma_wait3A_2751 = tpu.memref_slice %arg8[%dma_wait3A_2746, %dma_wait3A_2750] : memref<3x512xi32, #tpu.memory_space<vmem>> -> memref<1x128xi32, #tpu.memory_space<vmem>>
    %dma_wait3A_2752 = tpu.memref_squeeze %dma_wait3A_2751 : memref<1x128xi32, #tpu.memory_space<vmem>> -> memref<128xi32, #tpu.memory_space<vmem>>
    %dma_wait3A_2753 = arith.constant 0 : i32
    %dma_wait3A_2754 = arith.constant 0 : i32
    %dma_wait3A_2755 = tpu.memref_slice %arg3[%dma_wait3A_2753, %dma_wait3A_2754] : memref<114688x64xf32, #tpu.memory_space<hbm>> -> memref<114688x64xf32, #tpu.memory_space<hbm>>
    tpu.wait_indirect_dma semaphore(%arg13 : memref<!tpu.dma_semaphore, #tpu.memory_space<semaphore_mem>>) src(%dma_wait3A_2755 : memref<114688x64xf32, #tpu.memory_space<hbm>>) dst(%dma_wait3A_2749 : memref<128x64xf32, #tpu.memory_space<vmem>>)
    %dma_wait3A_2756 = arith.constant 1 : i32
    %dma_wait3A_2757 = arith.constant 0 : i32
    %dma_wait3A_2758 = arith.constant 0 : i32
    %dma_wait3A_2759 = tpu.memref_slice %arg10[%dma_wait3A_2757, %dma_wait3A_2758] : memref<512x64xf32, #tpu.memory_space<vmem>> -> memref<128x64xf32, #tpu.memory_space<vmem>>
    %dma_wait3A_2760 = arith.constant 0 : i32
    %dma_wait3A_2761 = tpu.memref_slice %arg8[%dma_wait3A_2756, %dma_wait3A_2760] : memref<3x512xi32, #tpu.memory_space<vmem>> -> memref<1x128xi32, #tpu.memory_space<vmem>>
    %dma_wait3A_2762 = tpu.memref_squeeze %dma_wait3A_2761 : memref<1x128xi32, #tpu.memory_space<vmem>> -> memref<128xi32, #tpu.memory_space<vmem>>
    %dma_wait3A_2763 = arith.constant 0 : i32
    %dma_wait3A_2764 = arith.constant 0 : i32
    %dma_wait3A_2765 = tpu.memref_slice %arg4[%dma_wait3A_2763, %dma_wait3A_2764] : memref<114688x64xf32, #tpu.memory_space<hbm>> -> memref<114688x64xf32, #tpu.memory_space<hbm>>
    tpu.wait_indirect_dma semaphore(%arg13 : memref<!tpu.dma_semaphore, #tpu.memory_space<semaphore_mem>>) src(%dma_wait3A_2765 : memref<114688x64xf32, #tpu.memory_space<hbm>>) dst(%dma_wait3A_2759 : memref<128x64xf32, #tpu.memory_space<vmem>>)
    %dma_wait3A_2766 = arith.constant 1 : i32
    %dma_wait3A_2767 = arith.constant 128 : i32
    %dma_wait3A_2768 = arith.constant 0 : i32
    %dma_wait3A_2769 = tpu.memref_slice %arg10[%dma_wait3A_2767, %dma_wait3A_2768] : memref<512x64xf32, #tpu.memory_space<vmem>> -> memref<128x64xf32, #tpu.memory_space<vmem>>
    %dma_wait3A_2770 = arith.constant 128 : i32
    %dma_wait3A_2771 = tpu.memref_slice %arg8[%dma_wait3A_2766, %dma_wait3A_2770] : memref<3x512xi32, #tpu.memory_space<vmem>> -> memref<1x128xi32, #tpu.memory_space<vmem>>
    %dma_wait3A_2772 = tpu.memref_squeeze %dma_wait3A_2771 : memref<1x128xi32, #tpu.memory_space<vmem>> -> memref<128xi32, #tpu.memory_space<vmem>>
    %dma_wait3A_2773 = arith.constant 0 : i32
    %dma_wait3A_2774 = arith.constant 0 : i32
    %dma_wait3A_2775 = tpu.memref_slice %arg4[%dma_wait3A_2773, %dma_wait3A_2774] : memref<114688x64xf32, #tpu.memory_space<hbm>> -> memref<114688x64xf32, #tpu.memory_space<hbm>>
    tpu.wait_indirect_dma semaphore(%arg13 : memref<!tpu.dma_semaphore, #tpu.memory_space<semaphore_mem>>) src(%dma_wait3A_2775 : memref<114688x64xf32, #tpu.memory_space<hbm>>) dst(%dma_wait3A_2769 : memref<128x64xf32, #tpu.memory_space<vmem>>)
    %dma_wait3A_2776 = arith.constant 1 : i32
    %dma_wait3A_2777 = arith.constant 256 : i32
    %dma_wait3A_2778 = arith.constant 0 : i32
    %dma_wait3A_2779 = tpu.memref_slice %arg10[%dma_wait3A_2777, %dma_wait3A_2778] : memref<512x64xf32, #tpu.memory_space<vmem>> -> memref<128x64xf32, #tpu.memory_space<vmem>>
    %dma_wait3A_2780 = arith.constant 256 : i32
    %dma_wait3A_2781 = tpu.memref_slice %arg8[%dma_wait3A_2776, %dma_wait3A_2780] : memref<3x512xi32, #tpu.memory_space<vmem>> -> memref<1x128xi32, #tpu.memory_space<vmem>>
    %dma_wait3A_2782 = tpu.memref_squeeze %dma_wait3A_2781 : memref<1x128xi32, #tpu.memory_space<vmem>> -> memref<128xi32, #tpu.memory_space<vmem>>
    %dma_wait3A_2783 = arith.constant 0 : i32
    %dma_wait3A_2784 = arith.constant 0 : i32
    %dma_wait3A_2785 = tpu.memref_slice %arg4[%dma_wait3A_2783, %dma_wait3A_2784] : memref<114688x64xf32, #tpu.memory_space<hbm>> -> memref<114688x64xf32, #tpu.memory_space<hbm>>
    tpu.wait_indirect_dma semaphore(%arg13 : memref<!tpu.dma_semaphore, #tpu.memory_space<semaphore_mem>>) src(%dma_wait3A_2785 : memref<114688x64xf32, #tpu.memory_space<hbm>>) dst(%dma_wait3A_2779 : memref<128x64xf32, #tpu.memory_space<vmem>>)
    %dma_wait3A_2786 = arith.constant 1 : i32
    %dma_wait3A_2787 = arith.constant 384 : i32
    %dma_wait3A_2788 = arith.constant 0 : i32
    %dma_wait3A_2789 = tpu.memref_slice %arg10[%dma_wait3A_2787, %dma_wait3A_2788] : memref<512x64xf32, #tpu.memory_space<vmem>> -> memref<128x64xf32, #tpu.memory_space<vmem>>
    %dma_wait3A_2790 = arith.constant 384 : i32
    %dma_wait3A_2791 = tpu.memref_slice %arg8[%dma_wait3A_2786, %dma_wait3A_2790] : memref<3x512xi32, #tpu.memory_space<vmem>> -> memref<1x128xi32, #tpu.memory_space<vmem>>
    %dma_wait3A_2792 = tpu.memref_squeeze %dma_wait3A_2791 : memref<1x128xi32, #tpu.memory_space<vmem>> -> memref<128xi32, #tpu.memory_space<vmem>>
    %dma_wait3A_2793 = arith.constant 0 : i32
    %dma_wait3A_2794 = arith.constant 0 : i32
    %dma_wait3A_2795 = tpu.memref_slice %arg4[%dma_wait3A_2793, %dma_wait3A_2794] : memref<114688x64xf32, #tpu.memory_space<hbm>> -> memref<114688x64xf32, #tpu.memory_space<hbm>>
    tpu.wait_indirect_dma semaphore(%arg13 : memref<!tpu.dma_semaphore, #tpu.memory_space<semaphore_mem>>) src(%dma_wait3A_2795 : memref<114688x64xf32, #tpu.memory_space<hbm>>) dst(%dma_wait3A_2789 : memref<128x64xf32, #tpu.memory_space<vmem>>)
    %dma_wait3A_2796 = arith.constant 2 : i32
    %dma_wait3A_2797 = arith.constant 0 : i32
    %dma_wait3A_2798 = arith.constant 0 : i32
    %dma_wait3A_2799 = tpu.memref_slice %arg11[%dma_wait3A_2797, %dma_wait3A_2798] : memref<512x64xf32, #tpu.memory_space<vmem>> -> memref<128x64xf32, #tpu.memory_space<vmem>>
    %dma_wait3A_2800 = arith.constant 0 : i32
    %dma_wait3A_2801 = tpu.memref_slice %arg8[%dma_wait3A_2796, %dma_wait3A_2800] : memref<3x512xi32, #tpu.memory_space<vmem>> -> memref<1x128xi32, #tpu.memory_space<vmem>>
    %dma_wait3A_2802 = tpu.memref_squeeze %dma_wait3A_2801 : memref<1x128xi32, #tpu.memory_space<vmem>> -> memref<128xi32, #tpu.memory_space<vmem>>
    %dma_wait3A_2803 = arith.constant 0 : i32
    %dma_wait3A_2804 = arith.constant 0 : i32
    %dma_wait3A_2805 = tpu.memref_slice %arg5[%dma_wait3A_2803, %dma_wait3A_2804] : memref<114688x64xf32, #tpu.memory_space<hbm>> -> memref<114688x64xf32, #tpu.memory_space<hbm>>
    tpu.wait_indirect_dma semaphore(%arg13 : memref<!tpu.dma_semaphore, #tpu.memory_space<semaphore_mem>>) src(%dma_wait3A_2805 : memref<114688x64xf32, #tpu.memory_space<hbm>>) dst(%dma_wait3A_2799 : memref<128x64xf32, #tpu.memory_space<vmem>>)
    %dma_wait3A_2806 = arith.constant 2 : i32
    %dma_wait3A_2807 = arith.constant 128 : i32
    %dma_wait3A_2808 = arith.constant 0 : i32
    %dma_wait3A_2809 = tpu.memref_slice %arg11[%dma_wait3A_2807, %dma_wait3A_2808] : memref<512x64xf32, #tpu.memory_space<vmem>> -> memref<128x64xf32, #tpu.memory_space<vmem>>
    %dma_wait3A_2810 = arith.constant 128 : i32
    %dma_wait3A_2811 = tpu.memref_slice %arg8[%dma_wait3A_2806, %dma_wait3A_2810] : memref<3x512xi32, #tpu.memory_space<vmem>> -> memref<1x128xi32, #tpu.memory_space<vmem>>
    %dma_wait3A_2812 = tpu.memref_squeeze %dma_wait3A_2811 : memref<1x128xi32, #tpu.memory_space<vmem>> -> memref<128xi32, #tpu.memory_space<vmem>>
    %dma_wait3A_2813 = arith.constant 0 : i32
    %dma_wait3A_2814 = arith.constant 0 : i32
    %dma_wait3A_2815 = tpu.memref_slice %arg5[%dma_wait3A_2813, %dma_wait3A_2814] : memref<114688x64xf32, #tpu.memory_space<hbm>> -> memref<114688x64xf32, #tpu.memory_space<hbm>>
    tpu.wait_indirect_dma semaphore(%arg13 : memref<!tpu.dma_semaphore, #tpu.memory_space<semaphore_mem>>) src(%dma_wait3A_2815 : memref<114688x64xf32, #tpu.memory_space<hbm>>) dst(%dma_wait3A_2809 : memref<128x64xf32, #tpu.memory_space<vmem>>)
    %dma_wait3A_2816 = arith.constant 2 : i32
    %dma_wait3A_2817 = arith.constant 256 : i32
    %dma_wait3A_2818 = arith.constant 0 : i32
    %dma_wait3A_2819 = tpu.memref_slice %arg11[%dma_wait3A_2817, %dma_wait3A_2818] : memref<512x64xf32, #tpu.memory_space<vmem>> -> memref<128x64xf32, #tpu.memory_space<vmem>>
    %dma_wait3A_2820 = arith.constant 256 : i32
    %dma_wait3A_2821 = tpu.memref_slice %arg8[%dma_wait3A_2816, %dma_wait3A_2820] : memref<3x512xi32, #tpu.memory_space<vmem>> -> memref<1x128xi32, #tpu.memory_space<vmem>>
    %dma_wait3A_2822 = tpu.memref_squeeze %dma_wait3A_2821 : memref<1x128xi32, #tpu.memory_space<vmem>> -> memref<128xi32, #tpu.memory_space<vmem>>
    %dma_wait3A_2823 = arith.constant 0 : i32
    %dma_wait3A_2824 = arith.constant 0 : i32
    %dma_wait3A_2825 = tpu.memref_slice %arg5[%dma_wait3A_2823, %dma_wait3A_2824] : memref<114688x64xf32, #tpu.memory_space<hbm>> -> memref<114688x64xf32, #tpu.memory_space<hbm>>
    tpu.wait_indirect_dma semaphore(%arg13 : memref<!tpu.dma_semaphore, #tpu.memory_space<semaphore_mem>>) src(%dma_wait3A_2825 : memref<114688x64xf32, #tpu.memory_space<hbm>>) dst(%dma_wait3A_2819 : memref<128x64xf32, #tpu.memory_space<vmem>>)
    %dma_wait3A_2826 = arith.constant 2 : i32
    %dma_wait3A_2827 = arith.constant 384 : i32
    %dma_wait3A_2828 = arith.constant 0 : i32
    %dma_wait3A_2829 = tpu.memref_slice %arg11[%dma_wait3A_2827, %dma_wait3A_2828] : memref<512x64xf32, #tpu.memory_space<vmem>> -> memref<128x64xf32, #tpu.memory_space<vmem>>
    %dma_wait3A_2830 = arith.constant 384 : i32
    %dma_wait3A_2831 = tpu.memref_slice %arg8[%dma_wait3A_2826, %dma_wait3A_2830] : memref<3x512xi32, #tpu.memory_space<vmem>> -> memref<1x128xi32, #tpu.memory_space<vmem>>
    %dma_wait3A_2832 = tpu.memref_squeeze %dma_wait3A_2831 : memref<1x128xi32, #tpu.memory_space<vmem>> -> memref<128xi32, #tpu.memory_space<vmem>>
    %dma_wait3A_2833 = arith.constant 0 : i32
    %dma_wait3A_2834 = arith.constant 0 : i32
    %dma_wait3A_2835 = tpu.memref_slice %arg5[%dma_wait3A_2833, %dma_wait3A_2834] : memref<114688x64xf32, #tpu.memory_space<hbm>> -> memref<114688x64xf32, #tpu.memory_space<hbm>>
    tpu.wait_indirect_dma semaphore(%arg13 : memref<!tpu.dma_semaphore, #tpu.memory_space<semaphore_mem>>) src(%dma_wait3A_2835 : memref<114688x64xf32, #tpu.memory_space<hbm>>) dst(%dma_wait3A_2829 : memref<128x64xf32, #tpu.memory_space<vmem>>)
    %scan3A = arith.constant 0 : i32
    %scan3A_2836 = arith.constant 0 : i32
    %scan3A_2837 = arith.constant 32 : i32
    %scan3A_2838 = arith.addi %scan3A_2836, %scan3A_2837 : i32
    %scan3A_2839 = arith.constant 1 : i32
    scf.for %scan3A_2845 = %scan3A_2836 to %scan3A_2838 step %scan3A_2839  : i32 {
      %mul3A_2846 = arith.constant 16 : i32
      %mul3A_2847 = arith.muli %scan3A_2845, %mul3A_2846 : i32
      %add3A_2848 = arith.constant 0 : i32
      %add3A_2849 = arith.addi %mul3A_2847, %add3A_2848 : i32
      %get3A_2850 = arith.index_cast %add3A_2849 : i32 to index
      %get3A_2851 = arith.constant 0 : index
      %get3A_2852 = tpu.vector_load %arg9[%get3A_2850, %get3A_2851] {strides = array<i32>} : memref<512x64xf32, #tpu.memory_space<vmem>>, vector<1x16xf32>,
      %get3A_2853 = vector.shape_cast %get3A_2852 : vector<1x16xf32> to vector<16xf32>
      %get3A_2854 = arith.index_cast %add3A_2849 : i32 to index
      %get3A_2855 = arith.constant 0 : index
      %get3A_2856 = tpu.vector_load %arg10[%get3A_2854, %get3A_2855] {strides = array<i32>} : memref<512x64xf32, #tpu.memory_space<vmem>>, vector<1x16xf32>,
      %get3A_2857 = vector.shape_cast %get3A_2856 : vector<1x16xf32> to vector<16xf32>
      %get3A_2858 = arith.index_cast %add3A_2849 : i32 to index
      %get3A_2859 = arith.constant 0 : index
      %get3A_2860 = tpu.vector_load %arg11[%get3A_2858, %get3A_2859] {strides = array<i32>} : memref<512x64xf32, #tpu.memory_space<vmem>>, vector<1x16xf32>,
      %get3A_2861 = vector.shape_cast %get3A_2860 : vector<1x16xf32> to vector<16xf32>
      %mul3A_2862 = arith.mulf %get3A_2853, %get3A_2857 : vector<16xf32>
      %mul3A_2863 = arith.mulf %mul3A_2862, %get3A_2861 : vector<16xf32>
      %get3A_2864 = arith.index_cast %add3A_2849 : i32 to index
      %get3A_2865 = arith.constant 16 : index
      %get3A_2866 = tpu.vector_load %arg9[%get3A_2864, %get3A_2865] {strides = array<i32>} : memref<512x64xf32, #tpu.memory_space<vmem>>, vector<1x16xf32>,
      %get3A_2867 = vector.shape_cast %get3A_2866 : vector<1x16xf32> to vector<16xf32>
      %get3A_2868 = arith.index_cast %add3A_2849 : i32 to index
      %get3A_2869 = arith.constant 16 : index
      %get3A_2870 = tpu.vector_load %arg10[%get3A_2868, %get3A_2869] {strides = array<i32>} : memref<512x64xf32, #tpu.memory_space<vmem>>, vector<1x16xf32>,
      %get3A_2871 = vector.shape_cast %get3A_2870 : vector<1x16xf32> to vector<16xf32>
      %get3A_2872 = arith.index_cast %add3A_2849 : i32 to index
      %get3A_2873 = arith.constant 16 : index
      %get3A_2874 = tpu.vector_load %arg11[%get3A_2872, %get3A_2873] {strides = array<i32>} : memref<512x64xf32, #tpu.memory_space<vmem>>, vector<1x16xf32>,
      %get3A_2875 = vector.shape_cast %get3A_2874 : vector<1x16xf32> to vector<16xf32>
      %mul3A_2876 = arith.mulf %get3A_2867, %get3A_2871 : vector<16xf32>
      %mul3A_2877 = arith.mulf %mul3A_2876, %get3A_2875 : vector<16xf32>
      %add3A_2878 = arith.addf %mul3A_2863, %mul3A_2877 : vector<16xf32>
      %get3A_2879 = arith.index_cast %add3A_2849 : i32 to index
      %get3A_2880 = arith.constant 32 : index
      %get3A_2881 = tpu.vector_load %arg9[%get3A_2879, %get3A_2880] {strides = array<i32>} : memref<512x64xf32, #tpu.memory_space<vmem>>, vector<1x16xf32>,
      %get3A_2882 = vector.shape_cast %get3A_2881 : vector<1x16xf32> to vector<16xf32>
      %get3A_2883 = arith.index_cast %add3A_2849 : i32 to index
      %get3A_2884 = arith.constant 32 : index
      %get3A_2885 = tpu.vector_load %arg10[%get3A_2883, %get3A_2884] {strides = array<i32>} : memref<512x64xf32, #tpu.memory_space<vmem>>, vector<1x16xf32>,
      %get3A_2886 = vector.shape_cast %get3A_2885 : vector<1x16xf32> to vector<16xf32>
      %get3A_2887 = arith.index_cast %add3A_2849 : i32 to index
      %get3A_2888 = arith.constant 32 : index
      %get3A_2889 = tpu.vector_load %arg11[%get3A_2887, %get3A_2888] {strides = array<i32>} : memref<512x64xf32, #tpu.memory_space<vmem>>, vector<1x16xf32>,
      %get3A_2890 = vector.shape_cast %get3A_2889 : vector<1x16xf32> to vector<16xf32>
      %mul3A_2891 = arith.mulf %get3A_2882, %get3A_2886 : vector<16xf32>
      %mul3A_2892 = arith.mulf %mul3A_2891, %get3A_2890 : vector<16xf32>
      %add3A_2893 = arith.addf %add3A_2878, %mul3A_2892 : vector<16xf32>
      %get3A_2894 = arith.index_cast %add3A_2849 : i32 to index
      %get3A_2895 = arith.constant 48 : index
      %get3A_2896 = tpu.vector_load %arg9[%get3A_2894, %get3A_2895] {strides = array<i32>} : memref<512x64xf32, #tpu.memory_space<vmem>>, vector<1x16xf32>,
      %get3A_2897 = vector.shape_cast %get3A_2896 : vector<1x16xf32> to vector<16xf32>
      %get3A_2898 = arith.index_cast %add3A_2849 : i32 to index
      %get3A_2899 = arith.constant 48 : index
      %get3A_2900 = tpu.vector_load %arg10[%get3A_2898, %get3A_2899] {strides = array<i32>} : memref<512x64xf32, #tpu.memory_space<vmem>>, vector<1x16xf32>,
      %get3A_2901 = vector.shape_cast %get3A_2900 : vector<1x16xf32> to vector<16xf32>
      %get3A_2902 = arith.index_cast %add3A_2849 : i32 to index
      %get3A_2903 = arith.constant 48 : index
      %get3A_2904 = tpu.vector_load %arg11[%get3A_2902, %get3A_2903] {strides = array<i32>} : memref<512x64xf32, #tpu.memory_space<vmem>>, vector<1x16xf32>,
      %get3A_2905 = vector.shape_cast %get3A_2904 : vector<1x16xf32> to vector<16xf32>
      %mul3A_2906 = arith.mulf %get3A_2897, %get3A_2901 : vector<16xf32>
      %mul3A_2907 = arith.mulf %mul3A_2906, %get3A_2905 : vector<16xf32>
      %add3A_2908 = arith.addf %add3A_2893, %mul3A_2907 : vector<16xf32>
      %mul3A_2909 = arith.constant 16 : i32
      %mul3A_2910 = arith.muli %add3A_2849, %mul3A_2909 : i32
      %swap3A_2911 = arith.index_cast %mul3A_2910 : i32 to index
      %swap3A_2912 = tpu.vector_load %arg12[%swap3A_2911] {strides = array<i32>} : memref<8192xf32, #tpu.memory_space<vmem>>, vector<16xf32>,
      %swap3A_2913 = vector.shape_cast %swap3A_2912 : vector<16xf32> to vector<16xf32>
      %swap3A_2914 = vector.shape_cast %add3A_2908 : vector<16xf32> to vector<16xf32>
      tpu.vector_store %arg12[%swap3A_2911], %swap3A_2914 {strides = array<i32>} : memref<8192xf32, #tpu.memory_space<vmem>>, vector<16xf32>,
      %add3A_2915 = arith.constant 1 : i32
      %add3A_2916 = arith.addi %mul3A_2847, %add3A_2915 : i32
      %get3A_2917 = arith.index_cast %add3A_2916 : i32 to index
      %get3A_2918 = arith.constant 0 : index
      %get3A_2919 = tpu.vector_load %arg9[%get3A_2917, %get3A_2918] {strides = array<i32>} : memref<512x64xf32, #tpu.memory_space<vmem>>, vector<1x16xf32>,
      %get3A_2920 = vector.shape_cast %get3A_2919 : vector<1x16xf32> to vector<16xf32>
      %get3A_2921 = arith.index_cast %add3A_2916 : i32 to index
      %get3A_2922 = arith.constant 0 : index
      %get3A_2923 = tpu.vector_load %arg10[%get3A_2921, %get3A_2922] {strides = array<i32>} : memref<512x64xf32, #tpu.memory_space<vmem>>, vector<1x16xf32>,
      %get3A_2924 = vector.shape_cast %get3A_2923 : vector<1x16xf32> to vector<16xf32>
      %get3A_2925 = arith.index_cast %add3A_2916 : i32 to index
      %get3A_2926 = arith.constant 0 : index
      %get3A_2927 = tpu.vector_load %arg11[%get3A_2925, %get3A_2926] {strides = array<i32>} : memref<512x64xf32, #tpu.memory_space<vmem>>, vector<1x16xf32>,
      %get3A_2928 = vector.shape_cast %get3A_2927 : vector<1x16xf32> to vector<16xf32>
      %mul3A_2929 = arith.mulf %get3A_2920, %get3A_2924 : vector<16xf32>
      %mul3A_2930 = arith.mulf %mul3A_2929, %get3A_2928 : vector<16xf32>
      %get3A_2931 = arith.index_cast %add3A_2916 : i32 to index
      %get3A_2932 = arith.constant 16 : index
      %get3A_2933 = tpu.vector_load %arg9[%get3A_2931, %get3A_2932] {strides = array<i32>} : memref<512x64xf32, #tpu.memory_space<vmem>>, vector<1x16xf32>,
      %get3A_2934 = vector.shape_cast %get3A_2933 : vector<1x16xf32> to vector<16xf32>
      %get3A_2935 = arith.index_cast %add3A_2916 : i32 to index
      %get3A_2936 = arith.constant 16 : index
      %get3A_2937 = tpu.vector_load %arg10[%get3A_2935, %get3A_2936] {strides = array<i32>} : memref<512x64xf32, #tpu.memory_space<vmem>>, vector<1x16xf32>,
      %get3A_2938 = vector.shape_cast %get3A_2937 : vector<1x16xf32> to vector<16xf32>
      %get3A_2939 = arith.index_cast %add3A_2916 : i32 to index
      %get3A_2940 = arith.constant 16 : index
      %get3A_2941 = tpu.vector_load %arg11[%get3A_2939, %get3A_2940] {strides = array<i32>} : memref<512x64xf32, #tpu.memory_space<vmem>>, vector<1x16xf32>,
      %get3A_2942 = vector.shape_cast %get3A_2941 : vector<1x16xf32> to vector<16xf32>
      %mul3A_2943 = arith.mulf %get3A_2934, %get3A_2938 : vector<16xf32>
      %mul3A_2944 = arith.mulf %mul3A_2943, %get3A_2942 : vector<16xf32>
      %add3A_2945 = arith.addf %mul3A_2930, %mul3A_2944 : vector<16xf32>
      %get3A_2946 = arith.index_cast %add3A_2916 : i32 to index
      %get3A_2947 = arith.constant 32 : index
      %get3A_2948 = tpu.vector_load %arg9[%get3A_2946, %get3A_2947] {strides = array<i32>} : memref<512x64xf32, #tpu.memory_space<vmem>>, vector<1x16xf32>,
      %get3A_2949 = vector.shape_cast %get3A_2948 : vector<1x16xf32> to vector<16xf32>
      %get3A_2950 = arith.index_cast %add3A_2916 : i32 to index
      %get3A_2951 = arith.constant 32 : index
      %get3A_2952 = tpu.vector_load %arg10[%get3A_2950, %get3A_2951] {strides = array<i32>} : memref<512x64xf32, #tpu.memory_space<vmem>>, vector<1x16xf32>,
      %get3A_2953 = vector.shape_cast %get3A_2952 : vector<1x16xf32> to vector<16xf32>
      %get3A_2954 = arith.index_cast %add3A_2916 : i32 to index
      %get3A_2955 = arith.constant 32 : index
      %get3A_2956 = tpu.vector_load %arg11[%get3A_2954, %get3A_2955] {strides = array<i32>} : memref<512x64xf32, #tpu.memory_space<vmem>>, vector<1x16xf32>,
      %get3A_2957 = vector.shape_cast %get3A_2956 : vector<1x16xf32> to vector<16xf32>
      %mul3A_2958 = arith.mulf %get3A_2949, %get3A_2953 : vector<16xf32>
      %mul3A_2959 = arith.mulf %mul3A_2958, %get3A_2957 : vector<16xf32>
      %add3A_2960 = arith.addf %add3A_2945, %mul3A_2959 : vector<16xf32>
      %get3A_2961 = arith.index_cast %add3A_2916 : i32 to index
      %get3A_2962 = arith.constant 48 : index
      %get3A_2963 = tpu.vector_load %arg9[%get3A_2961, %get3A_2962] {strides = array<i32>} : memref<512x64xf32, #tpu.memory_space<vmem>>, vector<1x16xf32>,
      %get3A_2964 = vector.shape_cast %get3A_2963 : vector<1x16xf32> to vector<16xf32>
      %get3A_2965 = arith.index_cast %add3A_2916 : i32 to index
      %get3A_2966 = arith.constant 48 : index
      %get3A_2967 = tpu.vector_load %arg10[%get3A_2965, %get3A_2966] {strides = array<i32>} : memref<512x64xf32, #tpu.memory_space<vmem>>, vector<1x16xf32>,
      %get3A_2968 = vector.shape_cast %get3A_2967 : vector<1x16xf32> to vector<16xf32>
      %get3A_2969 = arith.index_cast %add3A_2916 : i32 to index
      %get3A_2970 = arith.constant 48 : index
      %get3A_2971 = tpu.vector_load %arg11[%get3A_2969, %get3A_2970] {strides = array<i32>} : memref<512x64xf32, #tpu.memory_space<vmem>>, vector<1x16xf32>,
      %get3A_2972 = vector.shape_cast %get3A_2971 : vector<1x16xf32> to vector<16xf32>
      %mul3A_2973 = arith.mulf %get3A_2964, %get3A_2968 : vector<16xf32>
      %mul3A_2974 = arith.mulf %mul3A_2973, %get3A_2972 : vector<16xf32>
      %add3A_2975 = arith.addf %add3A_2960, %mul3A_2974 : vector<16xf32>
      %mul3A_2976 = arith.constant 16 : i32
      %mul3A_2977 = arith.muli %add3A_2916, %mul3A_2976 : i32
      %swap3A_2978 = arith.index_cast %mul3A_2977 : i32 to index
      %swap3A_2979 = tpu.vector_load %arg12[%swap3A_2978] {strides = array<i32>} : memref<8192xf32, #tpu.memory_space<vmem>>, vector<16xf32>,
      %swap3A_2980 = vector.shape_cast %swap3A_2979 : vector<16xf32> to vector<16xf32>
      %swap3A_2981 = vector.shape_cast %add3A_2975 : vector<16xf32> to vector<16xf32>
      tpu.vector_store %arg12[%swap3A_2978], %swap3A_2981 {strides = array<i32>} : memref<8192xf32, #tpu.memory_space<vmem>>, vector<16xf32>,
      %add3A_2982 = arith.constant 2 : i32
      %add3A_2983 = arith.addi %mul3A_2847, %add3A_2982 : i32
      %get3A_2984 = arith.index_cast %add3A_2983 : i32 to index
      %get3A_2985 = arith.constant 0 : index
      %get3A_2986 = tpu.vector_load %arg9[%get3A_2984, %get3A_2985] {strides = array<i32>} : memref<512x64xf32, #tpu.memory_space<vmem>>, vector<1x16xf32>,
      %get3A_2987 = vector.shape_cast %get3A_2986 : vector<1x16xf32> to vector<16xf32>
      %get3A_2988 = arith.index_cast %add3A_2983 : i32 to index
      %get3A_2989 = arith.constant 0 : index
      %get3A_2990 = tpu.vector_load %arg10[%get3A_2988, %get3A_2989] {strides = array<i32>} : memref<512x64xf32, #tpu.memory_space<vmem>>, vector<1x16xf32>,
      %get3A_2991 = vector.shape_cast %get3A_2990 : vector<1x16xf32> to vector<16xf32>
      %get3A_2992 = arith.index_cast %add3A_2983 : i32 to index
      %get3A_2993 = arith.constant 0 : index
      %get3A_2994 = tpu.vector_load %arg11[%get3A_2992, %get3A_2993] {strides = array<i32>} : memref<512x64xf32, #tpu.memory_space<vmem>>, vector<1x16xf32>,
      %get3A_2995 = vector.shape_cast %get3A_2994 : vector<1x16xf32> to vector<16xf32>
      %mul3A_2996 = arith.mulf %get3A_2987, %get3A_2991 : vector<16xf32>
      %mul3A_2997 = arith.mulf %mul3A_2996, %get3A_2995 : vector<16xf32>
      %get3A_2998 = arith.index_cast %add3A_2983 : i32 to index
      %get3A_2999 = arith.constant 16 : index
      %get3A_3000 = tpu.vector_load %arg9[%get3A_2998, %get3A_2999] {strides = array<i32>} : memref<512x64xf32, #tpu.memory_space<vmem>>, vector<1x16xf32>,
      %get3A_3001 = vector.shape_cast %get3A_3000 : vector<1x16xf32> to vector<16xf32>
      %get3A_3002 = arith.index_cast %add3A_2983 : i32 to index
      %get3A_3003 = arith.constant 16 : index
      %get3A_3004 = tpu.vector_load %arg10[%get3A_3002, %get3A_3003] {strides = array<i32>} : memref<512x64xf32, #tpu.memory_space<vmem>>, vector<1x16xf32>,
      %get3A_3005 = vector.shape_cast %get3A_3004 : vector<1x16xf32> to vector<16xf32>
      %get3A_3006 = arith.index_cast %add3A_2983 : i32 to index
      %get3A_3007 = arith.constant 16 : index
      %get3A_3008 = tpu.vector_load %arg11[%get3A_3006, %get3A_3007] {strides = array<i32>} : memref<512x64xf32, #tpu.memory_space<vmem>>, vector<1x16xf32>,
      %get3A_3009 = vector.shape_cast %get3A_3008 : vector<1x16xf32> to vector<16xf32>
      %mul3A_3010 = arith.mulf %get3A_3001, %get3A_3005 : vector<16xf32>
      %mul3A_3011 = arith.mulf %mul3A_3010, %get3A_3009 : vector<16xf32>
      %add3A_3012 = arith.addf %mul3A_2997, %mul3A_3011 : vector<16xf32>
      %get3A_3013 = arith.index_cast %add3A_2983 : i32 to index
      %get3A_3014 = arith.constant 32 : index
      %get3A_3015 = tpu.vector_load %arg9[%get3A_3013, %get3A_3014] {strides = array<i32>} : memref<512x64xf32, #tpu.memory_space<vmem>>, vector<1x16xf32>,
      %get3A_3016 = vector.shape_cast %get3A_3015 : vector<1x16xf32> to vector<16xf32>
      %get3A_3017 = arith.index_cast %add3A_2983 : i32 to index
      %get3A_3018 = arith.constant 32 : index
      %get3A_3019 = tpu.vector_load %arg10[%get3A_3017, %get3A_3018] {strides = array<i32>} : memref<512x64xf32, #tpu.memory_space<vmem>>, vector<1x16xf32>,
      %get3A_3020 = vector.shape_cast %get3A_3019 : vector<1x16xf32> to vector<16xf32>
      %get3A_3021 = arith.index_cast %add3A_2983 : i32 to index
      %get3A_3022 = arith.constant 32 : index
      %get3A_3023 = tpu.vector_load %arg11[%get3A_3021, %get3A_3022] {strides = array<i32>} : memref<512x64xf32, #tpu.memory_space<vmem>>, vector<1x16xf32>,
      %get3A_3024 = vector.shape_cast %get3A_3023 : vector<1x16xf32> to vector<16xf32>
      %mul3A_3025 = arith.mulf %get3A_3016, %get3A_3020 : vector<16xf32>
      %mul3A_3026 = arith.mulf %mul3A_3025, %get3A_3024 : vector<16xf32>
      %add3A_3027 = arith.addf %add3A_3012, %mul3A_3026 : vector<16xf32>
      %get3A_3028 = arith.index_cast %add3A_2983 : i32 to index
      %get3A_3029 = arith.constant 48 : index
      %get3A_3030 = tpu.vector_load %arg9[%get3A_3028, %get3A_3029] {strides = array<i32>} : memref<512x64xf32, #tpu.memory_space<vmem>>, vector<1x16xf32>,
      %get3A_3031 = vector.shape_cast %get3A_3030 : vector<1x16xf32> to vector<16xf32>
      %get3A_3032 = arith.index_cast %add3A_2983 : i32 to index
      %get3A_3033 = arith.constant 48 : index
      %get3A_3034 = tpu.vector_load %arg10[%get3A_3032, %get3A_3033] {strides = array<i32>} : memref<512x64xf32, #tpu.memory_space<vmem>>, vector<1x16xf32>,
      %get3A_3035 = vector.shape_cast %get3A_3034 : vector<1x16xf32> to vector<16xf32>
      %get3A_3036 = arith.index_cast %add3A_2983 : i32 to index
      %get3A_3037 = arith.constant 48 : index
      %get3A_3038 = tpu.vector_load %arg11[%get3A_3036, %get3A_3037] {strides = array<i32>} : memref<512x64xf32, #tpu.memory_space<vmem>>, vector<1x16xf32>,
      %get3A_3039 = vector.shape_cast %get3A_3038 : vector<1x16xf32> to vector<16xf32>
      %mul3A_3040 = arith.mulf %get3A_3031, %get3A_3035 : vector<16xf32>
      %mul3A_3041 = arith.mulf %mul3A_3040, %get3A_3039 : vector<16xf32>
      %add3A_3042 = arith.addf %add3A_3027, %mul3A_3041 : vector<16xf32>
      %mul3A_3043 = arith.constant 16 : i32
      %mul3A_3044 = arith.muli %add3A_2983, %mul3A_3043 : i32
      %swap3A_3045 = arith.index_cast %mul3A_3044 : i32 to index
      %swap3A_3046 = tpu.vector_load %arg12[%swap3A_3045] {strides = array<i32>} : memref<8192xf32, #tpu.memory_space<vmem>>, vector<16xf32>,
      %swap3A_3047 = vector.shape_cast %swap3A_3046 : vector<16xf32> to vector<16xf32>
      %swap3A_3048 = vector.shape_cast %add3A_3042 : vector<16xf32> to vector<16xf32>
      tpu.vector_store %arg12[%swap3A_3045], %swap3A_3048 {strides = array<i32>} : memref<8192xf32, #tpu.memory_space<vmem>>, vector<16xf32>,
      %add3A_3049 = arith.constant 3 : i32
      %add3A_3050 = arith.addi %mul3A_2847, %add3A_3049 : i32
      %get3A_3051 = arith.index_cast %add3A_3050 : i32 to index
      %get3A_3052 = arith.constant 0 : index
      %get3A_3053 = tpu.vector_load %arg9[%get3A_3051, %get3A_3052] {strides = array<i32>} : memref<512x64xf32, #tpu.memory_space<vmem>>, vector<1x16xf32>,
      %get3A_3054 = vector.shape_cast %get3A_3053 : vector<1x16xf32> to vector<16xf32>
      %get3A_3055 = arith.index_cast %add3A_3050 : i32 to index
      %get3A_3056 = arith.constant 0 : index
      %get3A_3057 = tpu.vector_load %arg10[%get3A_3055, %get3A_3056] {strides = array<i32>} : memref<512x64xf32, #tpu.memory_space<vmem>>, vector<1x16xf32>,
      %get3A_3058 = vector.shape_cast %get3A_3057 : vector<1x16xf32> to vector<16xf32>
      %get3A_3059 = arith.index_cast %add3A_3050 : i32 to index
      %get3A_3060 = arith.constant 0 : index
      %get3A_3061 = tpu.vector_load %arg11[%get3A_3059, %get3A_3060] {strides = array<i32>} : memref<512x64xf32, #tpu.memory_space<vmem>>, vector<1x16xf32>,
      %get3A_3062 = vector.shape_cast %get3A_3061 : vector<1x16xf32> to vector<16xf32>
      %mul3A_3063 = arith.mulf %get3A_3054, %get3A_3058 : vector<16xf32>
      %mul3A_3064 = arith.mulf %mul3A_3063, %get3A_3062 : vector<16xf32>
      %get3A_3065 = arith.index_cast %add3A_3050 : i32 to index
      %get3A_3066 = arith.constant 16 : index
      %get3A_3067 = tpu.vector_load %arg9[%get3A_3065, %get3A_3066] {strides = array<i32>} : memref<512x64xf32, #tpu.memory_space<vmem>>, vector<1x16xf32>,
      %get3A_3068 = vector.shape_cast %get3A_3067 : vector<1x16xf32> to vector<16xf32>
      %get3A_3069 = arith.index_cast %add3A_3050 : i32 to index
      %get3A_3070 = arith.constant 16 : index
      %get3A_3071 = tpu.vector_load %arg10[%get3A_3069, %get3A_3070] {strides = array<i32>} : memref<512x64xf32, #tpu.memory_space<vmem>>, vector<1x16xf32>,
      %get3A_3072 = vector.shape_cast %get3A_3071 : vector<1x16xf32> to vector<16xf32>
      %get3A_3073 = arith.index_cast %add3A_3050 : i32 to index
      %get3A_3074 = arith.constant 16 : index
      %get3A_3075 = tpu.vector_load %arg11[%get3A_3073, %get3A_3074] {strides = array<i32>} : memref<512x64xf32, #tpu.memory_space<vmem>>, vector<1x16xf32>,
      %get3A_3076 = vector.shape_cast %get3A_3075 : vector<1x16xf32> to vector<16xf32>
      %mul3A_3077 = arith.mulf %get3A_3068, %get3A_3072 : vector<16xf32>
      %mul3A_3078 = arith.mulf %mul3A_3077, %get3A_3076 : vector<16xf32>
      %add3A_3079 = arith.addf %mul3A_3064, %mul3A_3078 : vector<16xf32>
      %get3A_3080 = arith.index_cast %add3A_3050 : i32 to index
      %get3A_3081 = arith.constant 32 : index
      %get3A_3082 = tpu.vector_load %arg9[%get3A_3080, %get3A_3081] {strides = array<i32>} : memref<512x64xf32, #tpu.memory_space<vmem>>, vector<1x16xf32>,
      %get3A_3083 = vector.shape_cast %get3A_3082 : vector<1x16xf32> to vector<16xf32>
      %get3A_3084 = arith.index_cast %add3A_3050 : i32 to index
      %get3A_3085 = arith.constant 32 : index
      %get3A_3086 = tpu.vector_load %arg10[%get3A_3084, %get3A_3085] {strides = array<i32>} : memref<512x64xf32, #tpu.memory_space<vmem>>, vector<1x16xf32>,
      %get3A_3087 = vector.shape_cast %get3A_3086 : vector<1x16xf32> to vector<16xf32>
      %get3A_3088 = arith.index_cast %add3A_3050 : i32 to index
      %get3A_3089 = arith.constant 32 : index
      %get3A_3090 = tpu.vector_load %arg11[%get3A_3088, %get3A_3089] {strides = array<i32>} : memref<512x64xf32, #tpu.memory_space<vmem>>, vector<1x16xf32>,
      %get3A_3091 = vector.shape_cast %get3A_3090 : vector<1x16xf32> to vector<16xf32>
      %mul3A_3092 = arith.mulf %get3A_3083, %get3A_3087 : vector<16xf32>
      %mul3A_3093 = arith.mulf %mul3A_3092, %get3A_3091 : vector<16xf32>
      %add3A_3094 = arith.addf %add3A_3079, %mul3A_3093 : vector<16xf32>
      %get3A_3095 = arith.index_cast %add3A_3050 : i32 to index
      %get3A_3096 = arith.constant 48 : index
      %get3A_3097 = tpu.vector_load %arg9[%get3A_3095, %get3A_3096] {strides = array<i32>} : memref<512x64xf32, #tpu.memory_space<vmem>>, vector<1x16xf32>,
      %get3A_3098 = vector.shape_cast %get3A_3097 : vector<1x16xf32> to vector<16xf32>
      %get3A_3099 = arith.index_cast %add3A_3050 : i32 to index
      %get3A_3100 = arith.constant 48 : index
      %get3A_3101 = tpu.vector_load %arg10[%get3A_3099, %get3A_3100] {strides = array<i32>} : memref<512x64xf32, #tpu.memory_space<vmem>>, vector<1x16xf32>,
      %get3A_3102 = vector.shape_cast %get3A_3101 : vector<1x16xf32> to vector<16xf32>
      %get3A_3103 = arith.index_cast %add3A_3050 : i32 to index
      %get3A_3104 = arith.constant 48 : index
      %get3A_3105 = tpu.vector_load %arg11[%get3A_3103, %get3A_3104] {strides = array<i32>} : memref<512x64xf32, #tpu.memory_space<vmem>>, vector<1x16xf32>,
      %get3A_3106 = vector.shape_cast %get3A_3105 : vector<1x16xf32> to vector<16xf32>
      %mul3A_3107 = arith.mulf %get3A_3098, %get3A_3102 : vector<16xf32>
      %mul3A_3108 = arith.mulf %mul3A_3107, %get3A_3106 : vector<16xf32>
      %add3A_3109 = arith.addf %add3A_3094, %mul3A_3108 : vector<16xf32>
      %mul3A_3110 = arith.constant 16 : i32
      %mul3A_3111 = arith.muli %add3A_3050, %mul3A_3110 : i32
      %swap3A_3112 = arith.index_cast %mul3A_3111 : i32 to index
      %swap3A_3113 = tpu.vector_load %arg12[%swap3A_3112] {strides = array<i32>} : memref<8192xf32, #tpu.memory_space<vmem>>, vector<16xf32>,
      %swap3A_3114 = vector.shape_cast %swap3A_3113 : vector<16xf32> to vector<16xf32>
      %swap3A_3115 = vector.shape_cast %add3A_3109 : vector<16xf32> to vector<16xf32>
      tpu.vector_store %arg12[%swap3A_3112], %swap3A_3115 {strides = array<i32>} : memref<8192xf32, #tpu.memory_space<vmem>>, vector<16xf32>,
      %add3A_3116 = arith.constant 4 : i32
      %add3A_3117 = arith.addi %mul3A_2847, %add3A_3116 : i32
      %get3A_3118 = arith.index_cast %add3A_3117 : i32 to index
      %get3A_3119 = arith.constant 0 : index
      %get3A_3120 = tpu.vector_load %arg9[%get3A_3118, %get3A_3119] {strides = array<i32>} : memref<512x64xf32, #tpu.memory_space<vmem>>, vector<1x16xf32>,
      %get3A_3121 = vector.shape_cast %get3A_3120 : vector<1x16xf32> to vector<16xf32>
      %get3A_3122 = arith.index_cast %add3A_3117 : i32 to index
      %get3A_3123 = arith.constant 0 : index
      %get3A_3124 = tpu.vector_load %arg10[%get3A_3122, %get3A_3123] {strides = array<i32>} : memref<512x64xf32, #tpu.memory_space<vmem>>, vector<1x16xf32>,
      %get3A_3125 = vector.shape_cast %get3A_3124 : vector<1x16xf32> to vector<16xf32>
      %get3A_3126 = arith.index_cast %add3A_3117 : i32 to index
      %get3A_3127 = arith.constant 0 : index
      %get3A_3128 = tpu.vector_load %arg11[%get3A_3126, %get3A_3127] {strides = array<i32>} : memref<512x64xf32, #tpu.memory_space<vmem>>, vector<1x16xf32>,
      %get3A_3129 = vector.shape_cast %get3A_3128 : vector<1x16xf32> to vector<16xf32>
      %mul3A_3130 = arith.mulf %get3A_3121, %get3A_3125 : vector<16xf32>
      %mul3A_3131 = arith.mulf %mul3A_3130, %get3A_3129 : vector<16xf32>
      %get3A_3132 = arith.index_cast %add3A_3117 : i32 to index
      %get3A_3133 = arith.constant 16 : index
      %get3A_3134 = tpu.vector_load %arg9[%get3A_3132, %get3A_3133] {strides = array<i32>} : memref<512x64xf32, #tpu.memory_space<vmem>>, vector<1x16xf32>,
      %get3A_3135 = vector.shape_cast %get3A_3134 : vector<1x16xf32> to vector<16xf32>
      %get3A_3136 = arith.index_cast %add3A_3117 : i32 to index
      %get3A_3137 = arith.constant 16 : index
      %get3A_3138 = tpu.vector_load %arg10[%get3A_3136, %get3A_3137] {strides = array<i32>} : memref<512x64xf32, #tpu.memory_space<vmem>>, vector<1x16xf32>,
      %get3A_3139 = vector.shape_cast %get3A_3138 : vector<1x16xf32> to vector<16xf32>
      %get3A_3140 = arith.index_cast %add3A_3117 : i32 to index
      %get3A_3141 = arith.constant 16 : index
      %get3A_3142 = tpu.vector_load %arg11[%get3A_3140, %get3A_3141] {strides = array<i32>} : memref<512x64xf32, #tpu.memory_space<vmem>>, vector<1x16xf32>,
      %get3A_3143 = vector.shape_cast %get3A_3142 : vector<1x16xf32> to vector<16xf32>
      %mul3A_3144 = arith.mulf %get3A_3135, %get3A_3139 : vector<16xf32>
      %mul3A_3145 = arith.mulf %mul3A_3144, %get3A_3143 : vector<16xf32>
      %add3A_3146 = arith.addf %mul3A_3131, %mul3A_3145 : vector<16xf32>
      %get3A_3147 = arith.index_cast %add3A_3117 : i32 to index
      %get3A_3148 = arith.constant 32 : index
      %get3A_3149 = tpu.vector_load %arg9[%get3A_3147, %get3A_3148] {strides = array<i32>} : memref<512x64xf32, #tpu.memory_space<vmem>>, vector<1x16xf32>,
      %get3A_3150 = vector.shape_cast %get3A_3149 : vector<1x16xf32> to vector<16xf32>
      %get3A_3151 = arith.index_cast %add3A_3117 : i32 to index
      %get3A_3152 = arith.constant 32 : index
      %get3A_3153 = tpu.vector_load %arg10[%get3A_3151, %get3A_3152] {strides = array<i32>} : memref<512x64xf32, #tpu.memory_space<vmem>>, vector<1x16xf32>,
      %get3A_3154 = vector.shape_cast %get3A_3153 : vector<1x16xf32> to vector<16xf32>
      %get3A_3155 = arith.index_cast %add3A_3117 : i32 to index
      %get3A_3156 = arith.constant 32 : index
      %get3A_3157 = tpu.vector_load %arg11[%get3A_3155, %get3A_3156] {strides = array<i32>} : memref<512x64xf32, #tpu.memory_space<vmem>>, vector<1x16xf32>,
      %get3A_3158 = vector.shape_cast %get3A_3157 : vector<1x16xf32> to vector<16xf32>
      %mul3A_3159 = arith.mulf %get3A_3150, %get3A_3154 : vector<16xf32>
      %mul3A_3160 = arith.mulf %mul3A_3159, %get3A_3158 : vector<16xf32>
      %add3A_3161 = arith.addf %add3A_3146, %mul3A_3160 : vector<16xf32>
      %get3A_3162 = arith.index_cast %add3A_3117 : i32 to index
      %get3A_3163 = arith.constant 48 : index
      %get3A_3164 = tpu.vector_load %arg9[%get3A_3162, %get3A_3163] {strides = array<i32>} : memref<512x64xf32, #tpu.memory_space<vmem>>, vector<1x16xf32>,
      %get3A_3165 = vector.shape_cast %get3A_3164 : vector<1x16xf32> to vector<16xf32>
      %get3A_3166 = arith.index_cast %add3A_3117 : i32 to index
      %get3A_3167 = arith.constant 48 : index
      %get3A_3168 = tpu.vector_load %arg10[%get3A_3166, %get3A_3167] {strides = array<i32>} : memref<512x64xf32, #tpu.memory_space<vmem>>, vector<1x16xf32>,
      %get3A_3169 = vector.shape_cast %get3A_3168 : vector<1x16xf32> to vector<16xf32>
      %get3A_3170 = arith.index_cast %add3A_3117 : i32 to index
      %get3A_3171 = arith.constant 48 : index
      %get3A_3172 = tpu.vector_load %arg11[%get3A_3170, %get3A_3171] {strides = array<i32>} : memref<512x64xf32, #tpu.memory_space<vmem>>, vector<1x16xf32>,
      %get3A_3173 = vector.shape_cast %get3A_3172 : vector<1x16xf32> to vector<16xf32>
      %mul3A_3174 = arith.mulf %get3A_3165, %get3A_3169 : vector<16xf32>
      %mul3A_3175 = arith.mulf %mul3A_3174, %get3A_3173 : vector<16xf32>
      %add3A_3176 = arith.addf %add3A_3161, %mul3A_3175 : vector<16xf32>
      %mul3A_3177 = arith.constant 16 : i32
      %mul3A_3178 = arith.muli %add3A_3117, %mul3A_3177 : i32
      %swap3A_3179 = arith.index_cast %mul3A_3178 : i32 to index
      %swap3A_3180 = tpu.vector_load %arg12[%swap3A_3179] {strides = array<i32>} : memref<8192xf32, #tpu.memory_space<vmem>>, vector<16xf32>,
      %swap3A_3181 = vector.shape_cast %swap3A_3180 : vector<16xf32> to vector<16xf32>
      %swap3A_3182 = vector.shape_cast %add3A_3176 : vector<16xf32> to vector<16xf32>
      tpu.vector_store %arg12[%swap3A_3179], %swap3A_3182 {strides = array<i32>} : memref<8192xf32, #tpu.memory_space<vmem>>, vector<16xf32>,
      %add3A_3183 = arith.constant 5 : i32
      %add3A_3184 = arith.addi %mul3A_2847, %add3A_3183 : i32
      %get3A_3185 = arith.index_cast %add3A_3184 : i32 to index
      %get3A_3186 = arith.constant 0 : index
      %get3A_3187 = tpu.vector_load %arg9[%get3A_3185, %get3A_3186] {strides = array<i32>} : memref<512x64xf32, #tpu.memory_space<vmem>>, vector<1x16xf32>,
      %get3A_3188 = vector.shape_cast %get3A_3187 : vector<1x16xf32> to vector<16xf32>
      %get3A_3189 = arith.index_cast %add3A_3184 : i32 to index
      %get3A_3190 = arith.constant 0 : index
      %get3A_3191 = tpu.vector_load %arg10[%get3A_3189, %get3A_3190] {strides = array<i32>} : memref<512x64xf32, #tpu.memory_space<vmem>>, vector<1x16xf32>,
      %get3A_3192 = vector.shape_cast %get3A_3191 : vector<1x16xf32> to vector<16xf32>
      %get3A_3193 = arith.index_cast %add3A_3184 : i32 to index
      %get3A_3194 = arith.constant 0 : index
      %get3A_3195 = tpu.vector_load %arg11[%get3A_3193, %get3A_3194] {strides = array<i32>} : memref<512x64xf32, #tpu.memory_space<vmem>>, vector<1x16xf32>,
      %get3A_3196 = vector.shape_cast %get3A_3195 : vector<1x16xf32> to vector<16xf32>
      %mul3A_3197 = arith.mulf %get3A_3188, %get3A_3192 : vector<16xf32>
      %mul3A_3198 = arith.mulf %mul3A_3197, %get3A_3196 : vector<16xf32>
      %get3A_3199 = arith.index_cast %add3A_3184 : i32 to index
      %get3A_3200 = arith.constant 16 : index
      %get3A_3201 = tpu.vector_load %arg9[%get3A_3199, %get3A_3200] {strides = array<i32>} : memref<512x64xf32, #tpu.memory_space<vmem>>, vector<1x16xf32>,
      %get3A_3202 = vector.shape_cast %get3A_3201 : vector<1x16xf32> to vector<16xf32>
      %get3A_3203 = arith.index_cast %add3A_3184 : i32 to index
      %get3A_3204 = arith.constant 16 : index
      %get3A_3205 = tpu.vector_load %arg10[%get3A_3203, %get3A_3204] {strides = array<i32>} : memref<512x64xf32, #tpu.memory_space<vmem>>, vector<1x16xf32>,
      %get3A_3206 = vector.shape_cast %get3A_3205 : vector<1x16xf32> to vector<16xf32>
      %get3A_3207 = arith.index_cast %add3A_3184 : i32 to index
      %get3A_3208 = arith.constant 16 : index
      %get3A_3209 = tpu.vector_load %arg11[%get3A_3207, %get3A_3208] {strides = array<i32>} : memref<512x64xf32, #tpu.memory_space<vmem>>, vector<1x16xf32>,
      %get3A_3210 = vector.shape_cast %get3A_3209 : vector<1x16xf32> to vector<16xf32>
      %mul3A_3211 = arith.mulf %get3A_3202, %get3A_3206 : vector<16xf32>
      %mul3A_3212 = arith.mulf %mul3A_3211, %get3A_3210 : vector<16xf32>
      %add3A_3213 = arith.addf %mul3A_3198, %mul3A_3212 : vector<16xf32>
      %get3A_3214 = arith.index_cast %add3A_3184 : i32 to index
      %get3A_3215 = arith.constant 32 : index
      %get3A_3216 = tpu.vector_load %arg9[%get3A_3214, %get3A_3215] {strides = array<i32>} : memref<512x64xf32, #tpu.memory_space<vmem>>, vector<1x16xf32>,
      %get3A_3217 = vector.shape_cast %get3A_3216 : vector<1x16xf32> to vector<16xf32>
      %get3A_3218 = arith.index_cast %add3A_3184 : i32 to index
      %get3A_3219 = arith.constant 32 : index
      %get3A_3220 = tpu.vector_load %arg10[%get3A_3218, %get3A_3219] {strides = array<i32>} : memref<512x64xf32, #tpu.memory_space<vmem>>, vector<1x16xf32>,
      %get3A_3221 = vector.shape_cast %get3A_3220 : vector<1x16xf32> to vector<16xf32>
      %get3A_3222 = arith.index_cast %add3A_3184 : i32 to index
      %get3A_3223 = arith.constant 32 : index
      %get3A_3224 = tpu.vector_load %arg11[%get3A_3222, %get3A_3223] {strides = array<i32>} : memref<512x64xf32, #tpu.memory_space<vmem>>, vector<1x16xf32>,
      %get3A_3225 = vector.shape_cast %get3A_3224 : vector<1x16xf32> to vector<16xf32>
      %mul3A_3226 = arith.mulf %get3A_3217, %get3A_3221 : vector<16xf32>
      %mul3A_3227 = arith.mulf %mul3A_3226, %get3A_3225 : vector<16xf32>
      %add3A_3228 = arith.addf %add3A_3213, %mul3A_3227 : vector<16xf32>
      %get3A_3229 = arith.index_cast %add3A_3184 : i32 to index
      %get3A_3230 = arith.constant 48 : index
      %get3A_3231 = tpu.vector_load %arg9[%get3A_3229, %get3A_3230] {strides = array<i32>} : memref<512x64xf32, #tpu.memory_space<vmem>>, vector<1x16xf32>,
      %get3A_3232 = vector.shape_cast %get3A_3231 : vector<1x16xf32> to vector<16xf32>
      %get3A_3233 = arith.index_cast %add3A_3184 : i32 to index
      %get3A_3234 = arith.constant 48 : index
      %get3A_3235 = tpu.vector_load %arg10[%get3A_3233, %get3A_3234] {strides = array<i32>} : memref<512x64xf32, #tpu.memory_space<vmem>>, vector<1x16xf32>,
      %get3A_3236 = vector.shape_cast %get3A_3235 : vector<1x16xf32> to vector<16xf32>
      %get3A_3237 = arith.index_cast %add3A_3184 : i32 to index
      %get3A_3238 = arith.constant 48 : index
      %get3A_3239 = tpu.vector_load %arg11[%get3A_3237, %get3A_3238] {strides = array<i32>} : memref<512x64xf32, #tpu.memory_space<vmem>>, vector<1x16xf32>,
      %get3A_3240 = vector.shape_cast %get3A_3239 : vector<1x16xf32> to vector<16xf32>
      %mul3A_3241 = arith.mulf %get3A_3232, %get3A_3236 : vector<16xf32>
      %mul3A_3242 = arith.mulf %mul3A_3241, %get3A_3240 : vector<16xf32>
      %add3A_3243 = arith.addf %add3A_3228, %mul3A_3242 : vector<16xf32>
      %mul3A_3244 = arith.constant 16 : i32
      %mul3A_3245 = arith.muli %add3A_3184, %mul3A_3244 : i32
      %swap3A_3246 = arith.index_cast %mul3A_3245 : i32 to index
      %swap3A_3247 = tpu.vector_load %arg12[%swap3A_3246] {strides = array<i32>} : memref<8192xf32, #tpu.memory_space<vmem>>, vector<16xf32>,
      %swap3A_3248 = vector.shape_cast %swap3A_3247 : vector<16xf32> to vector<16xf32>
      %swap3A_3249 = vector.shape_cast %add3A_3243 : vector<16xf32> to vector<16xf32>
      tpu.vector_store %arg12[%swap3A_3246], %swap3A_3249 {strides = array<i32>} : memref<8192xf32, #tpu.memory_space<vmem>>, vector<16xf32>,
      %add3A_3250 = arith.constant 6 : i32
      %add3A_3251 = arith.addi %mul3A_2847, %add3A_3250 : i32
      %get3A_3252 = arith.index_cast %add3A_3251 : i32 to index
      %get3A_3253 = arith.constant 0 : index
      %get3A_3254 = tpu.vector_load %arg9[%get3A_3252, %get3A_3253] {strides = array<i32>} : memref<512x64xf32, #tpu.memory_space<vmem>>, vector<1x16xf32>,
      %get3A_3255 = vector.shape_cast %get3A_3254 : vector<1x16xf32> to vector<16xf32>
      %get3A_3256 = arith.index_cast %add3A_3251 : i32 to index
      %get3A_3257 = arith.constant 0 : index
      %get3A_3258 = tpu.vector_load %arg10[%get3A_3256, %get3A_3257] {strides = array<i32>} : memref<512x64xf32, #tpu.memory_space<vmem>>, vector<1x16xf32>,
      %get3A_3259 = vector.shape_cast %get3A_3258 : vector<1x16xf32> to vector<16xf32>
      %get3A_3260 = arith.index_cast %add3A_3251 : i32 to index
      %get3A_3261 = arith.constant 0 : index
      %get3A_3262 = tpu.vector_load %arg11[%get3A_3260, %get3A_3261] {strides = array<i32>} : memref<512x64xf32, #tpu.memory_space<vmem>>, vector<1x16xf32>,
      %get3A_3263 = vector.shape_cast %get3A_3262 : vector<1x16xf32> to vector<16xf32>
      %mul3A_3264 = arith.mulf %get3A_3255, %get3A_3259 : vector<16xf32>
      %mul3A_3265 = arith.mulf %mul3A_3264, %get3A_3263 : vector<16xf32>
      %get3A_3266 = arith.index_cast %add3A_3251 : i32 to index
      %get3A_3267 = arith.constant 16 : index
      %get3A_3268 = tpu.vector_load %arg9[%get3A_3266, %get3A_3267] {strides = array<i32>} : memref<512x64xf32, #tpu.memory_space<vmem>>, vector<1x16xf32>,
      %get3A_3269 = vector.shape_cast %get3A_3268 : vector<1x16xf32> to vector<16xf32>
      %get3A_3270 = arith.index_cast %add3A_3251 : i32 to index
      %get3A_3271 = arith.constant 16 : index
      %get3A_3272 = tpu.vector_load %arg10[%get3A_3270, %get3A_3271] {strides = array<i32>} : memref<512x64xf32, #tpu.memory_space<vmem>>, vector<1x16xf32>,
      %get3A_3273 = vector.shape_cast %get3A_3272 : vector<1x16xf32> to vector<16xf32>
      %get3A_3274 = arith.index_cast %add3A_3251 : i32 to index
      %get3A_3275 = arith.constant 16 : index
      %get3A_3276 = tpu.vector_load %arg11[%get3A_3274, %get3A_3275] {strides = array<i32>} : memref<512x64xf32, #tpu.memory_space<vmem>>, vector<1x16xf32>,
      %get3A_3277 = vector.shape_cast %get3A_3276 : vector<1x16xf32> to vector<16xf32>
      %mul3A_3278 = arith.mulf %get3A_3269, %get3A_3273 : vector<16xf32>
      %mul3A_3279 = arith.mulf %mul3A_3278, %get3A_3277 : vector<16xf32>
      %add3A_3280 = arith.addf %mul3A_3265, %mul3A_3279 : vector<16xf32>
      %get3A_3281 = arith.index_cast %add3A_3251 : i32 to index
      %get3A_3282 = arith.constant 32 : index
      %get3A_3283 = tpu.vector_load %arg9[%get3A_3281, %get3A_3282] {strides = array<i32>} : memref<512x64xf32, #tpu.memory_space<vmem>>, vector<1x16xf32>,
      %get3A_3284 = vector.shape_cast %get3A_3283 : vector<1x16xf32> to vector<16xf32>
      %get3A_3285 = arith.index_cast %add3A_3251 : i32 to index
      %get3A_3286 = arith.constant 32 : index
      %get3A_3287 = tpu.vector_load %arg10[%get3A_3285, %get3A_3286] {strides = array<i32>} : memref<512x64xf32, #tpu.memory_space<vmem>>, vector<1x16xf32>,
      %get3A_3288 = vector.shape_cast %get3A_3287 : vector<1x16xf32> to vector<16xf32>
      %get3A_3289 = arith.index_cast %add3A_3251 : i32 to index
      %get3A_3290 = arith.constant 32 : index
      %get3A_3291 = tpu.vector_load %arg11[%get3A_3289, %get3A_3290] {strides = array<i32>} : memref<512x64xf32, #tpu.memory_space<vmem>>, vector<1x16xf32>,
      %get3A_3292 = vector.shape_cast %get3A_3291 : vector<1x16xf32> to vector<16xf32>
      %mul3A_3293 = arith.mulf %get3A_3284, %get3A_3288 : vector<16xf32>
      %mul3A_3294 = arith.mulf %mul3A_3293, %get3A_3292 : vector<16xf32>
      %add3A_3295 = arith.addf %add3A_3280, %mul3A_3294 : vector<16xf32>
      %get3A_3296 = arith.index_cast %add3A_3251 : i32 to index
      %get3A_3297 = arith.constant 48 : index
      %get3A_3298 = tpu.vector_load %arg9[%get3A_3296, %get3A_3297] {strides = array<i32>} : memref<512x64xf32, #tpu.memory_space<vmem>>, vector<1x16xf32>,
      %get3A_3299 = vector.shape_cast %get3A_3298 : vector<1x16xf32> to vector<16xf32>
      %get3A_3300 = arith.index_cast %add3A_3251 : i32 to index
      %get3A_3301 = arith.constant 48 : index
      %get3A_3302 = tpu.vector_load %arg10[%get3A_3300, %get3A_3301] {strides = array<i32>} : memref<512x64xf32, #tpu.memory_space<vmem>>, vector<1x16xf32>,
      %get3A_3303 = vector.shape_cast %get3A_3302 : vector<1x16xf32> to vector<16xf32>
      %get3A_3304 = arith.index_cast %add3A_3251 : i32 to index
      %get3A_3305 = arith.constant 48 : index
      %get3A_3306 = tpu.vector_load %arg11[%get3A_3304, %get3A_3305] {strides = array<i32>} : memref<512x64xf32, #tpu.memory_space<vmem>>, vector<1x16xf32>,
      %get3A_3307 = vector.shape_cast %get3A_3306 : vector<1x16xf32> to vector<16xf32>
      %mul3A_3308 = arith.mulf %get3A_3299, %get3A_3303 : vector<16xf32>
      %mul3A_3309 = arith.mulf %mul3A_3308, %get3A_3307 : vector<16xf32>
      %add3A_3310 = arith.addf %add3A_3295, %mul3A_3309 : vector<16xf32>
      %mul3A_3311 = arith.constant 16 : i32
      %mul3A_3312 = arith.muli %add3A_3251, %mul3A_3311 : i32
      %swap3A_3313 = arith.index_cast %mul3A_3312 : i32 to index
      %swap3A_3314 = tpu.vector_load %arg12[%swap3A_3313] {strides = array<i32>} : memref<8192xf32, #tpu.memory_space<vmem>>, vector<16xf32>,
      %swap3A_3315 = vector.shape_cast %swap3A_3314 : vector<16xf32> to vector<16xf32>
      %swap3A_3316 = vector.shape_cast %add3A_3310 : vector<16xf32> to vector<16xf32>
      tpu.vector_store %arg12[%swap3A_3313], %swap3A_3316 {strides = array<i32>} : memref<8192xf32, #tpu.memory_space<vmem>>, vector<16xf32>,
      %add3A_3317 = arith.constant 7 : i32
      %add3A_3318 = arith.addi %mul3A_2847, %add3A_3317 : i32
      %get3A_3319 = arith.index_cast %add3A_3318 : i32 to index
      %get3A_3320 = arith.constant 0 : index
      %get3A_3321 = tpu.vector_load %arg9[%get3A_3319, %get3A_3320] {strides = array<i32>} : memref<512x64xf32, #tpu.memory_space<vmem>>, vector<1x16xf32>,
      %get3A_3322 = vector.shape_cast %get3A_3321 : vector<1x16xf32> to vector<16xf32>
      %get3A_3323 = arith.index_cast %add3A_3318 : i32 to index
      %get3A_3324 = arith.constant 0 : index
      %get3A_3325 = tpu.vector_load %arg10[%get3A_3323, %get3A_3324] {strides = array<i32>} : memref<512x64xf32, #tpu.memory_space<vmem>>, vector<1x16xf32>,
      %get3A_3326 = vector.shape_cast %get3A_3325 : vector<1x16xf32> to vector<16xf32>
      %get3A_3327 = arith.index_cast %add3A_3318 : i32 to index
      %get3A_3328 = arith.constant 0 : index
      %get3A_3329 = tpu.vector_load %arg11[%get3A_3327, %get3A_3328] {strides = array<i32>} : memref<512x64xf32, #tpu.memory_space<vmem>>, vector<1x16xf32>,
      %get3A_3330 = vector.shape_cast %get3A_3329 : vector<1x16xf32> to vector<16xf32>
      %mul3A_3331 = arith.mulf %get3A_3322, %get3A_3326 : vector<16xf32>
      %mul3A_3332 = arith.mulf %mul3A_3331, %get3A_3330 : vector<16xf32>
      %get3A_3333 = arith.index_cast %add3A_3318 : i32 to index
      %get3A_3334 = arith.constant 16 : index
      %get3A_3335 = tpu.vector_load %arg9[%get3A_3333, %get3A_3334] {strides = array<i32>} : memref<512x64xf32, #tpu.memory_space<vmem>>, vector<1x16xf32>,
      %get3A_3336 = vector.shape_cast %get3A_3335 : vector<1x16xf32> to vector<16xf32>
      %get3A_3337 = arith.index_cast %add3A_3318 : i32 to index
      %get3A_3338 = arith.constant 16 : index
      %get3A_3339 = tpu.vector_load %arg10[%get3A_3337, %get3A_3338] {strides = array<i32>} : memref<512x64xf32, #tpu.memory_space<vmem>>, vector<1x16xf32>,
      %get3A_3340 = vector.shape_cast %get3A_3339 : vector<1x16xf32> to vector<16xf32>
      %get3A_3341 = arith.index_cast %add3A_3318 : i32 to index
      %get3A_3342 = arith.constant 16 : index
      %get3A_3343 = tpu.vector_load %arg11[%get3A_3341, %get3A_3342] {strides = array<i32>} : memref<512x64xf32, #tpu.memory_space<vmem>>, vector<1x16xf32>,
      %get3A_3344 = vector.shape_cast %get3A_3343 : vector<1x16xf32> to vector<16xf32>
      %mul3A_3345 = arith.mulf %get3A_3336, %get3A_3340 : vector<16xf32>
      %mul3A_3346 = arith.mulf %mul3A_3345, %get3A_3344 : vector<16xf32>
      %add3A_3347 = arith.addf %mul3A_3332, %mul3A_3346 : vector<16xf32>
      %get3A_3348 = arith.index_cast %add3A_3318 : i32 to index
      %get3A_3349 = arith.constant 32 : index
      %get3A_3350 = tpu.vector_load %arg9[%get3A_3348, %get3A_3349] {strides = array<i32>} : memref<512x64xf32, #tpu.memory_space<vmem>>, vector<1x16xf32>,
      %get3A_3351 = vector.shape_cast %get3A_3350 : vector<1x16xf32> to vector<16xf32>
      %get3A_3352 = arith.index_cast %add3A_3318 : i32 to index
      %get3A_3353 = arith.constant 32 : index
      %get3A_3354 = tpu.vector_load %arg10[%get3A_3352, %get3A_3353] {strides = array<i32>} : memref<512x64xf32, #tpu.memory_space<vmem>>, vector<1x16xf32>,
      %get3A_3355 = vector.shape_cast %get3A_3354 : vector<1x16xf32> to vector<16xf32>
      %get3A_3356 = arith.index_cast %add3A_3318 : i32 to index
      %get3A_3357 = arith.constant 32 : index
      %get3A_3358 = tpu.vector_load %arg11[%get3A_3356, %get3A_3357] {strides = array<i32>} : memref<512x64xf32, #tpu.memory_space<vmem>>, vector<1x16xf32>,
      %get3A_3359 = vector.shape_cast %get3A_3358 : vector<1x16xf32> to vector<16xf32>
      %mul3A_3360 = arith.mulf %get3A_3351, %get3A_3355 : vector<16xf32>
      %mul3A_3361 = arith.mulf %mul3A_3360, %get3A_3359 : vector<16xf32>
      %add3A_3362 = arith.addf %add3A_3347, %mul3A_3361 : vector<16xf32>
      %get3A_3363 = arith.index_cast %add3A_3318 : i32 to index
      %get3A_3364 = arith.constant 48 : index
      %get3A_3365 = tpu.vector_load %arg9[%get3A_3363, %get3A_3364] {strides = array<i32>} : memref<512x64xf32, #tpu.memory_space<vmem>>, vector<1x16xf32>,
      %get3A_3366 = vector.shape_cast %get3A_3365 : vector<1x16xf32> to vector<16xf32>
      %get3A_3367 = arith.index_cast %add3A_3318 : i32 to index
      %get3A_3368 = arith.constant 48 : index
      %get3A_3369 = tpu.vector_load %arg10[%get3A_3367, %get3A_3368] {strides = array<i32>} : memref<512x64xf32, #tpu.memory_space<vmem>>, vector<1x16xf32>,
      %get3A_3370 = vector.shape_cast %get3A_3369 : vector<1x16xf32> to vector<16xf32>
      %get3A_3371 = arith.index_cast %add3A_3318 : i32 to index
      %get3A_3372 = arith.constant 48 : index
      %get3A_3373 = tpu.vector_load %arg11[%get3A_3371, %get3A_3372] {strides = array<i32>} : memref<512x64xf32, #tpu.memory_space<vmem>>, vector<1x16xf32>,
      %get3A_3374 = vector.shape_cast %get3A_3373 : vector<1x16xf32> to vector<16xf32>
      %mul3A_3375 = arith.mulf %get3A_3366, %get3A_3370 : vector<16xf32>
      %mul3A_3376 = arith.mulf %mul3A_3375, %get3A_3374 : vector<16xf32>
      %add3A_3377 = arith.addf %add3A_3362, %mul3A_3376 : vector<16xf32>
      %mul3A_3378 = arith.constant 16 : i32
      %mul3A_3379 = arith.muli %add3A_3318, %mul3A_3378 : i32
      %swap3A_3380 = arith.index_cast %mul3A_3379 : i32 to index
      %swap3A_3381 = tpu.vector_load %arg12[%swap3A_3380] {strides = array<i32>} : memref<8192xf32, #tpu.memory_space<vmem>>, vector<16xf32>,
      %swap3A_3382 = vector.shape_cast %swap3A_3381 : vector<16xf32> to vector<16xf32>
      %swap3A_3383 = vector.shape_cast %add3A_3377 : vector<16xf32> to vector<16xf32>
      tpu.vector_store %arg12[%swap3A_3380], %swap3A_3383 {strides = array<i32>} : memref<8192xf32, #tpu.memory_space<vmem>>, vector<16xf32>,
      %add3A_3384 = arith.constant 8 : i32
      %add3A_3385 = arith.addi %mul3A_2847, %add3A_3384 : i32
      %get3A_3386 = arith.index_cast %add3A_3385 : i32 to index
      %get3A_3387 = arith.constant 0 : index
      %get3A_3388 = tpu.vector_load %arg9[%get3A_3386, %get3A_3387] {strides = array<i32>} : memref<512x64xf32, #tpu.memory_space<vmem>>, vector<1x16xf32>,
      %get3A_3389 = vector.shape_cast %get3A_3388 : vector<1x16xf32> to vector<16xf32>
      %get3A_3390 = arith.index_cast %add3A_3385 : i32 to index
      %get3A_3391 = arith.constant 0 : index
      %get3A_3392 = tpu.vector_load %arg10[%get3A_3390, %get3A_3391] {strides = array<i32>} : memref<512x64xf32, #tpu.memory_space<vmem>>, vector<1x16xf32>,
      %get3A_3393 = vector.shape_cast %get3A_3392 : vector<1x16xf32> to vector<16xf32>
      %get3A_3394 = arith.index_cast %add3A_3385 : i32 to index
      %get3A_3395 = arith.constant 0 : index
      %get3A_3396 = tpu.vector_load %arg11[%get3A_3394, %get3A_3395] {strides = array<i32>} : memref<512x64xf32, #tpu.memory_space<vmem>>, vector<1x16xf32>,
      %get3A_3397 = vector.shape_cast %get3A_3396 : vector<1x16xf32> to vector<16xf32>
      %mul3A_3398 = arith.mulf %get3A_3389, %get3A_3393 : vector<16xf32>
      %mul3A_3399 = arith.mulf %mul3A_3398, %get3A_3397 : vector<16xf32>
      %get3A_3400 = arith.index_cast %add3A_3385 : i32 to index
      %get3A_3401 = arith.constant 16 : index
      %get3A_3402 = tpu.vector_load %arg9[%get3A_3400, %get3A_3401] {strides = array<i32>} : memref<512x64xf32, #tpu.memory_space<vmem>>, vector<1x16xf32>,
      %get3A_3403 = vector.shape_cast %get3A_3402 : vector<1x16xf32> to vector<16xf32>
      %get3A_3404 = arith.index_cast %add3A_3385 : i32 to index
      %get3A_3405 = arith.constant 16 : index
      %get3A_3406 = tpu.vector_load %arg10[%get3A_3404, %get3A_3405] {strides = array<i32>} : memref<512x64xf32, #tpu.memory_space<vmem>>, vector<1x16xf32>,
      %get3A_3407 = vector.shape_cast %get3A_3406 : vector<1x16xf32> to vector<16xf32>
      %get3A_3408 = arith.index_cast %add3A_3385 : i32 to index
      %get3A_3409 = arith.constant 16 : index
      %get3A_3410 = tpu.vector_load %arg11[%get3A_3408, %get3A_3409] {strides = array<i32>} : memref<512x64xf32, #tpu.memory_space<vmem>>, vector<1x16xf32>,
      %get3A_3411 = vector.shape_cast %get3A_3410 : vector<1x16xf32> to vector<16xf32>
      %mul3A_3412 = arith.mulf %get3A_3403, %get3A_3407 : vector<16xf32>
      %mul3A_3413 = arith.mulf %mul3A_3412, %get3A_3411 : vector<16xf32>
      %add3A_3414 = arith.addf %mul3A_3399, %mul3A_3413 : vector<16xf32>
      %get3A_3415 = arith.index_cast %add3A_3385 : i32 to index
      %get3A_3416 = arith.constant 32 : index
      %get3A_3417 = tpu.vector_load %arg9[%get3A_3415, %get3A_3416] {strides = array<i32>} : memref<512x64xf32, #tpu.memory_space<vmem>>, vector<1x16xf32>,
      %get3A_3418 = vector.shape_cast %get3A_3417 : vector<1x16xf32> to vector<16xf32>
      %get3A_3419 = arith.index_cast %add3A_3385 : i32 to index
      %get3A_3420 = arith.constant 32 : index
      %get3A_3421 = tpu.vector_load %arg10[%get3A_3419, %get3A_3420] {strides = array<i32>} : memref<512x64xf32, #tpu.memory_space<vmem>>, vector<1x16xf32>,
      %get3A_3422 = vector.shape_cast %get3A_3421 : vector<1x16xf32> to vector<16xf32>
      %get3A_3423 = arith.index_cast %add3A_3385 : i32 to index
      %get3A_3424 = arith.constant 32 : index
      %get3A_3425 = tpu.vector_load %arg11[%get3A_3423, %get3A_3424] {strides = array<i32>} : memref<512x64xf32, #tpu.memory_space<vmem>>, vector<1x16xf32>,
      %get3A_3426 = vector.shape_cast %get3A_3425 : vector<1x16xf32> to vector<16xf32>
      %mul3A_3427 = arith.mulf %get3A_3418, %get3A_3422 : vector<16xf32>
      %mul3A_3428 = arith.mulf %mul3A_3427, %get3A_3426 : vector<16xf32>
      %add3A_3429 = arith.addf %add3A_3414, %mul3A_3428 : vector<16xf32>
      %get3A_3430 = arith.index_cast %add3A_3385 : i32 to index
      %get3A_3431 = arith.constant 48 : index
      %get3A_3432 = tpu.vector_load %arg9[%get3A_3430, %get3A_3431] {strides = array<i32>} : memref<512x64xf32, #tpu.memory_space<vmem>>, vector<1x16xf32>,
      %get3A_3433 = vector.shape_cast %get3A_3432 : vector<1x16xf32> to vector<16xf32>
      %get3A_3434 = arith.index_cast %add3A_3385 : i32 to index
      %get3A_3435 = arith.constant 48 : index
      %get3A_3436 = tpu.vector_load %arg10[%get3A_3434, %get3A_3435] {strides = array<i32>} : memref<512x64xf32, #tpu.memory_space<vmem>>, vector<1x16xf32>,
      %get3A_3437 = vector.shape_cast %get3A_3436 : vector<1x16xf32> to vector<16xf32>
      %get3A_3438 = arith.index_cast %add3A_3385 : i32 to index
      %get3A_3439 = arith.constant 48 : index
      %get3A_3440 = tpu.vector_load %arg11[%get3A_3438, %get3A_3439] {strides = array<i32>} : memref<512x64xf32, #tpu.memory_space<vmem>>, vector<1x16xf32>,
      %get3A_3441 = vector.shape_cast %get3A_3440 : vector<1x16xf32> to vector<16xf32>
      %mul3A_3442 = arith.mulf %get3A_3433, %get3A_3437 : vector<16xf32>
      %mul3A_3443 = arith.mulf %mul3A_3442, %get3A_3441 : vector<16xf32>
      %add3A_3444 = arith.addf %add3A_3429, %mul3A_3443 : vector<16xf32>
      %mul3A_3445 = arith.constant 16 : i32
      %mul3A_3446 = arith.muli %add3A_3385, %mul3A_3445 : i32
      %swap3A_3447 = arith.index_cast %mul3A_3446 : i32 to index
      %swap3A_3448 = tpu.vector_load %arg12[%swap3A_3447] {strides = array<i32>} : memref<8192xf32, #tpu.memory_space<vmem>>, vector<16xf32>,
      %swap3A_3449 = vector.shape_cast %swap3A_3448 : vector<16xf32> to vector<16xf32>
      %swap3A_3450 = vector.shape_cast %add3A_3444 : vector<16xf32> to vector<16xf32>
      tpu.vector_store %arg12[%swap3A_3447], %swap3A_3450 {strides = array<i32>} : memref<8192xf32, #tpu.memory_space<vmem>>, vector<16xf32>,
      %add3A_3451 = arith.constant 9 : i32
      %add3A_3452 = arith.addi %mul3A_2847, %add3A_3451 : i32
      %get3A_3453 = arith.index_cast %add3A_3452 : i32 to index
      %get3A_3454 = arith.constant 0 : index
      %get3A_3455 = tpu.vector_load %arg9[%get3A_3453, %get3A_3454] {strides = array<i32>} : memref<512x64xf32, #tpu.memory_space<vmem>>, vector<1x16xf32>,
      %get3A_3456 = vector.shape_cast %get3A_3455 : vector<1x16xf32> to vector<16xf32>
      %get3A_3457 = arith.index_cast %add3A_3452 : i32 to index
      %get3A_3458 = arith.constant 0 : index
      %get3A_3459 = tpu.vector_load %arg10[%get3A_3457, %get3A_3458] {strides = array<i32>} : memref<512x64xf32, #tpu.memory_space<vmem>>, vector<1x16xf32>,
      %get3A_3460 = vector.shape_cast %get3A_3459 : vector<1x16xf32> to vector<16xf32>
      %get3A_3461 = arith.index_cast %add3A_3452 : i32 to index
      %get3A_3462 = arith.constant 0 : index
      %get3A_3463 = tpu.vector_load %arg11[%get3A_3461, %get3A_3462] {strides = array<i32>} : memref<512x64xf32, #tpu.memory_space<vmem>>, vector<1x16xf32>,
      %get3A_3464 = vector.shape_cast %get3A_3463 : vector<1x16xf32> to vector<16xf32>
      %mul3A_3465 = arith.mulf %get3A_3456, %get3A_3460 : vector<16xf32>
      %mul3A_3466 = arith.mulf %mul3A_3465, %get3A_3464 : vector<16xf32>
      %get3A_3467 = arith.index_cast %add3A_3452 : i32 to index
      %get3A_3468 = arith.constant 16 : index
      %get3A_3469 = tpu.vector_load %arg9[%get3A_3467, %get3A_3468] {strides = array<i32>} : memref<512x64xf32, #tpu.memory_space<vmem>>, vector<1x16xf32>,
      %get3A_3470 = vector.shape_cast %get3A_3469 : vector<1x16xf32> to vector<16xf32>
      %get3A_3471 = arith.index_cast %add3A_3452 : i32 to index
      %get3A_3472 = arith.constant 16 : index
      %get3A_3473 = tpu.vector_load %arg10[%get3A_3471, %get3A_3472] {strides = array<i32>} : memref<512x64xf32, #tpu.memory_space<vmem>>, vector<1x16xf32>,
      %get3A_3474 = vector.shape_cast %get3A_3473 : vector<1x16xf32> to vector<16xf32>
      %get3A_3475 = arith.index_cast %add3A_3452 : i32 to index
      %get3A_3476 = arith.constant 16 : index
      %get3A_3477 = tpu.vector_load %arg11[%get3A_3475, %get3A_3476] {strides = array<i32>} : memref<512x64xf32, #tpu.memory_space<vmem>>, vector<1x16xf32>,
      %get3A_3478 = vector.shape_cast %get3A_3477 : vector<1x16xf32> to vector<16xf32>
      %mul3A_3479 = arith.mulf %get3A_3470, %get3A_3474 : vector<16xf32>
      %mul3A_3480 = arith.mulf %mul3A_3479, %get3A_3478 : vector<16xf32>
      %add3A_3481 = arith.addf %mul3A_3466, %mul3A_3480 : vector<16xf32>
      %get3A_3482 = arith.index_cast %add3A_3452 : i32 to index
      %get3A_3483 = arith.constant 32 : index
      %get3A_3484 = tpu.vector_load %arg9[%get3A_3482, %get3A_3483] {strides = array<i32>} : memref<512x64xf32, #tpu.memory_space<vmem>>, vector<1x16xf32>,
      %get3A_3485 = vector.shape_cast %get3A_3484 : vector<1x16xf32> to vector<16xf32>
      %get3A_3486 = arith.index_cast %add3A_3452 : i32 to index
      %get3A_3487 = arith.constant 32 : index
      %get3A_3488 = tpu.vector_load %arg10[%get3A_3486, %get3A_3487] {strides = array<i32>} : memref<512x64xf32, #tpu.memory_space<vmem>>, vector<1x16xf32>,
      %get3A_3489 = vector.shape_cast %get3A_3488 : vector<1x16xf32> to vector<16xf32>
      %get3A_3490 = arith.index_cast %add3A_3452 : i32 to index
      %get3A_3491 = arith.constant 32 : index
      %get3A_3492 = tpu.vector_load %arg11[%get3A_3490, %get3A_3491] {strides = array<i32>} : memref<512x64xf32, #tpu.memory_space<vmem>>, vector<1x16xf32>,
      %get3A_3493 = vector.shape_cast %get3A_3492 : vector<1x16xf32> to vector<16xf32>
      %mul3A_3494 = arith.mulf %get3A_3485, %get3A_3489 : vector<16xf32>
      %mul3A_3495 = arith.mulf %mul3A_3494, %get3A_3493 : vector<16xf32>
      %add3A_3496 = arith.addf %add3A_3481, %mul3A_3495 : vector<16xf32>
      %get3A_3497 = arith.index_cast %add3A_3452 : i32 to index
      %get3A_3498 = arith.constant 48 : index
      %get3A_3499 = tpu.vector_load %arg9[%get3A_3497, %get3A_3498] {strides = array<i32>} : memref<512x64xf32, #tpu.memory_space<vmem>>, vector<1x16xf32>,
      %get3A_3500 = vector.shape_cast %get3A_3499 : vector<1x16xf32> to vector<16xf32>
      %get3A_3501 = arith.index_cast %add3A_3452 : i32 to index
      %get3A_3502 = arith.constant 48 : index
      %get3A_3503 = tpu.vector_load %arg10[%get3A_3501, %get3A_3502] {strides = array<i32>} : memref<512x64xf32, #tpu.memory_space<vmem>>, vector<1x16xf32>,
      %get3A_3504 = vector.shape_cast %get3A_3503 : vector<1x16xf32> to vector<16xf32>
      %get3A_3505 = arith.index_cast %add3A_3452 : i32 to index
      %get3A_3506 = arith.constant 48 : index
      %get3A_3507 = tpu.vector_load %arg11[%get3A_3505, %get3A_3506] {strides = array<i32>} : memref<512x64xf32, #tpu.memory_space<vmem>>, vector<1x16xf32>,
      %get3A_3508 = vector.shape_cast %get3A_3507 : vector<1x16xf32> to vector<16xf32>
      %mul3A_3509 = arith.mulf %get3A_3500, %get3A_3504 : vector<16xf32>
      %mul3A_3510 = arith.mulf %mul3A_3509, %get3A_3508 : vector<16xf32>
      %add3A_3511 = arith.addf %add3A_3496, %mul3A_3510 : vector<16xf32>
      %mul3A_3512 = arith.constant 16 : i32
      %mul3A_3513 = arith.muli %add3A_3452, %mul3A_3512 : i32
      %swap3A_3514 = arith.index_cast %mul3A_3513 : i32 to index
      %swap3A_3515 = tpu.vector_load %arg12[%swap3A_3514] {strides = array<i32>} : memref<8192xf32, #tpu.memory_space<vmem>>, vector<16xf32>,
      %swap3A_3516 = vector.shape_cast %swap3A_3515 : vector<16xf32> to vector<16xf32>
      %swap3A_3517 = vector.shape_cast %add3A_3511 : vector<16xf32> to vector<16xf32>
      tpu.vector_store %arg12[%swap3A_3514], %swap3A_3517 {strides = array<i32>} : memref<8192xf32, #tpu.memory_space<vmem>>, vector<16xf32>,
      %add3A_3518 = arith.constant 10 : i32
      %add3A_3519 = arith.addi %mul3A_2847, %add3A_3518 : i32
      %get3A_3520 = arith.index_cast %add3A_3519 : i32 to index
      %get3A_3521 = arith.constant 0 : index
      %get3A_3522 = tpu.vector_load %arg9[%get3A_3520, %get3A_3521] {strides = array<i32>} : memref<512x64xf32, #tpu.memory_space<vmem>>, vector<1x16xf32>,
      %get3A_3523 = vector.shape_cast %get3A_3522 : vector<1x16xf32> to vector<16xf32>
      %get3A_3524 = arith.index_cast %add3A_3519 : i32 to index
      %get3A_3525 = arith.constant 0 : index
      %get3A_3526 = tpu.vector_load %arg10[%get3A_3524, %get3A_3525] {strides = array<i32>} : memref<512x64xf32, #tpu.memory_space<vmem>>, vector<1x16xf32>,
      %get3A_3527 = vector.shape_cast %get3A_3526 : vector<1x16xf32> to vector<16xf32>
      %get3A_3528 = arith.index_cast %add3A_3519 : i32 to index
      %get3A_3529 = arith.constant 0 : index
      %get3A_3530 = tpu.vector_load %arg11[%get3A_3528, %get3A_3529] {strides = array<i32>} : memref<512x64xf32, #tpu.memory_space<vmem>>, vector<1x16xf32>,
      %get3A_3531 = vector.shape_cast %get3A_3530 : vector<1x16xf32> to vector<16xf32>
      %mul3A_3532 = arith.mulf %get3A_3523, %get3A_3527 : vector<16xf32>
      %mul3A_3533 = arith.mulf %mul3A_3532, %get3A_3531 : vector<16xf32>
      %get3A_3534 = arith.index_cast %add3A_3519 : i32 to index
      %get3A_3535 = arith.constant 16 : index
      %get3A_3536 = tpu.vector_load %arg9[%get3A_3534, %get3A_3535] {strides = array<i32>} : memref<512x64xf32, #tpu.memory_space<vmem>>, vector<1x16xf32>,
      %get3A_3537 = vector.shape_cast %get3A_3536 : vector<1x16xf32> to vector<16xf32>
      %get3A_3538 = arith.index_cast %add3A_3519 : i32 to index
      %get3A_3539 = arith.constant 16 : index
      %get3A_3540 = tpu.vector_load %arg10[%get3A_3538, %get3A_3539] {strides = array<i32>} : memref<512x64xf32, #tpu.memory_space<vmem>>, vector<1x16xf32>,
      %get3A_3541 = vector.shape_cast %get3A_3540 : vector<1x16xf32> to vector<16xf32>
      %get3A_3542 = arith.index_cast %add3A_3519 : i32 to index
      %get3A_3543 = arith.constant 16 : index
      %get3A_3544 = tpu.vector_load %arg11[%get3A_3542, %get3A_3543] {strides = array<i32>} : memref<512x64xf32, #tpu.memory_space<vmem>>, vector<1x16xf32>,
      %get3A_3545 = vector.shape_cast %get3A_3544 : vector<1x16xf32> to vector<16xf32>
      %mul3A_3546 = arith.mulf %get3A_3537, %get3A_3541 : vector<16xf32>
      %mul3A_3547 = arith.mulf %mul3A_3546, %get3A_3545 : vector<16xf32>
      %add3A_3548 = arith.addf %mul3A_3533, %mul3A_3547 : vector<16xf32>
      %get3A_3549 = arith.index_cast %add3A_3519 : i32 to index
      %get3A_3550 = arith.constant 32 : index
      %get3A_3551 = tpu.vector_load %arg9[%get3A_3549, %get3A_3550] {strides = array<i32>} : memref<512x64xf32, #tpu.memory_space<vmem>>, vector<1x16xf32>,
      %get3A_3552 = vector.shape_cast %get3A_3551 : vector<1x16xf32> to vector<16xf32>
      %get3A_3553 = arith.index_cast %add3A_3519 : i32 to index
      %get3A_3554 = arith.constant 32 : index
      %get3A_3555 = tpu.vector_load %arg10[%get3A_3553, %get3A_3554] {strides = array<i32>} : memref<512x64xf32, #tpu.memory_space<vmem>>, vector<1x16xf32>,
      %get3A_3556 = vector.shape_cast %get3A_3555 : vector<1x16xf32> to vector<16xf32>
      %get3A_3557 = arith.index_cast %add3A_3519 : i32 to index
      %get3A_3558 = arith.constant 32 : index
      %get3A_3559 = tpu.vector_load %arg11[%get3A_3557, %get3A_3558] {strides = array<i32>} : memref<512x64xf32, #tpu.memory_space<vmem>>, vector<1x16xf32>,
      %get3A_3560 = vector.shape_cast %get3A_3559 : vector<1x16xf32> to vector<16xf32>
      %mul3A_3561 = arith.mulf %get3A_3552, %get3A_3556 : vector<16xf32>
      %mul3A_3562 = arith.mulf %mul3A_3561, %get3A_3560 : vector<16xf32>
      %add3A_3563 = arith.addf %add3A_3548, %mul3A_3562 : vector<16xf32>
      %get3A_3564 = arith.index_cast %add3A_3519 : i32 to index
      %get3A_3565 = arith.constant 48 : index
      %get3A_3566 = tpu.vector_load %arg9[%get3A_3564, %get3A_3565] {strides = array<i32>} : memref<512x64xf32, #tpu.memory_space<vmem>>, vector<1x16xf32>,
      %get3A_3567 = vector.shape_cast %get3A_3566 : vector<1x16xf32> to vector<16xf32>
      %get3A_3568 = arith.index_cast %add3A_3519 : i32 to index
      %get3A_3569 = arith.constant 48 : index
      %get3A_3570 = tpu.vector_load %arg10[%get3A_3568, %get3A_3569] {strides = array<i32>} : memref<512x64xf32, #tpu.memory_space<vmem>>, vector<1x16xf32>,
      %get3A_3571 = vector.shape_cast %get3A_3570 : vector<1x16xf32> to vector<16xf32>
      %get3A_3572 = arith.index_cast %add3A_3519 : i32 to index
      %get3A_3573 = arith.constant 48 : index
      %get3A_3574 = tpu.vector_load %arg11[%get3A_3572, %get3A_3573] {strides = array<i32>} : memref<512x64xf32, #tpu.memory_space<vmem>>, vector<1x16xf32>,
      %get3A_3575 = vector.shape_cast %get3A_3574 : vector<1x16xf32> to vector<16xf32>
      %mul3A_3576 = arith.mulf %get3A_3567, %get3A_3571 : vector<16xf32>
      %mul3A_3577 = arith.mulf %mul3A_3576, %get3A_3575 : vector<16xf32>
      %add3A_3578 = arith.addf %add3A_3563, %mul3A_3577 : vector<16xf32>
      %mul3A_3579 = arith.constant 16 : i32
      %mul3A_3580 = arith.muli %add3A_3519, %mul3A_3579 : i32
      %swap3A_3581 = arith.index_cast %mul3A_3580 : i32 to index
      %swap3A_3582 = tpu.vector_load %arg12[%swap3A_3581] {strides = array<i32>} : memref<8192xf32, #tpu.memory_space<vmem>>, vector<16xf32>,
      %swap3A_3583 = vector.shape_cast %swap3A_3582 : vector<16xf32> to vector<16xf32>
      %swap3A_3584 = vector.shape_cast %add3A_3578 : vector<16xf32> to vector<16xf32>
      tpu.vector_store %arg12[%swap3A_3581], %swap3A_3584 {strides = array<i32>} : memref<8192xf32, #tpu.memory_space<vmem>>, vector<16xf32>,
      %add3A_3585 = arith.constant 11 : i32
      %add3A_3586 = arith.addi %mul3A_2847, %add3A_3585 : i32
      %get3A_3587 = arith.index_cast %add3A_3586 : i32 to index
      %get3A_3588 = arith.constant 0 : index
      %get3A_3589 = tpu.vector_load %arg9[%get3A_3587, %get3A_3588] {strides = array<i32>} : memref<512x64xf32, #tpu.memory_space<vmem>>, vector<1x16xf32>,
      %get3A_3590 = vector.shape_cast %get3A_3589 : vector<1x16xf32> to vector<16xf32>
      %get3A_3591 = arith.index_cast %add3A_3586 : i32 to index
      %get3A_3592 = arith.constant 0 : index
      %get3A_3593 = tpu.vector_load %arg10[%get3A_3591, %get3A_3592] {strides = array<i32>} : memref<512x64xf32, #tpu.memory_space<vmem>>, vector<1x16xf32>,
      %get3A_3594 = vector.shape_cast %get3A_3593 : vector<1x16xf32> to vector<16xf32>
      %get3A_3595 = arith.index_cast %add3A_3586 : i32 to index
      %get3A_3596 = arith.constant 0 : index
      %get3A_3597 = tpu.vector_load %arg11[%get3A_3595, %get3A_3596] {strides = array<i32>} : memref<512x64xf32, #tpu.memory_space<vmem>>, vector<1x16xf32>,
      %get3A_3598 = vector.shape_cast %get3A_3597 : vector<1x16xf32> to vector<16xf32>
      %mul3A_3599 = arith.mulf %get3A_3590, %get3A_3594 : vector<16xf32>
      %mul3A_3600 = arith.mulf %mul3A_3599, %get3A_3598 : vector<16xf32>
      %get3A_3601 = arith.index_cast %add3A_3586 : i32 to index
      %get3A_3602 = arith.constant 16 : index
      %get3A_3603 = tpu.vector_load %arg9[%get3A_3601, %get3A_3602] {strides = array<i32>} : memref<512x64xf32, #tpu.memory_space<vmem>>, vector<1x16xf32>,
      %get3A_3604 = vector.shape_cast %get3A_3603 : vector<1x16xf32> to vector<16xf32>
      %get3A_3605 = arith.index_cast %add3A_3586 : i32 to index
      %get3A_3606 = arith.constant 16 : index
      %get3A_3607 = tpu.vector_load %arg10[%get3A_3605, %get3A_3606] {strides = array<i32>} : memref<512x64xf32, #tpu.memory_space<vmem>>, vector<1x16xf32>,
      %get3A_3608 = vector.shape_cast %get3A_3607 : vector<1x16xf32> to vector<16xf32>
      %get3A_3609 = arith.index_cast %add3A_3586 : i32 to index
      %get3A_3610 = arith.constant 16 : index
      %get3A_3611 = tpu.vector_load %arg11[%get3A_3609, %get3A_3610] {strides = array<i32>} : memref<512x64xf32, #tpu.memory_space<vmem>>, vector<1x16xf32>,
      %get3A_3612 = vector.shape_cast %get3A_3611 : vector<1x16xf32> to vector<16xf32>
      %mul3A_3613 = arith.mulf %get3A_3604, %get3A_3608 : vector<16xf32>
      %mul3A_3614 = arith.mulf %mul3A_3613, %get3A_3612 : vector<16xf32>
      %add3A_3615 = arith.addf %mul3A_3600, %mul3A_3614 : vector<16xf32>
      %get3A_3616 = arith.index_cast %add3A_3586 : i32 to index
      %get3A_3617 = arith.constant 32 : index
      %get3A_3618 = tpu.vector_load %arg9[%get3A_3616, %get3A_3617] {strides = array<i32>} : memref<512x64xf32, #tpu.memory_space<vmem>>, vector<1x16xf32>,
      %get3A_3619 = vector.shape_cast %get3A_3618 : vector<1x16xf32> to vector<16xf32>
      %get3A_3620 = arith.index_cast %add3A_3586 : i32 to index
      %get3A_3621 = arith.constant 32 : index
      %get3A_3622 = tpu.vector_load %arg10[%get3A_3620, %get3A_3621] {strides = array<i32>} : memref<512x64xf32, #tpu.memory_space<vmem>>, vector<1x16xf32>,
      %get3A_3623 = vector.shape_cast %get3A_3622 : vector<1x16xf32> to vector<16xf32>
      %get3A_3624 = arith.index_cast %add3A_3586 : i32 to index
      %get3A_3625 = arith.constant 32 : index
      %get3A_3626 = tpu.vector_load %arg11[%get3A_3624, %get3A_3625] {strides = array<i32>} : memref<512x64xf32, #tpu.memory_space<vmem>>, vector<1x16xf32>,
      %get3A_3627 = vector.shape_cast %get3A_3626 : vector<1x16xf32> to vector<16xf32>
      %mul3A_3628 = arith.mulf %get3A_3619, %get3A_3623 : vector<16xf32>
      %mul3A_3629 = arith.mulf %mul3A_3628, %get3A_3627 : vector<16xf32>
      %add3A_3630 = arith.addf %add3A_3615, %mul3A_3629 : vector<16xf32>
      %get3A_3631 = arith.index_cast %add3A_3586 : i32 to index
      %get3A_3632 = arith.constant 48 : index
      %get3A_3633 = tpu.vector_load %arg9[%get3A_3631, %get3A_3632] {strides = array<i32>} : memref<512x64xf32, #tpu.memory_space<vmem>>, vector<1x16xf32>,
      %get3A_3634 = vector.shape_cast %get3A_3633 : vector<1x16xf32> to vector<16xf32>
      %get3A_3635 = arith.index_cast %add3A_3586 : i32 to index
      %get3A_3636 = arith.constant 48 : index
      %get3A_3637 = tpu.vector_load %arg10[%get3A_3635, %get3A_3636] {strides = array<i32>} : memref<512x64xf32, #tpu.memory_space<vmem>>, vector<1x16xf32>,
      %get3A_3638 = vector.shape_cast %get3A_3637 : vector<1x16xf32> to vector<16xf32>
      %get3A_3639 = arith.index_cast %add3A_3586 : i32 to index
      %get3A_3640 = arith.constant 48 : index
      %get3A_3641 = tpu.vector_load %arg11[%get3A_3639, %get3A_3640] {strides = array<i32>} : memref<512x64xf32, #tpu.memory_space<vmem>>, vector<1x16xf32>,
      %get3A_3642 = vector.shape_cast %get3A_3641 : vector<1x16xf32> to vector<16xf32>
      %mul3A_3643 = arith.mulf %get3A_3634, %get3A_3638 : vector<16xf32>
      %mul3A_3644 = arith.mulf %mul3A_3643, %get3A_3642 : vector<16xf32>
      %add3A_3645 = arith.addf %add3A_3630, %mul3A_3644 : vector<16xf32>
      %mul3A_3646 = arith.constant 16 : i32
      %mul3A_3647 = arith.muli %add3A_3586, %mul3A_3646 : i32
      %swap3A_3648 = arith.index_cast %mul3A_3647 : i32 to index
      %swap3A_3649 = tpu.vector_load %arg12[%swap3A_3648] {strides = array<i32>} : memref<8192xf32, #tpu.memory_space<vmem>>, vector<16xf32>,
      %swap3A_3650 = vector.shape_cast %swap3A_3649 : vector<16xf32> to vector<16xf32>
      %swap3A_3651 = vector.shape_cast %add3A_3645 : vector<16xf32> to vector<16xf32>
      tpu.vector_store %arg12[%swap3A_3648], %swap3A_3651 {strides = array<i32>} : memref<8192xf32, #tpu.memory_space<vmem>>, vector<16xf32>,
      %add3A_3652 = arith.constant 12 : i32
      %add3A_3653 = arith.addi %mul3A_2847, %add3A_3652 : i32
      %get3A_3654 = arith.index_cast %add3A_3653 : i32 to index
      %get3A_3655 = arith.constant 0 : index
      %get3A_3656 = tpu.vector_load %arg9[%get3A_3654, %get3A_3655] {strides = array<i32>} : memref<512x64xf32, #tpu.memory_space<vmem>>, vector<1x16xf32>,
      %get3A_3657 = vector.shape_cast %get3A_3656 : vector<1x16xf32> to vector<16xf32>
      %get3A_3658 = arith.index_cast %add3A_3653 : i32 to index
      %get3A_3659 = arith.constant 0 : index
      %get3A_3660 = tpu.vector_load %arg10[%get3A_3658, %get3A_3659] {strides = array<i32>} : memref<512x64xf32, #tpu.memory_space<vmem>>, vector<1x16xf32>,
      %get3A_3661 = vector.shape_cast %get3A_3660 : vector<1x16xf32> to vector<16xf32>
      %get3A_3662 = arith.index_cast %add3A_3653 : i32 to index
      %get3A_3663 = arith.constant 0 : index
      %get3A_3664 = tpu.vector_load %arg11[%get3A_3662, %get3A_3663] {strides = array<i32>} : memref<512x64xf32, #tpu.memory_space<vmem>>, vector<1x16xf32>,
      %get3A_3665 = vector.shape_cast %get3A_3664 : vector<1x16xf32> to vector<16xf32>
      %mul3A_3666 = arith.mulf %get3A_3657, %get3A_3661 : vector<16xf32>
      %mul3A_3667 = arith.mulf %mul3A_3666, %get3A_3665 : vector<16xf32>
      %get3A_3668 = arith.index_cast %add3A_3653 : i32 to index
      %get3A_3669 = arith.constant 16 : index
      %get3A_3670 = tpu.vector_load %arg9[%get3A_3668, %get3A_3669] {strides = array<i32>} : memref<512x64xf32, #tpu.memory_space<vmem>>, vector<1x16xf32>,
      %get3A_3671 = vector.shape_cast %get3A_3670 : vector<1x16xf32> to vector<16xf32>
      %get3A_3672 = arith.index_cast %add3A_3653 : i32 to index
      %get3A_3673 = arith.constant 16 : index
      %get3A_3674 = tpu.vector_load %arg10[%get3A_3672, %get3A_3673] {strides = array<i32>} : memref<512x64xf32, #tpu.memory_space<vmem>>, vector<1x16xf32>,
      %get3A_3675 = vector.shape_cast %get3A_3674 : vector<1x16xf32> to vector<16xf32>
      %get3A_3676 = arith.index_cast %add3A_3653 : i32 to index
      %get3A_3677 = arith.constant 16 : index
      %get3A_3678 = tpu.vector_load %arg11[%get3A_3676, %get3A_3677] {strides = array<i32>} : memref<512x64xf32, #tpu.memory_space<vmem>>, vector<1x16xf32>,
      %get3A_3679 = vector.shape_cast %get3A_3678 : vector<1x16xf32> to vector<16xf32>
      %mul3A_3680 = arith.mulf %get3A_3671, %get3A_3675 : vector<16xf32>
      %mul3A_3681 = arith.mulf %mul3A_3680, %get3A_3679 : vector<16xf32>
      %add3A_3682 = arith.addf %mul3A_3667, %mul3A_3681 : vector<16xf32>
      %get3A_3683 = arith.index_cast %add3A_3653 : i32 to index
      %get3A_3684 = arith.constant 32 : index
      %get3A_3685 = tpu.vector_load %arg9[%get3A_3683, %get3A_3684] {strides = array<i32>} : memref<512x64xf32, #tpu.memory_space<vmem>>, vector<1x16xf32>,
      %get3A_3686 = vector.shape_cast %get3A_3685 : vector<1x16xf32> to vector<16xf32>
      %get3A_3687 = arith.index_cast %add3A_3653 : i32 to index
      %get3A_3688 = arith.constant 32 : index
      %get3A_3689 = tpu.vector_load %arg10[%get3A_3687, %get3A_3688] {strides = array<i32>} : memref<512x64xf32, #tpu.memory_space<vmem>>, vector<1x16xf32>,
      %get3A_3690 = vector.shape_cast %get3A_3689 : vector<1x16xf32> to vector<16xf32>
      %get3A_3691 = arith.index_cast %add3A_3653 : i32 to index
      %get3A_3692 = arith.constant 32 : index
      %get3A_3693 = tpu.vector_load %arg11[%get3A_3691, %get3A_3692] {strides = array<i32>} : memref<512x64xf32, #tpu.memory_space<vmem>>, vector<1x16xf32>,
      %get3A_3694 = vector.shape_cast %get3A_3693 : vector<1x16xf32> to vector<16xf32>
      %mul3A_3695 = arith.mulf %get3A_3686, %get3A_3690 : vector<16xf32>
      %mul3A_3696 = arith.mulf %mul3A_3695, %get3A_3694 : vector<16xf32>
      %add3A_3697 = arith.addf %add3A_3682, %mul3A_3696 : vector<16xf32>
      %get3A_3698 = arith.index_cast %add3A_3653 : i32 to index
      %get3A_3699 = arith.constant 48 : index
      %get3A_3700 = tpu.vector_load %arg9[%get3A_3698, %get3A_3699] {strides = array<i32>} : memref<512x64xf32, #tpu.memory_space<vmem>>, vector<1x16xf32>,
      %get3A_3701 = vector.shape_cast %get3A_3700 : vector<1x16xf32> to vector<16xf32>
      %get3A_3702 = arith.index_cast %add3A_3653 : i32 to index
      %get3A_3703 = arith.constant 48 : index
      %get3A_3704 = tpu.vector_load %arg10[%get3A_3702, %get3A_3703] {strides = array<i32>} : memref<512x64xf32, #tpu.memory_space<vmem>>, vector<1x16xf32>,
      %get3A_3705 = vector.shape_cast %get3A_3704 : vector<1x16xf32> to vector<16xf32>
      %get3A_3706 = arith.index_cast %add3A_3653 : i32 to index
      %get3A_3707 = arith.constant 48 : index
      %get3A_3708 = tpu.vector_load %arg11[%get3A_3706, %get3A_3707] {strides = array<i32>} : memref<512x64xf32, #tpu.memory_space<vmem>>, vector<1x16xf32>,
      %get3A_3709 = vector.shape_cast %get3A_3708 : vector<1x16xf32> to vector<16xf32>
      %mul3A_3710 = arith.mulf %get3A_3701, %get3A_3705 : vector<16xf32>
      %mul3A_3711 = arith.mulf %mul3A_3710, %get3A_3709 : vector<16xf32>
      %add3A_3712 = arith.addf %add3A_3697, %mul3A_3711 : vector<16xf32>
      %mul3A_3713 = arith.constant 16 : i32
      %mul3A_3714 = arith.muli %add3A_3653, %mul3A_3713 : i32
      %swap3A_3715 = arith.index_cast %mul3A_3714 : i32 to index
      %swap3A_3716 = tpu.vector_load %arg12[%swap3A_3715] {strides = array<i32>} : memref<8192xf32, #tpu.memory_space<vmem>>, vector<16xf32>,
      %swap3A_3717 = vector.shape_cast %swap3A_3716 : vector<16xf32> to vector<16xf32>
      %swap3A_3718 = vector.shape_cast %add3A_3712 : vector<16xf32> to vector<16xf32>
      tpu.vector_store %arg12[%swap3A_3715], %swap3A_3718 {strides = array<i32>} : memref<8192xf32, #tpu.memory_space<vmem>>, vector<16xf32>,
      %add3A_3719 = arith.constant 13 : i32
      %add3A_3720 = arith.addi %mul3A_2847, %add3A_3719 : i32
      %get3A_3721 = arith.index_cast %add3A_3720 : i32 to index
      %get3A_3722 = arith.constant 0 : index
      %get3A_3723 = tpu.vector_load %arg9[%get3A_3721, %get3A_3722] {strides = array<i32>} : memref<512x64xf32, #tpu.memory_space<vmem>>, vector<1x16xf32>,
      %get3A_3724 = vector.shape_cast %get3A_3723 : vector<1x16xf32> to vector<16xf32>
      %get3A_3725 = arith.index_cast %add3A_3720 : i32 to index
      %get3A_3726 = arith.constant 0 : index
      %get3A_3727 = tpu.vector_load %arg10[%get3A_3725, %get3A_3726] {strides = array<i32>} : memref<512x64xf32, #tpu.memory_space<vmem>>, vector<1x16xf32>,
      %get3A_3728 = vector.shape_cast %get3A_3727 : vector<1x16xf32> to vector<16xf32>
      %get3A_3729 = arith.index_cast %add3A_3720 : i32 to index
      %get3A_3730 = arith.constant 0 : index
      %get3A_3731 = tpu.vector_load %arg11[%get3A_3729, %get3A_3730] {strides = array<i32>} : memref<512x64xf32, #tpu.memory_space<vmem>>, vector<1x16xf32>,
      %get3A_3732 = vector.shape_cast %get3A_3731 : vector<1x16xf32> to vector<16xf32>
      %mul3A_3733 = arith.mulf %get3A_3724, %get3A_3728 : vector<16xf32>
      %mul3A_3734 = arith.mulf %mul3A_3733, %get3A_3732 : vector<16xf32>
      %get3A_3735 = arith.index_cast %add3A_3720 : i32 to index
      %get3A_3736 = arith.constant 16 : index
      %get3A_3737 = tpu.vector_load %arg9[%get3A_3735, %get3A_3736] {strides = array<i32>} : memref<512x64xf32, #tpu.memory_space<vmem>>, vector<1x16xf32>,
      %get3A_3738 = vector.shape_cast %get3A_3737 : vector<1x16xf32> to vector<16xf32>
      %get3A_3739 = arith.index_cast %add3A_3720 : i32 to index
      %get3A_3740 = arith.constant 16 : index
      %get3A_3741 = tpu.vector_load %arg10[%get3A_3739, %get3A_3740] {strides = array<i32>} : memref<512x64xf32, #tpu.memory_space<vmem>>, vector<1x16xf32>,
      %get3A_3742 = vector.shape_cast %get3A_3741 : vector<1x16xf32> to vector<16xf32>
      %get3A_3743 = arith.index_cast %add3A_3720 : i32 to index
      %get3A_3744 = arith.constant 16 : index
      %get3A_3745 = tpu.vector_load %arg11[%get3A_3743, %get3A_3744] {strides = array<i32>} : memref<512x64xf32, #tpu.memory_space<vmem>>, vector<1x16xf32>,
      %get3A_3746 = vector.shape_cast %get3A_3745 : vector<1x16xf32> to vector<16xf32>
      %mul3A_3747 = arith.mulf %get3A_3738, %get3A_3742 : vector<16xf32>
      %mul3A_3748 = arith.mulf %mul3A_3747, %get3A_3746 : vector<16xf32>
      %add3A_3749 = arith.addf %mul3A_3734, %mul3A_3748 : vector<16xf32>
      %get3A_3750 = arith.index_cast %add3A_3720 : i32 to index
      %get3A_3751 = arith.constant 32 : index
      %get3A_3752 = tpu.vector_load %arg9[%get3A_3750, %get3A_3751] {strides = array<i32>} : memref<512x64xf32, #tpu.memory_space<vmem>>, vector<1x16xf32>,
      %get3A_3753 = vector.shape_cast %get3A_3752 : vector<1x16xf32> to vector<16xf32>
      %get3A_3754 = arith.index_cast %add3A_3720 : i32 to index
      %get3A_3755 = arith.constant 32 : index
      %get3A_3756 = tpu.vector_load %arg10[%get3A_3754, %get3A_3755] {strides = array<i32>} : memref<512x64xf32, #tpu.memory_space<vmem>>, vector<1x16xf32>,
      %get3A_3757 = vector.shape_cast %get3A_3756 : vector<1x16xf32> to vector<16xf32>
      %get3A_3758 = arith.index_cast %add3A_3720 : i32 to index
      %get3A_3759 = arith.constant 32 : index
      %get3A_3760 = tpu.vector_load %arg11[%get3A_3758, %get3A_3759] {strides = array<i32>} : memref<512x64xf32, #tpu.memory_space<vmem>>, vector<1x16xf32>,
      %get3A_3761 = vector.shape_cast %get3A_3760 : vector<1x16xf32> to vector<16xf32>
      %mul3A_3762 = arith.mulf %get3A_3753, %get3A_3757 : vector<16xf32>
      %mul3A_3763 = arith.mulf %mul3A_3762, %get3A_3761 : vector<16xf32>
      %add3A_3764 = arith.addf %add3A_3749, %mul3A_3763 : vector<16xf32>
      %get3A_3765 = arith.index_cast %add3A_3720 : i32 to index
      %get3A_3766 = arith.constant 48 : index
      %get3A_3767 = tpu.vector_load %arg9[%get3A_3765, %get3A_3766] {strides = array<i32>} : memref<512x64xf32, #tpu.memory_space<vmem>>, vector<1x16xf32>,
      %get3A_3768 = vector.shape_cast %get3A_3767 : vector<1x16xf32> to vector<16xf32>
      %get3A_3769 = arith.index_cast %add3A_3720 : i32 to index
      %get3A_3770 = arith.constant 48 : index
      %get3A_3771 = tpu.vector_load %arg10[%get3A_3769, %get3A_3770] {strides = array<i32>} : memref<512x64xf32, #tpu.memory_space<vmem>>, vector<1x16xf32>,
      %get3A_3772 = vector.shape_cast %get3A_3771 : vector<1x16xf32> to vector<16xf32>
      %get3A_3773 = arith.index_cast %add3A_3720 : i32 to index
      %get3A_3774 = arith.constant 48 : index
      %get3A_3775 = tpu.vector_load %arg11[%get3A_3773, %get3A_3774] {strides = array<i32>} : memref<512x64xf32, #tpu.memory_space<vmem>>, vector<1x16xf32>,
      %get3A_3776 = vector.shape_cast %get3A_3775 : vector<1x16xf32> to vector<16xf32>
      %mul3A_3777 = arith.mulf %get3A_3768, %get3A_3772 : vector<16xf32>
      %mul3A_3778 = arith.mulf %mul3A_3777, %get3A_3776 : vector<16xf32>
      %add3A_3779 = arith.addf %add3A_3764, %mul3A_3778 : vector<16xf32>
      %mul3A_3780 = arith.constant 16 : i32
      %mul3A_3781 = arith.muli %add3A_3720, %mul3A_3780 : i32
      %swap3A_3782 = arith.index_cast %mul3A_3781 : i32 to index
      %swap3A_3783 = tpu.vector_load %arg12[%swap3A_3782] {strides = array<i32>} : memref<8192xf32, #tpu.memory_space<vmem>>, vector<16xf32>,
      %swap3A_3784 = vector.shape_cast %swap3A_3783 : vector<16xf32> to vector<16xf32>
      %swap3A_3785 = vector.shape_cast %add3A_3779 : vector<16xf32> to vector<16xf32>
      tpu.vector_store %arg12[%swap3A_3782], %swap3A_3785 {strides = array<i32>} : memref<8192xf32, #tpu.memory_space<vmem>>, vector<16xf32>,
      %add3A_3786 = arith.constant 14 : i32
      %add3A_3787 = arith.addi %mul3A_2847, %add3A_3786 : i32
      %get3A_3788 = arith.index_cast %add3A_3787 : i32 to index
      %get3A_3789 = arith.constant 0 : index
      %get3A_3790 = tpu.vector_load %arg9[%get3A_3788, %get3A_3789] {strides = array<i32>} : memref<512x64xf32, #tpu.memory_space<vmem>>, vector<1x16xf32>,
      %get3A_3791 = vector.shape_cast %get3A_3790 : vector<1x16xf32> to vector<16xf32>
      %get3A_3792 = arith.index_cast %add3A_3787 : i32 to index
      %get3A_3793 = arith.constant 0 : index
      %get3A_3794 = tpu.vector_load %arg10[%get3A_3792, %get3A_3793] {strides = array<i32>} : memref<512x64xf32, #tpu.memory_space<vmem>>, vector<1x16xf32>,
      %get3A_3795 = vector.shape_cast %get3A_3794 : vector<1x16xf32> to vector<16xf32>
      %get3A_3796 = arith.index_cast %add3A_3787 : i32 to index
      %get3A_3797 = arith.constant 0 : index
      %get3A_3798 = tpu.vector_load %arg11[%get3A_3796, %get3A_3797] {strides = array<i32>} : memref<512x64xf32, #tpu.memory_space<vmem>>, vector<1x16xf32>,
      %get3A_3799 = vector.shape_cast %get3A_3798 : vector<1x16xf32> to vector<16xf32>
      %mul3A_3800 = arith.mulf %get3A_3791, %get3A_3795 : vector<16xf32>
      %mul3A_3801 = arith.mulf %mul3A_3800, %get3A_3799 : vector<16xf32>
      %get3A_3802 = arith.index_cast %add3A_3787 : i32 to index
      %get3A_3803 = arith.constant 16 : index
      %get3A_3804 = tpu.vector_load %arg9[%get3A_3802, %get3A_3803] {strides = array<i32>} : memref<512x64xf32, #tpu.memory_space<vmem>>, vector<1x16xf32>,
      %get3A_3805 = vector.shape_cast %get3A_3804 : vector<1x16xf32> to vector<16xf32>
      %get3A_3806 = arith.index_cast %add3A_3787 : i32 to index
      %get3A_3807 = arith.constant 16 : index
      %get3A_3808 = tpu.vector_load %arg10[%get3A_3806, %get3A_3807] {strides = array<i32>} : memref<512x64xf32, #tpu.memory_space<vmem>>, vector<1x16xf32>,
      %get3A_3809 = vector.shape_cast %get3A_3808 : vector<1x16xf32> to vector<16xf32>
      %get3A_3810 = arith.index_cast %add3A_3787 : i32 to index
      %get3A_3811 = arith.constant 16 : index
      %get3A_3812 = tpu.vector_load %arg11[%get3A_3810, %get3A_3811] {strides = array<i32>} : memref<512x64xf32, #tpu.memory_space<vmem>>, vector<1x16xf32>,
      %get3A_3813 = vector.shape_cast %get3A_3812 : vector<1x16xf32> to vector<16xf32>
      %mul3A_3814 = arith.mulf %get3A_3805, %get3A_3809 : vector<16xf32>
      %mul3A_3815 = arith.mulf %mul3A_3814, %get3A_3813 : vector<16xf32>
      %add3A_3816 = arith.addf %mul3A_3801, %mul3A_3815 : vector<16xf32>
      %get3A_3817 = arith.index_cast %add3A_3787 : i32 to index
      %get3A_3818 = arith.constant 32 : index
      %get3A_3819 = tpu.vector_load %arg9[%get3A_3817, %get3A_3818] {strides = array<i32>} : memref<512x64xf32, #tpu.memory_space<vmem>>, vector<1x16xf32>,
      %get3A_3820 = vector.shape_cast %get3A_3819 : vector<1x16xf32> to vector<16xf32>
      %get3A_3821 = arith.index_cast %add3A_3787 : i32 to index
      %get3A_3822 = arith.constant 32 : index
      %get3A_3823 = tpu.vector_load %arg10[%get3A_3821, %get3A_3822] {strides = array<i32>} : memref<512x64xf32, #tpu.memory_space<vmem>>, vector<1x16xf32>,
      %get3A_3824 = vector.shape_cast %get3A_3823 : vector<1x16xf32> to vector<16xf32>
      %get3A_3825 = arith.index_cast %add3A_3787 : i32 to index
      %get3A_3826 = arith.constant 32 : index
      %get3A_3827 = tpu.vector_load %arg11[%get3A_3825, %get3A_3826] {strides = array<i32>} : memref<512x64xf32, #tpu.memory_space<vmem>>, vector<1x16xf32>,
      %get3A_3828 = vector.shape_cast %get3A_3827 : vector<1x16xf32> to vector<16xf32>
      %mul3A_3829 = arith.mulf %get3A_3820, %get3A_3824 : vector<16xf32>
      %mul3A_3830 = arith.mulf %mul3A_3829, %get3A_3828 : vector<16xf32>
      %add3A_3831 = arith.addf %add3A_3816, %mul3A_3830 : vector<16xf32>
      %get3A_3832 = arith.index_cast %add3A_3787 : i32 to index
      %get3A_3833 = arith.constant 48 : index
      %get3A_3834 = tpu.vector_load %arg9[%get3A_3832, %get3A_3833] {strides = array<i32>} : memref<512x64xf32, #tpu.memory_space<vmem>>, vector<1x16xf32>,
      %get3A_3835 = vector.shape_cast %get3A_3834 : vector<1x16xf32> to vector<16xf32>
      %get3A_3836 = arith.index_cast %add3A_3787 : i32 to index
      %get3A_3837 = arith.constant 48 : index
      %get3A_3838 = tpu.vector_load %arg10[%get3A_3836, %get3A_3837] {strides = array<i32>} : memref<512x64xf32, #tpu.memory_space<vmem>>, vector<1x16xf32>,
      %get3A_3839 = vector.shape_cast %get3A_3838 : vector<1x16xf32> to vector<16xf32>
      %get3A_3840 = arith.index_cast %add3A_3787 : i32 to index
      %get3A_3841 = arith.constant 48 : index
      %get3A_3842 = tpu.vector_load %arg11[%get3A_3840, %get3A_3841] {strides = array<i32>} : memref<512x64xf32, #tpu.memory_space<vmem>>, vector<1x16xf32>,
      %get3A_3843 = vector.shape_cast %get3A_3842 : vector<1x16xf32> to vector<16xf32>
      %mul3A_3844 = arith.mulf %get3A_3835, %get3A_3839 : vector<16xf32>
      %mul3A_3845 = arith.mulf %mul3A_3844, %get3A_3843 : vector<16xf32>
      %add3A_3846 = arith.addf %add3A_3831, %mul3A_3845 : vector<16xf32>
      %mul3A_3847 = arith.constant 16 : i32
      %mul3A_3848 = arith.muli %add3A_3787, %mul3A_3847 : i32
      %swap3A_3849 = arith.index_cast %mul3A_3848 : i32 to index
      %swap3A_3850 = tpu.vector_load %arg12[%swap3A_3849] {strides = array<i32>} : memref<8192xf32, #tpu.memory_space<vmem>>, vector<16xf32>,
      %swap3A_3851 = vector.shape_cast %swap3A_3850 : vector<16xf32> to vector<16xf32>
      %swap3A_3852 = vector.shape_cast %add3A_3846 : vector<16xf32> to vector<16xf32>
      tpu.vector_store %arg12[%swap3A_3849], %swap3A_3852 {strides = array<i32>} : memref<8192xf32, #tpu.memory_space<vmem>>, vector<16xf32>,
      %add3A_3853 = arith.constant 15 : i32
      %add3A_3854 = arith.addi %mul3A_2847, %add3A_3853 : i32
      %get3A_3855 = arith.index_cast %add3A_3854 : i32 to index
      %get3A_3856 = arith.constant 0 : index
      %get3A_3857 = tpu.vector_load %arg9[%get3A_3855, %get3A_3856] {strides = array<i32>} : memref<512x64xf32, #tpu.memory_space<vmem>>, vector<1x16xf32>,
      %get3A_3858 = vector.shape_cast %get3A_3857 : vector<1x16xf32> to vector<16xf32>
      %get3A_3859 = arith.index_cast %add3A_3854 : i32 to index
      %get3A_3860 = arith.constant 0 : index
      %get3A_3861 = tpu.vector_load %arg10[%get3A_3859, %get3A_3860] {strides = array<i32>} : memref<512x64xf32, #tpu.memory_space<vmem>>, vector<1x16xf32>,
      %get3A_3862 = vector.shape_cast %get3A_3861 : vector<1x16xf32> to vector<16xf32>
      %get3A_3863 = arith.index_cast %add3A_3854 : i32 to index
      %get3A_3864 = arith.constant 0 : index
      %get3A_3865 = tpu.vector_load %arg11[%get3A_3863, %get3A_3864] {strides = array<i32>} : memref<512x64xf32, #tpu.memory_space<vmem>>, vector<1x16xf32>,
      %get3A_3866 = vector.shape_cast %get3A_3865 : vector<1x16xf32> to vector<16xf32>
      %mul3A_3867 = arith.mulf %get3A_3858, %get3A_3862 : vector<16xf32>
      %mul3A_3868 = arith.mulf %mul3A_3867, %get3A_3866 : vector<16xf32>
      %get3A_3869 = arith.index_cast %add3A_3854 : i32 to index
      %get3A_3870 = arith.constant 16 : index
      %get3A_3871 = tpu.vector_load %arg9[%get3A_3869, %get3A_3870] {strides = array<i32>} : memref<512x64xf32, #tpu.memory_space<vmem>>, vector<1x16xf32>,
      %get3A_3872 = vector.shape_cast %get3A_3871 : vector<1x16xf32> to vector<16xf32>
      %get3A_3873 = arith.index_cast %add3A_3854 : i32 to index
      %get3A_3874 = arith.constant 16 : index
      %get3A_3875 = tpu.vector_load %arg10[%get3A_3873, %get3A_3874] {strides = array<i32>} : memref<512x64xf32, #tpu.memory_space<vmem>>, vector<1x16xf32>,
      %get3A_3876 = vector.shape_cast %get3A_3875 : vector<1x16xf32> to vector<16xf32>
      %get3A_3877 = arith.index_cast %add3A_3854 : i32 to index
      %get3A_3878 = arith.constant 16 : index
      %get3A_3879 = tpu.vector_load %arg11[%get3A_3877, %get3A_3878] {strides = array<i32>} : memref<512x64xf32, #tpu.memory_space<vmem>>, vector<1x16xf32>,
      %get3A_3880 = vector.shape_cast %get3A_3879 : vector<1x16xf32> to vector<16xf32>
      %mul3A_3881 = arith.mulf %get3A_3872, %get3A_3876 : vector<16xf32>
      %mul3A_3882 = arith.mulf %mul3A_3881, %get3A_3880 : vector<16xf32>
      %add3A_3883 = arith.addf %mul3A_3868, %mul3A_3882 : vector<16xf32>
      %get3A_3884 = arith.index_cast %add3A_3854 : i32 to index
      %get3A_3885 = arith.constant 32 : index
      %get3A_3886 = tpu.vector_load %arg9[%get3A_3884, %get3A_3885] {strides = array<i32>} : memref<512x64xf32, #tpu.memory_space<vmem>>, vector<1x16xf32>,
      %get3A_3887 = vector.shape_cast %get3A_3886 : vector<1x16xf32> to vector<16xf32>
      %get3A_3888 = arith.index_cast %add3A_3854 : i32 to index
      %get3A_3889 = arith.constant 32 : index
      %get3A_3890 = tpu.vector_load %arg10[%get3A_3888, %get3A_3889] {strides = array<i32>} : memref<512x64xf32, #tpu.memory_space<vmem>>, vector<1x16xf32>,
      %get3A_3891 = vector.shape_cast %get3A_3890 : vector<1x16xf32> to vector<16xf32>
      %get3A_3892 = arith.index_cast %add3A_3854 : i32 to index
      %get3A_3893 = arith.constant 32 : index
      %get3A_3894 = tpu.vector_load %arg11[%get3A_3892, %get3A_3893] {strides = array<i32>} : memref<512x64xf32, #tpu.memory_space<vmem>>, vector<1x16xf32>,
      %get3A_3895 = vector.shape_cast %get3A_3894 : vector<1x16xf32> to vector<16xf32>
      %mul3A_3896 = arith.mulf %get3A_3887, %get3A_3891 : vector<16xf32>
      %mul3A_3897 = arith.mulf %mul3A_3896, %get3A_3895 : vector<16xf32>
      %add3A_3898 = arith.addf %add3A_3883, %mul3A_3897 : vector<16xf32>
      %get3A_3899 = arith.index_cast %add3A_3854 : i32 to index
      %get3A_3900 = arith.constant 48 : index
      %get3A_3901 = tpu.vector_load %arg9[%get3A_3899, %get3A_3900] {strides = array<i32>} : memref<512x64xf32, #tpu.memory_space<vmem>>, vector<1x16xf32>,
      %get3A_3902 = vector.shape_cast %get3A_3901 : vector<1x16xf32> to vector<16xf32>
      %get3A_3903 = arith.index_cast %add3A_3854 : i32 to index
      %get3A_3904 = arith.constant 48 : index
      %get3A_3905 = tpu.vector_load %arg10[%get3A_3903, %get3A_3904] {strides = array<i32>} : memref<512x64xf32, #tpu.memory_space<vmem>>, vector<1x16xf32>,
      %get3A_3906 = vector.shape_cast %get3A_3905 : vector<1x16xf32> to vector<16xf32>
      %get3A_3907 = arith.index_cast %add3A_3854 : i32 to index
      %get3A_3908 = arith.constant 48 : index
      %get3A_3909 = tpu.vector_load %arg11[%get3A_3907, %get3A_3908] {strides = array<i32>} : memref<512x64xf32, #tpu.memory_space<vmem>>, vector<1x16xf32>,
      %get3A_3910 = vector.shape_cast %get3A_3909 : vector<1x16xf32> to vector<16xf32>
      %mul3A_3911 = arith.mulf %get3A_3902, %get3A_3906 : vector<16xf32>
      %mul3A_3912 = arith.mulf %mul3A_3911, %get3A_3910 : vector<16xf32>
      %add3A_3913 = arith.addf %add3A_3898, %mul3A_3912 : vector<16xf32>
      %mul3A_3914 = arith.constant 16 : i32
      %mul3A_3915 = arith.muli %add3A_3854, %mul3A_3914 : i32
      %swap3A_3916 = arith.index_cast %mul3A_3915 : i32 to index
      %swap3A_3917 = tpu.vector_load %arg12[%swap3A_3916] {strides = array<i32>} : memref<8192xf32, #tpu.memory_space<vmem>>, vector<16xf32>,
      %swap3A_3918 = vector.shape_cast %swap3A_3917 : vector<16xf32> to vector<16xf32>
      %swap3A_3919 = vector.shape_cast %add3A_3913 : vector<16xf32> to vector<16xf32>
      tpu.vector_store %arg12[%swap3A_3916], %swap3A_3919 {strides = array<i32>} : memref<8192xf32, #tpu.memory_space<vmem>>, vector<16xf32>,
    }
    %scan3A_2840 = arith.constant 32 : i32
    %mul3A_2841 = arith.constant 512 : i32
    %mul3A_2842 = arith.muli %add3A, %mul3A_2841 : i32
    %mul3A_2843 = arith.constant 16 : i32
    %mul3A_2844 = arith.muli %mul3A_2842, %mul3A_2843 : i32
    "tpu.region"() ({
      %run_scoped3A_2845 = tpu.sem_alloc : memref<!tpu.dma_semaphore, #tpu.memory_space<semaphore_mem>>
      %dma_start3A_2846 = tpu.memref_slice %arg6[%mul3A_2844] : memref<262144xf32, #tpu.memory_space<hbm>> -> memref<8192xf32, #tpu.memory_space<hbm>>
      %dma_start3A_2847 = tpu.memref_slice %arg6[%mul3A_2844] : memref<262144xf32, #tpu.memory_space<hbm>> -> memref<8192xf32, #tpu.memory_space<hbm>>
      tpu.enqueue_dma source(%arg12 : memref<8192xf32, #tpu.memory_space<vmem>>) target(%dma_start3A_2847 : memref<8192xf32, #tpu.memory_space<hbm>>) target_semaphore(%run_scoped3A_2845 : memref<!tpu.dma_semaphore, #tpu.memory_space<semaphore_mem>>)
      %dma_wait3A_2848 = tpu.memref_slice %arg6[%mul3A_2844] : memref<262144xf32, #tpu.memory_space<hbm>> -> memref<8192xf32, #tpu.memory_space<hbm>>
      %dma_wait3A_2849 = tpu.memref_slice %arg6[%mul3A_2844] : memref<262144xf32, #tpu.memory_space<hbm>> -> memref<8192xf32, #tpu.memory_space<hbm>>
      tpu.wait_dma2 semaphore(%run_scoped3A_2845 : memref<!tpu.dma_semaphore, #tpu.memory_space<semaphore_mem>>) src(%arg12 : memref<8192xf32, #tpu.memory_space<vmem>>) dst(%dma_wait3A_2849 : memref<8192xf32, #tpu.memory_space<hbm>>)
      tpu.yield
    }) : () -> ()
    return
  }
}

module attributes {stable_mosaic.version = 14 : i64} {
  func.func @_reduce_tc_body(%arg0: i32, %arg1: memref<65536xf32, #tpu.memory_space<vmem>>, %arg2: memref<4096xf32, #tpu.memory_space<vmem>>) attributes {dimension_semantics = [#tpu.dimension_semantics<arbitrary>], iteration_bounds = array<i64: 4>, scalar_prefetch = 0 : i64, scratch_operands = 0 : i64, tpu.core_type = #tpu.core_type<tc>, window_params = [{transform_indices = @transform_0, window_bounds = array<i64: 65536>}, {transform_indices = @transform_1, window_bounds = array<i64: 4096>}]} {
    %get3A = arith.constant 0 : index
    %get3A_0 = vector.load %arg1[%get3A] : memref<65536xf32, #tpu.memory_space<vmem>>, vector<65536xf32>
    %reshape3A = vector.shape_cast %get3A_0 : vector<65536xf32> to vector<512x128xf32>
    %iota3A = tpu.iota {dimensions = array<i32: 0>} : vector<128x128xi32>
    %iota3A_1 = tpu.iota {dimensions = array<i32: 1>} : vector<128x128xi32>
    %lt3A = arith.constant 64 : i32
    %lt3A_2 = vector.broadcast %lt3A : i32 to vector<128x128xi32>
    %lt3A_3 = arith.cmpi slt, %iota3A_1, %lt3A_2 : vector<128x128xi32>
    %jit3A = arith.constant 2 : i32
    %div3A = vector.broadcast %jit3A : i32 to vector<128x128xi32>
    %div3A_4 = arith.divsi %iota3A, %div3A : vector<128x128xi32>
    %sign3A = arith.constant 0 : i32
    %sign3A_5 = vector.broadcast %sign3A : i32 to vector<128x128xi32>
    %sign3A_6 = arith.cmpi sgt, %iota3A, %sign3A_5 : vector<128x128xi32>
    %sign3A_7 = arith.extui %sign3A_6 : vector<128x128xi1> to vector<128x128xi32>
    %sign3A_8 = arith.constant 0 : i32
    %sign3A_9 = vector.broadcast %sign3A_8 : i32 to vector<128x128xi32>
    %sign3A_10 = arith.cmpi slt, %iota3A, %sign3A_9 : vector<128x128xi32>
    %sign3A_11 = arith.extui %sign3A_10 : vector<128x128xi1> to vector<128x128xi32>
    %sign3A_12 = arith.subi %sign3A_7, %sign3A_11 : vector<128x128xi32>
    %sign3A_13 = arith.constant 0 : i32
    %sign3A_14 = arith.cmpi sgt, %jit3A, %sign3A_13 : i32
    %sign3A_15 = arith.extui %sign3A_14 : i1 to i32
    %sign3A_16 = arith.constant 0 : i32
    %sign3A_17 = arith.cmpi slt, %jit3A, %sign3A_16 : i32
    %sign3A_18 = arith.extui %sign3A_17 : i1 to i32
    %sign3A_19 = arith.subi %sign3A_15, %sign3A_18 : i32
    %ne3A = vector.broadcast %sign3A_19 : i32 to vector<128x128xi32>
    %ne3A_20 = arith.cmpi ne, %sign3A_12, %ne3A : vector<128x128xi32>
    %rem3A = vector.broadcast %jit3A : i32 to vector<128x128xi32>
    %rem3A_21 = arith.remsi %iota3A, %rem3A : vector<128x128xi32>
    %ne3A_22 = arith.constant 0 : i32
    %ne3A_23 = vector.broadcast %ne3A_22 : i32 to vector<128x128xi32>
    %ne3A_24 = arith.cmpi ne, %rem3A_21, %ne3A_23 : vector<128x128xi32>
    %and3A = arith.andi %ne3A_20, %ne3A_24 : vector<128x128xi1>
    %sub3A = arith.constant 1 : i32
    %sub3A_25 = vector.broadcast %sub3A : i32 to vector<128x128xi32>
    %sub3A_26 = arith.subi %div3A_4, %sub3A_25 : vector<128x128xi32>
    %select_n3A = arith.select %and3A, %sub3A_26, %div3A_4 : vector<128x128xi1>, vector<128x128xi32>
    %eq3A = arith.cmpi eq, %select_n3A, %iota3A_1 : vector<128x128xi32>
    %and3A_27 = arith.andi %lt3A_3, %eq3A : vector<128x128xi1>
    %convert_element_type3A = arith.extui %and3A_27 : vector<128x128xi1> to vector<128x128xi32>
    %convert_element_type3A_28 = arith.sitofp %convert_element_type3A : vector<128x128xi32> to vector<128x128xf32>
    %ge3A = arith.constant 64 : i32
    %ge3A_29 = vector.broadcast %ge3A : i32 to vector<128x128xi32>
    %ge3A_30 = arith.cmpi sge, %iota3A_1, %ge3A_29 : vector<128x128xi32>
    %jit3A_31 = arith.constant 2 : i32
    %div3A_32 = vector.broadcast %jit3A_31 : i32 to vector<128x128xi32>
    %div3A_33 = arith.divsi %iota3A, %div3A_32 : vector<128x128xi32>
    %sign3A_34 = arith.constant 0 : i32
    %sign3A_35 = vector.broadcast %sign3A_34 : i32 to vector<128x128xi32>
    %sign3A_36 = arith.cmpi sgt, %iota3A, %sign3A_35 : vector<128x128xi32>
    %sign3A_37 = arith.extui %sign3A_36 : vector<128x128xi1> to vector<128x128xi32>
    %sign3A_38 = arith.constant 0 : i32
    %sign3A_39 = vector.broadcast %sign3A_38 : i32 to vector<128x128xi32>
    %sign3A_40 = arith.cmpi slt, %iota3A, %sign3A_39 : vector<128x128xi32>
    %sign3A_41 = arith.extui %sign3A_40 : vector<128x128xi1> to vector<128x128xi32>
    %sign3A_42 = arith.subi %sign3A_37, %sign3A_41 : vector<128x128xi32>
    %sign3A_43 = arith.constant 0 : i32
    %sign3A_44 = arith.cmpi sgt, %jit3A_31, %sign3A_43 : i32
    %sign3A_45 = arith.extui %sign3A_44 : i1 to i32
    %sign3A_46 = arith.constant 0 : i32
    %sign3A_47 = arith.cmpi slt, %jit3A_31, %sign3A_46 : i32
    %sign3A_48 = arith.extui %sign3A_47 : i1 to i32
    %sign3A_49 = arith.subi %sign3A_45, %sign3A_48 : i32
    %ne3A_50 = vector.broadcast %sign3A_49 : i32 to vector<128x128xi32>
    %ne3A_51 = arith.cmpi ne, %sign3A_42, %ne3A_50 : vector<128x128xi32>
    %rem3A_52 = vector.broadcast %jit3A_31 : i32 to vector<128x128xi32>
    %rem3A_53 = arith.remsi %iota3A, %rem3A_52 : vector<128x128xi32>
    %ne3A_54 = arith.constant 0 : i32
    %ne3A_55 = vector.broadcast %ne3A_54 : i32 to vector<128x128xi32>
    %ne3A_56 = arith.cmpi ne, %rem3A_53, %ne3A_55 : vector<128x128xi32>
    %and3A_57 = arith.andi %ne3A_51, %ne3A_56 : vector<128x128xi1>
    %sub3A_58 = arith.constant 1 : i32
    %sub3A_59 = vector.broadcast %sub3A_58 : i32 to vector<128x128xi32>
    %sub3A_60 = arith.subi %div3A_33, %sub3A_59 : vector<128x128xi32>
    %select_n3A_61 = arith.select %and3A_57, %sub3A_60, %div3A_33 : vector<128x128xi1>, vector<128x128xi32>
    %sub3A_62 = arith.constant 64 : i32
    %sub3A_63 = vector.broadcast %sub3A_62 : i32 to vector<128x128xi32>
    %sub3A_64 = arith.subi %iota3A_1, %sub3A_63 : vector<128x128xi32>
    %eq3A_65 = arith.cmpi eq, %select_n3A_61, %sub3A_64 : vector<128x128xi32>
    %and3A_66 = arith.andi %ge3A_30, %eq3A_65 : vector<128x128xi1>
    %convert_element_type3A_67 = arith.extui %and3A_66 : vector<128x128xi1> to vector<128x128xi32>
    %convert_element_type3A_68 = arith.sitofp %convert_element_type3A_67 : vector<128x128xi32> to vector<128x128xf32>
    %iota3A_69 = tpu.iota {dimensions = array<i32: 0>} : vector<256x512xi32>
    %iota3A_70 = tpu.iota {dimensions = array<i32: 1>} : vector<256x512xi32>
    %mul3A = arith.constant 2 : i32
    %mul3A_71 = vector.broadcast %mul3A : i32 to vector<256x512xi32>
    %mul3A_72 = arith.muli %mul3A_71, %iota3A_69 : vector<256x512xi32>
    %eq3A_73 = arith.cmpi eq, %iota3A_70, %mul3A_72 : vector<256x512xi32>
    %convert_element_type3A_74 = arith.extui %eq3A_73 : vector<256x512xi1> to vector<256x512xi32>
    %convert_element_type3A_75 = arith.sitofp %convert_element_type3A_74 : vector<256x512xi32> to vector<256x512xf32>
    %mul3A_76 = arith.constant 2 : i32
    %mul3A_77 = vector.broadcast %mul3A_76 : i32 to vector<256x512xi32>
    %mul3A_78 = arith.muli %mul3A_77, %iota3A_69 : vector<256x512xi32>
    %add3A = arith.constant 1 : i32
    %add3A_79 = vector.broadcast %add3A : i32 to vector<256x512xi32>
    %add3A_80 = arith.addi %mul3A_78, %add3A_79 : vector<256x512xi32>
    %eq3A_81 = arith.cmpi eq, %iota3A_70, %add3A_80 : vector<256x512xi32>
    %convert_element_type3A_82 = arith.extui %eq3A_81 : vector<256x512xi1> to vector<256x512xi32>
    %convert_element_type3A_83 = arith.sitofp %convert_element_type3A_82 : vector<256x512xi32> to vector<256x512xf32>
    %dot_general3A = arith.constant dense<0.000000e+00> : vector<256x128xf32>
    %dot_general3A_84 = tpu.matmul %convert_element_type3A_75, %reshape3A, %dot_general3A {dimension_numbers = #tpu.dot_dimension_numbers<[1], [0], [0], [1], [0, 0, 1, 1], [], []>, transpose_lhs_hint = false} : vector<256x512xf32>, vector<512x128xf32>, vector<256x128xf32> -> vector<256x128xf32>
    %dot_general3A_85 = arith.constant dense<0.000000e+00> : vector<256x128xf32>
    %dot_general3A_86 = tpu.matmul %convert_element_type3A_83, %reshape3A, %dot_general3A_85 {dimension_numbers = #tpu.dot_dimension_numbers<[1], [0], [0], [1], [0, 0, 1, 1], [], []>, transpose_lhs_hint = false} : vector<256x512xf32>, vector<512x128xf32>, vector<256x128xf32> -> vector<256x128xf32>
    %dot_general3A_87 = arith.constant dense<0.000000e+00> : vector<256x128xf32>
    %dot_general3A_88 = tpu.matmul %dot_general3A_84, %convert_element_type3A_28, %dot_general3A_87 {dimension_numbers = #tpu.dot_dimension_numbers<[1], [0], [0], [1], [0, 0, 1, 1], [], []>, transpose_lhs_hint = false} : vector<256x128xf32>, vector<128x128xf32>, vector<256x128xf32> -> vector<256x128xf32>
    %dot_general3A_89 = arith.constant dense<0.000000e+00> : vector<256x128xf32>
    %dot_general3A_90 = tpu.matmul %dot_general3A_86, %convert_element_type3A_68, %dot_general3A_89 {dimension_numbers = #tpu.dot_dimension_numbers<[1], [0], [0], [1], [0, 0, 1, 1], [], []>, transpose_lhs_hint = false} : vector<256x128xf32>, vector<128x128xf32>, vector<256x128xf32> -> vector<256x128xf32>
    %add3A_91 = arith.addf %dot_general3A_88, %dot_general3A_90 : vector<256x128xf32>
    %iota3A_92 = tpu.iota {dimensions = array<i32: 0>} : vector<128x256xi32>
    %iota3A_93 = tpu.iota {dimensions = array<i32: 1>} : vector<128x256xi32>
    %mul3A_94 = arith.constant 2 : i32
    %mul3A_95 = vector.broadcast %mul3A_94 : i32 to vector<128x256xi32>
    %mul3A_96 = arith.muli %mul3A_95, %iota3A_92 : vector<128x256xi32>
    %eq3A_97 = arith.cmpi eq, %iota3A_93, %mul3A_96 : vector<128x256xi32>
    %convert_element_type3A_98 = arith.extui %eq3A_97 : vector<128x256xi1> to vector<128x256xi32>
    %convert_element_type3A_99 = arith.sitofp %convert_element_type3A_98 : vector<128x256xi32> to vector<128x256xf32>
    %mul3A_100 = arith.constant 2 : i32
    %mul3A_101 = vector.broadcast %mul3A_100 : i32 to vector<128x256xi32>
    %mul3A_102 = arith.muli %mul3A_101, %iota3A_92 : vector<128x256xi32>
    %add3A_103 = arith.constant 1 : i32
    %add3A_104 = vector.broadcast %add3A_103 : i32 to vector<128x256xi32>
    %add3A_105 = arith.addi %mul3A_102, %add3A_104 : vector<128x256xi32>
    %eq3A_106 = arith.cmpi eq, %iota3A_93, %add3A_105 : vector<128x256xi32>
    %convert_element_type3A_107 = arith.extui %eq3A_106 : vector<128x256xi1> to vector<128x256xi32>
    %convert_element_type3A_108 = arith.sitofp %convert_element_type3A_107 : vector<128x256xi32> to vector<128x256xf32>
    %dot_general3A_109 = arith.constant dense<0.000000e+00> : vector<128x128xf32>
    %dot_general3A_110 = tpu.matmul %convert_element_type3A_99, %add3A_91, %dot_general3A_109 {dimension_numbers = #tpu.dot_dimension_numbers<[1], [0], [0], [1], [0, 0, 1, 1], [], []>, transpose_lhs_hint = false} : vector<128x256xf32>, vector<256x128xf32>, vector<128x128xf32> -> vector<128x128xf32>
    %dot_general3A_111 = arith.constant dense<0.000000e+00> : vector<128x128xf32>
    %dot_general3A_112 = tpu.matmul %convert_element_type3A_108, %add3A_91, %dot_general3A_111 {dimension_numbers = #tpu.dot_dimension_numbers<[1], [0], [0], [1], [0, 0, 1, 1], [], []>, transpose_lhs_hint = false} : vector<128x256xf32>, vector<256x128xf32>, vector<128x128xf32> -> vector<128x128xf32>
    %dot_general3A_113 = arith.constant dense<0.000000e+00> : vector<128x128xf32>
    %dot_general3A_114 = tpu.matmul %dot_general3A_110, %convert_element_type3A_28, %dot_general3A_113 {dimension_numbers = #tpu.dot_dimension_numbers<[1], [0], [0], [1], [0, 0, 1, 1], [], []>, transpose_lhs_hint = false} : vector<128x128xf32>, vector<128x128xf32>, vector<128x128xf32> -> vector<128x128xf32>
    %dot_general3A_115 = arith.constant dense<0.000000e+00> : vector<128x128xf32>
    %dot_general3A_116 = tpu.matmul %dot_general3A_112, %convert_element_type3A_68, %dot_general3A_115 {dimension_numbers = #tpu.dot_dimension_numbers<[1], [0], [0], [1], [0, 0, 1, 1], [], []>, transpose_lhs_hint = false} : vector<128x128xf32>, vector<128x128xf32>, vector<128x128xf32> -> vector<128x128xf32>
    %add3A_117 = arith.addf %dot_general3A_114, %dot_general3A_116 : vector<128x128xf32>
    %iota3A_118 = tpu.iota {dimensions = array<i32: 0>} : vector<64x128xi32>
    %iota3A_119 = tpu.iota {dimensions = array<i32: 1>} : vector<64x128xi32>
    %mul3A_120 = arith.constant 2 : i32
    %mul3A_121 = vector.broadcast %mul3A_120 : i32 to vector<64x128xi32>
    %mul3A_122 = arith.muli %mul3A_121, %iota3A_118 : vector<64x128xi32>
    %eq3A_123 = arith.cmpi eq, %iota3A_119, %mul3A_122 : vector<64x128xi32>
    %convert_element_type3A_124 = arith.extui %eq3A_123 : vector<64x128xi1> to vector<64x128xi32>
    %convert_element_type3A_125 = arith.sitofp %convert_element_type3A_124 : vector<64x128xi32> to vector<64x128xf32>
    %mul3A_126 = arith.constant 2 : i32
    %mul3A_127 = vector.broadcast %mul3A_126 : i32 to vector<64x128xi32>
    %mul3A_128 = arith.muli %mul3A_127, %iota3A_118 : vector<64x128xi32>
    %add3A_129 = arith.constant 1 : i32
    %add3A_130 = vector.broadcast %add3A_129 : i32 to vector<64x128xi32>
    %add3A_131 = arith.addi %mul3A_128, %add3A_130 : vector<64x128xi32>
    %eq3A_132 = arith.cmpi eq, %iota3A_119, %add3A_131 : vector<64x128xi32>
    %convert_element_type3A_133 = arith.extui %eq3A_132 : vector<64x128xi1> to vector<64x128xi32>
    %convert_element_type3A_134 = arith.sitofp %convert_element_type3A_133 : vector<64x128xi32> to vector<64x128xf32>
    %dot_general3A_135 = arith.constant dense<0.000000e+00> : vector<64x128xf32>
    %dot_general3A_136 = tpu.matmul %convert_element_type3A_125, %add3A_117, %dot_general3A_135 {dimension_numbers = #tpu.dot_dimension_numbers<[1], [0], [0], [1], [0, 0, 1, 1], [], []>, transpose_lhs_hint = false} : vector<64x128xf32>, vector<128x128xf32>, vector<64x128xf32> -> vector<64x128xf32>
    %dot_general3A_137 = arith.constant dense<0.000000e+00> : vector<64x128xf32>
    %dot_general3A_138 = tpu.matmul %convert_element_type3A_134, %add3A_117, %dot_general3A_137 {dimension_numbers = #tpu.dot_dimension_numbers<[1], [0], [0], [1], [0, 0, 1, 1], [], []>, transpose_lhs_hint = false} : vector<64x128xf32>, vector<128x128xf32>, vector<64x128xf32> -> vector<64x128xf32>
    %dot_general3A_139 = arith.constant dense<0.000000e+00> : vector<64x128xf32>
    %dot_general3A_140 = tpu.matmul %dot_general3A_136, %convert_element_type3A_28, %dot_general3A_139 {dimension_numbers = #tpu.dot_dimension_numbers<[1], [0], [0], [1], [0, 0, 1, 1], [], []>, transpose_lhs_hint = false} : vector<64x128xf32>, vector<128x128xf32>, vector<64x128xf32> -> vector<64x128xf32>
    %dot_general3A_141 = arith.constant dense<0.000000e+00> : vector<64x128xf32>
    %dot_general3A_142 = tpu.matmul %dot_general3A_138, %convert_element_type3A_68, %dot_general3A_141 {dimension_numbers = #tpu.dot_dimension_numbers<[1], [0], [0], [1], [0, 0, 1, 1], [], []>, transpose_lhs_hint = false} : vector<64x128xf32>, vector<128x128xf32>, vector<64x128xf32> -> vector<64x128xf32>
    %add3A_143 = arith.addf %dot_general3A_140, %dot_general3A_142 : vector<64x128xf32>
    %iota3A_144 = tpu.iota {dimensions = array<i32: 0>} : vector<32x64xi32>
    %iota3A_145 = tpu.iota {dimensions = array<i32: 1>} : vector<32x64xi32>
    %mul3A_146 = arith.constant 2 : i32
    %mul3A_147 = vector.broadcast %mul3A_146 : i32 to vector<32x64xi32>
    %mul3A_148 = arith.muli %mul3A_147, %iota3A_144 : vector<32x64xi32>
    %eq3A_149 = arith.cmpi eq, %iota3A_145, %mul3A_148 : vector<32x64xi32>
    %convert_element_type3A_150 = arith.extui %eq3A_149 : vector<32x64xi1> to vector<32x64xi32>
    %convert_element_type3A_151 = arith.sitofp %convert_element_type3A_150 : vector<32x64xi32> to vector<32x64xf32>
    %mul3A_152 = arith.constant 2 : i32
    %mul3A_153 = vector.broadcast %mul3A_152 : i32 to vector<32x64xi32>
    %mul3A_154 = arith.muli %mul3A_153, %iota3A_144 : vector<32x64xi32>
    %add3A_155 = arith.constant 1 : i32
    %add3A_156 = vector.broadcast %add3A_155 : i32 to vector<32x64xi32>
    %add3A_157 = arith.addi %mul3A_154, %add3A_156 : vector<32x64xi32>
    %eq3A_158 = arith.cmpi eq, %iota3A_145, %add3A_157 : vector<32x64xi32>
    %convert_element_type3A_159 = arith.extui %eq3A_158 : vector<32x64xi1> to vector<32x64xi32>
    %convert_element_type3A_160 = arith.sitofp %convert_element_type3A_159 : vector<32x64xi32> to vector<32x64xf32>
    %dot_general3A_161 = arith.constant dense<0.000000e+00> : vector<32x128xf32>
    %dot_general3A_162 = tpu.matmul %convert_element_type3A_151, %add3A_143, %dot_general3A_161 {dimension_numbers = #tpu.dot_dimension_numbers<[1], [0], [0], [1], [0, 0, 1, 1], [], []>, transpose_lhs_hint = false} : vector<32x64xf32>, vector<64x128xf32>, vector<32x128xf32> -> vector<32x128xf32>
    %dot_general3A_163 = arith.constant dense<0.000000e+00> : vector<32x128xf32>
    %dot_general3A_164 = tpu.matmul %convert_element_type3A_160, %add3A_143, %dot_general3A_163 {dimension_numbers = #tpu.dot_dimension_numbers<[1], [0], [0], [1], [0, 0, 1, 1], [], []>, transpose_lhs_hint = false} : vector<32x64xf32>, vector<64x128xf32>, vector<32x128xf32> -> vector<32x128xf32>
    %dot_general3A_165 = arith.constant dense<0.000000e+00> : vector<32x128xf32>
    %dot_general3A_166 = tpu.matmul %dot_general3A_162, %convert_element_type3A_28, %dot_general3A_165 {dimension_numbers = #tpu.dot_dimension_numbers<[1], [0], [0], [1], [0, 0, 1, 1], [], []>, transpose_lhs_hint = false} : vector<32x128xf32>, vector<128x128xf32>, vector<32x128xf32> -> vector<32x128xf32>
    %dot_general3A_167 = arith.constant dense<0.000000e+00> : vector<32x128xf32>
    %dot_general3A_168 = tpu.matmul %dot_general3A_164, %convert_element_type3A_68, %dot_general3A_167 {dimension_numbers = #tpu.dot_dimension_numbers<[1], [0], [0], [1], [0, 0, 1, 1], [], []>, transpose_lhs_hint = false} : vector<32x128xf32>, vector<128x128xf32>, vector<32x128xf32> -> vector<32x128xf32>
    %add3A_169 = arith.addf %dot_general3A_166, %dot_general3A_168 : vector<32x128xf32>
    %reshape3A_170 = vector.shape_cast %add3A_169 : vector<32x128xf32> to vector<4096xf32>
    %swap3A = arith.constant 0 : index
    %swap3A_171 = vector.load %arg2[%swap3A] : memref<4096xf32, #tpu.memory_space<vmem>>, vector<4096xf32>
    tpu.vector_store %arg2[%swap3A], %reshape3A_170 {strides = array<i32>} : memref<4096xf32, #tpu.memory_space<vmem>>, vector<4096xf32>,
    return
  }
  func.func @transform_0(%arg0: i32) -> i32 {
    %c0_i32 = arith.constant 0 : i32
    return %arg0 : i32
  }
  func.func @transform_1(%arg0: i32) -> i32 {
    %c0_i32 = arith.constant 0 : i32
    return %arg0 : i32
  }
}

module attributes {stable_mosaic.version = 14 : i64} {
  func.func @_table_prep_body(%arg0: i32, %arg1: memref<64x8192xf32, #tpu.memory_space<vmem>>, %arg2: memref<64x8192xf32, #tpu.memory_space<vmem>>, %arg3: memref<8192x128xf32, #tpu.memory_space<vmem>>) attributes {dimension_semantics = [#tpu.dimension_semantics<arbitrary>], iteration_bounds = array<i64: 7>, scalar_prefetch = 0 : i64, scratch_operands = 0 : i64, tpu.core_type = #tpu.core_type<tc>, window_params = [{transform_indices = @transform_0, window_bounds = array<i64: 64, 8192>}, {transform_indices = @transform_1, window_bounds = array<i64: 64, 8192>}, {transform_indices = @transform_2, window_bounds = array<i64: 8192, 128>}]} {
    %iota3A = tpu.iota {dimensions = array<i32: 0>} : vector<64x64xi32>
    %iota3A_0 = tpu.iota {dimensions = array<i32: 1>} : vector<64x64xi32>
    %eq3A = arith.cmpi eq, %iota3A, %iota3A_0 : vector<64x64xi32>
    %convert_element_type3A = arith.extui %eq3A : vector<64x64xi1> to vector<64x64xi32>
    %convert_element_type3A_1 = arith.sitofp %convert_element_type3A : vector<64x64xi32> to vector<64x64xf32>
    %get3A = arith.constant 0 : index
    %get3A_2 = arith.constant 0 : index
    %get3A_3 = vector.load %arg1[%get3A, %get3A_2] : memref<64x8192xf32, #tpu.memory_space<vmem>>, vector<64x8192xf32>
    %dot_general3A = arith.constant dense<0.000000e+00> : vector<8192x64xf32>
    %dot_general3A_4 = tpu.matmul %get3A_3, %convert_element_type3A_1, %dot_general3A {dimension_numbers = #tpu.dot_dimension_numbers<[0], [0], [1], [1], [0, 1, 1, 1], [], []>, transpose_lhs_hint = false} : vector<64x8192xf32>, vector<64x64xf32>, vector<8192x64xf32> -> vector<8192x64xf32>
    %get3A_5 = arith.constant 0 : index
    %get3A_6 = arith.constant 0 : index
    %get3A_7 = vector.load %arg2[%get3A_5, %get3A_6] : memref<64x8192xf32, #tpu.memory_space<vmem>>, vector<64x8192xf32>
    %dot_general3A_8 = arith.constant dense<0.000000e+00> : vector<8192x64xf32>
    %dot_general3A_9 = tpu.matmul %get3A_7, %convert_element_type3A_1, %dot_general3A_8 {dimension_numbers = #tpu.dot_dimension_numbers<[0], [0], [1], [1], [0, 1, 1, 1], [], []>, transpose_lhs_hint = false} : vector<64x8192xf32>, vector<64x64xf32>, vector<8192x64xf32> -> vector<8192x64xf32>
    %concatenate3A = tpu.concatenate %dot_general3A_4, %dot_general3A_9 in 1 : vector<8192x64xf32>, vector<8192x64xf32> -> vector<8192x128xf32>
    %swap3A = arith.constant 0 : index
    %swap3A_10 = arith.constant 0 : index
    %swap3A_11 = vector.load %arg3[%swap3A, %swap3A_10] : memref<8192x128xf32, #tpu.memory_space<vmem>>, vector<8192x128xf32>
    tpu.vector_store %arg3[%swap3A, %swap3A_10], %concatenate3A {strides = array<i32>} : memref<8192x128xf32, #tpu.memory_space<vmem>>, vector<8192x128xf32>,
    return
  }
  func.func @transform_0(%arg0: i32) -> (i32, i32) {
    %c0_i32 = arith.constant 0 : i32
    %c0_i32_0 = arith.constant 0 : i32
    return %c0_i32, %arg0 : i32, i32
  }
  func.func @transform_1(%arg0: i32) -> (i32, i32) {
    %add3A = arith.constant 7 : i32
    %add3A_0 = arith.addi %arg0, %add3A : i32
    %min3A = arith.constant 12 : i32
    %min3A_1 = arith.minsi %add3A_0, %min3A : i32
    %c0_i32 = arith.constant 0 : i32
    %c0_i32_2 = arith.constant 0 : i32
    return %c0_i32, %min3A_1 : i32, i32
  }
  func.func @transform_2(%arg0: i32) -> (i32, i32) {
    %c0_i32 = arith.constant 0 : i32
    %c0_i32_0 = arith.constant 0 : i32
    return %arg0, %c0_i32 : i32, i32
  }
}

module attributes {stable_mosaic.version = 14 : i64} {
  func.func @_idx_prep_body(%arg0: memref<3x16384xi32, #tpu.memory_space<vmem>>, %arg1: memref<49152xi32, #tpu.memory_space<vmem>>) attributes {dimension_semantics = [], scalar_prefetch = 0 : i64, scratch_operands = 0 : i64, tpu.core_type = #tpu.core_type<tc>} {
    %get3A = arith.constant 0 : index
    %get3A_0 = arith.constant 0 : index
    %get3A_1 = vector.load %arg0[%get3A, %get3A_0] : memref<3x16384xi32, #tpu.memory_space<vmem>>, vector<3x16384xi32>
    %reshape3A = vector.shape_cast %get3A_1 : vector<3x16384xi32> to vector<49152xi32>
    %swap3A = arith.constant 0 : index
    %swap3A_2 = vector.load %arg1[%swap3A] : memref<49152xi32, #tpu.memory_space<vmem>>, vector<49152xi32>
    tpu.vector_store %arg1[%swap3A], %reshape3A {strides = array<i32>} : memref<49152xi32, #tpu.memory_space<vmem>>, vector<49152xi32>,
    return
  }
}

</mosaic_0001>

<sc_bundles>
// kernel: kernel.8.cloned.1.call-start
scs
__scs_entry_jumppad:
0x0: {  	(pc) =	sbr.rel $0x88, $3  }
0x1: {  	(tag) =	ssettag $0x0;
	lr =	simm.s32 $0x1  }
0x2: {  	[smem:$0x3F9D] =	sst lr;
	_ =	strace $0xD0000000  }
0x3: {  	_ = 	snop  }
0x4: {  	_ = 	snop  }
0x5: {  	_ = 	snop  }
0x6: {  	_ = 	snop  }
0x7: {  	_ = 	snop  }
__scs_overlays_trampoline_lowered:
0x8: {  	[smem:$0x3FAC] =	sst s0  }
0x9: {  	[smem:$0x3FAD] =	sst s1  }
0xa: {  	[smem:$0x3FAE] =	sst s2  }
0xb: {  	[smem:$0x3FAF] =	sst s3  }
0xc: {  	[smem:$0x3FB0] =	sst s4  }
0xd: {  	[smem:$0x3FB1] =	sst s5  }
0xe: {  	[smem:$0x3FB2] =	sst s6  }
0xf: {  	[smem:$0x3FB3] =	sst s7  }
0x10: {  	[smem:$0x3FB4] =	sst s8  }
0x11: {  	[smem:$0x3FB5] =	sst s9;
	s0 =	simm.s32 @!p0 $0x0  }
0x12: {  	s1 =	sld [smem:$0x3F9B];
	s0 =	simm.s32 @p0 $0x1  }
0x13: {  	[smem:$0x3FB6] =	sst s0;
	s0 =	simm.s32 @!p1 $0x0  }
0x14: {  	s2 =	sld [smem:$0x3F9A];
	s0 =	simm.s32 @p1 $0x1  }
0x15: {  	[smem:$0x3FB7] =	sst s0;
	s0 =	simm.s32 @!p2 $0x0  }
0x16: {  	s3 =	sld [smem:$0x3FDB];
	s0 =	simm.s32 @p2 $0x1  }
0x17: {  	s4 =	simm.s32 $0x1BF5;
	[smem:$0x3FB9] =	sst s0  }
0x18: {  	s0 =	sld [smem:$0x3F9C];
	_ =	swait.ge [sflag:s4], $0x0  }
0x19: {  	s7 =	sld [smem:$0x3F9D]  }
0x1a: {  	s8 =	sadd.s32 $0xFFFFE003, lr  }
0x1b: {  	s9 =	sadd.s32 $0xFFFFFEF7, lr;
	s5 =	simm.s32 $0xFFFFFFFF;
	p2 =	slt.u32 s8, $0xFFFFF086  }
0x1c: {  	p1 =	slt.u32 s9, $0xF7A;
	s5 =	simm.s32 @!p2 $0x0  }
0x1d: {  	s5 =	simm.s32 @p1 $0x1;
	p0 =	seq.s32 s7, s2  }
0x1e: {  	s7 =	smul.u32 @!p0 $0xF7A, s2;
	p2 =	seq.s32 @!p0 s5, $0x0  }
0x1f: {  	s9 =	smul.u32 $0xF7A, s1;
	s8 =	simm.s32 @!p0 $0x1BF5;
	p2 =	por !p2, p0  }
0x20: {  	[sflag:s8] =	ssyncset.s32 @!p0 $0xFFFFF086;
	s6 =	sadd.s32 @!p0 s3, s7;
	s7 =	simm.s32 @!p0 $0x108  }
0x21: {  	s3 =	sadd.s32 s3, s9;
	s6 =	sadd.s32 @!p0 $0x88, s6;
	s7 =	simm.s32 @p2 $0x1082  }
0x22: {  	[simem:s7], [sflag:s8] =	dma.local @!p0 [hbm:s6], $0xF7A  }
0x23: {  	s9 =	sor.u32 $0xD0000000, s2;
	s6 =	simm.s32 $0x108;
	_ =	swait.ge @!p0 [sflag:s8], $0x0  }
0x24: {  	s3 =	sadd.s32 $0x88, s3;
	s6 =	simm.s32 @!p1 $0x1082;
	[sflag:s4] =	ssyncset.s32 $0xFFFFF086  }
0x25: {  	[simem:s6], [sflag:s4] =	dma.local [hbm:s3], $0xF7A  }
0x26: {  	[smem:$0x3F9D] =	sst s1;
	(tag) =	ssettag s2;
	_ =	strace s9  }
0x27: {  	s1 =	sld [smem:$0x3FAD]  }
0x28: {  	s2 =	sld [smem:$0x3FAE]  }
0x29: {  	s4 =	sld [smem:$0x3FB0]  }
0x2a: {  	p0 =	seq.s32 s5, $0x0;
	s5 =	sld [smem:$0x3FB1]  }
0x2b: {  	s6 =	sld [smem:$0x3FB2]  }
0x2c: {  	s7 =	sld [smem:$0x3FB3]  }
0x2d: {  	s3 =	simm.s32 $0x108;
	s8 =	sld [smem:$0x3FB4]  }
0x2e: {  	s3 =	simm.s32 @!p0 $0x1082;
	s9 =	sld [smem:$0x3FB5]  }
0x2f: {  	lr =	sadd.s32 s0, s3;
	s0 =	sld [smem:$0x3FAC]  }
0x30: {  	s3 =	sld [smem:$0x3FAF]  }
0x31: {  	[smem:$0x3FB8] =	sst s10  }
0x32: {  	s10 =	sld [smem:$0x3FB6];
	_ =	sdelay $0x3  }
0x33: {  	p0 =	seq.s32 s10, $0x1;
	s10 =	sld [smem:$0x3FB8];
	_ =	sdelay $0x3  }
0x34: {  	[smem:$0x3FB8] =	sst s10  }
0x35: {  	s10 =	sld [smem:$0x3FB7];
	_ =	sdelay $0x3  }
0x36: {  	p1 =	seq.s32 s10, $0x1;
	s10 =	sld [smem:$0x3FB8];
	_ =	sdelay $0x3  }
0x37: {  	[smem:$0x3FB8] =	sst s10  }
0x38: {  	s10 =	sld [smem:$0x3FB9]  }
0x39: {  	_ = 	snop;
	(pc) =	sbr.ind lr, $3  }
0x3a: {  	_ = 	snop  }
0x3b: {  	_ = 	snop  }
0x3c: {  	p2 =	seq.s32 s10, $0x1;
	s10 =	sld [smem:$0x3FB8]  }
0x3d: {  	_ =	shalt  }
0x3e: {  	_ =	shalt  }
0x3f: {  	_ =	shalt  }
0x40: {  	_ =	shalt  }
0x41: {  	_ =	shalt  }
0x42: {  	_ =	shalt  }
0x43: {  	_ =	shalt  }
0x44: {  	_ =	shalt  }
0x45: {  	_ =	shalt  }
0x46: {  	_ =	shalt  }
0x47: {  	_ =	shalt  }
0x48: {  	_ =	shalt  }
0x49: {  	_ =	shalt  }
0x4a: {  	_ =	shalt  }
0x4b: {  	_ =	shalt  }
0x4c: {  	_ =	shalt  }
0x4d: {  	_ =	shalt  }
0x4e: {  	_ =	shalt  }
0x4f: {  	_ =	shalt  }
0x50: {  	_ =	shalt  }
0x51: {  	_ =	shalt  }
0x52: {  	_ =	shalt  }
0x53: {  	_ =	shalt  }
0x54: {  	_ =	shalt  }
0x55: {  	_ =	shalt  }
0x56: {  	_ =	shalt  }
0x57: {  	_ =	shalt  }
0x58: {  	_ =	shalt  }
0x59: {  	_ =	shalt  }
0x5a: {  	_ =	shalt  }
0x5b: {  	_ =	shalt  }
0x5c: {  	_ =	shalt  }
0x5d: {  	_ =	shalt  }
0x5e: {  	_ =	shalt  }
0x5f: {  	_ =	shalt  }
0x60: {  	_ =	shalt  }
0x61: {  	_ =	shalt  }
0x62: {  	_ =	shalt  }
0x63: {  	_ =	shalt  }
0x64: {  	_ =	shalt  }
0x65: {  	_ =	shalt  }
0x66: {  	_ =	shalt  }
0x67: {  	_ =	shalt  }
0x68: {  	_ =	shalt  }
0x69: {  	_ =	shalt  }
0x6a: {  	_ =	shalt  }
0x6b: {  	_ =	shalt  }
0x6c: {  	_ =	shalt  }
0x6d: {  	_ =	shalt  }
0x6e: {  	_ =	shalt  }
0x6f: {  	_ =	shalt  }
0x70: {  	_ =	shalt  }
0x71: {  	_ =	shalt  }
0x72: {  	_ =	shalt  }
0x73: {  	_ =	shalt  }
0x74: {  	_ =	shalt  }
0x75: {  	_ =	shalt  }
0x76: {  	_ =	shalt  }
0x77: {  	_ =	shalt  }
0x78: {  	_ =	shalt  }
0x79: {  	_ =	shalt  }
0x7a: {  	_ =	shalt  }
0x7b: {  	_ =	shalt  }
0x7c: {  	_ =	shalt  }
0x7d: {  	_ =	shalt  }
0x7e: {  	_ =	shalt  }
0x7f: {  	_ =	shalt  }
0x80: {  	_ =	shalt  }
0x81: {  	_ =	shalt  }
0x82: {  	_ =	shalt  }
0x83: {  	_ =	shalt  }
0x84: {  	_ =	shalt  }
0x85: {  	_ =	shalt  }
0x86: {  	_ =	shalt  }
0x87: {  	_ =	shalt  }
.Lfunc_end0:
.L_simem_size_0:
called_computation_lowered:
.L_overlay_start_0:
0x88: {  	s2 =	sld [smem:$0x3FD9]  }
0x89: {  	s3 =	sld [smem:$0x3FFE];
	_ =	sdelay $0x1  }
0x8a: {  	s1 =	srdreg.scid  }
0x8b: {  	s0 =	sand.u32 $0x1, s1  }
0x8c: {  	s16 =	sshll.u32 s0, $0xA;
	s2 =	sadd.s32 s3, s2  }
0x8d: {  	s2 =	sadd.s32 s2, s16  }
0x8e: {  	[smem:$0x3FC4] =	sst s2  }
0x8f: {  	_ = 	snop  }
0x90: {  	(tm) =	ssettm $0x1  }
0x91: {  	s17 =	sld [smem:$0x3FFB];
	_ =	sdelay $0x3  }
0x92: {  	_ =	strace s17  }
0x93: {  	s2 =	sld [smem:$0x3FFC];
	_ =	sdelay $0x3  }
0x94: {  	_ =	strace s2  }
0x95: {  	s2 =	sld [smem:$0x3FFD];
	_ =	sdelay $0x3  }
0x96: {  	_ =	strace s2  }
0x97: {  	_ =	strace $0x8FFFFFFF  }
0x98: {  	s18 =	sld [smem:$0x3FDB];
	_ =	sdelay $0x1  }
0x99: {  	s19 =	simm.s32 $_scs_section_size  }
0x9a: {  	s4 =	simm.s32 $_size__tile_overlayer_lowered;
	s5 =	simm.s32 $_tile_overlayer_lowered  }
0x9b: {  	s22 =	simm.s32 $0x1BFF;
	s21 =	sshll.u32 s5, $0x1;
	s2 =	sadd.s32 s19, s18  }
0x9c: {  	s6 =	simm.s32 $0x0;
	s20 =	sshll.u32 s4, $0x1;
	s4 =	sadd.s32 s21, s2  }
0x9d: {  	[timem:s6], [sflag:s22] =	dma.local [hbm:s4], s20  }
0x9e: {  	_ =	swait.ge [sflag:s22], s20  }
0x9f: {  	s3 =	ssub.s32 $0x0, s20;
	[sflag:s22] =	ssyncset.done $0x0  }
0xa0: {  	[sflag:s22] =	ssyncadd.s32 s3;
	_ =	sdelay $0x1  }
0xa1: {  	s23 =	simm.s32 $0x1B8B  }
0xa2: {  	_ =	swait.ge [sflag:s23], $0x1  }
0xa3: {  	[sflag:s23] =	ssyncset.done $0x0  }
0xa4: {  	s25 =	simm.s32 $0x1B8E;
	s24 =	sld [smem:$0x3FFE];
	[sflag:s23] =	ssyncadd.s32 $0xFFFFFFFF  }
0xa5: {  	s26 =	simm.s32 $execute0_lowered;
	[smem:$0x3FD2] =	sst s25  }
0xa6: {  	s4 =	sshll.u32 s26, $0x1;
	_ =	strace $0x80000046;
	[dreg:$0x1] =	wrdreg $0xFFFFFFFF  }
0xa7: {  	s28 =	simm.s32 $_size_execute0_lowered;
	s2 =	sadd.s32 s2, s4;
	[dreg:$0x0] =	wrdreg $0x0  }
0xa8: {  	s4 =	sshll.u32 s28, $0x1;
	[dreg:$0x2] =	wrdreg s2  }
0xa9: {  	[dreg:$0x3] =	wrdreg s4  }
0xaa: {  	[dreg:$0x4] =	wrdreg $0xC0  }
0xab: {  	_ =	task [dreg:s6], $0x5FFFF  }
0xac: {  	[dreg:$0x1] =	wrdreg $0xFFFFFFFF  }
0xad: {  	[dreg:$0x0] =	wrdreg $0x60  }
0xae: {  	[dreg:$0x2] =	wrdreg s24  }
0xaf: {  	[dreg:$0x3] =	wrdreg $0x9  }
0xb0: {  	_ =	task.clear_ibuf [dreg:s6], $0x4FFFF;
	_ =	strace $0x90000046  }
0xb1: {  	s29 =	simm.s32 $0x9;
	_ =	strace $0x80000048  }
0xb2: {  	_ =	swait.ge [sflag:s29], $0x1  }
0xb3: {  	[sflag:s29] =	ssyncadd.s32 $0xFFFFFFFF  }
0xb4: {  	_ =	strace $0x90000048  }
0xb5: {  	_ =	sfence  }
0xb6: {  	s30 =	sld [smem:$0x0];
	_ =	sdelay $0x2  }
0xb7: {  	s31 =	sshll.u32 s1, $0xD;
	s1 =	sshrl.u32 s1, $0x2  }
0xb8: {  	s3 =	sand.u32 $0x4000, s31;
	s1 =	sadd.s32 s1, s30  }
0xb9: {  	s0 =	sor.u32 s3, s0;
	s1 =	sshll.u32 s1, $0x11  }
0xba: {  	s0 =	sor.u32 s1, s0  }
0xbb: {  	s0 =	sadd.s32 $0x8F2B, s0  }
0xbc: {  	[sflag:s0] =	ssyncadd.remote.s32 $0x1  }
0xbd: {  	_ =	sfence.sel $0xFFFF  }
0xbe: {  	[dreg:$0x0] =	wrdreg $0xFFFFFFFF;
	(pc) =	sbr.abs _section_cstart, $3  }
0xbf: {  	[dreg:$0x1] =	wrdreg $0xFFFFFFFF  }
0xc0: {  	_ =	task.clear_ibuf [dreg:s6], $0x2FFFF;
	_ =	strace $0x9FFFFFFF  }
0xc1: {  	(tm) =	ssettm $0x7FFFFFFF  }
tec
execute0_lowered:
.L_overlay_start_1:
0x0: {  	(tag) =	ssettag $0x1  }
0x1: {  	s0 =	rddreg [dreg:$0x0]  }
0x2: {  	s1 =	srdreg.scid;
	s3 =	stileid.u32;
	s2 =	simm.s32 $0x0  }
0x3: {  	s11 =	simm.s32 $0x2;
	s14 =	simm.s32 $0x80;
	s25 =	simm.s32 $0x880  }
0x4: {  	s26 =	simm.s32 $0xAC00;
	s28 =	simm.s32 $0x900;
	s29 =	simm.s32 $0xCC00  }
0x5: {  	s30 =	simm.s32 $0x980;
	s31 =	simm.s32 $0xEC00;
	s12 =	simm.s32 $0xA80  }
0x6: {  	s13 =	simm.s32 $0x12C00;
	s15 =	simm.s32 $0xB00;
	s16 =	simm.s32 $0x14C00  }
0x7: {  	s17 =	simm.s32 $0xB80;
	s18 =	simm.s32 $0x16C00;
	s19 =	simm.s32 $0x1  }
0x8: {  	s20 =	simm.s32 $0x18C00;
	s21 =	simm.s32 $0x0;
	s1 =	sand.u32 $0x1, s1  }
0x9: {  	s3 =	sshll.u32 s3, $0x1;
	[smem:$0x7FF] =	sst s2;
	s4 =	sadd.s32 $0xE2200, s0  }
0xa: {  	s5 =	sor.u32 s1, s3;
	_ =	strace $0x80000047;
	s1 =	ssub.s32 $0x2, s1  }
0xb: {  	s3 =	sshll.u32 s5, $0x6;
	s6 =	sshll.u32 s5, $0xA;
	s7 =	sshrl.u32 s1, $0x1  }
0xc: {  	s5 =	sadd.s32 $0x1C2200, s0;
	s8 =	sadd.s32 s3, s0;
	s3 =	sadd.s32 $0x2200, s0  }
0xd: {  	s0 =	sadd.s32 s6, s0;
	s1 =	ssub.s32 s1, s7;
	s6 =	sadd.s32 $0xA00, s8  }
0xe: {  	s7 =	sadd.s32 $0x1200, s8;
	s8 =	sadd.s32 $0x1A00, s8;
	s9 =	sadd.s32 $0x2A2200, s0  }
0xf: {  	s10 =	smax.u32 s1, $0x1;
	s0 =	simm.s32 $0xA00;
	s1 =	simm.s32 $0x10C00  }
.LBB2_1:
0x10: {  	[tilespmem:s2], [sflag:$0x2] =	stream.linear.gather [hbm4b:s6+s2], $0x200, $0x38;
	[tilespmem:$0x1AC00] =	vst v63  }
0x11: {  	_ =	swait.ge [sflag:s11], $0x200  }
0x12: {  	[sflag:s11] =	ssyncset.done $0x0  }
0x13: {  	s22 =	simm.s32 $0x200;
	[sflag:s11] =	ssyncadd.s32 $0xFFFFFE00  }
0x14: {  	[tilespmem:s22], [sflag:$0x2] =	stream.linear.gather [hbm4b:s7+s2], $0x200, $0x38;
	[tilespmem:$0x1AC00] =	vst v63  }
0x15: {  	_ =	swait.ge [sflag:s11], $0x200  }
0x16: {  	[sflag:s11] =	ssyncset.done $0x0  }
0x17: {  	s23 =	simm.s32 $0x400;
	[sflag:s11] =	ssyncadd.s32 $0xFFFFFE00  }
0x18: {  	[tilespmem:s23], [sflag:$0x2] =	stream.linear.gather [hbm4b:s8+s2], $0x200, $0x38;
	[tilespmem:$0x1AC00] =	vst v63  }
0x19: {  	_ =	swait.ge [sflag:s11], $0x200  }
0x1a: {  	[sflag:s11] =	ssyncset.done $0x0  }
0x1b: {  	[sflag:s11] =	ssyncadd.s32 $0xFFFFFE00  }
0x1c: {  	v0 =	vld [tilespmem:$0x0]  }
0x1d: {  	v1 =	vld [tilespmem:$0x10]  }
0x1e: {  	v2 =	vld [tilespmem:$0x20]  }
0x1f: {  	v3 =	vld [tilespmem:$0x30]  }
0x20: {  	v5 =	vld [tilespmem:$0x40]  }
0x21: {  	v7 =	vld [tilespmem:$0x50]  }
0x22: {  	v47 =	vld [tilespmem:$0x60]  }
0x23: {  	v8 =	vld [tilespmem:$0x70]  }
0x24: {  	v51 =	vld [tilespmem:$0x80]  }
0x25: {  	v11 =	vld [tilespmem:$0x90]  }
0x26: {  	v12 =	vld [tilespmem:$0xA0]  }
0x27: {  	v14 =	vld [tilespmem:$0xB0]  }
0x28: {  	v56 =	vld [tilespmem:$0xC0]  }
0x29: {  	v58 =	vld [tilespmem:$0xD0]  }
0x2a: {  	v61 =	vld [tilespmem:$0xE0]  }
0x2b: {  	v17 =	vld [tilespmem:$0xF0];
	vm0 =	vgt.s32 v0, $0xDFFF;
	v0 =	vshll.u32 v0, $0x1  }
0x2c: {  	v18 =	vld [tilespmem:$0x100];
	v4 =	vshll.u32 v1, $0x1;
	vm1 =	vgt.s32 v1, $0xDFFF;
	vm7 =	vgt.s32 v2, $0xDFFF  }
0x2d: {  	v20 =	vld [tilespmem:$0x110];
	v2 =	vshll.u32 v2, $0x1;
	v48 =	vshll.u32 v3, $0x1;
	vm8 =	vgt.s32 v3, $0xDFFF  }
0x2e: {  	v26 =	vld [tilespmem:$0x120];
	v50 =	vshll.u32 v5, $0x1;
	vm9 =	vgt.s32 v5, $0xDFFF;
	v10 =	vshll.u32 v7, $0x1  }
0x2f: {  	v28 =	vld [tilespmem:$0x130];
	vm10 =	vgt.s32 v7, $0xDFFF;
	vm11 =	vgt.s32 v47, $0xDFFF;
	v54 =	vshll.u32 v8, $0x1  }
0x30: {  	v23 =	vld [tilespmem:$0x150];
	vm2 =	vgt.s32 v8, $0xDFFF;
	vm12 =	vgt.s32 v51, $0xDFFF;
	v57 =	vshll.u32 v11, $0x1  }
0x31: {  	v38 =	vld [tilespmem:$0x190];
	vm13 =	vgt.s32 v11, $0xDFFF;
	v60 =	vshll.u32 v12, $0x1;
	vm14 =	vgt.s32 v12, $0xDFFF  }
0x32: {  	v16 =	vshll.u32 v14, $0x1;
	vm15 =	vgt.s32 v14, $0xDFFF;
	vm4 =	vgt.s32 v56, $0xDFFF  }
0x33: {  	v8 =	vshll.u32 v56, $0x1;
	v24 =	vshll.u32 v58, $0x1;
	vm5 =	vgt.s32 v58, $0xDFFF  }
0x34: {  	vm6 =	vgt.s32 v61, $0xDFFF;
	v27 =	vshll.u32 v17, $0x1;
	v30 =	vshll.u32 v18, $0x1  }
0x35: {  	v22 =	vshll.u32 v20, $0x1;
	v14 =	vshll.u32 v26, $0x1;
	v34 =	vshll.u32 v28, $0x1  }
0x36: {  	v37 =	vshll.u32 v23, $0x1;
	v44 =	vshll.u32 v38, $0x1;
	v6 =	vadd.s32 $0xFFFE4001, v0  }
0x37: {  	v46 =	vadd.s32 $0xFFFE4001, v4;
	v9 =	vadd.s32 $0xFFFE4001, v2;
	v49 =	vadd.s32 $0xFFFE4001, v48  }
0x38: {  	v52 =	vadd.s32 $0xFFFE4001, v50;
	v53 =	vadd.s32 $0xFFFE4001, v10;
	v55 =	vadd.s32 $0xFFFE4001, v54  }
0x39: {  	v59 =	vadd.s32 $0xFFFE4001, v57;
	v62 =	vadd.s32 $0xFFFE4001, v60;
	v63 =	vadd.s32 $0xFFFE4001, v16  }
0x3a: {  	v19 =	vadd.s32 $0xFFFE4001, v8;
	v25 =	vadd.s32 $0xFFFE4001, v24;
	v29 =	vadd.s32 $0xFFFE4001, v27  }
0x3b: {  	v32 =	vadd.s32 $0xFFFE4001, v30;
	v33 =	vadd.s32 $0xFFFE4001, v22;
	v35 =	vadd.s32 $0xFFFE4001, v34  }
0x3c: {  	v39 =	vadd.s32 $0xFFFE4001, v37;
	v45 =	vadd.s32 $0xFFFE4001, v44;
	v0 =	vsel vm0, v6, v0  }
0x3d: {  	v36 =	vld [tilespmem:$0x180];
	v1 =	vsel vm1, v46, v4;
	v2 =	vsel vm7, v9, v2;
	v3 =	vsel vm8, v49, v48  }
0x3e: {  	v41 =	vld [tilespmem:$0x1A0];
	v5 =	vsel vm9, v52, v50;
	v4 =	vshll.u32 v47, $0x1;
	v6 =	vsel vm10, v53, v10  }
0x3f: {  	v7 =	vsel vm2, v55, v54;
	v9 =	vshll.u32 v51, $0x1;
	v10 =	vsel vm13, v59, v57  }
0x40: {  	v11 =	vsel vm14, v62, v60;
	v12 =	vsel vm15, v63, v16;
	v8 =	vsel vm4, v19, v8  }
0x41: {  	vm7 =	vgt.s32 v17, $0xDFFF;
	vm8 =	vgt.s32 v18, $0xDFFF;
	vm9 =	vgt.s32 v20, $0xDFFF  }
0x42: {  	vm10 =	vgt.s32 v26, $0xDFFF;
	vm13 =	vgt.s32 v23, $0xDFFF;
	vm4 =	vgt.s32 v36, $0xDFFF  }
0x43: {  	v31 =	vld [tilespmem:$0x140];
	v20 =	vshll.u32 v36, $0x1;
	v47 =	vshll.u32 v41, $0x1;
	v13 =	vadd.s32 $0xFFFE4001, v4  }
0x44: {  	v56 =	vld [tilespmem:$0x210];
	v15 =	vadd.s32 $0xFFFE4001, v9;
	v16 =	vsel vm7, v29, v27;
	v17 =	vsel vm8, v32, v30  }
0x45: {  	v18 =	vsel vm9, v33, v22;
	v22 =	vsel vm13, v39, v37;
	v50 =	vadd.s32 $0xFFFE4001, v47  }
0x46: {  	v26 =	vld [tilespmem:$0x170];
	v4 =	vsel vm11, v13, v4;
	v9 =	vsel vm12, v15, v9;
	v13 =	vsel vm5, v25, v24  }
0x47: {  	v46 =	vld [tilespmem:$0x1E0];
	v15 =	vshll.u32 v61, $0x1;
	v25 =	vadd.s32 $0xFFFE4001, v14;
	vm11 =	vgt.s32 v28, $0xDFFF  }
0x48: {  	v49 =	vld [tilespmem:$0x1F0];
	vm12 =	vgt.s32 v31, $0xDFFF;
	vm5 =	vgt.s32 v38, $0xDFFF;
	v21 =	vadd.s32 $0xFFFE4001, v15  }
0x49: {  	v53 =	vld [tilespmem:$0x200];
	v14 =	vsel vm10, v25, v14;
	v19 =	vsel vm11, v35, v34;
	v35 =	vshll.u32 v56, $0x1  }
0x4a: {  	v60 =	vld [tilespmem:$0x220];
	vm13 =	vgt.s32 v56, $0xDFFF;
	v15 =	vsel vm6, v21, v15;
	v21 =	vshll.u32 v31, $0x1  }
0x4b: {  	v29 =	vld [tilespmem:$0x1B0];
	v31 =	vadd.s32 $0xFFFE4001, v20;
	vm6 =	vgt.s32 v41, $0xDFFF;
	v38 =	vadd.s32 $0xFFFE4001, v35  }
0x4c: {  	v30 =	vld [tilespmem:$0x1C0];
	v27 =	vadd.s32 $0xFFFE4001, v21;
	v28 =	vshll.u32 v26, $0x1;
	vm15 =	vgt.s32 v26, $0xDFFF  }
0x4d: {  	v32 =	vld [tilespmem:$0x1D0];
	[tilespmem:$0x610] =	vst v1;
	v20 =	vsel vm4, v31, v20;
	v1 =	vsel vm6, v50, v47;
	vm10 =	vgt.s32 v46, $0xDFFF  }
0x4e: {  	[tilespmem:$0x600] =	vst v0;
	v58 =	vshll.u32 v46, $0x1;
	v59 =	vshll.u32 v49, $0x1;
	vm11 =	vgt.s32 v49, $0xDFFF  }
0x4f: {  	v33 =	vld [tilespmem:$0x240];
	[tilespmem:$0x690] =	vst v10;
	v34 =	vshll.u32 v53, $0x1;
	v10 =	vsel vm13, v38, v35;
	v39 =	vshll.u32 v60, $0x1  }
0x50: {  	[tilespmem:$0x620] =	vst v2;
	v24 =	vld [tilespmem:$0x160];
	v21 =	vsel vm12, v27, v21;
	v43 =	vadd.s32 $0xFFFE4001, v28;
	v48 =	vshll.u32 v29, $0x1  }
0x51: {  	[tilespmem:$0x630] =	vst v3;
	vm7 =	vgt.s32 v29, $0xDFFF;
	v52 =	vshll.u32 v30, $0x1;
	vm8 =	vgt.s32 v30, $0xDFFF  }
0x52: {  	v63 =	vld [tilespmem:$0x230];
	[tilespmem:$0x640] =	vst v5;
	v55 =	vshll.u32 v32, $0x1;
	vm9 =	vgt.s32 v32, $0xDFFF;
	v61 =	vadd.s32 $0xFFFE4001, v58  }
0x53: {  	v36 =	vld [tilespmem:$0x250];
	[tilespmem:$0x650] =	vst v6;
	v62 =	vadd.s32 $0xFFFE4001, v59;
	vm12 =	vgt.s32 v53, $0xDFFF;
	v37 =	vadd.s32 $0xFFFE4001, v34  }
0x54: {  	[tilespmem:$0x670] =	vst v7;
	v41 =	vadd.s32 $0xFFFE4001, v39;
	vm4 =	vgt.s32 v33, $0xDFFF;
	v7 =	vshll.u32 v33, $0x1  }
0x55: {  	[tilespmem:$0x6A0] =	vst v11;
	v40 =	vshll.u32 v24, $0x1;
	vm14 =	vgt.s32 v24, $0xDFFF;
	v0 =	vsel vm15, v43, v28  }
0x56: {  	[tilespmem:$0x6B0] =	vst v12;
	v56 =	vld [tilespmem:$0x2C0];
	v24 =	vsel vm5, v45, v44;
	v51 =	vadd.s32 $0xFFFE4001, v48;
	v54 =	vadd.s32 $0xFFFE4001, v52  }
0x57: {  	[tilespmem:$0x660] =	vst v4;
	v57 =	vadd.s32 $0xFFFE4001, v55;
	v4 =	vsel vm10, v61, v58;
	v6 =	vsel vm11, v62, v59  }
0x58: {  	[tilespmem:$0x680] =	vst v9;
	v9 =	vsel vm12, v37, v34;
	vm15 =	vgt.s32 v63, $0xDFFF;
	v45 =	vshll.u32 v36, $0x1  }
0x59: {  	[tilespmem:$0x6C0] =	vst v8;
	v46 =	vld [tilespmem:$0x280];
	v47 =	vadd.s32 $0xFFFE4001, v7;
	vm5 =	vgt.s32 v36, $0xDFFF;
	v42 =	vadd.s32 $0xFFFE4001, v40  }
0x5a: {  	[tilespmem:$0x6F0] =	vst v16;
	v49 =	vld [tilespmem:$0x290];
	v2 =	vsel vm7, v51, v48;
	v3 =	vsel vm8, v54, v52;
	v5 =	vsel vm9, v57, v55  }
0x5b: {  	[tilespmem:$0x700] =	vst v17;
	v50 =	vld [tilespmem:$0x2A0];
	v48 =	vadd.s32 $0xFFFE4001, v45;
	v7 =	vsel vm4, v47, v7;
	vm12 =	vgt.s32 v56, $0xDFFF  }
0x5c: {  	[tilespmem:$0x730] =	vst v19;
	v29 =	vld [tilespmem:$0x2F0];
	v19 =	vshll.u32 v56, $0x1;
	v23 =	vsel vm14, v42, v40;
	vm14 =	vgt.s32 v60, $0xDFFF  }
0x5d: {  	[tilespmem:$0x6D0] =	vst v13;
	v30 =	vld [tilespmem:$0x300];
	v42 =	vshll.u32 v63, $0x1;
	v13 =	vsel vm5, v48, v45;
	v33 =	vadd.s32 $0xFFFE4001, v19  }
0x5e: {  	[tilespmem:$0x710] =	vst v18;
	v32 =	vld [tilespmem:$0x310];
	v8 =	vsel vm14, v41, v39;
	v44 =	vadd.s32 $0xFFFE4001, v42;
	v55 =	vshll.u32 v46, $0x1  }
0x5f: {  	[tilespmem:$0x750] =	vst v22;
	v43 =	vld [tilespmem:$0x270];
	vm8 =	vgt.s32 v46, $0xDFFF;
	v58 =	vshll.u32 v49, $0x1;
	vm9 =	vgt.s32 v49, $0xDFFF  }
0x60: {  	[tilespmem:$0x7A0] =	vst v1;
	v59 =	vld [tilespmem:$0x2D0];
	vm10 =	vgt.s32 v50, $0xDFFF;
	v16 =	vshll.u32 v50, $0x1;
	v1 =	vsel vm12, v33, v19  }
0x61: {  	[tilespmem:$0x720] =	vst v14;
	v62 =	vld [tilespmem:$0x2E0];
	v11 =	vsel vm15, v44, v42;
	v57 =	vadd.s32 $0xFFFE4001, v55;
	v60 =	vadd.s32 $0xFFFE4001, v58  }
0x62: {  	[tilespmem:$0x6E0] =	vst v15;
	v36 =	vld [tilespmem:$0x320];
	v63 =	vadd.s32 $0xFFFE4001, v16;
	v38 =	vshll.u32 v29, $0x1;
	vm15 =	vgt.s32 v29, $0xDFFF  }
0x63: {  	[tilespmem:$0x780] =	vst v20;
	v52 =	vld [tilespmem:$0x2B0];
	vm4 =	vgt.s32 v30, $0xDFFF;
	v41 =	vshll.u32 v30, $0x1;
	v42 =	vshll.u32 v32, $0x1  }
0x64: {  	[tilespmem:$0x810] =	vst v10;
	vm5 =	vgt.s32 v32, $0xDFFF;
	v51 =	vshll.u32 v43, $0x1;
	vm7 =	vgt.s32 v43, $0xDFFF  }
0x65: {  	v26 =	vld [tilespmem:$0x3C0];
	[tilespmem:$0x770] =	vst v0;
	v15 =	vsel vm8, v57, v55;
	v17 =	vsel vm9, v60, v58;
	v0 =	vsel vm10, v63, v16  }
0x66: {  	[tilespmem:$0x740] =	vst v21;
	v56 =	vld [tilespmem:$0x380];
	v31 =	vshll.u32 v59, $0x1;
	vm13 =	vgt.s32 v59, $0xDFFF;
	v35 =	vshll.u32 v62, $0x1  }
0x67: {  	[tilespmem:$0x790] =	vst v24;
	v40 =	vld [tilespmem:$0x260];
	vm14 =	vgt.s32 v62, $0xDFFF;
	v44 =	vadd.s32 $0xFFFE4001, v41;
	v45 =	vadd.s32 $0xFFFE4001, v42  }
0x68: {  	[tilespmem:$0x7E0] =	vst v4;
	v49 =	vshll.u32 v36, $0x1;
	v54 =	vadd.s32 $0xFFFE4001, v51;
	v61 =	vshll.u32 v52, $0x1  }
0x69: {  	[tilespmem:$0x7F0] =	vst v6;
	v48 =	vld [tilespmem:$0x360];
	vm11 =	vgt.s32 v52, $0xDFFF;
	v34 =	vadd.s32 $0xFFFE4001, v31;
	v37 =	vadd.s32 $0xFFFE4001, v35  }
0x6a: {  	[tilespmem:$0x800] =	vst v9;
	v4 =	vsel vm4, v44, v41;
	v47 =	vsel vm5, v45, v42;
	v52 =	vadd.s32 $0xFFFE4001, v49  }
0x6b: {  	[tilespmem:$0x7B0] =	vst v2;
	v39 =	vld [tilespmem:$0x330];
	vm12 =	vgt.s32 v56, $0xDFFF;
	v27 =	vshll.u32 v56, $0x1;
	vm4 =	vgt.s32 v26, $0xDFFF  }
0x6c: {  	[tilespmem:$0x7C0] =	vst v3;
	v46 =	vld [tilespmem:$0x350];
	vm6 =	vgt.s32 v40, $0xDFFF;
	v12 =	vshll.u32 v40, $0x1;
	v14 =	vsel vm7, v54, v51  }
0x6d: {  	v25 =	vld [tilespmem:$0x3B0];
	[tilespmem:$0x7D0] =	vst v5;
	v28 =	vadd.s32 $0xFFFE4001, v61;
	v2 =	vsel vm13, v34, v31;
	v3 =	vsel vm14, v37, v35  }
0x6e: {  	[tilespmem:$0x840] =	vst v7;
	v40 =	vadd.s32 $0xFFFE4001, v38;
	vm10 =	vgt.s32 v48, $0xDFFF;
	v9 =	vshll.u32 v48, $0x1  }
0x6f: {  	[tilespmem:$0x760] =	vst v23;
	v30 =	vadd.s32 $0xFFFE4001, v27;
	v53 =	vadd.s32 $0xFFFE4001, v12;
	v16 =	vsel vm11, v28, v61  }
0x70: {  	[tilespmem:$0x850] =	vst v13;
	v29 =	vld [tilespmem:$0x3D0];
	v5 =	vsel vm15, v40, v38;
	v50 =	vshll.u32 v39, $0x1;
	vm7 =	vgt.s32 v39, $0xDFFF  }
0x71: {  	[tilespmem:$0x820] =	vst v8;
	v43 =	vld [tilespmem:$0x340];
	v58 =	vshll.u32 v46, $0x1;
	vm9 =	vgt.s32 v46, $0xDFFF;
	v63 =	vadd.s32 $0xFFFE4001, v9  }
0x72: {  	v59 =	vld [tilespmem:$0x390];
	[tilespmem:$0x8A0] =	vst v0;
	v0 =	vsel vm12, v30, v27;
	vm15 =	vgt.s32 v25, $0xDFFF;
	v39 =	vshll.u32 v26, $0x1  }
0x73: {  	[tilespmem:$0x8C0] =	vst v1;
	v62 =	vld [tilespmem:$0x3A0];
	v12 =	vsel vm6, v53, v12;
	vm6 =	vgt.s32 v36, $0xDFFF;
	v53 =	vadd.s32 $0xFFFE4001, v50  }
0x74: {  	[tilespmem:$0x830] =	vst v11;
	v60 =	vadd.s32 $0xFFFE4001, v58;
	v9 =	vsel vm10, v63, v9;
	v36 =	vshll.u32 v25, $0x1  }
0x75: {  	v21 =	vld [tilespmem:$0x480];
	[tilespmem:$0x880] =	vst v15;
	v40 =	vshll.u32 v29, $0x1;
	v42 =	vadd.s32 $0xFFFE4001, v39;
	vm5 =	vgt.s32 v29, $0xDFFF  }
0x76: {  	[tilespmem:$0x890] =	vst v17;
	v41 =	vld [tilespmem:$0x400];
	v8 =	vsel vm6, v52, v49;
	v54 =	vsel vm7, v53, v50;
	v55 =	vshll.u32 v43, $0x1  }
0x77: {  	v44 =	vld [tilespmem:$0x410];
	[tilespmem:$0x900] =	vst v4;
	vm8 =	vgt.s32 v43, $0xDFFF;
	v11 =	vsel vm9, v60, v58;
	v28 =	vshll.u32 v59, $0x1  }
0x78: {  	v51 =	vld [tilespmem:$0x370];
	[tilespmem:$0x910] =	vst v47;
	vm13 =	vgt.s32 v59, $0xDFFF;
	v33 =	vshll.u32 v62, $0x1;
	vm14 =	vgt.s32 v62, $0xDFFF  }
0x79: {  	v34 =	vld [tilespmem:$0x3E0];
	[tilespmem:$0x8E0] =	vst v3;
	v38 =	vadd.s32 $0xFFFE4001, v36;
	v43 =	vadd.s32 $0xFFFE4001, v40;
	v3 =	vsel vm4, v42, v39  }
0x7a: {  	v37 =	vld [tilespmem:$0x3F0];
	[tilespmem:$0x870] =	vst v14;
	vm4 =	vgt.s32 v21, $0xDFFF;
	v57 =	vadd.s32 $0xFFFE4001, v55;
	v31 =	vadd.s32 $0xFFFE4001, v28  }
0x7b: {  	[tilespmem:$0x8D0] =	vst v2;
	v35 =	vadd.s32 $0xFFFE4001, v33;
	v2 =	vsel vm15, v38, v36;
	v45 =	vsel vm5, v43, v40  }
0x7c: {  	[tilespmem:$0x8B0] =	vst v16;
	v53 =	vshll.u32 v41, $0x1;
	v56 =	vshll.u32 v44, $0x1;
	vm9 =	vgt.s32 v44, $0xDFFF  }
0x7d: {  	v46 =	vld [tilespmem:$0x420];
	[tilespmem:$0x8F0] =	vst v5;
	v7 =	vsel vm8, v57, v55;
	v61 =	vshll.u32 v51, $0x1;
	vm11 =	vgt.s32 v51, $0xDFFF  }
0x7e: {  	[tilespmem:$0x980] =	vst v0;
	v32 =	vsel vm13, v31, v28;
	v1 =	vsel vm14, v35, v33;
	vm6 =	vgt.s32 v34, $0xDFFF  }
0x7f: {  	v63 =	vld [tilespmem:$0x470];
	[tilespmem:$0x860] =	vst v12;
	v47 =	vshll.u32 v34, $0x1;
	v48 =	vshll.u32 v37, $0x1;
	vm7 =	vgt.s32 v37, $0xDFFF  }
0x80: {  	v29 =	vld [tilespmem:$0x4A0];
	[tilespmem:$0x960] =	vst v9;
	vm8 =	vgt.s32 v41, $0xDFFF;
	v55 =	vadd.s32 $0xFFFE4001, v53;
	v58 =	vadd.s32 $0xFFFE4001, v56  }
0x81: {  	v49 =	vld [tilespmem:$0x430];
	[tilespmem:$0x920] =	vst v8;
	v34 =	vshll.u32 v21, $0x1;
	v24 =	vadd.s32 $0xFFFE4001, v61;
	v50 =	vadd.s32 $0xFFFE4001, v47  }
0x82: {  	v60 =	vld [tilespmem:$0x460];
	v51 =	vadd.s32 $0xFFFE4001, v48;
	[tilespmem:$0x940] =	vst v7;
	v7 =	vsel vm8, v55, v53;
	vm10 =	vgt.s32 v46, $0xDFFF  }
0x83: {  	v19 =	vld [tilespmem:$0x560];
	[tilespmem:$0x930] =	vst v54;
	v5 =	vshll.u32 v46, $0x1;
	v20 =	vsel vm9, v58, v56;
	v37 =	vadd.s32 $0xFFFE4001, v34  }
0x84: {  	v39 =	vld [tilespmem:$0x4D0];
	[tilespmem:$0x950] =	vst v11;
	v12 =	vsel vm11, v24, v61;
	v6 =	vsel vm6, v50, v47;
	v52 =	vsel vm7, v51, v48  }
0x85: {  	v54 =	vld [tilespmem:$0x440];
	[tilespmem:$0x9C0] =	vst v3;
	v61 =	vadd.s32 $0xFFFE4001, v5;
	v31 =	vshll.u32 v63, $0x1;
	vm15 =	vgt.s32 v63, $0xDFFF  }
0x86: {  	[tilespmem:$0x9B0] =	vst v2;
	vm6 =	vgt.s32 v29, $0xDFFF;
	v42 =	vshll.u32 v29, $0x1;
	v59 =	vshll.u32 v49, $0x1  }
0x87: {  	v36 =	vld [tilespmem:$0x4C0];
	[tilespmem:$0x9D0] =	vst v45;
	vm11 =	vgt.s32 v49, $0xDFFF;
	v5 =	vsel vm10, v61, v5;
	v28 =	vshll.u32 v60, $0x1  }
0x88: {  	v44 =	vld [tilespmem:$0x4F0];
	vm14 =	vgt.s32 v60, $0xDFFF;
	v33 =	vadd.s32 $0xFFFE4001, v31;
	[tilespmem:$0x9E0] =	vst v6;
	v6 =	vsel vm4, v37, v34  }
0x89: {  	v57 =	vld [tilespmem:$0x450];
	[tilespmem:$0x990] =	vst v32;
	v45 =	vadd.s32 $0xFFFE4001, v42;
	v51 =	vshll.u32 v39, $0x1;
	vm9 =	vgt.s32 v39, $0xDFFF  }
0x8a: {  	[tilespmem:$0x9A0] =	vst v1;
	v34 =	vshll.u32 v19, $0x1;
	v62 =	vadd.s32 $0xFFFE4001, v59;
	vm12 =	vgt.s32 v54, $0xDFFF  }
0x8b: {  	v41 =	vld [tilespmem:$0x4E0];
	[tilespmem:$0xA00] =	vst v7;
	v22 =	vshll.u32 v54, $0x1;
	v30 =	vadd.s32 $0xFFFE4001, v28;
	v4 =	vsel vm15, v33, v31  }
0x8c: {  	[tilespmem:$0xA10] =	vst v20;
	v0 =	vsel vm6, v45, v42;
	v48 =	vshll.u32 v36, $0x1;
	vm8 =	vgt.s32 v36, $0xDFFF  }
0x8d: {  	[tilespmem:$0x970] =	vst v12;
	v53 =	vadd.s32 $0xFFFE4001, v51;
	v55 =	vshll.u32 v44, $0x1;
	vm6 =	vgt.s32 v19, $0xDFFF  }
0x8e: {  	v32 =	vld [tilespmem:$0x4B0];
	[tilespmem:$0x9F0] =	vst v52;
	v37 =	vadd.s32 $0xFFFE4001, v34;
	v9 =	vsel vm11, v62, v59;
	v23 =	vshll.u32 v57, $0x1  }
0x8f: {  	v56 =	vld [tilespmem:$0x520];
	[tilespmem:$0xA20] =	vst v5;
	v25 =	vadd.s32 $0xFFFE4001, v22;
	vm13 =	vgt.s32 v57, $0xDFFF;
	v3 =	vsel vm14, v30, v28  }
0x90: {  	v24 =	vld [tilespmem:$0x490];
	[tilespmem:$0xA80] =	vst v6;
	v50 =	vadd.s32 $0xFFFE4001, v48;
	vm10 =	vgt.s32 v41, $0xDFFF;
	v54 =	vshll.u32 v41, $0x1  }
0x91: {  	[tilespmem:$0xA70] =	vst v4;
	vm11 =	vgt.s32 v44, $0xDFFF;
	v58 =	vadd.s32 $0xFFFE4001, v55;
	v2 =	vsel vm9, v53, v51  }
0x92: {  	v29 =	vld [tilespmem:$0x590];
	[tilespmem:$0xAA0] =	vst v0;
	v39 =	vsel vm6, v37, v34;
	v26 =	vadd.s32 $0xFFFE4001, v23;
	v1 =	vsel vm12, v25, v22  }
0x93: {  	v49 =	vld [tilespmem:$0x500];
	v43 =	vshll.u32 v32, $0x1;
	vm7 =	vgt.s32 v32, $0xDFFF;
	[tilespmem:$0xA30] =	vst v9;
	v57 =	vadd.s32 $0xFFFE4001, v54  }
0x94: {  	v52 =	vld [tilespmem:$0x510];
	[tilespmem:$0xA60] =	vst v3;
	v60 =	vsel vm11, v58, v55;
	v18 =	vshll.u32 v56, $0x1;
	vm14 =	vgt.s32 v56, $0xDFFF  }
0x95: {  	v61 =	vld [tilespmem:$0x540];
	[tilespmem:$0xAD0] =	vst v2;
	v27 =	vsel vm13, v26, v23;
	v35 =	vshll.u32 v24, $0x1;
	vm5 =	vgt.s32 v24, $0xDFFF  }
0x96: {  	v12 =	vld [tilespmem:$0x550];
	v46 =	vadd.s32 $0xFFFE4001, v43;
	[tilespmem:$0xA40] =	vst v1;
	v1 =	vsel vm8, v50, v48;
	v3 =	vsel vm10, v57, v54  }
0x97: {  	v33 =	vld [tilespmem:$0x5A0];
	[tilespmem:$0xB60] =	vst v39;
	v20 =	vadd.s32 $0xFFFE4001, v18;
	v44 =	vshll.u32 v29, $0x1;
	vm9 =	vgt.s32 v29, $0xDFFF  }
0x98: {  	v36 =	vld [tilespmem:$0x5B0];
	[tilespmem:$0xAF0] =	vst v60;
	v38 =	vadd.s32 $0xFFFE4001, v35;
	v47 =	vsel vm7, v46, v43;
	vm12 =	vgt.s32 v49, $0xDFFF  }
0x99: {  	v42 =	vld [tilespmem:$0x5C0];
	[tilespmem:$0xA50] =	vst v27;
	v62 =	vshll.u32 v49, $0x1;
	v63 =	vshll.u32 v52, $0x1;
	vm13 =	vgt.s32 v52, $0xDFFF  }
0x9a: {  	v45 =	vld [tilespmem:$0x5D0];
	[tilespmem:$0xAC0] =	vst v1;
	v1 =	vsel vm14, v20, v18;
	vm4 =	vgt.s32 v61, $0xDFFF;
	v24 =	vshll.u32 v61, $0x1  }
0x9b: {  	v59 =	vld [tilespmem:$0x530];
	[tilespmem:$0xAE0] =	vst v3;
	v25 =	vshll.u32 v12, $0x1;
	v46 =	vadd.s32 $0xFFFE4001, v44;
	v40 =	vsel vm5, v38, v35  }
0x9c: {  	v15 =	vadd.s32 $0xFFFE4001, v62;
	v16 =	vadd.s32 $0xFFFE4001, v63;
	[tilespmem:$0xAB0] =	vst v47;
	v27 =	vadd.s32 $0xFFFE4001, v24  }
0x9d: {  	vm5 =	vgt.s32 v12, $0xDFFF;
	v28 =	vadd.s32 $0xFFFE4001, v25;
	[tilespmem:$0xB20] =	vst v1;
	vm10 =	vgt.s32 v33, $0xDFFF  }
0x9e: {  	v47 =	vshll.u32 v33, $0x1;
	v48 =	vshll.u32 v36, $0x1;
	v3 =	vsel vm9, v46, v44;
	[tilespmem:$0xA90] =	vst v40  }
0x9f: {  	vm11 =	vgt.s32 v36, $0xDFFF;
	v54 =	vshll.u32 v42, $0x1;
	v0 =	vsel vm12, v15, v62;
	[tilespmem:$0xB90] =	vst v3  }
0xa0: {  	v22 =	vld [tilespmem:$0x570];
	v55 =	vshll.u32 v45, $0x1;
	v17 =	vsel vm13, v16, v63;
	v21 =	vshll.u32 v59, $0x1;
	[tilespmem:$0xB00] =	vst v0  }
0xa1: {  	v26 =	vld [tilespmem:$0x580];
	vm15 =	vgt.s32 v59, $0xDFFF;
	v31 =	vsel vm4, v27, v24;
	v32 =	vsel vm5, v28, v25;
	[tilespmem:$0xB10] =	vst v17  }
0xa2: {  	v50 =	vadd.s32 $0xFFFE4001, v47;
	v51 =	vadd.s32 $0xFFFE4001, v48;
	vm12 =	vgt.s32 v42, $0xDFFF;
	[tilespmem:$0xB40] =	vst v31  }
0xa3: {  	v49 =	vld [tilespmem:$0x5E0];
	v56 =	vadd.s32 $0xFFFE4001, v54;
	vm13 =	vgt.s32 v45, $0xDFFF;
	[tilespmem:$0xB50] =	vst v32;
	v0 =	vsel vm10, v50, v47  }
0xa4: {  	v52 =	vld [tilespmem:$0x5F0];
	v57 =	vadd.s32 $0xFFFE4001, v55;
	v23 =	vadd.s32 $0xFFFE4001, v21;
	v53 =	vsel vm11, v51, v48;
	[tilespmem:$0xBA0] =	vst v0  }
0xa5: {  	v35 =	vshll.u32 v22, $0x1;
	vm7 =	vgt.s32 v22, $0xDFFF;
	v58 =	vsel vm13, v57, v55;
	[tilespmem:$0xBB0] =	vst v53  }
0xa6: {  	v30 =	vsel vm15, v23, v21;
	v38 =	vadd.s32 $0xFFFE4001, v35;
	v41 =	vshll.u32 v26, $0x1;
	[tilespmem:$0xBD0] =	vst v58  }
0xa7: {  	vm8 =	vgt.s32 v26, $0xDFFF;
	v0 =	vsel vm12, v56, v54;
	[tilespmem:$0xB30] =	vst v30;
	v40 =	vsel vm7, v38, v35  }
0xa8: {  	v43 =	vadd.s32 $0xFFFE4001, v41;
	v59 =	vshll.u32 v49, $0x1;
	[tilespmem:$0xBC0] =	vst v0;
	vm14 =	vgt.s32 v49, $0xDFFF  }
0xa9: {  	v61 =	vshll.u32 v52, $0x1;
	v2 =	vsel vm8, v43, v41;
	[tilespmem:$0xB70] =	vst v40;
	v60 =	vadd.s32 $0xFFFE4001, v59  }
0xaa: {  	vm15 =	vgt.s32 v52, $0xDFFF;
	v62 =	vadd.s32 $0xFFFE4001, v61;
	[tilespmem:$0xB80] =	vst v2;
	v0 =	vsel vm14, v60, v59  }
0xab: {  	v63 =	vsel vm15, v62, v61;
	[tilespmem:$0xBE0] =	vst v0  }
0xac: {  	s24 =	simm.s32 $0x600;
	s23 =	simm.s32 $0xC00;
	[tilespmem:$0xBF0] =	vst v63  }
0xad: {  	[tilespmem:s23], [sflag:$0x1] =	stream.indirect.gather [hbm4b:s3+s14], $0x40, s24, s14, $0xb8;
	[tilespmem:$0x1AC00] =	vst v63  }
0xae: {  	s23 =	simm.s32 $0x680;
	s24 =	simm.s32 $0x2C00  }
0xaf: {  	[tilespmem:s24], [sflag:$0x1] =	stream.indirect.gather [hbm4b:s3+s14], $0x40, s23, s14, $0xb8;
	[tilespmem:$0x1AC00] =	vst v63  }
0xb0: {  	s23 =	simm.s32 $0x700;
	s24 =	simm.s32 $0x4C00  }
0xb1: {  	[tilespmem:s24], [sflag:$0x1] =	stream.indirect.gather [hbm4b:s3+s14], $0x40, s23, s14, $0xb8;
	[tilespmem:$0x1AC00] =	vst v63  }
0xb2: {  	s23 =	simm.s32 $0x780;
	s24 =	simm.s32 $0x6C00  }
0xb3: {  	[tilespmem:s24], [sflag:$0x1] =	stream.indirect.gather [hbm4b:s3+s14], $0x40, s23, s14, $0xb8;
	[tilespmem:$0x1AC00] =	vst v63  }
0xb4: {  	s23 =	simm.s32 $0x800;
	s24 =	simm.s32 $0x8C00  }
0xb5: {  	[tilespmem:s24], [sflag:$0x1] =	stream.indirect.gather [hbm4b:s4+s14], $0x40, s23, s14, $0xb8;
	[tilespmem:$0x1AC00] =	vst v63  }
0xb6: {  	_ = 	snop  }
0xb7: {  	[tilespmem:s26], [sflag:$0x1] =	stream.indirect.gather [hbm4b:s4+s14], $0x40, s25, s14, $0xb8;
	[tilespmem:$0x1AC00] =	vst v63  }
0xb8: {  	_ = 	snop  }
0xb9: {  	[tilespmem:s29], [sflag:$0x1] =	stream.indirect.gather [hbm4b:s4+s14], $0x40, s28, s14, $0xb8;
	[tilespmem:$0x1AC00] =	vst v63  }
0xba: {  	_ = 	snop  }
0xbb: {  	[tilespmem:s31], [sflag:$0x1] =	stream.indirect.gather [hbm4b:s4+s14], $0x40, s30, s14, $0xb8;
	[tilespmem:$0x1AC00] =	vst v63  }
0xbc: {  	_ = 	snop  }
0xbd: {  	[tilespmem:s1], [sflag:$0x1] =	stream.indirect.gather [hbm4b:s5+s14], $0x40, s0, s14, $0xb8;
	[tilespmem:$0x1AC00] =	vst v63  }
0xbe: {  	_ = 	snop  }
0xbf: {  	[tilespmem:s13], [sflag:$0x1] =	stream.indirect.gather [hbm4b:s5+s14], $0x40, s12, s14, $0xb8;
	[tilespmem:$0x1AC00] =	vst v63  }
0xc0: {  	_ = 	snop  }
0xc1: {  	[tilespmem:s16], [sflag:$0x1] =	stream.indirect.gather [hbm4b:s5+s14], $0x40, s15, s14, $0xb8;
	[tilespmem:$0x1AC00] =	vst v63  }
0xc2: {  	_ = 	snop  }
0xc3: {  	[tilespmem:s18], [sflag:$0x1] =	stream.indirect.gather [hbm4b:s5+s14], $0x40, s17, s14, $0xb8;
	[tilespmem:$0x1AC00] =	vst v63  }
0xc4: {  	_ =	swait.ge [sflag:s19], $0x2000  }
0xc5: {  	[sflag:s19] =	ssyncset.done $0x0  }
0xc6: {  	[sflag:s19] =	ssyncadd.s32 $0xFFFFE000  }
0xc7: {  	_ =	swait.ge [sflag:s19], $0x2000  }
0xc8: {  	[sflag:s19] =	ssyncset.done $0x0  }
0xc9: {  	[sflag:s19] =	ssyncadd.s32 $0xFFFFE000  }
0xca: {  	_ =	swait.ge [sflag:s19], $0x2000  }
0xcb: {  	[sflag:s19] =	ssyncset.done $0x0  }
0xcc: {  	[sflag:s19] =	ssyncadd.s32 $0xFFFFE000  }
0xcd: {  	_ =	swait.ge [sflag:s19], $0x2000  }
0xce: {  	[sflag:s19] =	ssyncset.done $0x0  }
0xcf: {  	[sflag:s19] =	ssyncadd.s32 $0xFFFFE000  }
0xd0: {  	_ =	swait.ge [sflag:s19], $0x2000  }
0xd1: {  	[sflag:s19] =	ssyncset.done $0x0  }
0xd2: {  	[sflag:s19] =	ssyncadd.s32 $0xFFFFE000  }
0xd3: {  	_ =	swait.ge [sflag:s19], $0x2000  }
0xd4: {  	[sflag:s19] =	ssyncset.done $0x0  }
0xd5: {  	[sflag:s19] =	ssyncadd.s32 $0xFFFFE000  }
0xd6: {  	_ =	swait.ge [sflag:s19], $0x2000  }
0xd7: {  	[sflag:s19] =	ssyncset.done $0x0  }
0xd8: {  	[sflag:s19] =	ssyncadd.s32 $0xFFFFE000  }
0xd9: {  	_ =	swait.ge [sflag:s19], $0x2000  }
0xda: {  	[sflag:s19] =	ssyncset.done $0x0  }
0xdb: {  	[sflag:s19] =	ssyncadd.s32 $0xFFFFE000  }
0xdc: {  	_ =	swait.ge [sflag:s19], $0x2000  }
0xdd: {  	[sflag:s19] =	ssyncset.done $0x0  }
0xde: {  	[sflag:s19] =	ssyncadd.s32 $0xFFFFE000  }
0xdf: {  	_ =	swait.ge [sflag:s19], $0x2000  }
0xe0: {  	[sflag:s19] =	ssyncset.done $0x0  }
0xe1: {  	[sflag:s19] =	ssyncadd.s32 $0xFFFFE000  }
0xe2: {  	_ =	swait.ge [sflag:s19], $0x2000  }
0xe3: {  	[sflag:s19] =	ssyncset.done $0x0  }
0xe4: {  	[sflag:s19] =	ssyncadd.s32 $0xFFFFE000  }
0xe5: {  	_ =	swait.ge [sflag:s19], $0x2000  }
0xe6: {  	[sflag:s19] =	ssyncset.done $0x0  }
0xe7: {  	s22 =	simm.s32 $0x0;
	[sflag:s19] =	ssyncadd.s32 $0xFFFFE000  }
.LBB2_2:
0xe8: {  	s23 =	sshll.u32 s22, $0xA  }
0xe9: {  	v0 =	vld [tilespmem:s23+$0xC00]  }
0xea: {  	v1 =	vld [tilespmem:s23+$0x8C00]  }
0xeb: {  	v2 =	vld [tilespmem:s23+$0x10C00]  }
0xec: {  	v3 =	vld [tilespmem:s23+$0xC10]  }
0xed: {  	v4 =	vld [tilespmem:s23+$0x8C10]  }
0xee: {  	v5 =	vld [tilespmem:s23+$0x10C10]  }
0xef: {  	v6 =	vld [tilespmem:s23+$0xC20]  }
0xf0: {  	v7 =	vld [tilespmem:s23+$0x8C20]  }
0xf1: {  	v8 =	vld [tilespmem:s23+$0x10C20]  }
0xf2: {  	v9 =	vld [tilespmem:s23+$0xC30]  }
0xf3: {  	v25 =	vld [tilespmem:s23+$0x8C30]  }
0xf4: {  	v0 =	vmul.f32 v1, v0;
	v3 =	vmul.f32 v4, v3  }
0xf5: {  	v26 =	vld [tilespmem:s23+$0x10C30];
	v27 =	vmul.f32 v7, v6  }
0xf6: {  	v0 =	vmul.f32 v2, v0;
	v3 =	vmul.f32 v5, v3;
	_ =	sdelay $0x1  }
0xf7: {  	v1 =	vmul.f32 v25, v9;
	v28 =	vmul.f32 v8, v27;
	v0 =	vadd.f32 v3, v0;
	_ =	sdelay $0x1  }
0xf8: {  	v1 =	vmul.f32 v26, v1;
	v0 =	vadd.f32 v28, v0;
	_ =	sdelay $0x1  }
0xf9: {  	v0 =	vadd.f32 v1, v0  }
0xfa: {  	s24 =	sshrl.u32 s23, $0x2  }
0xfb: {  	[tilespmem:s24+$0x18C00] =	vst v0  }
0xfc: {  	v0 =	vld [tilespmem:s23+$0xC40]  }
0xfd: {  	v29 =	vld [tilespmem:s23+$0x8C40]  }
0xfe: {  	v30 =	vld [tilespmem:s23+$0x10C40]  }
0xff: {  	v31 =	vld [tilespmem:s23+$0xC50]  }
0x100: {  	v32 =	vld [tilespmem:s23+$0x8C50]  }
0x101: {  	v33 =	vld [tilespmem:s23+$0x10C50]  }
0x102: {  	v34 =	vld [tilespmem:s23+$0xC60]  }
0x103: {  	v35 =	vld [tilespmem:s23+$0x8C60]  }
0x104: {  	v36 =	vld [tilespmem:s23+$0x10C60]  }
0x105: {  	v37 =	vld [tilespmem:s23+$0xC70]  }
0x106: {  	v38 =	vld [tilespmem:s23+$0x8C70]  }
0x107: {  	v0 =	vmul.f32 v29, v0;
	v3 =	vmul.f32 v32, v31  }
0x108: {  	v39 =	vld [tilespmem:s23+$0x10C70];
	v40 =	vmul.f32 v35, v34  }
0x109: {  	v0 =	vmul.f32 v30, v0;
	v3 =	vmul.f32 v33, v3;
	_ =	sdelay $0x1  }
0x10a: {  	v1 =	vmul.f32 v38, v37;
	v41 =	vmul.f32 v36, v40;
	v0 =	vadd.f32 v3, v0;
	_ =	sdelay $0x1  }
0x10b: {  	v1 =	vmul.f32 v39, v1;
	v0 =	vadd.f32 v41, v0;
	_ =	sdelay $0x1  }
0x10c: {  	v0 =	vadd.f32 v1, v0;
	_ =	sdelay $0x1  }
0x10d: {  	[tilespmem:s24+$0x18C10] =	vst v0  }
0x10e: {  	v0 =	vld [tilespmem:s23+$0xC80]  }
0x10f: {  	v42 =	vld [tilespmem:s23+$0x8C80]  }
0x110: {  	v43 =	vld [tilespmem:s23+$0x10C80]  }
0x111: {  	v44 =	vld [tilespmem:s23+$0xC90]  }
0x112: {  	v45 =	vld [tilespmem:s23+$0x8C90]  }
0x113: {  	v46 =	vld [tilespmem:s23+$0x10C90]  }
0x114: {  	v47 =	vld [tilespmem:s23+$0xCA0]  }
0x115: {  	v48 =	vld [tilespmem:s23+$0x8CA0]  }
0x116: {  	v49 =	vld [tilespmem:s23+$0x10CA0]  }
0x117: {  	v50 =	vld [tilespmem:s23+$0xCB0]  }
0x118: {  	v51 =	vld [tilespmem:s23+$0x8CB0]  }
0x119: {  	v0 =	vmul.f32 v42, v0;
	v3 =	vmul.f32 v45, v44  }
0x11a: {  	v52 =	vld [tilespmem:s23+$0x10CB0];
	v53 =	vmul.f32 v48, v47  }
0x11b: {  	v0 =	vmul.f32 v43, v0;
	v3 =	vmul.f32 v46, v3;
	_ =	sdelay $0x1  }
0x11c: {  	v1 =	vmul.f32 v51, v50;
	v54 =	vmul.f32 v49, v53;
	v0 =	vadd.f32 v3, v0;
	_ =	sdelay $0x1  }
0x11d: {  	v1 =	vmul.f32 v52, v1;
	v0 =	vadd.f32 v54, v0;
	_ =	sdelay $0x1  }
0x11e: {  	v0 =	vadd.f32 v1, v0;
	_ =	sdelay $0x1  }
0x11f: {  	[tilespmem:s24+$0x18C20] =	vst v0  }
0x120: {  	v0 =	vld [tilespmem:s23+$0xCC0]  }
0x121: {  	v55 =	vld [tilespmem:s23+$0x8CC0]  }
0x122: {  	v56 =	vld [tilespmem:s23+$0x10CC0]  }
0x123: {  	v57 =	vld [tilespmem:s23+$0xCD0]  }
0x124: {  	v58 =	vld [tilespmem:s23+$0x8CD0]  }
0x125: {  	v59 =	vld [tilespmem:s23+$0x10CD0]  }
0x126: {  	v60 =	vld [tilespmem:s23+$0xCE0]  }
0x127: {  	v61 =	vld [tilespmem:s23+$0x8CE0]  }
0x128: {  	v62 =	vld [tilespmem:s23+$0x10CE0]  }
0x129: {  	v63 =	vld [tilespmem:s23+$0xCF0]  }
0x12a: {  	v12 =	vld [tilespmem:s23+$0x8CF0]  }
0x12b: {  	v0 =	vmul.f32 v55, v0;
	v3 =	vmul.f32 v58, v57  }
0x12c: {  	v13 =	vld [tilespmem:s23+$0x10CF0];
	v14 =	vmul.f32 v61, v60  }
0x12d: {  	v0 =	vmul.f32 v56, v0;
	v3 =	vmul.f32 v59, v3;
	_ =	sdelay $0x1  }
0x12e: {  	v1 =	vmul.f32 v12, v63;
	v15 =	vmul.f32 v62, v14;
	v0 =	vadd.f32 v3, v0;
	_ =	sdelay $0x1  }
0x12f: {  	v1 =	vmul.f32 v13, v1;
	v0 =	vadd.f32 v15, v0;
	_ =	sdelay $0x1  }
0x130: {  	v0 =	vadd.f32 v1, v0;
	_ =	sdelay $0x1  }
0x131: {  	[tilespmem:s24+$0x18C30] =	vst v0  }
0x132: {  	v0 =	vld [tilespmem:s23+$0xD00]  }
0x133: {  	v16 =	vld [tilespmem:s23+$0x8D00]  }
0x134: {  	v17 =	vld [tilespmem:s23+$0x10D00]  }
0x135: {  	v18 =	vld [tilespmem:s23+$0xD10]  }
0x136: {  	v19 =	vld [tilespmem:s23+$0x8D10]  }
0x137: {  	v20 =	vld [tilespmem:s23+$0x10D10]  }
0x138: {  	v21 =	vld [tilespmem:s23+$0xD20]  }
0x139: {  	v22 =	vld [tilespmem:s23+$0x8D20]  }
0x13a: {  	v23 =	vld [tilespmem:s23+$0x10D20]  }
0x13b: {  	v24 =	vld [tilespmem:s23+$0xD30]  }
0x13c: {  	v25 =	vld [tilespmem:s23+$0x8D30]  }
0x13d: {  	v0 =	vmul.f32 v16, v0;
	v3 =	vmul.f32 v19, v18  }
0x13e: {  	v26 =	vld [tilespmem:s23+$0x10D30];
	v27 =	vmul.f32 v22, v21  }
0x13f: {  	v0 =	vmul.f32 v17, v0;
	v3 =	vmul.f32 v20, v3;
	_ =	sdelay $0x1  }
0x140: {  	v1 =	vmul.f32 v25, v24;
	v28 =	vmul.f32 v23, v27;
	v0 =	vadd.f32 v3, v0;
	_ =	sdelay $0x1  }
0x141: {  	v1 =	vmul.f32 v26, v1;
	v0 =	vadd.f32 v28, v0;
	_ =	sdelay $0x1  }
0x142: {  	v0 =	vadd.f32 v1, v0;
	_ =	sdelay $0x1  }
0x143: {  	[tilespmem:s24+$0x18C40] =	vst v0  }
0x144: {  	v0 =	vld [tilespmem:s23+$0xD40]  }
0x145: {  	v29 =	vld [tilespmem:s23+$0x8D40]  }
0x146: {  	v30 =	vld [tilespmem:s23+$0x10D40]  }
0x147: {  	v31 =	vld [tilespmem:s23+$0xD50]  }
0x148: {  	v32 =	vld [tilespmem:s23+$0x8D50]  }
0x149: {  	v33 =	vld [tilespmem:s23+$0x10D50]  }
0x14a: {  	v34 =	vld [tilespmem:s23+$0xD60]  }
0x14b: {  	v35 =	vld [tilespmem:s23+$0x8D60]  }
0x14c: {  	v36 =	vld [tilespmem:s23+$0x10D60]  }
0x14d: {  	v37 =	vld [tilespmem:s23+$0xD70]  }
0x14e: {  	v38 =	vld [tilespmem:s23+$0x8D70]  }
0x14f: {  	v0 =	vmul.f32 v29, v0;
	v3 =	vmul.f32 v32, v31  }
0x150: {  	v39 =	vld [tilespmem:s23+$0x10D70];
	v40 =	vmul.f32 v35, v34  }
0x151: {  	v0 =	vmul.f32 v30, v0;
	v3 =	vmul.f32 v33, v3;
	_ =	sdelay $0x1  }
0x152: {  	v1 =	vmul.f32 v38, v37;
	v41 =	vmul.f32 v36, v40;
	v0 =	vadd.f32 v3, v0;
	_ =	sdelay $0x1  }
0x153: {  	v1 =	vmul.f32 v39, v1;
	v0 =	vadd.f32 v41, v0;
	_ =	sdelay $0x1  }
0x154: {  	v0 =	vadd.f32 v1, v0;
	_ =	sdelay $0x1  }
0x155: {  	[tilespmem:s24+$0x18C50] =	vst v0  }
0x156: {  	v0 =	vld [tilespmem:s23+$0xD80]  }
0x157: {  	v42 =	vld [tilespmem:s23+$0x8D80]  }
0x158: {  	v43 =	vld [tilespmem:s23+$0x10D80]  }
0x159: {  	v44 =	vld [tilespmem:s23+$0xD90]  }
0x15a: {  	v45 =	vld [tilespmem:s23+$0x8D90]  }
0x15b: {  	v46 =	vld [tilespmem:s23+$0x10D90]  }
0x15c: {  	v47 =	vld [tilespmem:s23+$0xDA0]  }
0x15d: {  	v48 =	vld [tilespmem:s23+$0x8DA0]  }
0x15e: {  	v49 =	vld [tilespmem:s23+$0x10DA0]  }
0x15f: {  	v50 =	vld [tilespmem:s23+$0xDB0]  }
0x160: {  	v51 =	vld [tilespmem:s23+$0x8DB0]  }
0x161: {  	v0 =	vmul.f32 v42, v0;
	v3 =	vmul.f32 v45, v44  }
0x162: {  	v52 =	vld [tilespmem:s23+$0x10DB0];
	v53 =	vmul.f32 v48, v47  }
0x163: {  	v0 =	vmul.f32 v43, v0;
	v3 =	vmul.f32 v46, v3;
	_ =	sdelay $0x1  }
0x164: {  	v1 =	vmul.f32 v51, v50;
	v54 =	vmul.f32 v49, v53;
	v0 =	vadd.f32 v3, v0;
	_ =	sdelay $0x1  }
0x165: {  	v1 =	vmul.f32 v52, v1;
	v0 =	vadd.f32 v54, v0;
	_ =	sdelay $0x1  }
0x166: {  	v0 =	vadd.f32 v1, v0;
	_ =	sdelay $0x1  }
0x167: {  	[tilespmem:s24+$0x18C60] =	vst v0  }
0x168: {  	v0 =	vld [tilespmem:s23+$0xDC0]  }
0x169: {  	v55 =	vld [tilespmem:s23+$0x8DC0]  }
0x16a: {  	v56 =	vld [tilespmem:s23+$0x10DC0]  }
0x16b: {  	v57 =	vld [tilespmem:s23+$0xDD0]  }
0x16c: {  	v58 =	vld [tilespmem:s23+$0x8DD0]  }
0x16d: {  	v59 =	vld [tilespmem:s23+$0x10DD0]  }
0x16e: {  	v60 =	vld [tilespmem:s23+$0xDE0]  }
0x16f: {  	v61 =	vld [tilespmem:s23+$0x8DE0]  }
0x170: {  	v62 =	vld [tilespmem:s23+$0x10DE0]  }
0x171: {  	v63 =	vld [tilespmem:s23+$0xDF0]  }
0x172: {  	v10 =	vld [tilespmem:s23+$0x8DF0]  }
0x173: {  	v0 =	vmul.f32 v55, v0;
	v3 =	vmul.f32 v58, v57  }
0x174: {  	v11 =	vld [tilespmem:s23+$0x10DF0];
	v12 =	vmul.f32 v61, v60  }
0x175: {  	v0 =	vmul.f32 v56, v0;
	v3 =	vmul.f32 v59, v3;
	_ =	sdelay $0x1  }
0x176: {  	v1 =	vmul.f32 v10, v63;
	v13 =	vmul.f32 v62, v12;
	v0 =	vadd.f32 v3, v0;
	_ =	sdelay $0x1  }
0x177: {  	v1 =	vmul.f32 v11, v1;
	v0 =	vadd.f32 v13, v0;
	_ =	sdelay $0x1  }
0x178: {  	v0 =	vadd.f32 v1, v0;
	_ =	sdelay $0x1  }
0x179: {  	[tilespmem:s24+$0x18C70] =	vst v0  }
0x17a: {  	v0 =	vld [tilespmem:s23+$0xE00]  }
0x17b: {  	v14 =	vld [tilespmem:s23+$0x8E00]  }
0x17c: {  	v15 =	vld [tilespmem:s23+$0x10E00]  }
0x17d: {  	v16 =	vld [tilespmem:s23+$0xE10]  }
0x17e: {  	v17 =	vld [tilespmem:s23+$0x8E10]  }
0x17f: {  	v18 =	vld [tilespmem:s23+$0x10E10]  }
0x180: {  	v19 =	vld [tilespmem:s23+$0xE20]  }
0x181: {  	v20 =	vld [tilespmem:s23+$0x8E20]  }
0x182: {  	v21 =	vld [tilespmem:s23+$0x10E20]  }
0x183: {  	v22 =	vld [tilespmem:s23+$0xE30]  }
0x184: {  	v23 =	vld [tilespmem:s23+$0x8E30]  }
0x185: {  	v0 =	vmul.f32 v14, v0;
	v3 =	vmul.f32 v17, v16  }
0x186: {  	v24 =	vld [tilespmem:s23+$0x10E30];
	v25 =	vmul.f32 v20, v19  }
0x187: {  	v0 =	vmul.f32 v15, v0;
	v3 =	vmul.f32 v18, v3;
	_ =	sdelay $0x1  }
0x188: {  	v1 =	vmul.f32 v23, v22;
	v26 =	vmul.f32 v21, v25;
	v0 =	vadd.f32 v3, v0;
	_ =	sdelay $0x1  }
0x189: {  	v1 =	vmul.f32 v24, v1;
	v0 =	vadd.f32 v26, v0;
	_ =	sdelay $0x1  }
0x18a: {  	v0 =	vadd.f32 v1, v0;
	_ =	sdelay $0x1  }
0x18b: {  	[tilespmem:s24+$0x18C80] =	vst v0  }
0x18c: {  	v0 =	vld [tilespmem:s23+$0xE40]  }
0x18d: {  	v27 =	vld [tilespmem:s23+$0x8E40]  }
0x18e: {  	v28 =	vld [tilespmem:s23+$0x10E40]  }
0x18f: {  	v29 =	vld [tilespmem:s23+$0xE50]  }
0x190: {  	v30 =	vld [tilespmem:s23+$0x8E50]  }
0x191: {  	v31 =	vld [tilespmem:s23+$0x10E50]  }
0x192: {  	v32 =	vld [tilespmem:s23+$0xE60]  }
0x193: {  	v33 =	vld [tilespmem:s23+$0x8E60]  }
0x194: {  	v34 =	vld [tilespmem:s23+$0x10E60]  }
0x195: {  	v35 =	vld [tilespmem:s23+$0xE70]  }
0x196: {  	v36 =	vld [tilespmem:s23+$0x8E70]  }
0x197: {  	v0 =	vmul.f32 v27, v0;
	v3 =	vmul.f32 v30, v29  }
0x198: {  	v37 =	vld [tilespmem:s23+$0x10E70];
	v38 =	vmul.f32 v33, v32  }
0x199: {  	v0 =	vmul.f32 v28, v0;
	v3 =	vmul.f32 v31, v3;
	_ =	sdelay $0x1  }
0x19a: {  	v1 =	vmul.f32 v36, v35;
	v39 =	vmul.f32 v34, v38;
	v0 =	vadd.f32 v3, v0;
	_ =	sdelay $0x1  }
0x19b: {  	v1 =	vmul.f32 v37, v1;
	v0 =	vadd.f32 v39, v0;
	_ =	sdelay $0x1  }
0x19c: {  	v0 =	vadd.f32 v1, v0;
	_ =	sdelay $0x1  }
0x19d: {  	[tilespmem:s24+$0x18C90] =	vst v0  }
0x19e: {  	v0 =	vld [tilespmem:s23+$0xE80]  }
0x19f: {  	v40 =	vld [tilespmem:s23+$0x8E80]  }
0x1a0: {  	v41 =	vld [tilespmem:s23+$0x10E80]  }
0x1a1: {  	v42 =	vld [tilespmem:s23+$0xE90]  }
0x1a2: {  	v43 =	vld [tilespmem:s23+$0x8E90]  }
0x1a3: {  	v44 =	vld [tilespmem:s23+$0x10E90]  }
0x1a4: {  	v45 =	vld [tilespmem:s23+$0xEA0]  }
0x1a5: {  	v46 =	vld [tilespmem:s23+$0x8EA0]  }
0x1a6: {  	v47 =	vld [tilespmem:s23+$0x10EA0]  }
0x1a7: {  	v48 =	vld [tilespmem:s23+$0xEB0]  }
0x1a8: {  	v49 =	vld [tilespmem:s23+$0x8EB0]  }
0x1a9: {  	v0 =	vmul.f32 v40, v0;
	v3 =	vmul.f32 v43, v42  }
0x1aa: {  	v50 =	vld [tilespmem:s23+$0x10EB0];
	v51 =	vmul.f32 v46, v45  }
0x1ab: {  	v0 =	vmul.f32 v41, v0;
	v3 =	vmul.f32 v44, v3;
	_ =	sdelay $0x1  }
0x1ac: {  	v1 =	vmul.f32 v49, v48;
	v52 =	vmul.f32 v47, v51;
	v0 =	vadd.f32 v3, v0;
	_ =	sdelay $0x1  }
0x1ad: {  	v1 =	vmul.f32 v50, v1;
	v0 =	vadd.f32 v52, v0;
	_ =	sdelay $0x1  }
0x1ae: {  	v0 =	vadd.f32 v1, v0;
	_ =	sdelay $0x1  }
0x1af: {  	[tilespmem:s24+$0x18CA0] =	vst v0  }
0x1b0: {  	v0 =	vld [tilespmem:s23+$0xEC0]  }
0x1b1: {  	v53 =	vld [tilespmem:s23+$0x8EC0]  }
0x1b2: {  	v54 =	vld [tilespmem:s23+$0x10EC0]  }
0x1b3: {  	v55 =	vld [tilespmem:s23+$0xED0]  }
0x1b4: {  	v56 =	vld [tilespmem:s23+$0x8ED0]  }
0x1b5: {  	v57 =	vld [tilespmem:s23+$0x10ED0]  }
0x1b6: {  	v58 =	vld [tilespmem:s23+$0xEE0]  }
0x1b7: {  	v59 =	vld [tilespmem:s23+$0x8EE0]  }
0x1b8: {  	v60 =	vld [tilespmem:s23+$0x10EE0]  }
0x1b9: {  	v61 =	vld [tilespmem:s23+$0xEF0]  }
0x1ba: {  	v62 =	vld [tilespmem:s23+$0x8EF0]  }
0x1bb: {  	v0 =	vmul.f32 v53, v0;
	v3 =	vmul.f32 v56, v55  }
0x1bc: {  	v63 =	vld [tilespmem:s23+$0x10EF0];
	v10 =	vmul.f32 v59, v58  }
0x1bd: {  	v0 =	vmul.f32 v54, v0;
	v3 =	vmul.f32 v57, v3;
	_ =	sdelay $0x1  }
0x1be: {  	v1 =	vmul.f32 v62, v61;
	v11 =	vmul.f32 v60, v10;
	v0 =	vadd.f32 v3, v0;
	_ =	sdelay $0x1  }
0x1bf: {  	v1 =	vmul.f32 v63, v1;
	v0 =	vadd.f32 v11, v0;
	_ =	sdelay $0x1  }
0x1c0: {  	v0 =	vadd.f32 v1, v0;
	_ =	sdelay $0x1  }
0x1c1: {  	[tilespmem:s24+$0x18CB0] =	vst v0  }
0x1c2: {  	v0 =	vld [tilespmem:s23+$0xF00]  }
0x1c3: {  	v12 =	vld [tilespmem:s23+$0x8F00]  }
0x1c4: {  	v13 =	vld [tilespmem:s23+$0x10F00]  }
0x1c5: {  	v14 =	vld [tilespmem:s23+$0xF10]  }
0x1c6: {  	v15 =	vld [tilespmem:s23+$0x8F10]  }
0x1c7: {  	v16 =	vld [tilespmem:s23+$0x10F10]  }
0x1c8: {  	v17 =	vld [tilespmem:s23+$0xF20]  }
0x1c9: {  	v18 =	vld [tilespmem:s23+$0x8F20]  }
0x1ca: {  	v19 =	vld [tilespmem:s23+$0x10F20]  }
0x1cb: {  	v20 =	vld [tilespmem:s23+$0xF30]  }
0x1cc: {  	v21 =	vld [tilespmem:s23+$0x8F30]  }
0x1cd: {  	v0 =	vmul.f32 v12, v0;
	v3 =	vmul.f32 v15, v14  }
0x1ce: {  	v22 =	vld [tilespmem:s23+$0x10F30];
	v23 =	vmul.f32 v18, v17  }
0x1cf: {  	v0 =	vmul.f32 v13, v0;
	v3 =	vmul.f32 v16, v3;
	_ =	sdelay $0x1  }
0x1d0: {  	v1 =	vmul.f32 v21, v20;
	v24 =	vmul.f32 v19, v23;
	v0 =	vadd.f32 v3, v0;
	_ =	sdelay $0x1  }
0x1d1: {  	v1 =	vmul.f32 v22, v1;
	v0 =	vadd.f32 v24, v0;
	_ =	sdelay $0x1  }
0x1d2: {  	v0 =	vadd.f32 v1, v0;
	_ =	sdelay $0x1  }
0x1d3: {  	[tilespmem:s24+$0x18CC0] =	vst v0  }
0x1d4: {  	v0 =	vld [tilespmem:s23+$0xF40]  }
0x1d5: {  	v25 =	vld [tilespmem:s23+$0x8F40]  }
0x1d6: {  	v26 =	vld [tilespmem:s23+$0x10F40]  }
0x1d7: {  	v27 =	vld [tilespmem:s23+$0xF50]  }
0x1d8: {  	v28 =	vld [tilespmem:s23+$0x8F50]  }
0x1d9: {  	v29 =	vld [tilespmem:s23+$0x10F50]  }
0x1da: {  	v30 =	vld [tilespmem:s23+$0xF60]  }
0x1db: {  	v31 =	vld [tilespmem:s23+$0x8F60]  }
0x1dc: {  	v32 =	vld [tilespmem:s23+$0x10F60]  }
0x1dd: {  	v33 =	vld [tilespmem:s23+$0xF70]  }
0x1de: {  	v34 =	vld [tilespmem:s23+$0x8F70]  }
0x1df: {  	v0 =	vmul.f32 v25, v0;
	v3 =	vmul.f32 v28, v27  }
0x1e0: {  	v35 =	vld [tilespmem:s23+$0x10F70];
	v36 =	vmul.f32 v31, v30  }
0x1e1: {  	v0 =	vmul.f32 v26, v0;
	v3 =	vmul.f32 v29, v3;
	_ =	sdelay $0x1  }
0x1e2: {  	v1 =	vmul.f32 v34, v33;
	v37 =	vmul.f32 v32, v36;
	v0 =	vadd.f32 v3, v0;
	_ =	sdelay $0x1  }
0x1e3: {  	v1 =	vmul.f32 v35, v1;
	v0 =	vadd.f32 v37, v0;
	_ =	sdelay $0x1  }
0x1e4: {  	v0 =	vadd.f32 v1, v0;
	_ =	sdelay $0x1  }
0x1e5: {  	[tilespmem:s24+$0x18CD0] =	vst v0  }
0x1e6: {  	v0 =	vld [tilespmem:s23+$0xF80]  }
0x1e7: {  	v38 =	vld [tilespmem:s23+$0x8F80]  }
0x1e8: {  	v39 =	vld [tilespmem:s23+$0x10F80]  }
0x1e9: {  	v40 =	vld [tilespmem:s23+$0xF90]  }
0x1ea: {  	v41 =	vld [tilespmem:s23+$0x8F90]  }
0x1eb: {  	v42 =	vld [tilespmem:s23+$0x10F90]  }
0x1ec: {  	v43 =	vld [tilespmem:s23+$0xFA0]  }
0x1ed: {  	v44 =	vld [tilespmem:s23+$0x8FA0]  }
0x1ee: {  	v45 =	vld [tilespmem:s23+$0x10FA0]  }
0x1ef: {  	v46 =	vld [tilespmem:s23+$0xFB0]  }
0x1f0: {  	v47 =	vld [tilespmem:s23+$0x8FB0]  }
0x1f1: {  	v0 =	vmul.f32 v38, v0;
	v3 =	vmul.f32 v41, v40  }
0x1f2: {  	v48 =	vld [tilespmem:s23+$0x10FB0];
	v49 =	vmul.f32 v44, v43  }
0x1f3: {  	v0 =	vmul.f32 v39, v0;
	v3 =	vmul.f32 v42, v3;
	_ =	sdelay $0x1  }
0x1f4: {  	v1 =	vmul.f32 v47, v46;
	v50 =	vmul.f32 v45, v49;
	v0 =	vadd.f32 v3, v0;
	_ =	sdelay $0x1  }
0x1f5: {  	v1 =	vmul.f32 v48, v1;
	v0 =	vadd.f32 v50, v0;
	_ =	sdelay $0x1  }
0x1f6: {  	v0 =	vadd.f32 v1, v0;
	_ =	sdelay $0x1  }
0x1f7: {  	[tilespmem:s24+$0x18CE0] =	vst v0  }
0x1f8: {  	v0 =	vld [tilespmem:s23+$0xFC0]  }
0x1f9: {  	v51 =	vld [tilespmem:s23+$0x8FC0]  }
0x1fa: {  	v52 =	vld [tilespmem:s23+$0x10FC0]  }
0x1fb: {  	v53 =	vld [tilespmem:s23+$0xFD0]  }
0x1fc: {  	v54 =	vld [tilespmem:s23+$0x8FD0]  }
0x1fd: {  	v55 =	vld [tilespmem:s23+$0x10FD0]  }
0x1fe: {  	v56 =	vld [tilespmem:s23+$0xFE0]  }
0x1ff: {  	v57 =	vld [tilespmem:s23+$0x8FE0]  }
0x200: {  	v58 =	vld [tilespmem:s23+$0x10FE0]  }
0x201: {  	v59 =	vld [tilespmem:s23+$0xFF0]  }
0x202: {  	v60 =	vld [tilespmem:s23+$0x8FF0]  }
0x203: {  	v0 =	vmul.f32 v51, v0;
	v3 =	vmul.f32 v54, v53  }
0x204: {  	v61 =	vld [tilespmem:s23+$0x10FF0];
	v62 =	vmul.f32 v57, v56  }
0x205: {  	v0 =	vmul.f32 v52, v0;
	v3 =	vmul.f32 v55, v3;
	_ =	sdelay $0x1  }
0x206: {  	v1 =	vmul.f32 v60, v59;
	v63 =	vmul.f32 v58, v62;
	v0 =	vadd.f32 v3, v0  }
0x207: {  	p0 =	sne.s32 s22, $0x1F  }
.Ltmp0:
0x208: {  	v1 =	vmul.f32 v61, v1;
	v0 =	vadd.f32 v63, v0;
	(pc) =	sbr.rel @p0 .LBB2_2-.Ltmp0, $3  }
0x209: {  	_ = 	snop  }
0x20a: {  	v0 =	vadd.f32 v1, v0;
	_ =	sdelay $0x1  }
0x20b: {  	s22 =	sadd.s32 $0x1, s22;
	[tilespmem:s24+$0x18CF0] =	vst v0  }
0x20c: {  	s21 =	sadd.s32 $0x1, s21  }
0x20d: {  	p0 =	sne.s32 s21, s10  }
.Ltmp1:
0x20e: {  	_ = 	snop;
	(pc) =	sbr.rel @p0 .LBB2_1-.Ltmp1, $4  }
0x20f: {  	[hbm4b:s9+s2] =	stream.linear.scatter [tilespmem:s20], [sflag:$0x2], $0x2000, $0x38;
	[tilespmem:$0x1AC00] =	vst v63  }
0x210: {  	_ =	swait.ge [sflag:s11], $0x2000  }
0x211: {  	[sflag:s11] =	ssyncset.done $0x0  }
0x212: {  	[sflag:s11] =	ssyncadd.s32 $0xFFFFE000  }
0x213: {  	_ =	sfence.sel $0x180000  }
0x214: {  	[bflag:$0x0] =	sbarrier.arrive $0xFFFF  }
0x215: {  	_ =	strace $0x90000047  }
0x216: {  	s0 =	stileid.u32;
	[bflag:$0x2] =	sbarrier.arrive $0xFFFF  }
0x217: {  	p0 =	sne.s32 s0, $0x0;
	s0 =	rddreg [dreg:$0x1]  }
0x218: {  	s0 =	sadd.s32 @!p0 $0x100000, s0  }
0x219: {  	[sflag:s0] =	ssyncadd.tile.s32 @!p0 $0x1;
	_ =	shalt  }
.Lfunc_end2:
_tile_overlayer_lowered:
.L_overlay_start_2:
0x21a: {  	(tag) =	ssettag $0x2  }
0x21b: {  	s0 =	rddreg [dreg:$0x0];
	s2 =	stileid.u32  }
0x21c: {  	s1 =	rddreg [dreg:$0x1];
	p0 =	sne.s32 s2, $0x0  }
0x21d: {  	s3 =	rddreg [dreg:$0x2];
	[bflag:$0x3] =	sbarrier.arrive $0xFFFF;
	s2 =	simm.s32 @!p0 $0x1C02  }
0x21e: {  	[timem:s3], [sflag:s2] =	dma.local @!p0 [hbm:s0], s1  }
0x21f: {  	s0 =	simm.s32 @!p0 $0x2  }
0x220: {  	_ =	swait.ge @!p0 [sflag:s0], s1  }
0x221: {  	s1 =	ssub.s32 @!p0 $0x0, s1;
	[sflag:s0] =	ssyncset.done @!p0 $0x0  }
0x222: {  	[sflag:s0] =	ssyncadd.s32 @!p0 s1  }
0x223: {  	[bflag:$0x3] =	sbarrier.arrive $0xFFFF  }
0x224: {  	_ =	shalt  }

</sc_bundles>
